<compile_context>
chip_gen: v7x
topology: tpu7x:2x2x1
jax: 0.10.2.dev20260603
libtpu: 0.0.44.dev20260713+nightly
codegen_flags: <defaults>
</compile_context>

<pallas_src>
import math

import jax
import jax.numpy as jnp
from jax import lax
from jax.experimental import pallas as pl
from jax.experimental.pallas import tpu as pltpu
from jax.experimental.pallas import tpu_sc as plsc

DT = 0.01
COUPLING_STRENGTH = 2.0
TWO_PI = 2.0 * math.pi
FIX = 512.0
INV_FIX = 1.0 / FIX

NUM_CORES = 2
NUM_SUBCORES = 16
LANES = 16

B, N, K = 64, 10000, 16
BPW = 8
NCHUNK = B // BPW
W = 1264
N_SLABS = 8
LAST_START = N - W


def _tc_pack_body(mu_ref, phase_ref, amp_ref, q_ref, amp_out_ref):
    p = phase_ref[...]
    qd = (p * (2.0 / math.pi)).astype(jnp.int32)
    r = p - qd.astype(jnp.float32) * (math.pi / 2.0)
    r2 = r * r
    s0 = r * (1.0 + r2 * (-1.0 / 6.0 + r2 * (1.0 / 120.0
                                             + r2 * (-1.0 / 5040.0))))
    c0 = 1.0 + r2 * (-0.5 + r2 * (1.0 / 24.0 + r2 * (-1.0 / 720.0
                                                     + r2 * (1.0 / 40320.0))))
    flip = qd >= 2
    swap = (qd == 1) | (qd == 3)
    s1 = jnp.where(swap, c0, s0)
    c1 = jnp.where(swap, -s0, c0)
    sgn = jnp.where(flip, -1.0, 1.0)
    sq = (sgn * s1 * FIX + (FIX + 0.5)).astype(jnp.int32)
    cq = (sgn * c1 * FIX + (FIX + 0.5)).astype(jnp.int32)
    q_ref[...] = (cq << 16) | sq
    a = amp_ref[...]
    mu = mu_ref[0]
    na = a + DT * a * (mu - a * a)
    amp_out_ref[...] = jnp.clip(na, 1e-06, 10.0)


TC_BLK = 1280


def _tc_pack(phase, amplitude, mu):
    out_shape = [
        jax.ShapeDtypeStruct((B, N), jnp.int32),
        jax.ShapeDtypeStruct((B, N), jnp.float32),
    ]
    bspec = pl.BlockSpec((B, TC_BLK), lambda i: (0, i))
    return pl.pallas_call(
        _tc_pack_body,
        grid=(pl.cdiv(N, TC_BLK),),
        out_shape=out_shape,
        in_specs=[
            pl.BlockSpec(memory_space=pltpu.SMEM),
            bspec,
            bspec,
        ],
        out_specs=[bspec] * 2,
    )(jnp.reshape(mu.astype(jnp.float32), (1,)), phase, amplitude)


def _sc_body(q_hbm, nbr_hbm, out_hbm,
             q_tab, idx_b0,
             ob0, ob1, ob2, ob3, ob4, ob5, ob6, ob7,
             tab_sem, in_sem0, in_sem1, out_sem):
    out_bufs = (ob0, ob1, ob2, ob3, ob4, ob5, ob6, ob7)
    idx_bufs = (idx_b0, idx_b0)
    in_sems = (in_sem0, in_sem1)
    cid = lax.axis_index("c")
    sid = lax.axis_index("s")
    wid = sid * NUM_CORES + cid
    chunk = wid % NCHUNK
    sw = wid // NCHUNK
    b0 = chunk * BPW

    def slab_start(slab_id):
        return jnp.where(slab_id == N_SLABS - 1, LAST_START, slab_id * W)

    def slab_in(slab_id, buf):
        start = slab_start(slab_id)
        return [pltpu.async_copy(
            nbr_hbm.at[pl.ds(start * K, W * K)], idx_bufs[buf],
            in_sems[buf])]

    tab_cp = pltpu.async_copy(q_hbm.at[pl.ds(b0, BPW)], q_tab, tab_sem)
    in_cps = slab_in(sw, 0)
    tab_cp.wait()

    out_cp = None
    for si in range(2):
        buf = si % 2
        slab_id = sw + 4 * si
        start = slab_start(slab_id)
        for cp in in_cps:
            cp.wait()
        if out_cp is not None:
            for cp in out_cp:
                cp.wait()

        @plsc.parallel_loop(0, W // LANES)
        def block_body(blk):
            nl = blk * LANES
            gcol = start + nl
            koff = K * nl
            ivs = []
            for k in range(K):
                kvec = lax.iota(jnp.int32, LANES) * K + (k + koff)
                ivs.append(plsc.load_gather(idx_bufs[buf], [kvec]))
            for b in range(BPW):
                bv = jnp.full((LANES,), b, jnp.int32)
                acc = plsc.load_gather(q_tab, [bv, ivs[0]])
                for k in range(1, K):
                    acc = acc + plsc.load_gather(q_tab, [bv, ivs[k]])
                s_sum = (acc & 0xFFFF).astype(jnp.float32) * INV_FIX - float(K)
                c_sum = (acc >> 16).astype(jnp.float32) * INV_FIX - float(K)
                w = q_tab[b, pl.ds(gcol, LANES)]
                sv = (w & 0xFFFF).astype(jnp.float32) * INV_FIX - 1.0
                cv = (w >> 16).astype(jnp.float32) * INV_FIX - 1.0
                coup = (COUPLING_STRENGTH / K) * (cv * s_sum - sv * c_sum)
                out_bufs[b][pl.ds(nl, LANES)] = coup

        if si == 0:
            in_cps = slab_in(sw + 4, 1)
        cps = []
        for i in range(BPW):
            cps.append(pltpu.async_copy(
                out_bufs[i], out_hbm.at[pl.ds((b0 + i) * N + start, W)],
                out_sem))
        out_cp = cps

    for cp in out_cp:
        cp.wait()


def _sc_coupling(q, nbr_flat):
    mesh = plsc.VectorSubcoreMesh(
        core_axis_name="c", subcore_axis_name="s",
        num_cores=NUM_CORES, num_subcores=NUM_SUBCORES)
    return pl.kernel(
        _sc_body,
        out_type=jax.ShapeDtypeStruct((B * N,), jnp.float32),
        mesh=mesh,
        compiler_params=pltpu.CompilerParams(needs_layout_passes=False),
        scratch_types=[
            pltpu.VMEM((BPW, N), jnp.int32),
            pltpu.VMEM((W * K,), jnp.int32),
        ] + [pltpu.VMEM((W,), jnp.float32)] * BPW + [
            pltpu.SemaphoreType.DMA,
            pltpu.SemaphoreType.DMA,
            pltpu.SemaphoreType.DMA,
            pltpu.SemaphoreType.DMA,
        ],
    )(q, nbr_flat)


def kernel(phase, amplitude, frequencies, mu, neighbors):
    nbr_flat = jnp.reshape(neighbors, (N * K,))
    q, new_amp = _tc_pack(phase, amplitude, mu)
    coup = jnp.reshape(_sc_coupling(q, nbr_flat), (B, N))
    new_phase = jnp.mod(phase + TWO_PI * frequencies * DT + DT * coup, TWO_PI)
    return new_phase, new_amp

# --- scband reference (transcript-rebuilt; emitter-appended) ---
"""Pipeline reference for scband-large-scale-oscillator-system-16286515986756 (READ-ONLY COPY).

The authoritative reference and input builder live on the scoring server;
editing this copy changes nothing except your own understanding.
"""

import math
import jax, jax.numpy as jnp
import numpy as np

B, N, K = 64, 10000, 16
DT = 0.01
COUPLING_STRENGTH = 2.0


def setup_inputs(seed: int = 0) -> dict:
    key = jax.random.key(seed)
    k1, k2 = jax.random.split(key, 2)
    phase = jax.random.uniform(k1, (B, N), dtype=jnp.float32) * 2.0 * math.pi
    amplitude = jnp.ones((B, N), dtype=jnp.float32)
    # learned params per __init__
    frequencies = jax.random.normal(k2, (N,), dtype=jnp.float32) * 0.1 + 5.0
    mu = jnp.asarray(1.0, dtype=jnp.float32)
    # random k-NN topology excluding self (buffer)
    rng = np.random.default_rng(42)
    idx = rng.integers(0, N - 1, size=(N, K))
    row = np.arange(N)[:, None]
    idx = idx + (idx >= row)  # skip self index
    neighbors = jnp.asarray(idx, dtype=jnp.int32)
    return {"phase": phase, "amplitude": amplitude, "frequencies": frequencies, "mu": mu, "neighbors": neighbors}


def reference(phase, amplitude, frequencies, mu, neighbors):
    two_pi = 2.0 * math.pi
    b, n = phase.shape
    k = neighbors.shape[1]
    # sparse k-NN Kuramoto coupling: gather neighbor phases
    nbr_phase = jnp.take(phase, neighbors.reshape(-1), axis=1).reshape(b, n, k)
    phase_diff = nbr_phase - phase[:, :, None]
    coupling = (COUPLING_STRENGTH / k) * jnp.sin(phase_diff).sum(axis=-1)
    new_phase = jnp.mod(phase + two_pi * frequencies * DT + DT * coupling, two_pi)
    da = DT * amplitude * (mu - amplitude * amplitude)
    new_amp = jnp.clip(amplitude + da, 1e-06, 10.0)
    return (new_phase, new_amp)

if __name__ == "__main__":
    import jax
    _d = setup_inputs()
    print(jax.jit(kernel)(*tuple(_d.values())))

</pallas_src>

<mosaic_0001>
#map = affine_map<(d0, d1) -> (0, 0)>
#map1 = affine_map<(d0, d1) -> (0)>
module attributes {stable_mosaic.version = 14 : i64} {
  func.func @_sc_body(%arg0: i32, %arg1: i32, %arg2: memref<64x10000xi32, #tpu.memory_space<hbm>>, %arg3: memref<160000xi32, #tpu.memory_space<hbm>>, %arg4: memref<640000xf32, #tpu.memory_space<hbm>>, %arg5: memref<8x10000xi32, #tpu.memory_space<vmem>>, %arg6: memref<20224xi32, #tpu.memory_space<vmem>>, %arg7: memref<1264xf32, #tpu.memory_space<vmem>>, %arg8: memref<1264xf32, #tpu.memory_space<vmem>>, %arg9: memref<1264xf32, #tpu.memory_space<vmem>>, %arg10: memref<1264xf32, #tpu.memory_space<vmem>>, %arg11: memref<1264xf32, #tpu.memory_space<vmem>>, %arg12: memref<1264xf32, #tpu.memory_space<vmem>>, %arg13: memref<1264xf32, #tpu.memory_space<vmem>>, %arg14: memref<1264xf32, #tpu.memory_space<vmem>>, %arg15: memref<!tpu.dma_semaphore, #tpu.memory_space<semaphore_mem>>, %arg16: memref<!tpu.dma_semaphore, #tpu.memory_space<semaphore_mem>>, %arg17: memref<!tpu.dma_semaphore, #tpu.memory_space<semaphore_mem>>, %arg18: memref<!tpu.dma_semaphore, #tpu.memory_space<semaphore_mem>>) attributes {dimension_semantics = [#tpu.dimension_semantics<core_parallel>, #tpu.dimension_semantics<subcore_parallel>], iteration_bounds = array<i64: 2, 16>, scalar_prefetch = 0 : i64, scratch_operands = 14 : i64, tpu.core_type = #tpu.core_type<sc_vector_subcore>, window_params = [{transform_indices = #map}, {transform_indices = #map1}, {transform_indices = #map1}]} {
    %mul3A = arith.constant 2 : i32
    %mul3A_0 = arith.muli %arg1, %mul3A : i32
    %add3A = arith.addi %mul3A_0, %arg0 : i32
    %jit3A = arith.constant 8 : i32
    %eq3A = arith.constant 0 : i32
    %eq3A_1 = arith.cmpi eq, %jit3A, %eq3A : i32
    %jit3A_2 = arith.constant 1 : i32
    %select_n3A = arith.select %eq3A_1, %jit3A_2, %jit3A : i32
    %rem3A = arith.remsi %add3A, %select_n3A : i32
    %ne3A = arith.constant 0 : i32
    %ne3A_3 = arith.cmpi ne, %rem3A, %ne3A : i32
    %lt3A = arith.constant 0 : i32
    %lt3A_4 = arith.cmpi slt, %rem3A, %lt3A : i32
    %lt3A_5 = arith.constant 0 : i32
    %lt3A_6 = arith.cmpi slt, %select_n3A, %lt3A_5 : i32
    %ne3A_7 = arith.xori %lt3A_4, %lt3A_6 : i1
    %and3A = arith.andi %ne3A_7, %ne3A_3 : i1
    %add3A_8 = arith.addi %rem3A, %select_n3A : i32
    %select_n3A_9 = arith.select %and3A, %add3A_8, %rem3A : i32
    %jit3A_10 = arith.constant 8 : i32
    %div3A = arith.divsi %add3A, %jit3A_10 : i32
    %sign3A = arith.constant 0 : i32
    %sign3A_11 = arith.cmpi sgt, %add3A, %sign3A : i32
    %sign3A_12 = arith.extui %sign3A_11 : i1 to i32
    %sign3A_13 = arith.constant 0 : i32
    %sign3A_14 = arith.cmpi slt, %add3A, %sign3A_13 : i32
    %sign3A_15 = arith.extui %sign3A_14 : i1 to i32
    %sign3A_16 = arith.subi %sign3A_12, %sign3A_15 : i32
    %sign3A_17 = arith.constant 0 : i32
    %sign3A_18 = arith.cmpi sgt, %jit3A_10, %sign3A_17 : i32
    %sign3A_19 = arith.extui %sign3A_18 : i1 to i32
    %sign3A_20 = arith.constant 0 : i32
    %sign3A_21 = arith.cmpi slt, %jit3A_10, %sign3A_20 : i32
    %sign3A_22 = arith.extui %sign3A_21 : i1 to i32
    %sign3A_23 = arith.subi %sign3A_19, %sign3A_22 : i32
    %ne3A_24 = arith.cmpi ne, %sign3A_16, %sign3A_23 : i32
    %rem3A_25 = arith.remsi %add3A, %jit3A_10 : i32
    %ne3A_26 = arith.constant 0 : i32
    %ne3A_27 = arith.cmpi ne, %rem3A_25, %ne3A_26 : i32
    %and3A_28 = arith.andi %ne3A_24, %ne3A_27 : i1
    %sub3A = arith.constant 1 : i32
    %sub3A_29 = arith.subi %div3A, %sub3A : i32
    %select_n3A_30 = arith.select %and3A_28, %sub3A_29, %div3A : i32
    %mul3A_31 = arith.constant 8 : i32
    %mul3A_32 = arith.muli %select_n3A_9, %mul3A_31 : i32
    %dma_start3A = arith.constant 0 : i32
    %dma_start3A_33 = tpu.memref_slice %arg2[%mul3A_32, %dma_start3A] : memref<64x10000xi32, #tpu.memory_space<hbm>> -> memref<8x10000xi32, #tpu.memory_space<hbm>>
    %dma_start3A_34 = arith.constant 0 : i32
    %dma_start3A_35 = tpu.memref_slice %arg2[%mul3A_32, %dma_start3A_34] : memref<64x10000xi32, #tpu.memory_space<hbm>> -> memref<8x10000xi32, #tpu.memory_space<hbm>>
    tpu.enqueue_dma source(%dma_start3A_35 : memref<8x10000xi32, #tpu.memory_space<hbm>>) target(%arg5 : memref<8x10000xi32, #tpu.memory_space<vmem>>) target_semaphore(%arg15 : memref<!tpu.dma_semaphore, #tpu.memory_space<semaphore_mem>>)
    %eq3A_36 = arith.constant 7 : i32
    %eq3A_37 = arith.cmpi eq, %select_n3A_30, %eq3A_36 : i32
    %mul3A_38 = arith.constant 1264 : i32
    %mul3A_39 = arith.muli %select_n3A_30, %mul3A_38 : i32
    %jit3A_40 = arith.constant 8736 : i32
    %select_n3A_41 = arith.select %eq3A_37, %jit3A_40, %mul3A_39 : i32
    %mul3A_42 = arith.constant 16 : i32
    %mul3A_43 = arith.muli %select_n3A_41, %mul3A_42 : i32
    %dma_start3A_44 = tpu.memref_slice %arg3[%mul3A_43] : memref<160000xi32, #tpu.memory_space<hbm>> -> memref<20224xi32, #tpu.memory_space<hbm>>
    %dma_start3A_45 = tpu.memref_slice %arg3[%mul3A_43] : memref<160000xi32, #tpu.memory_space<hbm>> -> memref<20224xi32, #tpu.memory_space<hbm>>
    tpu.enqueue_dma source(%dma_start3A_45 : memref<20224xi32, #tpu.memory_space<hbm>>) target(%arg6 : memref<20224xi32, #tpu.memory_space<vmem>>) target_semaphore(%arg16 : memref<!tpu.dma_semaphore, #tpu.memory_space<semaphore_mem>>)
    %dma_wait3A = arith.constant 0 : i32
    %dma_wait3A_46 = tpu.memref_slice %arg2[%mul3A_32, %dma_wait3A] : memref<64x10000xi32, #tpu.memory_space<hbm>> -> memref<8x10000xi32, #tpu.memory_space<hbm>>
    %dma_wait3A_47 = arith.constant 0 : i32
    %dma_wait3A_48 = tpu.memref_slice %arg2[%mul3A_32, %dma_wait3A_47] : memref<64x10000xi32, #tpu.memory_space<hbm>> -> memref<8x10000xi32, #tpu.memory_space<hbm>>
    tpu.wait_dma2 semaphore(%arg15 : memref<!tpu.dma_semaphore, #tpu.memory_space<semaphore_mem>>) src(%dma_wait3A_48 : memref<8x10000xi32, #tpu.memory_space<hbm>>) dst(%arg5 : memref<8x10000xi32, #tpu.memory_space<vmem>>)
    %add3A_49 = arith.constant 0 : i32
    %add3A_50 = arith.addi %select_n3A_30, %add3A_49 : i32
    %eq3A_51 = arith.constant 7 : i32
    %eq3A_52 = arith.cmpi eq, %add3A_50, %eq3A_51 : i32
    %mul3A_53 = arith.constant 1264 : i32
    %mul3A_54 = arith.muli %add3A_50, %mul3A_53 : i32
    %jit3A_55 = arith.constant 8736 : i32
    %select_n3A_56 = arith.select %eq3A_52, %jit3A_55, %mul3A_54 : i32
    %dma_wait3A_57 = tpu.memref_slice %arg3[%mul3A_43] : memref<160000xi32, #tpu.memory_space<hbm>> -> memref<20224xi32, #tpu.memory_space<hbm>>
    %dma_wait3A_58 = tpu.memref_slice %arg3[%mul3A_43] : memref<160000xi32, #tpu.memory_space<hbm>> -> memref<20224xi32, #tpu.memory_space<hbm>>
    tpu.wait_dma2 semaphore(%arg16 : memref<!tpu.dma_semaphore, #tpu.memory_space<semaphore_mem>>) src(%dma_wait3A_58 : memref<20224xi32, #tpu.memory_space<hbm>>) dst(%arg6 : memref<20224xi32, #tpu.memory_space<vmem>>)
    %parallel_loop3A = arith.constant 0 : i32
    %parallel_loop3A_59 = arith.constant 79 : i32
    %parallel_loop3A_60 = arith.constant 1 : i32
    scf.for %parallel_loop3A_230 = %parallel_loop3A to %parallel_loop3A_59 step %parallel_loop3A_60  : i32 {
      %parallel_loop3A_231 = arith.constant 16 : i32
      %parallel_loop3A_232 = arith.muli %parallel_loop3A_230, %parallel_loop3A_231 : i32
      %parallel_loop3A_233 = arith.addi %select_n3A_56, %parallel_loop3A_232 : i32
      %parallel_loop3A_234 = arith.constant 16 : i32
      %parallel_loop3A_235 = arith.muli %parallel_loop3A_234, %parallel_loop3A_232 : i32
      %parallel_loop3A_236 = tpu.iota {dimensions = array<i32: 0>} : vector<16xi32>
      %parallel_loop3A_237 = arith.constant 16 : i32
      %parallel_loop3A_238 = vector.broadcast %parallel_loop3A_237 : i32 to vector<16xi32>
      %parallel_loop3A_239 = arith.muli %parallel_loop3A_236, %parallel_loop3A_238 : vector<16xi32>
      %parallel_loop3A_240 = arith.constant 0 : i32
      %parallel_loop3A_241 = arith.addi %parallel_loop3A_240, %parallel_loop3A_235 : i32
      %parallel_loop3A_242 = vector.broadcast %parallel_loop3A_241 : i32 to vector<16xi32>
      %parallel_loop3A_243 = arith.addi %parallel_loop3A_239, %parallel_loop3A_242 : vector<16xi32>
      %parallel_loop3A_244 = tpu.vector_load_idx %arg6[%parallel_loop3A_243] : memref<20224xi32, #tpu.memory_space<vmem>>[vector<16xi32>], vector<16xi32>,
      %parallel_loop3A_245 = tpu.iota {dimensions = array<i32: 0>} : vector<16xi32>
      %parallel_loop3A_246 = arith.constant 16 : i32
      %parallel_loop3A_247 = vector.broadcast %parallel_loop3A_246 : i32 to vector<16xi32>
      %parallel_loop3A_248 = arith.muli %parallel_loop3A_245, %parallel_loop3A_247 : vector<16xi32>
      %parallel_loop3A_249 = arith.constant 1 : i32
      %parallel_loop3A_250 = arith.addi %parallel_loop3A_249, %parallel_loop3A_235 : i32
      %parallel_loop3A_251 = vector.broadcast %parallel_loop3A_250 : i32 to vector<16xi32>
      %parallel_loop3A_252 = arith.addi %parallel_loop3A_248, %parallel_loop3A_251 : vector<16xi32>
      %parallel_loop3A_253 = tpu.vector_load_idx %arg6[%parallel_loop3A_252] : memref<20224xi32, #tpu.memory_space<vmem>>[vector<16xi32>], vector<16xi32>,
      %parallel_loop3A_254 = tpu.iota {dimensions = array<i32: 0>} : vector<16xi32>
      %parallel_loop3A_255 = arith.constant 16 : i32
      %parallel_loop3A_256 = vector.broadcast %parallel_loop3A_255 : i32 to vector<16xi32>
      %parallel_loop3A_257 = arith.muli %parallel_loop3A_254, %parallel_loop3A_256 : vector<16xi32>
      %parallel_loop3A_258 = arith.constant 2 : i32
      %parallel_loop3A_259 = arith.addi %parallel_loop3A_258, %parallel_loop3A_235 : i32
      %parallel_loop3A_260 = vector.broadcast %parallel_loop3A_259 : i32 to vector<16xi32>
      %parallel_loop3A_261 = arith.addi %parallel_loop3A_257, %parallel_loop3A_260 : vector<16xi32>
      %parallel_loop3A_262 = tpu.vector_load_idx %arg6[%parallel_loop3A_261] : memref<20224xi32, #tpu.memory_space<vmem>>[vector<16xi32>], vector<16xi32>,
      %parallel_loop3A_263 = tpu.iota {dimensions = array<i32: 0>} : vector<16xi32>
      %parallel_loop3A_264 = arith.constant 16 : i32
      %parallel_loop3A_265 = vector.broadcast %parallel_loop3A_264 : i32 to vector<16xi32>
      %parallel_loop3A_266 = arith.muli %parallel_loop3A_263, %parallel_loop3A_265 : vector<16xi32>
      %parallel_loop3A_267 = arith.constant 3 : i32
      %parallel_loop3A_268 = arith.addi %parallel_loop3A_267, %parallel_loop3A_235 : i32
      %parallel_loop3A_269 = vector.broadcast %parallel_loop3A_268 : i32 to vector<16xi32>
      %parallel_loop3A_270 = arith.addi %parallel_loop3A_266, %parallel_loop3A_269 : vector<16xi32>
      %parallel_loop3A_271 = tpu.vector_load_idx %arg6[%parallel_loop3A_270] : memref<20224xi32, #tpu.memory_space<vmem>>[vector<16xi32>], vector<16xi32>,
      %parallel_loop3A_272 = tpu.iota {dimensions = array<i32: 0>} : vector<16xi32>
      %parallel_loop3A_273 = arith.constant 16 : i32
      %parallel_loop3A_274 = vector.broadcast %parallel_loop3A_273 : i32 to vector<16xi32>
      %parallel_loop3A_275 = arith.muli %parallel_loop3A_272, %parallel_loop3A_274 : vector<16xi32>
      %parallel_loop3A_276 = arith.constant 4 : i32
      %parallel_loop3A_277 = arith.addi %parallel_loop3A_276, %parallel_loop3A_235 : i32
      %parallel_loop3A_278 = vector.broadcast %parallel_loop3A_277 : i32 to vector<16xi32>
      %parallel_loop3A_279 = arith.addi %parallel_loop3A_275, %parallel_loop3A_278 : vector<16xi32>
      %parallel_loop3A_280 = tpu.vector_load_idx %arg6[%parallel_loop3A_279] : memref<20224xi32, #tpu.memory_space<vmem>>[vector<16xi32>], vector<16xi32>,
      %parallel_loop3A_281 = tpu.iota {dimensions = array<i32: 0>} : vector<16xi32>
      %parallel_loop3A_282 = arith.constant 16 : i32
      %parallel_loop3A_283 = vector.broadcast %parallel_loop3A_282 : i32 to vector<16xi32>
      %parallel_loop3A_284 = arith.muli %parallel_loop3A_281, %parallel_loop3A_283 : vector<16xi32>
      %parallel_loop3A_285 = arith.constant 5 : i32
      %parallel_loop3A_286 = arith.addi %parallel_loop3A_285, %parallel_loop3A_235 : i32
      %parallel_loop3A_287 = vector.broadcast %parallel_loop3A_286 : i32 to vector<16xi32>
      %parallel_loop3A_288 = arith.addi %parallel_loop3A_284, %parallel_loop3A_287 : vector<16xi32>
      %parallel_loop3A_289 = tpu.vector_load_idx %arg6[%parallel_loop3A_288] : memref<20224xi32, #tpu.memory_space<vmem>>[vector<16xi32>], vector<16xi32>,
      %parallel_loop3A_290 = tpu.iota {dimensions = array<i32: 0>} : vector<16xi32>
      %parallel_loop3A_291 = arith.constant 16 : i32
      %parallel_loop3A_292 = vector.broadcast %parallel_loop3A_291 : i32 to vector<16xi32>
      %parallel_loop3A_293 = arith.muli %parallel_loop3A_290, %parallel_loop3A_292 : vector<16xi32>
      %parallel_loop3A_294 = arith.constant 6 : i32
      %parallel_loop3A_295 = arith.addi %parallel_loop3A_294, %parallel_loop3A_235 : i32
      %parallel_loop3A_296 = vector.broadcast %parallel_loop3A_295 : i32 to vector<16xi32>
      %parallel_loop3A_297 = arith.addi %parallel_loop3A_293, %parallel_loop3A_296 : vector<16xi32>
      %parallel_loop3A_298 = tpu.vector_load_idx %arg6[%parallel_loop3A_297] : memref<20224xi32, #tpu.memory_space<vmem>>[vector<16xi32>], vector<16xi32>,
      %parallel_loop3A_299 = tpu.iota {dimensions = array<i32: 0>} : vector<16xi32>
      %parallel_loop3A_300 = arith.constant 16 : i32
      %parallel_loop3A_301 = vector.broadcast %parallel_loop3A_300 : i32 to vector<16xi32>
      %parallel_loop3A_302 = arith.muli %parallel_loop3A_299, %parallel_loop3A_301 : vector<16xi32>
      %parallel_loop3A_303 = arith.constant 7 : i32
      %parallel_loop3A_304 = arith.addi %parallel_loop3A_303, %parallel_loop3A_235 : i32
      %parallel_loop3A_305 = vector.broadcast %parallel_loop3A_304 : i32 to vector<16xi32>
      %parallel_loop3A_306 = arith.addi %parallel_loop3A_302, %parallel_loop3A_305 : vector<16xi32>
      %parallel_loop3A_307 = tpu.vector_load_idx %arg6[%parallel_loop3A_306] : memref<20224xi32, #tpu.memory_space<vmem>>[vector<16xi32>], vector<16xi32>,
      %parallel_loop3A_308 = tpu.iota {dimensions = array<i32: 0>} : vector<16xi32>
      %parallel_loop3A_309 = arith.constant 16 : i32
      %parallel_loop3A_310 = vector.broadcast %parallel_loop3A_309 : i32 to vector<16xi32>
      %parallel_loop3A_311 = arith.muli %parallel_loop3A_308, %parallel_loop3A_310 : vector<16xi32>
      %parallel_loop3A_312 = arith.constant 8 : i32
      %parallel_loop3A_313 = arith.addi %parallel_loop3A_312, %parallel_loop3A_235 : i32
      %parallel_loop3A_314 = vector.broadcast %parallel_loop3A_313 : i32 to vector<16xi32>
      %parallel_loop3A_315 = arith.addi %parallel_loop3A_311, %parallel_loop3A_314 : vector<16xi32>
      %parallel_loop3A_316 = tpu.vector_load_idx %arg6[%parallel_loop3A_315] : memref<20224xi32, #tpu.memory_space<vmem>>[vector<16xi32>], vector<16xi32>,
      %parallel_loop3A_317 = tpu.iota {dimensions = array<i32: 0>} : vector<16xi32>
      %parallel_loop3A_318 = arith.constant 16 : i32
      %parallel_loop3A_319 = vector.broadcast %parallel_loop3A_318 : i32 to vector<16xi32>
      %parallel_loop3A_320 = arith.muli %parallel_loop3A_317, %parallel_loop3A_319 : vector<16xi32>
      %parallel_loop3A_321 = arith.constant 9 : i32
      %parallel_loop3A_322 = arith.addi %parallel_loop3A_321, %parallel_loop3A_235 : i32
      %parallel_loop3A_323 = vector.broadcast %parallel_loop3A_322 : i32 to vector<16xi32>
      %parallel_loop3A_324 = arith.addi %parallel_loop3A_320, %parallel_loop3A_323 : vector<16xi32>
      %parallel_loop3A_325 = tpu.vector_load_idx %arg6[%parallel_loop3A_324] : memref<20224xi32, #tpu.memory_space<vmem>>[vector<16xi32>], vector<16xi32>,
      %parallel_loop3A_326 = tpu.iota {dimensions = array<i32: 0>} : vector<16xi32>
      %parallel_loop3A_327 = arith.constant 16 : i32
      %parallel_loop3A_328 = vector.broadcast %parallel_loop3A_327 : i32 to vector<16xi32>
      %parallel_loop3A_329 = arith.muli %parallel_loop3A_326, %parallel_loop3A_328 : vector<16xi32>
      %parallel_loop3A_330 = arith.constant 10 : i32
      %parallel_loop3A_331 = arith.addi %parallel_loop3A_330, %parallel_loop3A_235 : i32
      %parallel_loop3A_332 = vector.broadcast %parallel_loop3A_331 : i32 to vector<16xi32>
      %parallel_loop3A_333 = arith.addi %parallel_loop3A_329, %parallel_loop3A_332 : vector<16xi32>
      %parallel_loop3A_334 = tpu.vector_load_idx %arg6[%parallel_loop3A_333] : memref<20224xi32, #tpu.memory_space<vmem>>[vector<16xi32>], vector<16xi32>,
      %parallel_loop3A_335 = tpu.iota {dimensions = array<i32: 0>} : vector<16xi32>
      %parallel_loop3A_336 = arith.constant 16 : i32
      %parallel_loop3A_337 = vector.broadcast %parallel_loop3A_336 : i32 to vector<16xi32>
      %parallel_loop3A_338 = arith.muli %parallel_loop3A_335, %parallel_loop3A_337 : vector<16xi32>
      %parallel_loop3A_339 = arith.constant 11 : i32
      %parallel_loop3A_340 = arith.addi %parallel_loop3A_339, %parallel_loop3A_235 : i32
      %parallel_loop3A_341 = vector.broadcast %parallel_loop3A_340 : i32 to vector<16xi32>
      %parallel_loop3A_342 = arith.addi %parallel_loop3A_338, %parallel_loop3A_341 : vector<16xi32>
      %parallel_loop3A_343 = tpu.vector_load_idx %arg6[%parallel_loop3A_342] : memref<20224xi32, #tpu.memory_space<vmem>>[vector<16xi32>], vector<16xi32>,
      %parallel_loop3A_344 = tpu.iota {dimensions = array<i32: 0>} : vector<16xi32>
      %parallel_loop3A_345 = arith.constant 16 : i32
      %parallel_loop3A_346 = vector.broadcast %parallel_loop3A_345 : i32 to vector<16xi32>
      %parallel_loop3A_347 = arith.muli %parallel_loop3A_344, %parallel_loop3A_346 : vector<16xi32>
      %parallel_loop3A_348 = arith.constant 12 : i32
      %parallel_loop3A_349 = arith.addi %parallel_loop3A_348, %parallel_loop3A_235 : i32
      %parallel_loop3A_350 = vector.broadcast %parallel_loop3A_349 : i32 to vector<16xi32>
      %parallel_loop3A_351 = arith.addi %parallel_loop3A_347, %parallel_loop3A_350 : vector<16xi32>
      %parallel_loop3A_352 = tpu.vector_load_idx %arg6[%parallel_loop3A_351] : memref<20224xi32, #tpu.memory_space<vmem>>[vector<16xi32>], vector<16xi32>,
      %parallel_loop3A_353 = tpu.iota {dimensions = array<i32: 0>} : vector<16xi32>
      %parallel_loop3A_354 = arith.constant 16 : i32
      %parallel_loop3A_355 = vector.broadcast %parallel_loop3A_354 : i32 to vector<16xi32>
      %parallel_loop3A_356 = arith.muli %parallel_loop3A_353, %parallel_loop3A_355 : vector<16xi32>
      %parallel_loop3A_357 = arith.constant 13 : i32
      %parallel_loop3A_358 = arith.addi %parallel_loop3A_357, %parallel_loop3A_235 : i32
      %parallel_loop3A_359 = vector.broadcast %parallel_loop3A_358 : i32 to vector<16xi32>
      %parallel_loop3A_360 = arith.addi %parallel_loop3A_356, %parallel_loop3A_359 : vector<16xi32>
      %parallel_loop3A_361 = tpu.vector_load_idx %arg6[%parallel_loop3A_360] : memref<20224xi32, #tpu.memory_space<vmem>>[vector<16xi32>], vector<16xi32>,
      %parallel_loop3A_362 = tpu.iota {dimensions = array<i32: 0>} : vector<16xi32>
      %parallel_loop3A_363 = arith.constant 16 : i32
      %parallel_loop3A_364 = vector.broadcast %parallel_loop3A_363 : i32 to vector<16xi32>
      %parallel_loop3A_365 = arith.muli %parallel_loop3A_362, %parallel_loop3A_364 : vector<16xi32>
      %parallel_loop3A_366 = arith.constant 14 : i32
      %parallel_loop3A_367 = arith.addi %parallel_loop3A_366, %parallel_loop3A_235 : i32
      %parallel_loop3A_368 = vector.broadcast %parallel_loop3A_367 : i32 to vector<16xi32>
      %parallel_loop3A_369 = arith.addi %parallel_loop3A_365, %parallel_loop3A_368 : vector<16xi32>
      %parallel_loop3A_370 = tpu.vector_load_idx %arg6[%parallel_loop3A_369] : memref<20224xi32, #tpu.memory_space<vmem>>[vector<16xi32>], vector<16xi32>,
      %parallel_loop3A_371 = tpu.iota {dimensions = array<i32: 0>} : vector<16xi32>
      %parallel_loop3A_372 = arith.constant 16 : i32
      %parallel_loop3A_373 = vector.broadcast %parallel_loop3A_372 : i32 to vector<16xi32>
      %parallel_loop3A_374 = arith.muli %parallel_loop3A_371, %parallel_loop3A_373 : vector<16xi32>
      %parallel_loop3A_375 = arith.constant 15 : i32
      %parallel_loop3A_376 = arith.addi %parallel_loop3A_375, %parallel_loop3A_235 : i32
      %parallel_loop3A_377 = vector.broadcast %parallel_loop3A_376 : i32 to vector<16xi32>
      %parallel_loop3A_378 = arith.addi %parallel_loop3A_374, %parallel_loop3A_377 : vector<16xi32>
      %parallel_loop3A_379 = tpu.vector_load_idx %arg6[%parallel_loop3A_378] : memref<20224xi32, #tpu.memory_space<vmem>>[vector<16xi32>], vector<16xi32>,
      %parallel_loop3A_380 = arith.constant 0 : i32
      %parallel_loop3A_381 = vector.broadcast %parallel_loop3A_380 : i32 to vector<16xi32>
      %parallel_loop3A_382 = tpu.vector_load_idx %arg5[%parallel_loop3A_381, %parallel_loop3A_244] : memref<8x10000xi32, #tpu.memory_space<vmem>>[vector<16xi32>, vector<16xi32>], vector<16xi32>,
      %parallel_loop3A_383 = tpu.vector_load_idx %arg5[%parallel_loop3A_381, %parallel_loop3A_253] : memref<8x10000xi32, #tpu.memory_space<vmem>>[vector<16xi32>, vector<16xi32>], vector<16xi32>,
      %parallel_loop3A_384 = arith.addi %parallel_loop3A_382, %parallel_loop3A_383 : vector<16xi32>
      %parallel_loop3A_385 = tpu.vector_load_idx %arg5[%parallel_loop3A_381, %parallel_loop3A_262] : memref<8x10000xi32, #tpu.memory_space<vmem>>[vector<16xi32>, vector<16xi32>], vector<16xi32>,
      %parallel_loop3A_386 = arith.addi %parallel_loop3A_384, %parallel_loop3A_385 : vector<16xi32>
      %parallel_loop3A_387 = tpu.vector_load_idx %arg5[%parallel_loop3A_381, %parallel_loop3A_271] : memref<8x10000xi32, #tpu.memory_space<vmem>>[vector<16xi32>, vector<16xi32>], vector<16xi32>,
      %parallel_loop3A_388 = arith.addi %parallel_loop3A_386, %parallel_loop3A_387 : vector<16xi32>
      %parallel_loop3A_389 = tpu.vector_load_idx %arg5[%parallel_loop3A_381, %parallel_loop3A_280] : memref<8x10000xi32, #tpu.memory_space<vmem>>[vector<16xi32>, vector<16xi32>], vector<16xi32>,
      %parallel_loop3A_390 = arith.addi %parallel_loop3A_388, %parallel_loop3A_389 : vector<16xi32>
      %parallel_loop3A_391 = tpu.vector_load_idx %arg5[%parallel_loop3A_381, %parallel_loop3A_289] : memref<8x10000xi32, #tpu.memory_space<vmem>>[vector<16xi32>, vector<16xi32>], vector<16xi32>,
      %parallel_loop3A_392 = arith.addi %parallel_loop3A_390, %parallel_loop3A_391 : vector<16xi32>
      %parallel_loop3A_393 = tpu.vector_load_idx %arg5[%parallel_loop3A_381, %parallel_loop3A_298] : memref<8x10000xi32, #tpu.memory_space<vmem>>[vector<16xi32>, vector<16xi32>], vector<16xi32>,
      %parallel_loop3A_394 = arith.addi %parallel_loop3A_392, %parallel_loop3A_393 : vector<16xi32>
      %parallel_loop3A_395 = tpu.vector_load_idx %arg5[%parallel_loop3A_381, %parallel_loop3A_307] : memref<8x10000xi32, #tpu.memory_space<vmem>>[vector<16xi32>, vector<16xi32>], vector<16xi32>,
      %parallel_loop3A_396 = arith.addi %parallel_loop3A_394, %parallel_loop3A_395 : vector<16xi32>
      %parallel_loop3A_397 = tpu.vector_load_idx %arg5[%parallel_loop3A_381, %parallel_loop3A_316] : memref<8x10000xi32, #tpu.memory_space<vmem>>[vector<16xi32>, vector<16xi32>], vector<16xi32>,
      %parallel_loop3A_398 = arith.addi %parallel_loop3A_396, %parallel_loop3A_397 : vector<16xi32>
      %parallel_loop3A_399 = tpu.vector_load_idx %arg5[%parallel_loop3A_381, %parallel_loop3A_325] : memref<8x10000xi32, #tpu.memory_space<vmem>>[vector<16xi32>, vector<16xi32>], vector<16xi32>,
      %parallel_loop3A_400 = arith.addi %parallel_loop3A_398, %parallel_loop3A_399 : vector<16xi32>
      %parallel_loop3A_401 = tpu.vector_load_idx %arg5[%parallel_loop3A_381, %parallel_loop3A_334] : memref<8x10000xi32, #tpu.memory_space<vmem>>[vector<16xi32>, vector<16xi32>], vector<16xi32>,
      %parallel_loop3A_402 = arith.addi %parallel_loop3A_400, %parallel_loop3A_401 : vector<16xi32>
      %parallel_loop3A_403 = tpu.vector_load_idx %arg5[%parallel_loop3A_381, %parallel_loop3A_343] : memref<8x10000xi32, #tpu.memory_space<vmem>>[vector<16xi32>, vector<16xi32>], vector<16xi32>,
      %parallel_loop3A_404 = arith.addi %parallel_loop3A_402, %parallel_loop3A_403 : vector<16xi32>
      %parallel_loop3A_405 = tpu.vector_load_idx %arg5[%parallel_loop3A_381, %parallel_loop3A_352] : memref<8x10000xi32, #tpu.memory_space<vmem>>[vector<16xi32>, vector<16xi32>], vector<16xi32>,
      %parallel_loop3A_406 = arith.addi %parallel_loop3A_404, %parallel_loop3A_405 : vector<16xi32>
      %parallel_loop3A_407 = tpu.vector_load_idx %arg5[%parallel_loop3A_381, %parallel_loop3A_361] : memref<8x10000xi32, #tpu.memory_space<vmem>>[vector<16xi32>, vector<16xi32>], vector<16xi32>,
      %parallel_loop3A_408 = arith.addi %parallel_loop3A_406, %parallel_loop3A_407 : vector<16xi32>
      %parallel_loop3A_409 = tpu.vector_load_idx %arg5[%parallel_loop3A_381, %parallel_loop3A_370] : memref<8x10000xi32, #tpu.memory_space<vmem>>[vector<16xi32>, vector<16xi32>], vector<16xi32>,
      %parallel_loop3A_410 = arith.addi %parallel_loop3A_408, %parallel_loop3A_409 : vector<16xi32>
      %parallel_loop3A_411 = tpu.vector_load_idx %arg5[%parallel_loop3A_381, %parallel_loop3A_379] : memref<8x10000xi32, #tpu.memory_space<vmem>>[vector<16xi32>, vector<16xi32>], vector<16xi32>,
      %parallel_loop3A_412 = arith.addi %parallel_loop3A_410, %parallel_loop3A_411 : vector<16xi32>
      %parallel_loop3A_413 = arith.constant 65535 : i32
      %parallel_loop3A_414 = vector.broadcast %parallel_loop3A_413 : i32 to vector<16xi32>
      %parallel_loop3A_415 = arith.andi %parallel_loop3A_412, %parallel_loop3A_414 : vector<16xi32>
      %parallel_loop3A_416 = arith.sitofp %parallel_loop3A_415 : vector<16xi32> to vector<16xf32>
      %parallel_loop3A_417 = arith.constant 0.001953125 : f32
      %parallel_loop3A_418 = vector.broadcast %parallel_loop3A_417 : f32 to vector<16xf32>
      %parallel_loop3A_419 = arith.mulf %parallel_loop3A_416, %parallel_loop3A_418 : vector<16xf32>
      %parallel_loop3A_420 = arith.constant 1.600000e+01 : f32
      %parallel_loop3A_421 = vector.broadcast %parallel_loop3A_420 : f32 to vector<16xf32>
      %parallel_loop3A_422 = arith.subf %parallel_loop3A_419, %parallel_loop3A_421 : vector<16xf32>
      %parallel_loop3A_423 = arith.constant 16 : i32
      %parallel_loop3A_424 = vector.broadcast %parallel_loop3A_423 : i32 to vector<16xi32>
      %parallel_loop3A_425 = arith.shrsi %parallel_loop3A_412, %parallel_loop3A_424 : vector<16xi32>
      %parallel_loop3A_426 = arith.sitofp %parallel_loop3A_425 : vector<16xi32> to vector<16xf32>
      %parallel_loop3A_427 = arith.constant 0.001953125 : f32
      %parallel_loop3A_428 = vector.broadcast %parallel_loop3A_427 : f32 to vector<16xf32>
      %parallel_loop3A_429 = arith.mulf %parallel_loop3A_426, %parallel_loop3A_428 : vector<16xf32>
      %parallel_loop3A_430 = arith.constant 1.600000e+01 : f32
      %parallel_loop3A_431 = vector.broadcast %parallel_loop3A_430 : f32 to vector<16xf32>
      %parallel_loop3A_432 = arith.subf %parallel_loop3A_429, %parallel_loop3A_431 : vector<16xf32>
      %parallel_loop3A_433 = arith.constant 0 : i32
      %parallel_loop3A_434 = arith.index_cast %parallel_loop3A_433 : i32 to index
      %parallel_loop3A_435 = arith.index_cast %parallel_loop3A_233 : i32 to index
      %parallel_loop3A_436 = tpu.vector_load %arg5[%parallel_loop3A_434, %parallel_loop3A_435] {strides = array<i32>} : memref<8x10000xi32, #tpu.memory_space<vmem>>, vector<16xi32>,
      %parallel_loop3A_437 = arith.constant 65535 : i32
      %parallel_loop3A_438 = vector.broadcast %parallel_loop3A_437 : i32 to vector<16xi32>
      %parallel_loop3A_439 = arith.andi %parallel_loop3A_436, %parallel_loop3A_438 : vector<16xi32>
      %parallel_loop3A_440 = arith.sitofp %parallel_loop3A_439 : vector<16xi32> to vector<16xf32>
      %parallel_loop3A_441 = arith.constant 0.001953125 : f32
      %parallel_loop3A_442 = vector.broadcast %parallel_loop3A_441 : f32 to vector<16xf32>
      %parallel_loop3A_443 = arith.mulf %parallel_loop3A_440, %parallel_loop3A_442 : vector<16xf32>
      %parallel_loop3A_444 = arith.constant 1.000000e+00 : f32
      %parallel_loop3A_445 = vector.broadcast %parallel_loop3A_444 : f32 to vector<16xf32>
      %parallel_loop3A_446 = arith.subf %parallel_loop3A_443, %parallel_loop3A_445 : vector<16xf32>
      %parallel_loop3A_447 = arith.constant 16 : i32
      %parallel_loop3A_448 = vector.broadcast %parallel_loop3A_447 : i32 to vector<16xi32>
      %parallel_loop3A_449 = arith.shrsi %parallel_loop3A_436, %parallel_loop3A_448 : vector<16xi32>
      %parallel_loop3A_450 = arith.sitofp %parallel_loop3A_449 : vector<16xi32> to vector<16xf32>
      %parallel_loop3A_451 = arith.constant 0.001953125 : f32
      %parallel_loop3A_452 = vector.broadcast %parallel_loop3A_451 : f32 to vector<16xf32>
      %parallel_loop3A_453 = arith.mulf %parallel_loop3A_450, %parallel_loop3A_452 : vector<16xf32>
      %parallel_loop3A_454 = arith.constant 1.000000e+00 : f32
      %parallel_loop3A_455 = vector.broadcast %parallel_loop3A_454 : f32 to vector<16xf32>
      %parallel_loop3A_456 = arith.subf %parallel_loop3A_453, %parallel_loop3A_455 : vector<16xf32>
      %parallel_loop3A_457 = arith.mulf %parallel_loop3A_456, %parallel_loop3A_422 : vector<16xf32>
      %parallel_loop3A_458 = arith.mulf %parallel_loop3A_446, %parallel_loop3A_432 : vector<16xf32>
      %parallel_loop3A_459 = arith.subf %parallel_loop3A_457, %parallel_loop3A_458 : vector<16xf32>
      %parallel_loop3A_460 = arith.constant 1.250000e-01 : f32
      %parallel_loop3A_461 = vector.broadcast %parallel_loop3A_460 : f32 to vector<16xf32>
      %parallel_loop3A_462 = arith.mulf %parallel_loop3A_461, %parallel_loop3A_459 : vector<16xf32>
      %parallel_loop3A_463 = arith.index_cast %parallel_loop3A_232 : i32 to index
      %parallel_loop3A_464 = tpu.vector_load %arg7[%parallel_loop3A_463] {strides = array<i32>} : memref<1264xf32, #tpu.memory_space<vmem>>, vector<16xf32>,
      tpu.vector_store %arg7[%parallel_loop3A_463], %parallel_loop3A_462 {strides = array<i32>} : memref<1264xf32, #tpu.memory_space<vmem>>, vector<16xf32>,
      %parallel_loop3A_465 = arith.constant 1 : i32
      %parallel_loop3A_466 = vector.broadcast %parallel_loop3A_465 : i32 to vector<16xi32>
      %parallel_loop3A_467 = tpu.vector_load_idx %arg5[%parallel_loop3A_466, %parallel_loop3A_244] : memref<8x10000xi32, #tpu.memory_space<vmem>>[vector<16xi32>, vector<16xi32>], vector<16xi32>,
      %parallel_loop3A_468 = tpu.vector_load_idx %arg5[%parallel_loop3A_466, %parallel_loop3A_253] : memref<8x10000xi32, #tpu.memory_space<vmem>>[vector<16xi32>, vector<16xi32>], vector<16xi32>,
      %parallel_loop3A_469 = arith.addi %parallel_loop3A_467, %parallel_loop3A_468 : vector<16xi32>
      %parallel_loop3A_470 = tpu.vector_load_idx %arg5[%parallel_loop3A_466, %parallel_loop3A_262] : memref<8x10000xi32, #tpu.memory_space<vmem>>[vector<16xi32>, vector<16xi32>], vector<16xi32>,
      %parallel_loop3A_471 = arith.addi %parallel_loop3A_469, %parallel_loop3A_470 : vector<16xi32>
      %parallel_loop3A_472 = tpu.vector_load_idx %arg5[%parallel_loop3A_466, %parallel_loop3A_271] : memref<8x10000xi32, #tpu.memory_space<vmem>>[vector<16xi32>, vector<16xi32>], vector<16xi32>,
      %parallel_loop3A_473 = arith.addi %parallel_loop3A_471, %parallel_loop3A_472 : vector<16xi32>
      %parallel_loop3A_474 = tpu.vector_load_idx %arg5[%parallel_loop3A_466, %parallel_loop3A_280] : memref<8x10000xi32, #tpu.memory_space<vmem>>[vector<16xi32>, vector<16xi32>], vector<16xi32>,
      %parallel_loop3A_475 = arith.addi %parallel_loop3A_473, %parallel_loop3A_474 : vector<16xi32>
      %parallel_loop3A_476 = tpu.vector_load_idx %arg5[%parallel_loop3A_466, %parallel_loop3A_289] : memref<8x10000xi32, #tpu.memory_space<vmem>>[vector<16xi32>, vector<16xi32>], vector<16xi32>,
      %parallel_loop3A_477 = arith.addi %parallel_loop3A_475, %parallel_loop3A_476 : vector<16xi32>
      %parallel_loop3A_478 = tpu.vector_load_idx %arg5[%parallel_loop3A_466, %parallel_loop3A_298] : memref<8x10000xi32, #tpu.memory_space<vmem>>[vector<16xi32>, vector<16xi32>], vector<16xi32>,
      %parallel_loop3A_479 = arith.addi %parallel_loop3A_477, %parallel_loop3A_478 : vector<16xi32>
      %parallel_loop3A_480 = tpu.vector_load_idx %arg5[%parallel_loop3A_466, %parallel_loop3A_307] : memref<8x10000xi32, #tpu.memory_space<vmem>>[vector<16xi32>, vector<16xi32>], vector<16xi32>,
      %parallel_loop3A_481 = arith.addi %parallel_loop3A_479, %parallel_loop3A_480 : vector<16xi32>
      %parallel_loop3A_482 = tpu.vector_load_idx %arg5[%parallel_loop3A_466, %parallel_loop3A_316] : memref<8x10000xi32, #tpu.memory_space<vmem>>[vector<16xi32>, vector<16xi32>], vector<16xi32>,
      %parallel_loop3A_483 = arith.addi %parallel_loop3A_481, %parallel_loop3A_482 : vector<16xi32>
      %parallel_loop3A_484 = tpu.vector_load_idx %arg5[%parallel_loop3A_466, %parallel_loop3A_325] : memref<8x10000xi32, #tpu.memory_space<vmem>>[vector<16xi32>, vector<16xi32>], vector<16xi32>,
      %parallel_loop3A_485 = arith.addi %parallel_loop3A_483, %parallel_loop3A_484 : vector<16xi32>
      %parallel_loop3A_486 = tpu.vector_load_idx %arg5[%parallel_loop3A_466, %parallel_loop3A_334] : memref<8x10000xi32, #tpu.memory_space<vmem>>[vector<16xi32>, vector<16xi32>], vector<16xi32>,
      %parallel_loop3A_487 = arith.addi %parallel_loop3A_485, %parallel_loop3A_486 : vector<16xi32>
      %parallel_loop3A_488 = tpu.vector_load_idx %arg5[%parallel_loop3A_466, %parallel_loop3A_343] : memref<8x10000xi32, #tpu.memory_space<vmem>>[vector<16xi32>, vector<16xi32>], vector<16xi32>,
      %parallel_loop3A_489 = arith.addi %parallel_loop3A_487, %parallel_loop3A_488 : vector<16xi32>
      %parallel_loop3A_490 = tpu.vector_load_idx %arg5[%parallel_loop3A_466, %parallel_loop3A_352] : memref<8x10000xi32, #tpu.memory_space<vmem>>[vector<16xi32>, vector<16xi32>], vector<16xi32>,
      %parallel_loop3A_491 = arith.addi %parallel_loop3A_489, %parallel_loop3A_490 : vector<16xi32>
      %parallel_loop3A_492 = tpu.vector_load_idx %arg5[%parallel_loop3A_466, %parallel_loop3A_361] : memref<8x10000xi32, #tpu.memory_space<vmem>>[vector<16xi32>, vector<16xi32>], vector<16xi32>,
      %parallel_loop3A_493 = arith.addi %parallel_loop3A_491, %parallel_loop3A_492 : vector<16xi32>
      %parallel_loop3A_494 = tpu.vector_load_idx %arg5[%parallel_loop3A_466, %parallel_loop3A_370] : memref<8x10000xi32, #tpu.memory_space<vmem>>[vector<16xi32>, vector<16xi32>], vector<16xi32>,
      %parallel_loop3A_495 = arith.addi %parallel_loop3A_493, %parallel_loop3A_494 : vector<16xi32>
      %parallel_loop3A_496 = tpu.vector_load_idx %arg5[%parallel_loop3A_466, %parallel_loop3A_379] : memref<8x10000xi32, #tpu.memory_space<vmem>>[vector<16xi32>, vector<16xi32>], vector<16xi32>,
      %parallel_loop3A_497 = arith.addi %parallel_loop3A_495, %parallel_loop3A_496 : vector<16xi32>
      %parallel_loop3A_498 = arith.constant 65535 : i32
      %parallel_loop3A_499 = vector.broadcast %parallel_loop3A_498 : i32 to vector<16xi32>
      %parallel_loop3A_500 = arith.andi %parallel_loop3A_497, %parallel_loop3A_499 : vector<16xi32>
      %parallel_loop3A_501 = arith.sitofp %parallel_loop3A_500 : vector<16xi32> to vector<16xf32>
      %parallel_loop3A_502 = arith.constant 0.001953125 : f32
      %parallel_loop3A_503 = vector.broadcast %parallel_loop3A_502 : f32 to vector<16xf32>
      %parallel_loop3A_504 = arith.mulf %parallel_loop3A_501, %parallel_loop3A_503 : vector<16xf32>
      %parallel_loop3A_505 = arith.constant 1.600000e+01 : f32
      %parallel_loop3A_506 = vector.broadcast %parallel_loop3A_505 : f32 to vector<16xf32>
      %parallel_loop3A_507 = arith.subf %parallel_loop3A_504, %parallel_loop3A_506 : vector<16xf32>
      %parallel_loop3A_508 = arith.constant 16 : i32
      %parallel_loop3A_509 = vector.broadcast %parallel_loop3A_508 : i32 to vector<16xi32>
      %parallel_loop3A_510 = arith.shrsi %parallel_loop3A_497, %parallel_loop3A_509 : vector<16xi32>
      %parallel_loop3A_511 = arith.sitofp %parallel_loop3A_510 : vector<16xi32> to vector<16xf32>
      %parallel_loop3A_512 = arith.constant 0.001953125 : f32
      %parallel_loop3A_513 = vector.broadcast %parallel_loop3A_512 : f32 to vector<16xf32>
      %parallel_loop3A_514 = arith.mulf %parallel_loop3A_511, %parallel_loop3A_513 : vector<16xf32>
      %parallel_loop3A_515 = arith.constant 1.600000e+01 : f32
      %parallel_loop3A_516 = vector.broadcast %parallel_loop3A_515 : f32 to vector<16xf32>
      %parallel_loop3A_517 = arith.subf %parallel_loop3A_514, %parallel_loop3A_516 : vector<16xf32>
      %parallel_loop3A_518 = arith.constant 1 : i32
      %parallel_loop3A_519 = arith.index_cast %parallel_loop3A_518 : i32 to index
      %parallel_loop3A_520 = arith.index_cast %parallel_loop3A_233 : i32 to index
      %parallel_loop3A_521 = tpu.vector_load %arg5[%parallel_loop3A_519, %parallel_loop3A_520] {strides = array<i32>} : memref<8x10000xi32, #tpu.memory_space<vmem>>, vector<16xi32>,
      %parallel_loop3A_522 = arith.constant 65535 : i32
      %parallel_loop3A_523 = vector.broadcast %parallel_loop3A_522 : i32 to vector<16xi32>
      %parallel_loop3A_524 = arith.andi %parallel_loop3A_521, %parallel_loop3A_523 : vector<16xi32>
      %parallel_loop3A_525 = arith.sitofp %parallel_loop3A_524 : vector<16xi32> to vector<16xf32>
      %parallel_loop3A_526 = arith.constant 0.001953125 : f32
      %parallel_loop3A_527 = vector.broadcast %parallel_loop3A_526 : f32 to vector<16xf32>
      %parallel_loop3A_528 = arith.mulf %parallel_loop3A_525, %parallel_loop3A_527 : vector<16xf32>
      %parallel_loop3A_529 = arith.constant 1.000000e+00 : f32
      %parallel_loop3A_530 = vector.broadcast %parallel_loop3A_529 : f32 to vector<16xf32>
      %parallel_loop3A_531 = arith.subf %parallel_loop3A_528, %parallel_loop3A_530 : vector<16xf32>
      %parallel_loop3A_532 = arith.constant 16 : i32
      %parallel_loop3A_533 = vector.broadcast %parallel_loop3A_532 : i32 to vector<16xi32>
      %parallel_loop3A_534 = arith.shrsi %parallel_loop3A_521, %parallel_loop3A_533 : vector<16xi32>
      %parallel_loop3A_535 = arith.sitofp %parallel_loop3A_534 : vector<16xi32> to vector<16xf32>
      %parallel_loop3A_536 = arith.constant 0.001953125 : f32
      %parallel_loop3A_537 = vector.broadcast %parallel_loop3A_536 : f32 to vector<16xf32>
      %parallel_loop3A_538 = arith.mulf %parallel_loop3A_535, %parallel_loop3A_537 : vector<16xf32>
      %parallel_loop3A_539 = arith.constant 1.000000e+00 : f32
      %parallel_loop3A_540 = vector.broadcast %parallel_loop3A_539 : f32 to vector<16xf32>
      %parallel_loop3A_541 = arith.subf %parallel_loop3A_538, %parallel_loop3A_540 : vector<16xf32>
      %parallel_loop3A_542 = arith.mulf %parallel_loop3A_541, %parallel_loop3A_507 : vector<16xf32>
      %parallel_loop3A_543 = arith.mulf %parallel_loop3A_531, %parallel_loop3A_517 : vector<16xf32>
      %parallel_loop3A_544 = arith.subf %parallel_loop3A_542, %parallel_loop3A_543 : vector<16xf32>
      %parallel_loop3A_545 = arith.constant 1.250000e-01 : f32
      %parallel_loop3A_546 = vector.broadcast %parallel_loop3A_545 : f32 to vector<16xf32>
      %parallel_loop3A_547 = arith.mulf %parallel_loop3A_546, %parallel_loop3A_544 : vector<16xf32>
      %parallel_loop3A_548 = arith.index_cast %parallel_loop3A_232 : i32 to index
      %parallel_loop3A_549 = tpu.vector_load %arg8[%parallel_loop3A_548] {strides = array<i32>} : memref<1264xf32, #tpu.memory_space<vmem>>, vector<16xf32>,
      tpu.vector_store %arg8[%parallel_loop3A_548], %parallel_loop3A_547 {strides = array<i32>} : memref<1264xf32, #tpu.memory_space<vmem>>, vector<16xf32>,
      %parallel_loop3A_550 = arith.constant 2 : i32
      %parallel_loop3A_551 = vector.broadcast %parallel_loop3A_550 : i32 to vector<16xi32>
      %parallel_loop3A_552 = tpu.vector_load_idx %arg5[%parallel_loop3A_551, %parallel_loop3A_244] : memref<8x10000xi32, #tpu.memory_space<vmem>>[vector<16xi32>, vector<16xi32>], vector<16xi32>,
      %parallel_loop3A_553 = tpu.vector_load_idx %arg5[%parallel_loop3A_551, %parallel_loop3A_253] : memref<8x10000xi32, #tpu.memory_space<vmem>>[vector<16xi32>, vector<16xi32>], vector<16xi32>,
      %parallel_loop3A_554 = arith.addi %parallel_loop3A_552, %parallel_loop3A_553 : vector<16xi32>
      %parallel_loop3A_555 = tpu.vector_load_idx %arg5[%parallel_loop3A_551, %parallel_loop3A_262] : memref<8x10000xi32, #tpu.memory_space<vmem>>[vector<16xi32>, vector<16xi32>], vector<16xi32>,
      %parallel_loop3A_556 = arith.addi %parallel_loop3A_554, %parallel_loop3A_555 : vector<16xi32>
      %parallel_loop3A_557 = tpu.vector_load_idx %arg5[%parallel_loop3A_551, %parallel_loop3A_271] : memref<8x10000xi32, #tpu.memory_space<vmem>>[vector<16xi32>, vector<16xi32>], vector<16xi32>,
      %parallel_loop3A_558 = arith.addi %parallel_loop3A_556, %parallel_loop3A_557 : vector<16xi32>
      %parallel_loop3A_559 = tpu.vector_load_idx %arg5[%parallel_loop3A_551, %parallel_loop3A_280] : memref<8x10000xi32, #tpu.memory_space<vmem>>[vector<16xi32>, vector<16xi32>], vector<16xi32>,
      %parallel_loop3A_560 = arith.addi %parallel_loop3A_558, %parallel_loop3A_559 : vector<16xi32>
      %parallel_loop3A_561 = tpu.vector_load_idx %arg5[%parallel_loop3A_551, %parallel_loop3A_289] : memref<8x10000xi32, #tpu.memory_space<vmem>>[vector<16xi32>, vector<16xi32>], vector<16xi32>,
      %parallel_loop3A_562 = arith.addi %parallel_loop3A_560, %parallel_loop3A_561 : vector<16xi32>
      %parallel_loop3A_563 = tpu.vector_load_idx %arg5[%parallel_loop3A_551, %parallel_loop3A_298] : memref<8x10000xi32, #tpu.memory_space<vmem>>[vector<16xi32>, vector<16xi32>], vector<16xi32>,
      %parallel_loop3A_564 = arith.addi %parallel_loop3A_562, %parallel_loop3A_563 : vector<16xi32>
      %parallel_loop3A_565 = tpu.vector_load_idx %arg5[%parallel_loop3A_551, %parallel_loop3A_307] : memref<8x10000xi32, #tpu.memory_space<vmem>>[vector<16xi32>, vector<16xi32>], vector<16xi32>,
      %parallel_loop3A_566 = arith.addi %parallel_loop3A_564, %parallel_loop3A_565 : vector<16xi32>
      %parallel_loop3A_567 = tpu.vector_load_idx %arg5[%parallel_loop3A_551, %parallel_loop3A_316] : memref<8x10000xi32, #tpu.memory_space<vmem>>[vector<16xi32>, vector<16xi32>], vector<16xi32>,
      %parallel_loop3A_568 = arith.addi %parallel_loop3A_566, %parallel_loop3A_567 : vector<16xi32>
      %parallel_loop3A_569 = tpu.vector_load_idx %arg5[%parallel_loop3A_551, %parallel_loop3A_325] : memref<8x10000xi32, #tpu.memory_space<vmem>>[vector<16xi32>, vector<16xi32>], vector<16xi32>,
      %parallel_loop3A_570 = arith.addi %parallel_loop3A_568, %parallel_loop3A_569 : vector<16xi32>
      %parallel_loop3A_571 = tpu.vector_load_idx %arg5[%parallel_loop3A_551, %parallel_loop3A_334] : memref<8x10000xi32, #tpu.memory_space<vmem>>[vector<16xi32>, vector<16xi32>], vector<16xi32>,
      %parallel_loop3A_572 = arith.addi %parallel_loop3A_570, %parallel_loop3A_571 : vector<16xi32>
      %parallel_loop3A_573 = tpu.vector_load_idx %arg5[%parallel_loop3A_551, %parallel_loop3A_343] : memref<8x10000xi32, #tpu.memory_space<vmem>>[vector<16xi32>, vector<16xi32>], vector<16xi32>,
      %parallel_loop3A_574 = arith.addi %parallel_loop3A_572, %parallel_loop3A_573 : vector<16xi32>
      %parallel_loop3A_575 = tpu.vector_load_idx %arg5[%parallel_loop3A_551, %parallel_loop3A_352] : memref<8x10000xi32, #tpu.memory_space<vmem>>[vector<16xi32>, vector<16xi32>], vector<16xi32>,
      %parallel_loop3A_576 = arith.addi %parallel_loop3A_574, %parallel_loop3A_575 : vector<16xi32>
      %parallel_loop3A_577 = tpu.vector_load_idx %arg5[%parallel_loop3A_551, %parallel_loop3A_361] : memref<8x10000xi32, #tpu.memory_space<vmem>>[vector<16xi32>, vector<16xi32>], vector<16xi32>,
      %parallel_loop3A_578 = arith.addi %parallel_loop3A_576, %parallel_loop3A_577 : vector<16xi32>
      %parallel_loop3A_579 = tpu.vector_load_idx %arg5[%parallel_loop3A_551, %parallel_loop3A_370] : memref<8x10000xi32, #tpu.memory_space<vmem>>[vector<16xi32>, vector<16xi32>], vector<16xi32>,
      %parallel_loop3A_580 = arith.addi %parallel_loop3A_578, %parallel_loop3A_579 : vector<16xi32>
      %parallel_loop3A_581 = tpu.vector_load_idx %arg5[%parallel_loop3A_551, %parallel_loop3A_379] : memref<8x10000xi32, #tpu.memory_space<vmem>>[vector<16xi32>, vector<16xi32>], vector<16xi32>,
      %parallel_loop3A_582 = arith.addi %parallel_loop3A_580, %parallel_loop3A_581 : vector<16xi32>
      %parallel_loop3A_583 = arith.constant 65535 : i32
      %parallel_loop3A_584 = vector.broadcast %parallel_loop3A_583 : i32 to vector<16xi32>
      %parallel_loop3A_585 = arith.andi %parallel_loop3A_582, %parallel_loop3A_584 : vector<16xi32>
      %parallel_loop3A_586 = arith.sitofp %parallel_loop3A_585 : vector<16xi32> to vector<16xf32>
      %parallel_loop3A_587 = arith.constant 0.001953125 : f32
      %parallel_loop3A_588 = vector.broadcast %parallel_loop3A_587 : f32 to vector<16xf32>
      %parallel_loop3A_589 = arith.mulf %parallel_loop3A_586, %parallel_loop3A_588 : vector<16xf32>
      %parallel_loop3A_590 = arith.constant 1.600000e+01 : f32
      %parallel_loop3A_591 = vector.broadcast %parallel_loop3A_590 : f32 to vector<16xf32>
      %parallel_loop3A_592 = arith.subf %parallel_loop3A_589, %parallel_loop3A_591 : vector<16xf32>
      %parallel_loop3A_593 = arith.constant 16 : i32
      %parallel_loop3A_594 = vector.broadcast %parallel_loop3A_593 : i32 to vector<16xi32>
      %parallel_loop3A_595 = arith.shrsi %parallel_loop3A_582, %parallel_loop3A_594 : vector<16xi32>
      %parallel_loop3A_596 = arith.sitofp %parallel_loop3A_595 : vector<16xi32> to vector<16xf32>
      %parallel_loop3A_597 = arith.constant 0.001953125 : f32
      %parallel_loop3A_598 = vector.broadcast %parallel_loop3A_597 : f32 to vector<16xf32>
      %parallel_loop3A_599 = arith.mulf %parallel_loop3A_596, %parallel_loop3A_598 : vector<16xf32>
      %parallel_loop3A_600 = arith.constant 1.600000e+01 : f32
      %parallel_loop3A_601 = vector.broadcast %parallel_loop3A_600 : f32 to vector<16xf32>
      %parallel_loop3A_602 = arith.subf %parallel_loop3A_599, %parallel_loop3A_601 : vector<16xf32>
      %parallel_loop3A_603 = arith.constant 2 : i32
      %parallel_loop3A_604 = arith.index_cast %parallel_loop3A_603 : i32 to index
      %parallel_loop3A_605 = arith.index_cast %parallel_loop3A_233 : i32 to index
      %parallel_loop3A_606 = tpu.vector_load %arg5[%parallel_loop3A_604, %parallel_loop3A_605] {strides = array<i32>} : memref<8x10000xi32, #tpu.memory_space<vmem>>, vector<16xi32>,
      %parallel_loop3A_607 = arith.constant 65535 : i32
      %parallel_loop3A_608 = vector.broadcast %parallel_loop3A_607 : i32 to vector<16xi32>
      %parallel_loop3A_609 = arith.andi %parallel_loop3A_606, %parallel_loop3A_608 : vector<16xi32>
      %parallel_loop3A_610 = arith.sitofp %parallel_loop3A_609 : vector<16xi32> to vector<16xf32>
      %parallel_loop3A_611 = arith.constant 0.001953125 : f32
      %parallel_loop3A_612 = vector.broadcast %parallel_loop3A_611 : f32 to vector<16xf32>
      %parallel_loop3A_613 = arith.mulf %parallel_loop3A_610, %parallel_loop3A_612 : vector<16xf32>
      %parallel_loop3A_614 = arith.constant 1.000000e+00 : f32
      %parallel_loop3A_615 = vector.broadcast %parallel_loop3A_614 : f32 to vector<16xf32>
      %parallel_loop3A_616 = arith.subf %parallel_loop3A_613, %parallel_loop3A_615 : vector<16xf32>
      %parallel_loop3A_617 = arith.constant 16 : i32
      %parallel_loop3A_618 = vector.broadcast %parallel_loop3A_617 : i32 to vector<16xi32>
      %parallel_loop3A_619 = arith.shrsi %parallel_loop3A_606, %parallel_loop3A_618 : vector<16xi32>
      %parallel_loop3A_620 = arith.sitofp %parallel_loop3A_619 : vector<16xi32> to vector<16xf32>
      %parallel_loop3A_621 = arith.constant 0.001953125 : f32
      %parallel_loop3A_622 = vector.broadcast %parallel_loop3A_621 : f32 to vector<16xf32>
      %parallel_loop3A_623 = arith.mulf %parallel_loop3A_620, %parallel_loop3A_622 : vector<16xf32>
      %parallel_loop3A_624 = arith.constant 1.000000e+00 : f32
      %parallel_loop3A_625 = vector.broadcast %parallel_loop3A_624 : f32 to vector<16xf32>
      %parallel_loop3A_626 = arith.subf %parallel_loop3A_623, %parallel_loop3A_625 : vector<16xf32>
      %parallel_loop3A_627 = arith.mulf %parallel_loop3A_626, %parallel_loop3A_592 : vector<16xf32>
      %parallel_loop3A_628 = arith.mulf %parallel_loop3A_616, %parallel_loop3A_602 : vector<16xf32>
      %parallel_loop3A_629 = arith.subf %parallel_loop3A_627, %parallel_loop3A_628 : vector<16xf32>
      %parallel_loop3A_630 = arith.constant 1.250000e-01 : f32
      %parallel_loop3A_631 = vector.broadcast %parallel_loop3A_630 : f32 to vector<16xf32>
      %parallel_loop3A_632 = arith.mulf %parallel_loop3A_631, %parallel_loop3A_629 : vector<16xf32>
      %parallel_loop3A_633 = arith.index_cast %parallel_loop3A_232 : i32 to index
      %parallel_loop3A_634 = tpu.vector_load %arg9[%parallel_loop3A_633] {strides = array<i32>} : memref<1264xf32, #tpu.memory_space<vmem>>, vector<16xf32>,
      tpu.vector_store %arg9[%parallel_loop3A_633], %parallel_loop3A_632 {strides = array<i32>} : memref<1264xf32, #tpu.memory_space<vmem>>, vector<16xf32>,
      %parallel_loop3A_635 = arith.constant 3 : i32
      %parallel_loop3A_636 = vector.broadcast %parallel_loop3A_635 : i32 to vector<16xi32>
      %parallel_loop3A_637 = tpu.vector_load_idx %arg5[%parallel_loop3A_636, %parallel_loop3A_244] : memref<8x10000xi32, #tpu.memory_space<vmem>>[vector<16xi32>, vector<16xi32>], vector<16xi32>,
      %parallel_loop3A_638 = tpu.vector_load_idx %arg5[%parallel_loop3A_636, %parallel_loop3A_253] : memref<8x10000xi32, #tpu.memory_space<vmem>>[vector<16xi32>, vector<16xi32>], vector<16xi32>,
      %parallel_loop3A_639 = arith.addi %parallel_loop3A_637, %parallel_loop3A_638 : vector<16xi32>
      %parallel_loop3A_640 = tpu.vector_load_idx %arg5[%parallel_loop3A_636, %parallel_loop3A_262] : memref<8x10000xi32, #tpu.memory_space<vmem>>[vector<16xi32>, vector<16xi32>], vector<16xi32>,
      %parallel_loop3A_641 = arith.addi %parallel_loop3A_639, %parallel_loop3A_640 : vector<16xi32>
      %parallel_loop3A_642 = tpu.vector_load_idx %arg5[%parallel_loop3A_636, %parallel_loop3A_271] : memref<8x10000xi32, #tpu.memory_space<vmem>>[vector<16xi32>, vector<16xi32>], vector<16xi32>,
      %parallel_loop3A_643 = arith.addi %parallel_loop3A_641, %parallel_loop3A_642 : vector<16xi32>
      %parallel_loop3A_644 = tpu.vector_load_idx %arg5[%parallel_loop3A_636, %parallel_loop3A_280] : memref<8x10000xi32, #tpu.memory_space<vmem>>[vector<16xi32>, vector<16xi32>], vector<16xi32>,
      %parallel_loop3A_645 = arith.addi %parallel_loop3A_643, %parallel_loop3A_644 : vector<16xi32>
      %parallel_loop3A_646 = tpu.vector_load_idx %arg5[%parallel_loop3A_636, %parallel_loop3A_289] : memref<8x10000xi32, #tpu.memory_space<vmem>>[vector<16xi32>, vector<16xi32>], vector<16xi32>,
      %parallel_loop3A_647 = arith.addi %parallel_loop3A_645, %parallel_loop3A_646 : vector<16xi32>
      %parallel_loop3A_648 = tpu.vector_load_idx %arg5[%parallel_loop3A_636, %parallel_loop3A_298] : memref<8x10000xi32, #tpu.memory_space<vmem>>[vector<16xi32>, vector<16xi32>], vector<16xi32>,
      %parallel_loop3A_649 = arith.addi %parallel_loop3A_647, %parallel_loop3A_648 : vector<16xi32>
      %parallel_loop3A_650 = tpu.vector_load_idx %arg5[%parallel_loop3A_636, %parallel_loop3A_307] : memref<8x10000xi32, #tpu.memory_space<vmem>>[vector<16xi32>, vector<16xi32>], vector<16xi32>,
      %parallel_loop3A_651 = arith.addi %parallel_loop3A_649, %parallel_loop3A_650 : vector<16xi32>
      %parallel_loop3A_652 = tpu.vector_load_idx %arg5[%parallel_loop3A_636, %parallel_loop3A_316] : memref<8x10000xi32, #tpu.memory_space<vmem>>[vector<16xi32>, vector<16xi32>], vector<16xi32>,
      %parallel_loop3A_653 = arith.addi %parallel_loop3A_651, %parallel_loop3A_652 : vector<16xi32>
      %parallel_loop3A_654 = tpu.vector_load_idx %arg5[%parallel_loop3A_636, %parallel_loop3A_325] : memref<8x10000xi32, #tpu.memory_space<vmem>>[vector<16xi32>, vector<16xi32>], vector<16xi32>,
      %parallel_loop3A_655 = arith.addi %parallel_loop3A_653, %parallel_loop3A_654 : vector<16xi32>
      %parallel_loop3A_656 = tpu.vector_load_idx %arg5[%parallel_loop3A_636, %parallel_loop3A_334] : memref<8x10000xi32, #tpu.memory_space<vmem>>[vector<16xi32>, vector<16xi32>], vector<16xi32>,
      %parallel_loop3A_657 = arith.addi %parallel_loop3A_655, %parallel_loop3A_656 : vector<16xi32>
      %parallel_loop3A_658 = tpu.vector_load_idx %arg5[%parallel_loop3A_636, %parallel_loop3A_343] : memref<8x10000xi32, #tpu.memory_space<vmem>>[vector<16xi32>, vector<16xi32>], vector<16xi32>,
      %parallel_loop3A_659 = arith.addi %parallel_loop3A_657, %parallel_loop3A_658 : vector<16xi32>
      %parallel_loop3A_660 = tpu.vector_load_idx %arg5[%parallel_loop3A_636, %parallel_loop3A_352] : memref<8x10000xi32, #tpu.memory_space<vmem>>[vector<16xi32>, vector<16xi32>], vector<16xi32>,
      %parallel_loop3A_661 = arith.addi %parallel_loop3A_659, %parallel_loop3A_660 : vector<16xi32>
      %parallel_loop3A_662 = tpu.vector_load_idx %arg5[%parallel_loop3A_636, %parallel_loop3A_361] : memref<8x10000xi32, #tpu.memory_space<vmem>>[vector<16xi32>, vector<16xi32>], vector<16xi32>,
      %parallel_loop3A_663 = arith.addi %parallel_loop3A_661, %parallel_loop3A_662 : vector<16xi32>
      %parallel_loop3A_664 = tpu.vector_load_idx %arg5[%parallel_loop3A_636, %parallel_loop3A_370] : memref<8x10000xi32, #tpu.memory_space<vmem>>[vector<16xi32>, vector<16xi32>], vector<16xi32>,
      %parallel_loop3A_665 = arith.addi %parallel_loop3A_663, %parallel_loop3A_664 : vector<16xi32>
      %parallel_loop3A_666 = tpu.vector_load_idx %arg5[%parallel_loop3A_636, %parallel_loop3A_379] : memref<8x10000xi32, #tpu.memory_space<vmem>>[vector<16xi32>, vector<16xi32>], vector<16xi32>,
      %parallel_loop3A_667 = arith.addi %parallel_loop3A_665, %parallel_loop3A_666 : vector<16xi32>
      %parallel_loop3A_668 = arith.constant 65535 : i32
      %parallel_loop3A_669 = vector.broadcast %parallel_loop3A_668 : i32 to vector<16xi32>
      %parallel_loop3A_670 = arith.andi %parallel_loop3A_667, %parallel_loop3A_669 : vector<16xi32>
      %parallel_loop3A_671 = arith.sitofp %parallel_loop3A_670 : vector<16xi32> to vector<16xf32>
      %parallel_loop3A_672 = arith.constant 0.001953125 : f32
      %parallel_loop3A_673 = vector.broadcast %parallel_loop3A_672 : f32 to vector<16xf32>
      %parallel_loop3A_674 = arith.mulf %parallel_loop3A_671, %parallel_loop3A_673 : vector<16xf32>
      %parallel_loop3A_675 = arith.constant 1.600000e+01 : f32
      %parallel_loop3A_676 = vector.broadcast %parallel_loop3A_675 : f32 to vector<16xf32>
      %parallel_loop3A_677 = arith.subf %parallel_loop3A_674, %parallel_loop3A_676 : vector<16xf32>
      %parallel_loop3A_678 = arith.constant 16 : i32
      %parallel_loop3A_679 = vector.broadcast %parallel_loop3A_678 : i32 to vector<16xi32>
      %parallel_loop3A_680 = arith.shrsi %parallel_loop3A_667, %parallel_loop3A_679 : vector<16xi32>
      %parallel_loop3A_681 = arith.sitofp %parallel_loop3A_680 : vector<16xi32> to vector<16xf32>
      %parallel_loop3A_682 = arith.constant 0.001953125 : f32
      %parallel_loop3A_683 = vector.broadcast %parallel_loop3A_682 : f32 to vector<16xf32>
      %parallel_loop3A_684 = arith.mulf %parallel_loop3A_681, %parallel_loop3A_683 : vector<16xf32>
      %parallel_loop3A_685 = arith.constant 1.600000e+01 : f32
      %parallel_loop3A_686 = vector.broadcast %parallel_loop3A_685 : f32 to vector<16xf32>
      %parallel_loop3A_687 = arith.subf %parallel_loop3A_684, %parallel_loop3A_686 : vector<16xf32>
      %parallel_loop3A_688 = arith.constant 3 : i32
      %parallel_loop3A_689 = arith.index_cast %parallel_loop3A_688 : i32 to index
      %parallel_loop3A_690 = arith.index_cast %parallel_loop3A_233 : i32 to index
      %parallel_loop3A_691 = tpu.vector_load %arg5[%parallel_loop3A_689, %parallel_loop3A_690] {strides = array<i32>} : memref<8x10000xi32, #tpu.memory_space<vmem>>, vector<16xi32>,
      %parallel_loop3A_692 = arith.constant 65535 : i32
      %parallel_loop3A_693 = vector.broadcast %parallel_loop3A_692 : i32 to vector<16xi32>
      %parallel_loop3A_694 = arith.andi %parallel_loop3A_691, %parallel_loop3A_693 : vector<16xi32>
      %parallel_loop3A_695 = arith.sitofp %parallel_loop3A_694 : vector<16xi32> to vector<16xf32>
      %parallel_loop3A_696 = arith.constant 0.001953125 : f32
      %parallel_loop3A_697 = vector.broadcast %parallel_loop3A_696 : f32 to vector<16xf32>
      %parallel_loop3A_698 = arith.mulf %parallel_loop3A_695, %parallel_loop3A_697 : vector<16xf32>
      %parallel_loop3A_699 = arith.constant 1.000000e+00 : f32
      %parallel_loop3A_700 = vector.broadcast %parallel_loop3A_699 : f32 to vector<16xf32>
      %parallel_loop3A_701 = arith.subf %parallel_loop3A_698, %parallel_loop3A_700 : vector<16xf32>
      %parallel_loop3A_702 = arith.constant 16 : i32
      %parallel_loop3A_703 = vector.broadcast %parallel_loop3A_702 : i32 to vector<16xi32>
      %parallel_loop3A_704 = arith.shrsi %parallel_loop3A_691, %parallel_loop3A_703 : vector<16xi32>
      %parallel_loop3A_705 = arith.sitofp %parallel_loop3A_704 : vector<16xi32> to vector<16xf32>
      %parallel_loop3A_706 = arith.constant 0.001953125 : f32
      %parallel_loop3A_707 = vector.broadcast %parallel_loop3A_706 : f32 to vector<16xf32>
      %parallel_loop3A_708 = arith.mulf %parallel_loop3A_705, %parallel_loop3A_707 : vector<16xf32>
      %parallel_loop3A_709 = arith.constant 1.000000e+00 : f32
      %parallel_loop3A_710 = vector.broadcast %parallel_loop3A_709 : f32 to vector<16xf32>
      %parallel_loop3A_711 = arith.subf %parallel_loop3A_708, %parallel_loop3A_710 : vector<16xf32>
      %parallel_loop3A_712 = arith.mulf %parallel_loop3A_711, %parallel_loop3A_677 : vector<16xf32>
      %parallel_loop3A_713 = arith.mulf %parallel_loop3A_701, %parallel_loop3A_687 : vector<16xf32>
      %parallel_loop3A_714 = arith.subf %parallel_loop3A_712, %parallel_loop3A_713 : vector<16xf32>
      %parallel_loop3A_715 = arith.constant 1.250000e-01 : f32
      %parallel_loop3A_716 = vector.broadcast %parallel_loop3A_715 : f32 to vector<16xf32>
      %parallel_loop3A_717 = arith.mulf %parallel_loop3A_716, %parallel_loop3A_714 : vector<16xf32>
      %parallel_loop3A_718 = arith.index_cast %parallel_loop3A_232 : i32 to index
      %parallel_loop3A_719 = tpu.vector_load %arg10[%parallel_loop3A_718] {strides = array<i32>} : memref<1264xf32, #tpu.memory_space<vmem>>, vector<16xf32>,
      tpu.vector_store %arg10[%parallel_loop3A_718], %parallel_loop3A_717 {strides = array<i32>} : memref<1264xf32, #tpu.memory_space<vmem>>, vector<16xf32>,
      %parallel_loop3A_720 = arith.constant 4 : i32
      %parallel_loop3A_721 = vector.broadcast %parallel_loop3A_720 : i32 to vector<16xi32>
      %parallel_loop3A_722 = tpu.vector_load_idx %arg5[%parallel_loop3A_721, %parallel_loop3A_244] : memref<8x10000xi32, #tpu.memory_space<vmem>>[vector<16xi32>, vector<16xi32>], vector<16xi32>,
      %parallel_loop3A_723 = tpu.vector_load_idx %arg5[%parallel_loop3A_721, %parallel_loop3A_253] : memref<8x10000xi32, #tpu.memory_space<vmem>>[vector<16xi32>, vector<16xi32>], vector<16xi32>,
      %parallel_loop3A_724 = arith.addi %parallel_loop3A_722, %parallel_loop3A_723 : vector<16xi32>
      %parallel_loop3A_725 = tpu.vector_load_idx %arg5[%parallel_loop3A_721, %parallel_loop3A_262] : memref<8x10000xi32, #tpu.memory_space<vmem>>[vector<16xi32>, vector<16xi32>], vector<16xi32>,
      %parallel_loop3A_726 = arith.addi %parallel_loop3A_724, %parallel_loop3A_725 : vector<16xi32>
      %parallel_loop3A_727 = tpu.vector_load_idx %arg5[%parallel_loop3A_721, %parallel_loop3A_271] : memref<8x10000xi32, #tpu.memory_space<vmem>>[vector<16xi32>, vector<16xi32>], vector<16xi32>,
      %parallel_loop3A_728 = arith.addi %parallel_loop3A_726, %parallel_loop3A_727 : vector<16xi32>
      %parallel_loop3A_729 = tpu.vector_load_idx %arg5[%parallel_loop3A_721, %parallel_loop3A_280] : memref<8x10000xi32, #tpu.memory_space<vmem>>[vector<16xi32>, vector<16xi32>], vector<16xi32>,
      %parallel_loop3A_730 = arith.addi %parallel_loop3A_728, %parallel_loop3A_729 : vector<16xi32>
      %parallel_loop3A_731 = tpu.vector_load_idx %arg5[%parallel_loop3A_721, %parallel_loop3A_289] : memref<8x10000xi32, #tpu.memory_space<vmem>>[vector<16xi32>, vector<16xi32>], vector<16xi32>,
      %parallel_loop3A_732 = arith.addi %parallel_loop3A_730, %parallel_loop3A_731 : vector<16xi32>
      %parallel_loop3A_733 = tpu.vector_load_idx %arg5[%parallel_loop3A_721, %parallel_loop3A_298] : memref<8x10000xi32, #tpu.memory_space<vmem>>[vector<16xi32>, vector<16xi32>], vector<16xi32>,
      %parallel_loop3A_734 = arith.addi %parallel_loop3A_732, %parallel_loop3A_733 : vector<16xi32>
      %parallel_loop3A_735 = tpu.vector_load_idx %arg5[%parallel_loop3A_721, %parallel_loop3A_307] : memref<8x10000xi32, #tpu.memory_space<vmem>>[vector<16xi32>, vector<16xi32>], vector<16xi32>,
      %parallel_loop3A_736 = arith.addi %parallel_loop3A_734, %parallel_loop3A_735 : vector<16xi32>
      %parallel_loop3A_737 = tpu.vector_load_idx %arg5[%parallel_loop3A_721, %parallel_loop3A_316] : memref<8x10000xi32, #tpu.memory_space<vmem>>[vector<16xi32>, vector<16xi32>], vector<16xi32>,
      %parallel_loop3A_738 = arith.addi %parallel_loop3A_736, %parallel_loop3A_737 : vector<16xi32>
      %parallel_loop3A_739 = tpu.vector_load_idx %arg5[%parallel_loop3A_721, %parallel_loop3A_325] : memref<8x10000xi32, #tpu.memory_space<vmem>>[vector<16xi32>, vector<16xi32>], vector<16xi32>,
      %parallel_loop3A_740 = arith.addi %parallel_loop3A_738, %parallel_loop3A_739 : vector<16xi32>
      %parallel_loop3A_741 = tpu.vector_load_idx %arg5[%parallel_loop3A_721, %parallel_loop3A_334] : memref<8x10000xi32, #tpu.memory_space<vmem>>[vector<16xi32>, vector<16xi32>], vector<16xi32>,
      %parallel_loop3A_742 = arith.addi %parallel_loop3A_740, %parallel_loop3A_741 : vector<16xi32>
      %parallel_loop3A_743 = tpu.vector_load_idx %arg5[%parallel_loop3A_721, %parallel_loop3A_343] : memref<8x10000xi32, #tpu.memory_space<vmem>>[vector<16xi32>, vector<16xi32>], vector<16xi32>,
      %parallel_loop3A_744 = arith.addi %parallel_loop3A_742, %parallel_loop3A_743 : vector<16xi32>
      %parallel_loop3A_745 = tpu.vector_load_idx %arg5[%parallel_loop3A_721, %parallel_loop3A_352] : memref<8x10000xi32, #tpu.memory_space<vmem>>[vector<16xi32>, vector<16xi32>], vector<16xi32>,
      %parallel_loop3A_746 = arith.addi %parallel_loop3A_744, %parallel_loop3A_745 : vector<16xi32>
      %parallel_loop3A_747 = tpu.vector_load_idx %arg5[%parallel_loop3A_721, %parallel_loop3A_361] : memref<8x10000xi32, #tpu.memory_space<vmem>>[vector<16xi32>, vector<16xi32>], vector<16xi32>,
      %parallel_loop3A_748 = arith.addi %parallel_loop3A_746, %parallel_loop3A_747 : vector<16xi32>
      %parallel_loop3A_749 = tpu.vector_load_idx %arg5[%parallel_loop3A_721, %parallel_loop3A_370] : memref<8x10000xi32, #tpu.memory_space<vmem>>[vector<16xi32>, vector<16xi32>], vector<16xi32>,
      %parallel_loop3A_750 = arith.addi %parallel_loop3A_748, %parallel_loop3A_749 : vector<16xi32>
      %parallel_loop3A_751 = tpu.vector_load_idx %arg5[%parallel_loop3A_721, %parallel_loop3A_379] : memref<8x10000xi32, #tpu.memory_space<vmem>>[vector<16xi32>, vector<16xi32>], vector<16xi32>,
      %parallel_loop3A_752 = arith.addi %parallel_loop3A_750, %parallel_loop3A_751 : vector<16xi32>
      %parallel_loop3A_753 = arith.constant 65535 : i32
      %parallel_loop3A_754 = vector.broadcast %parallel_loop3A_753 : i32 to vector<16xi32>
      %parallel_loop3A_755 = arith.andi %parallel_loop3A_752, %parallel_loop3A_754 : vector<16xi32>
      %parallel_loop3A_756 = arith.sitofp %parallel_loop3A_755 : vector<16xi32> to vector<16xf32>
      %parallel_loop3A_757 = arith.constant 0.001953125 : f32
      %parallel_loop3A_758 = vector.broadcast %parallel_loop3A_757 : f32 to vector<16xf32>
      %parallel_loop3A_759 = arith.mulf %parallel_loop3A_756, %parallel_loop3A_758 : vector<16xf32>
      %parallel_loop3A_760 = arith.constant 1.600000e+01 : f32
      %parallel_loop3A_761 = vector.broadcast %parallel_loop3A_760 : f32 to vector<16xf32>
      %parallel_loop3A_762 = arith.subf %parallel_loop3A_759, %parallel_loop3A_761 : vector<16xf32>
      %parallel_loop3A_763 = arith.constant 16 : i32
      %parallel_loop3A_764 = vector.broadcast %parallel_loop3A_763 : i32 to vector<16xi32>
      %parallel_loop3A_765 = arith.shrsi %parallel_loop3A_752, %parallel_loop3A_764 : vector<16xi32>
      %parallel_loop3A_766 = arith.sitofp %parallel_loop3A_765 : vector<16xi32> to vector<16xf32>
      %parallel_loop3A_767 = arith.constant 0.001953125 : f32
      %parallel_loop3A_768 = vector.broadcast %parallel_loop3A_767 : f32 to vector<16xf32>
      %parallel_loop3A_769 = arith.mulf %parallel_loop3A_766, %parallel_loop3A_768 : vector<16xf32>
      %parallel_loop3A_770 = arith.constant 1.600000e+01 : f32
      %parallel_loop3A_771 = vector.broadcast %parallel_loop3A_770 : f32 to vector<16xf32>
      %parallel_loop3A_772 = arith.subf %parallel_loop3A_769, %parallel_loop3A_771 : vector<16xf32>
      %parallel_loop3A_773 = arith.constant 4 : i32
      %parallel_loop3A_774 = arith.index_cast %parallel_loop3A_773 : i32 to index
      %parallel_loop3A_775 = arith.index_cast %parallel_loop3A_233 : i32 to index
      %parallel_loop3A_776 = tpu.vector_load %arg5[%parallel_loop3A_774, %parallel_loop3A_775] {strides = array<i32>} : memref<8x10000xi32, #tpu.memory_space<vmem>>, vector<16xi32>,
      %parallel_loop3A_777 = arith.constant 65535 : i32
      %parallel_loop3A_778 = vector.broadcast %parallel_loop3A_777 : i32 to vector<16xi32>
      %parallel_loop3A_779 = arith.andi %parallel_loop3A_776, %parallel_loop3A_778 : vector<16xi32>
      %parallel_loop3A_780 = arith.sitofp %parallel_loop3A_779 : vector<16xi32> to vector<16xf32>
      %parallel_loop3A_781 = arith.constant 0.001953125 : f32
      %parallel_loop3A_782 = vector.broadcast %parallel_loop3A_781 : f32 to vector<16xf32>
      %parallel_loop3A_783 = arith.mulf %parallel_loop3A_780, %parallel_loop3A_782 : vector<16xf32>
      %parallel_loop3A_784 = arith.constant 1.000000e+00 : f32
      %parallel_loop3A_785 = vector.broadcast %parallel_loop3A_784 : f32 to vector<16xf32>
      %parallel_loop3A_786 = arith.subf %parallel_loop3A_783, %parallel_loop3A_785 : vector<16xf32>
      %parallel_loop3A_787 = arith.constant 16 : i32
      %parallel_loop3A_788 = vector.broadcast %parallel_loop3A_787 : i32 to vector<16xi32>
      %parallel_loop3A_789 = arith.shrsi %parallel_loop3A_776, %parallel_loop3A_788 : vector<16xi32>
      %parallel_loop3A_790 = arith.sitofp %parallel_loop3A_789 : vector<16xi32> to vector<16xf32>
      %parallel_loop3A_791 = arith.constant 0.001953125 : f32
      %parallel_loop3A_792 = vector.broadcast %parallel_loop3A_791 : f32 to vector<16xf32>
      %parallel_loop3A_793 = arith.mulf %parallel_loop3A_790, %parallel_loop3A_792 : vector<16xf32>
      %parallel_loop3A_794 = arith.constant 1.000000e+00 : f32
      %parallel_loop3A_795 = vector.broadcast %parallel_loop3A_794 : f32 to vector<16xf32>
      %parallel_loop3A_796 = arith.subf %parallel_loop3A_793, %parallel_loop3A_795 : vector<16xf32>
      %parallel_loop3A_797 = arith.mulf %parallel_loop3A_796, %parallel_loop3A_762 : vector<16xf32>
      %parallel_loop3A_798 = arith.mulf %parallel_loop3A_786, %parallel_loop3A_772 : vector<16xf32>
      %parallel_loop3A_799 = arith.subf %parallel_loop3A_797, %parallel_loop3A_798 : vector<16xf32>
      %parallel_loop3A_800 = arith.constant 1.250000e-01 : f32
      %parallel_loop3A_801 = vector.broadcast %parallel_loop3A_800 : f32 to vector<16xf32>
      %parallel_loop3A_802 = arith.mulf %parallel_loop3A_801, %parallel_loop3A_799 : vector<16xf32>
      %parallel_loop3A_803 = arith.index_cast %parallel_loop3A_232 : i32 to index
      %parallel_loop3A_804 = tpu.vector_load %arg11[%parallel_loop3A_803] {strides = array<i32>} : memref<1264xf32, #tpu.memory_space<vmem>>, vector<16xf32>,
      tpu.vector_store %arg11[%parallel_loop3A_803], %parallel_loop3A_802 {strides = array<i32>} : memref<1264xf32, #tpu.memory_space<vmem>>, vector<16xf32>,
      %parallel_loop3A_805 = arith.constant 5 : i32
      %parallel_loop3A_806 = vector.broadcast %parallel_loop3A_805 : i32 to vector<16xi32>
      %parallel_loop3A_807 = tpu.vector_load_idx %arg5[%parallel_loop3A_806, %parallel_loop3A_244] : memref<8x10000xi32, #tpu.memory_space<vmem>>[vector<16xi32>, vector<16xi32>], vector<16xi32>,
      %parallel_loop3A_808 = tpu.vector_load_idx %arg5[%parallel_loop3A_806, %parallel_loop3A_253] : memref<8x10000xi32, #tpu.memory_space<vmem>>[vector<16xi32>, vector<16xi32>], vector<16xi32>,
      %parallel_loop3A_809 = arith.addi %parallel_loop3A_807, %parallel_loop3A_808 : vector<16xi32>
      %parallel_loop3A_810 = tpu.vector_load_idx %arg5[%parallel_loop3A_806, %parallel_loop3A_262] : memref<8x10000xi32, #tpu.memory_space<vmem>>[vector<16xi32>, vector<16xi32>], vector<16xi32>,
      %parallel_loop3A_811 = arith.addi %parallel_loop3A_809, %parallel_loop3A_810 : vector<16xi32>
      %parallel_loop3A_812 = tpu.vector_load_idx %arg5[%parallel_loop3A_806, %parallel_loop3A_271] : memref<8x10000xi32, #tpu.memory_space<vmem>>[vector<16xi32>, vector<16xi32>], vector<16xi32>,
      %parallel_loop3A_813 = arith.addi %parallel_loop3A_811, %parallel_loop3A_812 : vector<16xi32>
      %parallel_loop3A_814 = tpu.vector_load_idx %arg5[%parallel_loop3A_806, %parallel_loop3A_280] : memref<8x10000xi32, #tpu.memory_space<vmem>>[vector<16xi32>, vector<16xi32>], vector<16xi32>,
      %parallel_loop3A_815 = arith.addi %parallel_loop3A_813, %parallel_loop3A_814 : vector<16xi32>
      %parallel_loop3A_816 = tpu.vector_load_idx %arg5[%parallel_loop3A_806, %parallel_loop3A_289] : memref<8x10000xi32, #tpu.memory_space<vmem>>[vector<16xi32>, vector<16xi32>], vector<16xi32>,
      %parallel_loop3A_817 = arith.addi %parallel_loop3A_815, %parallel_loop3A_816 : vector<16xi32>
      %parallel_loop3A_818 = tpu.vector_load_idx %arg5[%parallel_loop3A_806, %parallel_loop3A_298] : memref<8x10000xi32, #tpu.memory_space<vmem>>[vector<16xi32>, vector<16xi32>], vector<16xi32>,
      %parallel_loop3A_819 = arith.addi %parallel_loop3A_817, %parallel_loop3A_818 : vector<16xi32>
      %parallel_loop3A_820 = tpu.vector_load_idx %arg5[%parallel_loop3A_806, %parallel_loop3A_307] : memref<8x10000xi32, #tpu.memory_space<vmem>>[vector<16xi32>, vector<16xi32>], vector<16xi32>,
      %parallel_loop3A_821 = arith.addi %parallel_loop3A_819, %parallel_loop3A_820 : vector<16xi32>
      %parallel_loop3A_822 = tpu.vector_load_idx %arg5[%parallel_loop3A_806, %parallel_loop3A_316] : memref<8x10000xi32, #tpu.memory_space<vmem>>[vector<16xi32>, vector<16xi32>], vector<16xi32>,
      %parallel_loop3A_823 = arith.addi %parallel_loop3A_821, %parallel_loop3A_822 : vector<16xi32>
      %parallel_loop3A_824 = tpu.vector_load_idx %arg5[%parallel_loop3A_806, %parallel_loop3A_325] : memref<8x10000xi32, #tpu.memory_space<vmem>>[vector<16xi32>, vector<16xi32>], vector<16xi32>,
      %parallel_loop3A_825 = arith.addi %parallel_loop3A_823, %parallel_loop3A_824 : vector<16xi32>
      %parallel_loop3A_826 = tpu.vector_load_idx %arg5[%parallel_loop3A_806, %parallel_loop3A_334] : memref<8x10000xi32, #tpu.memory_space<vmem>>[vector<16xi32>, vector<16xi32>], vector<16xi32>,
      %parallel_loop3A_827 = arith.addi %parallel_loop3A_825, %parallel_loop3A_826 : vector<16xi32>
      %parallel_loop3A_828 = tpu.vector_load_idx %arg5[%parallel_loop3A_806, %parallel_loop3A_343] : memref<8x10000xi32, #tpu.memory_space<vmem>>[vector<16xi32>, vector<16xi32>], vector<16xi32>,
      %parallel_loop3A_829 = arith.addi %parallel_loop3A_827, %parallel_loop3A_828 : vector<16xi32>
      %parallel_loop3A_830 = tpu.vector_load_idx %arg5[%parallel_loop3A_806, %parallel_loop3A_352] : memref<8x10000xi32, #tpu.memory_space<vmem>>[vector<16xi32>, vector<16xi32>], vector<16xi32>,
      %parallel_loop3A_831 = arith.addi %parallel_loop3A_829, %parallel_loop3A_830 : vector<16xi32>
      %parallel_loop3A_832 = tpu.vector_load_idx %arg5[%parallel_loop3A_806, %parallel_loop3A_361] : memref<8x10000xi32, #tpu.memory_space<vmem>>[vector<16xi32>, vector<16xi32>], vector<16xi32>,
      %parallel_loop3A_833 = arith.addi %parallel_loop3A_831, %parallel_loop3A_832 : vector<16xi32>
      %parallel_loop3A_834 = tpu.vector_load_idx %arg5[%parallel_loop3A_806, %parallel_loop3A_370] : memref<8x10000xi32, #tpu.memory_space<vmem>>[vector<16xi32>, vector<16xi32>], vector<16xi32>,
      %parallel_loop3A_835 = arith.addi %parallel_loop3A_833, %parallel_loop3A_834 : vector<16xi32>
      %parallel_loop3A_836 = tpu.vector_load_idx %arg5[%parallel_loop3A_806, %parallel_loop3A_379] : memref<8x10000xi32, #tpu.memory_space<vmem>>[vector<16xi32>, vector<16xi32>], vector<16xi32>,
      %parallel_loop3A_837 = arith.addi %parallel_loop3A_835, %parallel_loop3A_836 : vector<16xi32>
      %parallel_loop3A_838 = arith.constant 65535 : i32
      %parallel_loop3A_839 = vector.broadcast %parallel_loop3A_838 : i32 to vector<16xi32>
      %parallel_loop3A_840 = arith.andi %parallel_loop3A_837, %parallel_loop3A_839 : vector<16xi32>
      %parallel_loop3A_841 = arith.sitofp %parallel_loop3A_840 : vector<16xi32> to vector<16xf32>
      %parallel_loop3A_842 = arith.constant 0.001953125 : f32
      %parallel_loop3A_843 = vector.broadcast %parallel_loop3A_842 : f32 to vector<16xf32>
      %parallel_loop3A_844 = arith.mulf %parallel_loop3A_841, %parallel_loop3A_843 : vector<16xf32>
      %parallel_loop3A_845 = arith.constant 1.600000e+01 : f32
      %parallel_loop3A_846 = vector.broadcast %parallel_loop3A_845 : f32 to vector<16xf32>
      %parallel_loop3A_847 = arith.subf %parallel_loop3A_844, %parallel_loop3A_846 : vector<16xf32>
      %parallel_loop3A_848 = arith.constant 16 : i32
      %parallel_loop3A_849 = vector.broadcast %parallel_loop3A_848 : i32 to vector<16xi32>
      %parallel_loop3A_850 = arith.shrsi %parallel_loop3A_837, %parallel_loop3A_849 : vector<16xi32>
      %parallel_loop3A_851 = arith.sitofp %parallel_loop3A_850 : vector<16xi32> to vector<16xf32>
      %parallel_loop3A_852 = arith.constant 0.001953125 : f32
      %parallel_loop3A_853 = vector.broadcast %parallel_loop3A_852 : f32 to vector<16xf32>
      %parallel_loop3A_854 = arith.mulf %parallel_loop3A_851, %parallel_loop3A_853 : vector<16xf32>
      %parallel_loop3A_855 = arith.constant 1.600000e+01 : f32
      %parallel_loop3A_856 = vector.broadcast %parallel_loop3A_855 : f32 to vector<16xf32>
      %parallel_loop3A_857 = arith.subf %parallel_loop3A_854, %parallel_loop3A_856 : vector<16xf32>
      %parallel_loop3A_858 = arith.constant 5 : i32
      %parallel_loop3A_859 = arith.index_cast %parallel_loop3A_858 : i32 to index
      %parallel_loop3A_860 = arith.index_cast %parallel_loop3A_233 : i32 to index
      %parallel_loop3A_861 = tpu.vector_load %arg5[%parallel_loop3A_859, %parallel_loop3A_860] {strides = array<i32>} : memref<8x10000xi32, #tpu.memory_space<vmem>>, vector<16xi32>,
      %parallel_loop3A_862 = arith.constant 65535 : i32
      %parallel_loop3A_863 = vector.broadcast %parallel_loop3A_862 : i32 to vector<16xi32>
      %parallel_loop3A_864 = arith.andi %parallel_loop3A_861, %parallel_loop3A_863 : vector<16xi32>
      %parallel_loop3A_865 = arith.sitofp %parallel_loop3A_864 : vector<16xi32> to vector<16xf32>
      %parallel_loop3A_866 = arith.constant 0.001953125 : f32
      %parallel_loop3A_867 = vector.broadcast %parallel_loop3A_866 : f32 to vector<16xf32>
      %parallel_loop3A_868 = arith.mulf %parallel_loop3A_865, %parallel_loop3A_867 : vector<16xf32>
      %parallel_loop3A_869 = arith.constant 1.000000e+00 : f32
      %parallel_loop3A_870 = vector.broadcast %parallel_loop3A_869 : f32 to vector<16xf32>
      %parallel_loop3A_871 = arith.subf %parallel_loop3A_868, %parallel_loop3A_870 : vector<16xf32>
      %parallel_loop3A_872 = arith.constant 16 : i32
      %parallel_loop3A_873 = vector.broadcast %parallel_loop3A_872 : i32 to vector<16xi32>
      %parallel_loop3A_874 = arith.shrsi %parallel_loop3A_861, %parallel_loop3A_873 : vector<16xi32>
      %parallel_loop3A_875 = arith.sitofp %parallel_loop3A_874 : vector<16xi32> to vector<16xf32>
      %parallel_loop3A_876 = arith.constant 0.001953125 : f32
      %parallel_loop3A_877 = vector.broadcast %parallel_loop3A_876 : f32 to vector<16xf32>
      %parallel_loop3A_878 = arith.mulf %parallel_loop3A_875, %parallel_loop3A_877 : vector<16xf32>
      %parallel_loop3A_879 = arith.constant 1.000000e+00 : f32
      %parallel_loop3A_880 = vector.broadcast %parallel_loop3A_879 : f32 to vector<16xf32>
      %parallel_loop3A_881 = arith.subf %parallel_loop3A_878, %parallel_loop3A_880 : vector<16xf32>
      %parallel_loop3A_882 = arith.mulf %parallel_loop3A_881, %parallel_loop3A_847 : vector<16xf32>
      %parallel_loop3A_883 = arith.mulf %parallel_loop3A_871, %parallel_loop3A_857 : vector<16xf32>
      %parallel_loop3A_884 = arith.subf %parallel_loop3A_882, %parallel_loop3A_883 : vector<16xf32>
      %parallel_loop3A_885 = arith.constant 1.250000e-01 : f32
      %parallel_loop3A_886 = vector.broadcast %parallel_loop3A_885 : f32 to vector<16xf32>
      %parallel_loop3A_887 = arith.mulf %parallel_loop3A_886, %parallel_loop3A_884 : vector<16xf32>
      %parallel_loop3A_888 = arith.index_cast %parallel_loop3A_232 : i32 to index
      %parallel_loop3A_889 = tpu.vector_load %arg12[%parallel_loop3A_888] {strides = array<i32>} : memref<1264xf32, #tpu.memory_space<vmem>>, vector<16xf32>,
      tpu.vector_store %arg12[%parallel_loop3A_888], %parallel_loop3A_887 {strides = array<i32>} : memref<1264xf32, #tpu.memory_space<vmem>>, vector<16xf32>,
      %parallel_loop3A_890 = arith.constant 6 : i32
      %parallel_loop3A_891 = vector.broadcast %parallel_loop3A_890 : i32 to vector<16xi32>
      %parallel_loop3A_892 = tpu.vector_load_idx %arg5[%parallel_loop3A_891, %parallel_loop3A_244] : memref<8x10000xi32, #tpu.memory_space<vmem>>[vector<16xi32>, vector<16xi32>], vector<16xi32>,
      %parallel_loop3A_893 = tpu.vector_load_idx %arg5[%parallel_loop3A_891, %parallel_loop3A_253] : memref<8x10000xi32, #tpu.memory_space<vmem>>[vector<16xi32>, vector<16xi32>], vector<16xi32>,
      %parallel_loop3A_894 = arith.addi %parallel_loop3A_892, %parallel_loop3A_893 : vector<16xi32>
      %parallel_loop3A_895 = tpu.vector_load_idx %arg5[%parallel_loop3A_891, %parallel_loop3A_262] : memref<8x10000xi32, #tpu.memory_space<vmem>>[vector<16xi32>, vector<16xi32>], vector<16xi32>,
      %parallel_loop3A_896 = arith.addi %parallel_loop3A_894, %parallel_loop3A_895 : vector<16xi32>
      %parallel_loop3A_897 = tpu.vector_load_idx %arg5[%parallel_loop3A_891, %parallel_loop3A_271] : memref<8x10000xi32, #tpu.memory_space<vmem>>[vector<16xi32>, vector<16xi32>], vector<16xi32>,
      %parallel_loop3A_898 = arith.addi %parallel_loop3A_896, %parallel_loop3A_897 : vector<16xi32>
      %parallel_loop3A_899 = tpu.vector_load_idx %arg5[%parallel_loop3A_891, %parallel_loop3A_280] : memref<8x10000xi32, #tpu.memory_space<vmem>>[vector<16xi32>, vector<16xi32>], vector<16xi32>,
      %parallel_loop3A_900 = arith.addi %parallel_loop3A_898, %parallel_loop3A_899 : vector<16xi32>
      %parallel_loop3A_901 = tpu.vector_load_idx %arg5[%parallel_loop3A_891, %parallel_loop3A_289] : memref<8x10000xi32, #tpu.memory_space<vmem>>[vector<16xi32>, vector<16xi32>], vector<16xi32>,
      %parallel_loop3A_902 = arith.addi %parallel_loop3A_900, %parallel_loop3A_901 : vector<16xi32>
      %parallel_loop3A_903 = tpu.vector_load_idx %arg5[%parallel_loop3A_891, %parallel_loop3A_298] : memref<8x10000xi32, #tpu.memory_space<vmem>>[vector<16xi32>, vector<16xi32>], vector<16xi32>,
      %parallel_loop3A_904 = arith.addi %parallel_loop3A_902, %parallel_loop3A_903 : vector<16xi32>
      %parallel_loop3A_905 = tpu.vector_load_idx %arg5[%parallel_loop3A_891, %parallel_loop3A_307] : memref<8x10000xi32, #tpu.memory_space<vmem>>[vector<16xi32>, vector<16xi32>], vector<16xi32>,
      %parallel_loop3A_906 = arith.addi %parallel_loop3A_904, %parallel_loop3A_905 : vector<16xi32>
      %parallel_loop3A_907 = tpu.vector_load_idx %arg5[%parallel_loop3A_891, %parallel_loop3A_316] : memref<8x10000xi32, #tpu.memory_space<vmem>>[vector<16xi32>, vector<16xi32>], vector<16xi32>,
      %parallel_loop3A_908 = arith.addi %parallel_loop3A_906, %parallel_loop3A_907 : vector<16xi32>
      %parallel_loop3A_909 = tpu.vector_load_idx %arg5[%parallel_loop3A_891, %parallel_loop3A_325] : memref<8x10000xi32, #tpu.memory_space<vmem>>[vector<16xi32>, vector<16xi32>], vector<16xi32>,
      %parallel_loop3A_910 = arith.addi %parallel_loop3A_908, %parallel_loop3A_909 : vector<16xi32>
      %parallel_loop3A_911 = tpu.vector_load_idx %arg5[%parallel_loop3A_891, %parallel_loop3A_334] : memref<8x10000xi32, #tpu.memory_space<vmem>>[vector<16xi32>, vector<16xi32>], vector<16xi32>,
      %parallel_loop3A_912 = arith.addi %parallel_loop3A_910, %parallel_loop3A_911 : vector<16xi32>
      %parallel_loop3A_913 = tpu.vector_load_idx %arg5[%parallel_loop3A_891, %parallel_loop3A_343] : memref<8x10000xi32, #tpu.memory_space<vmem>>[vector<16xi32>, vector<16xi32>], vector<16xi32>,
      %parallel_loop3A_914 = arith.addi %parallel_loop3A_912, %parallel_loop3A_913 : vector<16xi32>
      %parallel_loop3A_915 = tpu.vector_load_idx %arg5[%parallel_loop3A_891, %parallel_loop3A_352] : memref<8x10000xi32, #tpu.memory_space<vmem>>[vector<16xi32>, vector<16xi32>], vector<16xi32>,
      %parallel_loop3A_916 = arith.addi %parallel_loop3A_914, %parallel_loop3A_915 : vector<16xi32>
      %parallel_loop3A_917 = tpu.vector_load_idx %arg5[%parallel_loop3A_891, %parallel_loop3A_361] : memref<8x10000xi32, #tpu.memory_space<vmem>>[vector<16xi32>, vector<16xi32>], vector<16xi32>,
      %parallel_loop3A_918 = arith.addi %parallel_loop3A_916, %parallel_loop3A_917 : vector<16xi32>
      %parallel_loop3A_919 = tpu.vector_load_idx %arg5[%parallel_loop3A_891, %parallel_loop3A_370] : memref<8x10000xi32, #tpu.memory_space<vmem>>[vector<16xi32>, vector<16xi32>], vector<16xi32>,
      %parallel_loop3A_920 = arith.addi %parallel_loop3A_918, %parallel_loop3A_919 : vector<16xi32>
      %parallel_loop3A_921 = tpu.vector_load_idx %arg5[%parallel_loop3A_891, %parallel_loop3A_379] : memref<8x10000xi32, #tpu.memory_space<vmem>>[vector<16xi32>, vector<16xi32>], vector<16xi32>,
      %parallel_loop3A_922 = arith.addi %parallel_loop3A_920, %parallel_loop3A_921 : vector<16xi32>
      %parallel_loop3A_923 = arith.constant 65535 : i32
      %parallel_loop3A_924 = vector.broadcast %parallel_loop3A_923 : i32 to vector<16xi32>
      %parallel_loop3A_925 = arith.andi %parallel_loop3A_922, %parallel_loop3A_924 : vector<16xi32>
      %parallel_loop3A_926 = arith.sitofp %parallel_loop3A_925 : vector<16xi32> to vector<16xf32>
      %parallel_loop3A_927 = arith.constant 0.001953125 : f32
      %parallel_loop3A_928 = vector.broadcast %parallel_loop3A_927 : f32 to vector<16xf32>
      %parallel_loop3A_929 = arith.mulf %parallel_loop3A_926, %parallel_loop3A_928 : vector<16xf32>
      %parallel_loop3A_930 = arith.constant 1.600000e+01 : f32
      %parallel_loop3A_931 = vector.broadcast %parallel_loop3A_930 : f32 to vector<16xf32>
      %parallel_loop3A_932 = arith.subf %parallel_loop3A_929, %parallel_loop3A_931 : vector<16xf32>
      %parallel_loop3A_933 = arith.constant 16 : i32
      %parallel_loop3A_934 = vector.broadcast %parallel_loop3A_933 : i32 to vector<16xi32>
      %parallel_loop3A_935 = arith.shrsi %parallel_loop3A_922, %parallel_loop3A_934 : vector<16xi32>
      %parallel_loop3A_936 = arith.sitofp %parallel_loop3A_935 : vector<16xi32> to vector<16xf32>
      %parallel_loop3A_937 = arith.constant 0.001953125 : f32
      %parallel_loop3A_938 = vector.broadcast %parallel_loop3A_937 : f32 to vector<16xf32>
      %parallel_loop3A_939 = arith.mulf %parallel_loop3A_936, %parallel_loop3A_938 : vector<16xf32>
      %parallel_loop3A_940 = arith.constant 1.600000e+01 : f32
      %parallel_loop3A_941 = vector.broadcast %parallel_loop3A_940 : f32 to vector<16xf32>
      %parallel_loop3A_942 = arith.subf %parallel_loop3A_939, %parallel_loop3A_941 : vector<16xf32>
      %parallel_loop3A_943 = arith.constant 6 : i32
      %parallel_loop3A_944 = arith.index_cast %parallel_loop3A_943 : i32 to index
      %parallel_loop3A_945 = arith.index_cast %parallel_loop3A_233 : i32 to index
      %parallel_loop3A_946 = tpu.vector_load %arg5[%parallel_loop3A_944, %parallel_loop3A_945] {strides = array<i32>} : memref<8x10000xi32, #tpu.memory_space<vmem>>, vector<16xi32>,
      %parallel_loop3A_947 = arith.constant 65535 : i32
      %parallel_loop3A_948 = vector.broadcast %parallel_loop3A_947 : i32 to vector<16xi32>
      %parallel_loop3A_949 = arith.andi %parallel_loop3A_946, %parallel_loop3A_948 : vector<16xi32>
      %parallel_loop3A_950 = arith.sitofp %parallel_loop3A_949 : vector<16xi32> to vector<16xf32>
      %parallel_loop3A_951 = arith.constant 0.001953125 : f32
      %parallel_loop3A_952 = vector.broadcast %parallel_loop3A_951 : f32 to vector<16xf32>
      %parallel_loop3A_953 = arith.mulf %parallel_loop3A_950, %parallel_loop3A_952 : vector<16xf32>
      %parallel_loop3A_954 = arith.constant 1.000000e+00 : f32
      %parallel_loop3A_955 = vector.broadcast %parallel_loop3A_954 : f32 to vector<16xf32>
      %parallel_loop3A_956 = arith.subf %parallel_loop3A_953, %parallel_loop3A_955 : vector<16xf32>
      %parallel_loop3A_957 = arith.constant 16 : i32
      %parallel_loop3A_958 = vector.broadcast %parallel_loop3A_957 : i32 to vector<16xi32>
      %parallel_loop3A_959 = arith.shrsi %parallel_loop3A_946, %parallel_loop3A_958 : vector<16xi32>
      %parallel_loop3A_960 = arith.sitofp %parallel_loop3A_959 : vector<16xi32> to vector<16xf32>
      %parallel_loop3A_961 = arith.constant 0.001953125 : f32
      %parallel_loop3A_962 = vector.broadcast %parallel_loop3A_961 : f32 to vector<16xf32>
      %parallel_loop3A_963 = arith.mulf %parallel_loop3A_960, %parallel_loop3A_962 : vector<16xf32>
      %parallel_loop3A_964 = arith.constant 1.000000e+00 : f32
      %parallel_loop3A_965 = vector.broadcast %parallel_loop3A_964 : f32 to vector<16xf32>
      %parallel_loop3A_966 = arith.subf %parallel_loop3A_963, %parallel_loop3A_965 : vector<16xf32>
      %parallel_loop3A_967 = arith.mulf %parallel_loop3A_966, %parallel_loop3A_932 : vector<16xf32>
      %parallel_loop3A_968 = arith.mulf %parallel_loop3A_956, %parallel_loop3A_942 : vector<16xf32>
      %parallel_loop3A_969 = arith.subf %parallel_loop3A_967, %parallel_loop3A_968 : vector<16xf32>
      %parallel_loop3A_970 = arith.constant 1.250000e-01 : f32
      %parallel_loop3A_971 = vector.broadcast %parallel_loop3A_970 : f32 to vector<16xf32>
      %parallel_loop3A_972 = arith.mulf %parallel_loop3A_971, %parallel_loop3A_969 : vector<16xf32>
      %parallel_loop3A_973 = arith.index_cast %parallel_loop3A_232 : i32 to index
      %parallel_loop3A_974 = tpu.vector_load %arg13[%parallel_loop3A_973] {strides = array<i32>} : memref<1264xf32, #tpu.memory_space<vmem>>, vector<16xf32>,
      tpu.vector_store %arg13[%parallel_loop3A_973], %parallel_loop3A_972 {strides = array<i32>} : memref<1264xf32, #tpu.memory_space<vmem>>, vector<16xf32>,
      %parallel_loop3A_975 = arith.constant 7 : i32
      %parallel_loop3A_976 = vector.broadcast %parallel_loop3A_975 : i32 to vector<16xi32>
      %parallel_loop3A_977 = tpu.vector_load_idx %arg5[%parallel_loop3A_976, %parallel_loop3A_244] : memref<8x10000xi32, #tpu.memory_space<vmem>>[vector<16xi32>, vector<16xi32>], vector<16xi32>,
      %parallel_loop3A_978 = tpu.vector_load_idx %arg5[%parallel_loop3A_976, %parallel_loop3A_253] : memref<8x10000xi32, #tpu.memory_space<vmem>>[vector<16xi32>, vector<16xi32>], vector<16xi32>,
      %parallel_loop3A_979 = arith.addi %parallel_loop3A_977, %parallel_loop3A_978 : vector<16xi32>
      %parallel_loop3A_980 = tpu.vector_load_idx %arg5[%parallel_loop3A_976, %parallel_loop3A_262] : memref<8x10000xi32, #tpu.memory_space<vmem>>[vector<16xi32>, vector<16xi32>], vector<16xi32>,
      %parallel_loop3A_981 = arith.addi %parallel_loop3A_979, %parallel_loop3A_980 : vector<16xi32>
      %parallel_loop3A_982 = tpu.vector_load_idx %arg5[%parallel_loop3A_976, %parallel_loop3A_271] : memref<8x10000xi32, #tpu.memory_space<vmem>>[vector<16xi32>, vector<16xi32>], vector<16xi32>,
      %parallel_loop3A_983 = arith.addi %parallel_loop3A_981, %parallel_loop3A_982 : vector<16xi32>
      %parallel_loop3A_984 = tpu.vector_load_idx %arg5[%parallel_loop3A_976, %parallel_loop3A_280] : memref<8x10000xi32, #tpu.memory_space<vmem>>[vector<16xi32>, vector<16xi32>], vector<16xi32>,
      %parallel_loop3A_985 = arith.addi %parallel_loop3A_983, %parallel_loop3A_984 : vector<16xi32>
      %parallel_loop3A_986 = tpu.vector_load_idx %arg5[%parallel_loop3A_976, %parallel_loop3A_289] : memref<8x10000xi32, #tpu.memory_space<vmem>>[vector<16xi32>, vector<16xi32>], vector<16xi32>,
      %parallel_loop3A_987 = arith.addi %parallel_loop3A_985, %parallel_loop3A_986 : vector<16xi32>
      %parallel_loop3A_988 = tpu.vector_load_idx %arg5[%parallel_loop3A_976, %parallel_loop3A_298] : memref<8x10000xi32, #tpu.memory_space<vmem>>[vector<16xi32>, vector<16xi32>], vector<16xi32>,
      %parallel_loop3A_989 = arith.addi %parallel_loop3A_987, %parallel_loop3A_988 : vector<16xi32>
      %parallel_loop3A_990 = tpu.vector_load_idx %arg5[%parallel_loop3A_976, %parallel_loop3A_307] : memref<8x10000xi32, #tpu.memory_space<vmem>>[vector<16xi32>, vector<16xi32>], vector<16xi32>,
      %parallel_loop3A_991 = arith.addi %parallel_loop3A_989, %parallel_loop3A_990 : vector<16xi32>
      %parallel_loop3A_992 = tpu.vector_load_idx %arg5[%parallel_loop3A_976, %parallel_loop3A_316] : memref<8x10000xi32, #tpu.memory_space<vmem>>[vector<16xi32>, vector<16xi32>], vector<16xi32>,
      %parallel_loop3A_993 = arith.addi %parallel_loop3A_991, %parallel_loop3A_992 : vector<16xi32>
      %parallel_loop3A_994 = tpu.vector_load_idx %arg5[%parallel_loop3A_976, %parallel_loop3A_325] : memref<8x10000xi32, #tpu.memory_space<vmem>>[vector<16xi32>, vector<16xi32>], vector<16xi32>,
      %parallel_loop3A_995 = arith.addi %parallel_loop3A_993, %parallel_loop3A_994 : vector<16xi32>
      %parallel_loop3A_996 = tpu.vector_load_idx %arg5[%parallel_loop3A_976, %parallel_loop3A_334] : memref<8x10000xi32, #tpu.memory_space<vmem>>[vector<16xi32>, vector<16xi32>], vector<16xi32>,
      %parallel_loop3A_997 = arith.addi %parallel_loop3A_995, %parallel_loop3A_996 : vector<16xi32>
      %parallel_loop3A_998 = tpu.vector_load_idx %arg5[%parallel_loop3A_976, %parallel_loop3A_343] : memref<8x10000xi32, #tpu.memory_space<vmem>>[vector<16xi32>, vector<16xi32>], vector<16xi32>,
      %parallel_loop3A_999 = arith.addi %parallel_loop3A_997, %parallel_loop3A_998 : vector<16xi32>
      %parallel_loop3A_1000 = tpu.vector_load_idx %arg5[%parallel_loop3A_976, %parallel_loop3A_352] : memref<8x10000xi32, #tpu.memory_space<vmem>>[vector<16xi32>, vector<16xi32>], vector<16xi32>,
      %parallel_loop3A_1001 = arith.addi %parallel_loop3A_999, %parallel_loop3A_1000 : vector<16xi32>
      %parallel_loop3A_1002 = tpu.vector_load_idx %arg5[%parallel_loop3A_976, %parallel_loop3A_361] : memref<8x10000xi32, #tpu.memory_space<vmem>>[vector<16xi32>, vector<16xi32>], vector<16xi32>,
      %parallel_loop3A_1003 = arith.addi %parallel_loop3A_1001, %parallel_loop3A_1002 : vector<16xi32>
      %parallel_loop3A_1004 = tpu.vector_load_idx %arg5[%parallel_loop3A_976, %parallel_loop3A_370] : memref<8x10000xi32, #tpu.memory_space<vmem>>[vector<16xi32>, vector<16xi32>], vector<16xi32>,
      %parallel_loop3A_1005 = arith.addi %parallel_loop3A_1003, %parallel_loop3A_1004 : vector<16xi32>
      %parallel_loop3A_1006 = tpu.vector_load_idx %arg5[%parallel_loop3A_976, %parallel_loop3A_379] : memref<8x10000xi32, #tpu.memory_space<vmem>>[vector<16xi32>, vector<16xi32>], vector<16xi32>,
      %parallel_loop3A_1007 = arith.addi %parallel_loop3A_1005, %parallel_loop3A_1006 : vector<16xi32>
      %parallel_loop3A_1008 = arith.constant 65535 : i32
      %parallel_loop3A_1009 = vector.broadcast %parallel_loop3A_1008 : i32 to vector<16xi32>
      %parallel_loop3A_1010 = arith.andi %parallel_loop3A_1007, %parallel_loop3A_1009 : vector<16xi32>
      %parallel_loop3A_1011 = arith.sitofp %parallel_loop3A_1010 : vector<16xi32> to vector<16xf32>
      %parallel_loop3A_1012 = arith.constant 0.001953125 : f32
      %parallel_loop3A_1013 = vector.broadcast %parallel_loop3A_1012 : f32 to vector<16xf32>
      %parallel_loop3A_1014 = arith.mulf %parallel_loop3A_1011, %parallel_loop3A_1013 : vector<16xf32>
      %parallel_loop3A_1015 = arith.constant 1.600000e+01 : f32
      %parallel_loop3A_1016 = vector.broadcast %parallel_loop3A_1015 : f32 to vector<16xf32>
      %parallel_loop3A_1017 = arith.subf %parallel_loop3A_1014, %parallel_loop3A_1016 : vector<16xf32>
      %parallel_loop3A_1018 = arith.constant 16 : i32
      %parallel_loop3A_1019 = vector.broadcast %parallel_loop3A_1018 : i32 to vector<16xi32>
      %parallel_loop3A_1020 = arith.shrsi %parallel_loop3A_1007, %parallel_loop3A_1019 : vector<16xi32>
      %parallel_loop3A_1021 = arith.sitofp %parallel_loop3A_1020 : vector<16xi32> to vector<16xf32>
      %parallel_loop3A_1022 = arith.constant 0.001953125 : f32
      %parallel_loop3A_1023 = vector.broadcast %parallel_loop3A_1022 : f32 to vector<16xf32>
      %parallel_loop3A_1024 = arith.mulf %parallel_loop3A_1021, %parallel_loop3A_1023 : vector<16xf32>
      %parallel_loop3A_1025 = arith.constant 1.600000e+01 : f32
      %parallel_loop3A_1026 = vector.broadcast %parallel_loop3A_1025 : f32 to vector<16xf32>
      %parallel_loop3A_1027 = arith.subf %parallel_loop3A_1024, %parallel_loop3A_1026 : vector<16xf32>
      %parallel_loop3A_1028 = arith.constant 7 : i32
      %parallel_loop3A_1029 = arith.index_cast %parallel_loop3A_1028 : i32 to index
      %parallel_loop3A_1030 = arith.index_cast %parallel_loop3A_233 : i32 to index
      %parallel_loop3A_1031 = tpu.vector_load %arg5[%parallel_loop3A_1029, %parallel_loop3A_1030] {strides = array<i32>} : memref<8x10000xi32, #tpu.memory_space<vmem>>, vector<16xi32>,
      %parallel_loop3A_1032 = arith.constant 65535 : i32
      %parallel_loop3A_1033 = vector.broadcast %parallel_loop3A_1032 : i32 to vector<16xi32>
      %parallel_loop3A_1034 = arith.andi %parallel_loop3A_1031, %parallel_loop3A_1033 : vector<16xi32>
      %parallel_loop3A_1035 = arith.sitofp %parallel_loop3A_1034 : vector<16xi32> to vector<16xf32>
      %parallel_loop3A_1036 = arith.constant 0.001953125 : f32
      %parallel_loop3A_1037 = vector.broadcast %parallel_loop3A_1036 : f32 to vector<16xf32>
      %parallel_loop3A_1038 = arith.mulf %parallel_loop3A_1035, %parallel_loop3A_1037 : vector<16xf32>
      %parallel_loop3A_1039 = arith.constant 1.000000e+00 : f32
      %parallel_loop3A_1040 = vector.broadcast %parallel_loop3A_1039 : f32 to vector<16xf32>
      %parallel_loop3A_1041 = arith.subf %parallel_loop3A_1038, %parallel_loop3A_1040 : vector<16xf32>
      %parallel_loop3A_1042 = arith.constant 16 : i32
      %parallel_loop3A_1043 = vector.broadcast %parallel_loop3A_1042 : i32 to vector<16xi32>
      %parallel_loop3A_1044 = arith.shrsi %parallel_loop3A_1031, %parallel_loop3A_1043 : vector<16xi32>
      %parallel_loop3A_1045 = arith.sitofp %parallel_loop3A_1044 : vector<16xi32> to vector<16xf32>
      %parallel_loop3A_1046 = arith.constant 0.001953125 : f32
      %parallel_loop3A_1047 = vector.broadcast %parallel_loop3A_1046 : f32 to vector<16xf32>
      %parallel_loop3A_1048 = arith.mulf %parallel_loop3A_1045, %parallel_loop3A_1047 : vector<16xf32>
      %parallel_loop3A_1049 = arith.constant 1.000000e+00 : f32
      %parallel_loop3A_1050 = vector.broadcast %parallel_loop3A_1049 : f32 to vector<16xf32>
      %parallel_loop3A_1051 = arith.subf %parallel_loop3A_1048, %parallel_loop3A_1050 : vector<16xf32>
      %parallel_loop3A_1052 = arith.mulf %parallel_loop3A_1051, %parallel_loop3A_1017 : vector<16xf32>
      %parallel_loop3A_1053 = arith.mulf %parallel_loop3A_1041, %parallel_loop3A_1027 : vector<16xf32>
      %parallel_loop3A_1054 = arith.subf %parallel_loop3A_1052, %parallel_loop3A_1053 : vector<16xf32>
      %parallel_loop3A_1055 = arith.constant 1.250000e-01 : f32
      %parallel_loop3A_1056 = vector.broadcast %parallel_loop3A_1055 : f32 to vector<16xf32>
      %parallel_loop3A_1057 = arith.mulf %parallel_loop3A_1056, %parallel_loop3A_1054 : vector<16xf32>
      %parallel_loop3A_1058 = arith.index_cast %parallel_loop3A_232 : i32 to index
      %parallel_loop3A_1059 = tpu.vector_load %arg14[%parallel_loop3A_1058] {strides = array<i32>} : memref<1264xf32, #tpu.memory_space<vmem>>, vector<16xf32>,
      tpu.vector_store %arg14[%parallel_loop3A_1058], %parallel_loop3A_1057 {strides = array<i32>} : memref<1264xf32, #tpu.memory_space<vmem>>, vector<16xf32>,
    } {sc.loop_unroll_factor = 1 : i64, sc.parallel_access}
    %add3A_61 = arith.constant 4 : i32
    %add3A_62 = arith.addi %select_n3A_30, %add3A_61 : i32
    %eq3A_63 = arith.constant 7 : i32
    %eq3A_64 = arith.cmpi eq, %add3A_62, %eq3A_63 : i32
    %mul3A_65 = arith.constant 1264 : i32
    %mul3A_66 = arith.muli %add3A_62, %mul3A_65 : i32
    %jit3A_67 = arith.constant 8736 : i32
    %select_n3A_68 = arith.select %eq3A_64, %jit3A_67, %mul3A_66 : i32
    %mul3A_69 = arith.constant 16 : i32
    %mul3A_70 = arith.muli %select_n3A_68, %mul3A_69 : i32
    %dma_start3A_71 = tpu.memref_slice %arg3[%mul3A_70] : memref<160000xi32, #tpu.memory_space<hbm>> -> memref<20224xi32, #tpu.memory_space<hbm>>
    %dma_start3A_72 = tpu.memref_slice %arg3[%mul3A_70] : memref<160000xi32, #tpu.memory_space<hbm>> -> memref<20224xi32, #tpu.memory_space<hbm>>
    tpu.enqueue_dma source(%dma_start3A_72 : memref<20224xi32, #tpu.memory_space<hbm>>) target(%arg6 : memref<20224xi32, #tpu.memory_space<vmem>>) target_semaphore(%arg17 : memref<!tpu.dma_semaphore, #tpu.memory_space<semaphore_mem>>)
    %add3A_73 = arith.constant 0 : i32
    %add3A_74 = arith.addi %mul3A_32, %add3A_73 : i32
    %mul3A_75 = arith.constant 10000 : i32
    %mul3A_76 = arith.muli %add3A_74, %mul3A_75 : i32
    %add3A_77 = arith.addi %mul3A_76, %select_n3A_56 : i32
    %dma_start3A_78 = tpu.memref_slice %arg4[%add3A_77] : memref<640000xf32, #tpu.memory_space<hbm>> -> memref<1264xf32, #tpu.memory_space<hbm>>
    %dma_start3A_79 = tpu.memref_slice %arg4[%add3A_77] : memref<640000xf32, #tpu.memory_space<hbm>> -> memref<1264xf32, #tpu.memory_space<hbm>>
    tpu.enqueue_dma source(%arg7 : memref<1264xf32, #tpu.memory_space<vmem>>) target(%dma_start3A_79 : memref<1264xf32, #tpu.memory_space<hbm>>) target_semaphore(%arg18 : memref<!tpu.dma_semaphore, #tpu.memory_space<semaphore_mem>>)
    %add3A_80 = arith.constant 1 : i32
    %add3A_81 = arith.addi %mul3A_32, %add3A_80 : i32
    %mul3A_82 = arith.constant 10000 : i32
    %mul3A_83 = arith.muli %add3A_81, %mul3A_82 : i32
    %add3A_84 = arith.addi %mul3A_83, %select_n3A_56 : i32
    %dma_start3A_85 = tpu.memref_slice %arg4[%add3A_84] : memref<640000xf32, #tpu.memory_space<hbm>> -> memref<1264xf32, #tpu.memory_space<hbm>>
    %dma_start3A_86 = tpu.memref_slice %arg4[%add3A_84] : memref<640000xf32, #tpu.memory_space<hbm>> -> memref<1264xf32, #tpu.memory_space<hbm>>
    tpu.enqueue_dma source(%arg8 : memref<1264xf32, #tpu.memory_space<vmem>>) target(%dma_start3A_86 : memref<1264xf32, #tpu.memory_space<hbm>>) target_semaphore(%arg18 : memref<!tpu.dma_semaphore, #tpu.memory_space<semaphore_mem>>)
    %add3A_87 = arith.constant 2 : i32
    %add3A_88 = arith.addi %mul3A_32, %add3A_87 : i32
    %mul3A_89 = arith.constant 10000 : i32
    %mul3A_90 = arith.muli %add3A_88, %mul3A_89 : i32
    %add3A_91 = arith.addi %mul3A_90, %select_n3A_56 : i32
    %dma_start3A_92 = tpu.memref_slice %arg4[%add3A_91] : memref<640000xf32, #tpu.memory_space<hbm>> -> memref<1264xf32, #tpu.memory_space<hbm>>
    %dma_start3A_93 = tpu.memref_slice %arg4[%add3A_91] : memref<640000xf32, #tpu.memory_space<hbm>> -> memref<1264xf32, #tpu.memory_space<hbm>>
    tpu.enqueue_dma source(%arg9 : memref<1264xf32, #tpu.memory_space<vmem>>) target(%dma_start3A_93 : memref<1264xf32, #tpu.memory_space<hbm>>) target_semaphore(%arg18 : memref<!tpu.dma_semaphore, #tpu.memory_space<semaphore_mem>>)
    %add3A_94 = arith.constant 3 : i32
    %add3A_95 = arith.addi %mul3A_32, %add3A_94 : i32
    %mul3A_96 = arith.constant 10000 : i32
    %mul3A_97 = arith.muli %add3A_95, %mul3A_96 : i32
    %add3A_98 = arith.addi %mul3A_97, %select_n3A_56 : i32
    %dma_start3A_99 = tpu.memref_slice %arg4[%add3A_98] : memref<640000xf32, #tpu.memory_space<hbm>> -> memref<1264xf32, #tpu.memory_space<hbm>>
    %dma_start3A_100 = tpu.memref_slice %arg4[%add3A_98] : memref<640000xf32, #tpu.memory_space<hbm>> -> memref<1264xf32, #tpu.memory_space<hbm>>
    tpu.enqueue_dma source(%arg10 : memref<1264xf32, #tpu.memory_space<vmem>>) target(%dma_start3A_100 : memref<1264xf32, #tpu.memory_space<hbm>>) target_semaphore(%arg18 : memref<!tpu.dma_semaphore, #tpu.memory_space<semaphore_mem>>)
    %add3A_101 = arith.constant 4 : i32
    %add3A_102 = arith.addi %mul3A_32, %add3A_101 : i32
    %mul3A_103 = arith.constant 10000 : i32
    %mul3A_104 = arith.muli %add3A_102, %mul3A_103 : i32
    %add3A_105 = arith.addi %mul3A_104, %select_n3A_56 : i32
    %dma_start3A_106 = tpu.memref_slice %arg4[%add3A_105] : memref<640000xf32, #tpu.memory_space<hbm>> -> memref<1264xf32, #tpu.memory_space<hbm>>
    %dma_start3A_107 = tpu.memref_slice %arg4[%add3A_105] : memref<640000xf32, #tpu.memory_space<hbm>> -> memref<1264xf32, #tpu.memory_space<hbm>>
    tpu.enqueue_dma source(%arg11 : memref<1264xf32, #tpu.memory_space<vmem>>) target(%dma_start3A_107 : memref<1264xf32, #tpu.memory_space<hbm>>) target_semaphore(%arg18 : memref<!tpu.dma_semaphore, #tpu.memory_space<semaphore_mem>>)
    %add3A_108 = arith.constant 5 : i32
    %add3A_109 = arith.addi %mul3A_32, %add3A_108 : i32
    %mul3A_110 = arith.constant 10000 : i32
    %mul3A_111 = arith.muli %add3A_109, %mul3A_110 : i32
    %add3A_112 = arith.addi %mul3A_111, %select_n3A_56 : i32
    %dma_start3A_113 = tpu.memref_slice %arg4[%add3A_112] : memref<640000xf32, #tpu.memory_space<hbm>> -> memref<1264xf32, #tpu.memory_space<hbm>>
    %dma_start3A_114 = tpu.memref_slice %arg4[%add3A_112] : memref<640000xf32, #tpu.memory_space<hbm>> -> memref<1264xf32, #tpu.memory_space<hbm>>
    tpu.enqueue_dma source(%arg12 : memref<1264xf32, #tpu.memory_space<vmem>>) target(%dma_start3A_114 : memref<1264xf32, #tpu.memory_space<hbm>>) target_semaphore(%arg18 : memref<!tpu.dma_semaphore, #tpu.memory_space<semaphore_mem>>)
    %add3A_115 = arith.constant 6 : i32
    %add3A_116 = arith.addi %mul3A_32, %add3A_115 : i32
    %mul3A_117 = arith.constant 10000 : i32
    %mul3A_118 = arith.muli %add3A_116, %mul3A_117 : i32
    %add3A_119 = arith.addi %mul3A_118, %select_n3A_56 : i32
    %dma_start3A_120 = tpu.memref_slice %arg4[%add3A_119] : memref<640000xf32, #tpu.memory_space<hbm>> -> memref<1264xf32, #tpu.memory_space<hbm>>
    %dma_start3A_121 = tpu.memref_slice %arg4[%add3A_119] : memref<640000xf32, #tpu.memory_space<hbm>> -> memref<1264xf32, #tpu.memory_space<hbm>>
    tpu.enqueue_dma source(%arg13 : memref<1264xf32, #tpu.memory_space<vmem>>) target(%dma_start3A_121 : memref<1264xf32, #tpu.memory_space<hbm>>) target_semaphore(%arg18 : memref<!tpu.dma_semaphore, #tpu.memory_space<semaphore_mem>>)
    %add3A_122 = arith.constant 7 : i32
    %add3A_123 = arith.addi %mul3A_32, %add3A_122 : i32
    %mul3A_124 = arith.constant 10000 : i32
    %mul3A_125 = arith.muli %add3A_123, %mul3A_124 : i32
    %add3A_126 = arith.addi %mul3A_125, %select_n3A_56 : i32
    %dma_start3A_127 = tpu.memref_slice %arg4[%add3A_126] : memref<640000xf32, #tpu.memory_space<hbm>> -> memref<1264xf32, #tpu.memory_space<hbm>>
    %dma_start3A_128 = tpu.memref_slice %arg4[%add3A_126] : memref<640000xf32, #tpu.memory_space<hbm>> -> memref<1264xf32, #tpu.memory_space<hbm>>
    tpu.enqueue_dma source(%arg14 : memref<1264xf32, #tpu.memory_space<vmem>>) target(%dma_start3A_128 : memref<1264xf32, #tpu.memory_space<hbm>>) target_semaphore(%arg18 : memref<!tpu.dma_semaphore, #tpu.memory_space<semaphore_mem>>)
    %add3A_129 = arith.constant 4 : i32
    %add3A_130 = arith.addi %select_n3A_30, %add3A_129 : i32
    %eq3A_131 = arith.constant 7 : i32
    %eq3A_132 = arith.cmpi eq, %add3A_130, %eq3A_131 : i32
    %mul3A_133 = arith.constant 1264 : i32
    %mul3A_134 = arith.muli %add3A_130, %mul3A_133 : i32
    %jit3A_135 = arith.constant 8736 : i32
    %select_n3A_136 = arith.select %eq3A_132, %jit3A_135, %mul3A_134 : i32
    %dma_wait3A_137 = tpu.memref_slice %arg3[%mul3A_70] : memref<160000xi32, #tpu.memory_space<hbm>> -> memref<20224xi32, #tpu.memory_space<hbm>>
    %dma_wait3A_138 = tpu.memref_slice %arg3[%mul3A_70] : memref<160000xi32, #tpu.memory_space<hbm>> -> memref<20224xi32, #tpu.memory_space<hbm>>
    tpu.wait_dma2 semaphore(%arg17 : memref<!tpu.dma_semaphore, #tpu.memory_space<semaphore_mem>>) src(%dma_wait3A_138 : memref<20224xi32, #tpu.memory_space<hbm>>) dst(%arg6 : memref<20224xi32, #tpu.memory_space<vmem>>)
    %dma_wait3A_139 = tpu.memref_slice %arg4[%add3A_77] : memref<640000xf32, #tpu.memory_space<hbm>> -> memref<1264xf32, #tpu.memory_space<hbm>>
    %dma_wait3A_140 = tpu.memref_slice %arg4[%add3A_77] : memref<640000xf32, #tpu.memory_space<hbm>> -> memref<1264xf32, #tpu.memory_space<hbm>>
    tpu.wait_dma2 semaphore(%arg18 : memref<!tpu.dma_semaphore, #tpu.memory_space<semaphore_mem>>) src(%arg7 : memref<1264xf32, #tpu.memory_space<vmem>>) dst(%dma_wait3A_140 : memref<1264xf32, #tpu.memory_space<hbm>>)
    %dma_wait3A_141 = tpu.memref_slice %arg4[%add3A_84] : memref<640000xf32, #tpu.memory_space<hbm>> -> memref<1264xf32, #tpu.memory_space<hbm>>
    %dma_wait3A_142 = tpu.memref_slice %arg4[%add3A_84] : memref<640000xf32, #tpu.memory_space<hbm>> -> memref<1264xf32, #tpu.memory_space<hbm>>
    tpu.wait_dma2 semaphore(%arg18 : memref<!tpu.dma_semaphore, #tpu.memory_space<semaphore_mem>>) src(%arg8 : memref<1264xf32, #tpu.memory_space<vmem>>) dst(%dma_wait3A_142 : memref<1264xf32, #tpu.memory_space<hbm>>)
    %dma_wait3A_143 = tpu.memref_slice %arg4[%add3A_91] : memref<640000xf32, #tpu.memory_space<hbm>> -> memref<1264xf32, #tpu.memory_space<hbm>>
    %dma_wait3A_144 = tpu.memref_slice %arg4[%add3A_91] : memref<640000xf32, #tpu.memory_space<hbm>> -> memref<1264xf32, #tpu.memory_space<hbm>>
    tpu.wait_dma2 semaphore(%arg18 : memref<!tpu.dma_semaphore, #tpu.memory_space<semaphore_mem>>) src(%arg9 : memref<1264xf32, #tpu.memory_space<vmem>>) dst(%dma_wait3A_144 : memref<1264xf32, #tpu.memory_space<hbm>>)
    %dma_wait3A_145 = tpu.memref_slice %arg4[%add3A_98] : memref<640000xf32, #tpu.memory_space<hbm>> -> memref<1264xf32, #tpu.memory_space<hbm>>
    %dma_wait3A_146 = tpu.memref_slice %arg4[%add3A_98] : memref<640000xf32, #tpu.memory_space<hbm>> -> memref<1264xf32, #tpu.memory_space<hbm>>
    tpu.wait_dma2 semaphore(%arg18 : memref<!tpu.dma_semaphore, #tpu.memory_space<semaphore_mem>>) src(%arg10 : memref<1264xf32, #tpu.memory_space<vmem>>) dst(%dma_wait3A_146 : memref<1264xf32, #tpu.memory_space<hbm>>)
    %dma_wait3A_147 = tpu.memref_slice %arg4[%add3A_105] : memref<640000xf32, #tpu.memory_space<hbm>> -> memref<1264xf32, #tpu.memory_space<hbm>>
    %dma_wait3A_148 = tpu.memref_slice %arg4[%add3A_105] : memref<640000xf32, #tpu.memory_space<hbm>> -> memref<1264xf32, #tpu.memory_space<hbm>>
    tpu.wait_dma2 semaphore(%arg18 : memref<!tpu.dma_semaphore, #tpu.memory_space<semaphore_mem>>) src(%arg11 : memref<1264xf32, #tpu.memory_space<vmem>>) dst(%dma_wait3A_148 : memref<1264xf32, #tpu.memory_space<hbm>>)
    %dma_wait3A_149 = tpu.memref_slice %arg4[%add3A_112] : memref<640000xf32, #tpu.memory_space<hbm>> -> memref<1264xf32, #tpu.memory_space<hbm>>
    %dma_wait3A_150 = tpu.memref_slice %arg4[%add3A_112] : memref<640000xf32, #tpu.memory_space<hbm>> -> memref<1264xf32, #tpu.memory_space<hbm>>
    tpu.wait_dma2 semaphore(%arg18 : memref<!tpu.dma_semaphore, #tpu.memory_space<semaphore_mem>>) src(%arg12 : memref<1264xf32, #tpu.memory_space<vmem>>) dst(%dma_wait3A_150 : memref<1264xf32, #tpu.memory_space<hbm>>)
    %dma_wait3A_151 = tpu.memref_slice %arg4[%add3A_119] : memref<640000xf32, #tpu.memory_space<hbm>> -> memref<1264xf32, #tpu.memory_space<hbm>>
    %dma_wait3A_152 = tpu.memref_slice %arg4[%add3A_119] : memref<640000xf32, #tpu.memory_space<hbm>> -> memref<1264xf32, #tpu.memory_space<hbm>>
    tpu.wait_dma2 semaphore(%arg18 : memref<!tpu.dma_semaphore, #tpu.memory_space<semaphore_mem>>) src(%arg13 : memref<1264xf32, #tpu.memory_space<vmem>>) dst(%dma_wait3A_152 : memref<1264xf32, #tpu.memory_space<hbm>>)
    %dma_wait3A_153 = tpu.memref_slice %arg4[%add3A_126] : memref<640000xf32, #tpu.memory_space<hbm>> -> memref<1264xf32, #tpu.memory_space<hbm>>
    %dma_wait3A_154 = tpu.memref_slice %arg4[%add3A_126] : memref<640000xf32, #tpu.memory_space<hbm>> -> memref<1264xf32, #tpu.memory_space<hbm>>
    tpu.wait_dma2 semaphore(%arg18 : memref<!tpu.dma_semaphore, #tpu.memory_space<semaphore_mem>>) src(%arg14 : memref<1264xf32, #tpu.memory_space<vmem>>) dst(%dma_wait3A_154 : memref<1264xf32, #tpu.memory_space<hbm>>)
    %parallel_loop3A_155 = arith.constant 0 : i32
    %parallel_loop3A_156 = arith.constant 79 : i32
    %parallel_loop3A_157 = arith.constant 1 : i32
    scf.for %parallel_loop3A_230 = %parallel_loop3A_155 to %parallel_loop3A_156 step %parallel_loop3A_157  : i32 {
      %parallel_loop3A_231 = arith.constant 16 : i32
      %parallel_loop3A_232 = arith.muli %parallel_loop3A_230, %parallel_loop3A_231 : i32
      %parallel_loop3A_233 = arith.addi %select_n3A_136, %parallel_loop3A_232 : i32
      %parallel_loop3A_234 = arith.constant 16 : i32
      %parallel_loop3A_235 = arith.muli %parallel_loop3A_234, %parallel_loop3A_232 : i32
      %parallel_loop3A_236 = tpu.iota {dimensions = array<i32: 0>} : vector<16xi32>
      %parallel_loop3A_237 = arith.constant 16 : i32
      %parallel_loop3A_238 = vector.broadcast %parallel_loop3A_237 : i32 to vector<16xi32>
      %parallel_loop3A_239 = arith.muli %parallel_loop3A_236, %parallel_loop3A_238 : vector<16xi32>
      %parallel_loop3A_240 = arith.constant 0 : i32
      %parallel_loop3A_241 = arith.addi %parallel_loop3A_240, %parallel_loop3A_235 : i32
      %parallel_loop3A_242 = vector.broadcast %parallel_loop3A_241 : i32 to vector<16xi32>
      %parallel_loop3A_243 = arith.addi %parallel_loop3A_239, %parallel_loop3A_242 : vector<16xi32>
      %parallel_loop3A_244 = tpu.vector_load_idx %arg6[%parallel_loop3A_243] : memref<20224xi32, #tpu.memory_space<vmem>>[vector<16xi32>], vector<16xi32>,
      %parallel_loop3A_245 = tpu.iota {dimensions = array<i32: 0>} : vector<16xi32>
      %parallel_loop3A_246 = arith.constant 16 : i32
      %parallel_loop3A_247 = vector.broadcast %parallel_loop3A_246 : i32 to vector<16xi32>
      %parallel_loop3A_248 = arith.muli %parallel_loop3A_245, %parallel_loop3A_247 : vector<16xi32>
      %parallel_loop3A_249 = arith.constant 1 : i32
      %parallel_loop3A_250 = arith.addi %parallel_loop3A_249, %parallel_loop3A_235 : i32
      %parallel_loop3A_251 = vector.broadcast %parallel_loop3A_250 : i32 to vector<16xi32>
      %parallel_loop3A_252 = arith.addi %parallel_loop3A_248, %parallel_loop3A_251 : vector<16xi32>
      %parallel_loop3A_253 = tpu.vector_load_idx %arg6[%parallel_loop3A_252] : memref<20224xi32, #tpu.memory_space<vmem>>[vector<16xi32>], vector<16xi32>,
      %parallel_loop3A_254 = tpu.iota {dimensions = array<i32: 0>} : vector<16xi32>
      %parallel_loop3A_255 = arith.constant 16 : i32
      %parallel_loop3A_256 = vector.broadcast %parallel_loop3A_255 : i32 to vector<16xi32>
      %parallel_loop3A_257 = arith.muli %parallel_loop3A_254, %parallel_loop3A_256 : vector<16xi32>
      %parallel_loop3A_258 = arith.constant 2 : i32
      %parallel_loop3A_259 = arith.addi %parallel_loop3A_258, %parallel_loop3A_235 : i32
      %parallel_loop3A_260 = vector.broadcast %parallel_loop3A_259 : i32 to vector<16xi32>
      %parallel_loop3A_261 = arith.addi %parallel_loop3A_257, %parallel_loop3A_260 : vector<16xi32>
      %parallel_loop3A_262 = tpu.vector_load_idx %arg6[%parallel_loop3A_261] : memref<20224xi32, #tpu.memory_space<vmem>>[vector<16xi32>], vector<16xi32>,
      %parallel_loop3A_263 = tpu.iota {dimensions = array<i32: 0>} : vector<16xi32>
      %parallel_loop3A_264 = arith.constant 16 : i32
      %parallel_loop3A_265 = vector.broadcast %parallel_loop3A_264 : i32 to vector<16xi32>
      %parallel_loop3A_266 = arith.muli %parallel_loop3A_263, %parallel_loop3A_265 : vector<16xi32>
      %parallel_loop3A_267 = arith.constant 3 : i32
      %parallel_loop3A_268 = arith.addi %parallel_loop3A_267, %parallel_loop3A_235 : i32
      %parallel_loop3A_269 = vector.broadcast %parallel_loop3A_268 : i32 to vector<16xi32>
      %parallel_loop3A_270 = arith.addi %parallel_loop3A_266, %parallel_loop3A_269 : vector<16xi32>
      %parallel_loop3A_271 = tpu.vector_load_idx %arg6[%parallel_loop3A_270] : memref<20224xi32, #tpu.memory_space<vmem>>[vector<16xi32>], vector<16xi32>,
      %parallel_loop3A_272 = tpu.iota {dimensions = array<i32: 0>} : vector<16xi32>
      %parallel_loop3A_273 = arith.constant 16 : i32
      %parallel_loop3A_274 = vector.broadcast %parallel_loop3A_273 : i32 to vector<16xi32>
      %parallel_loop3A_275 = arith.muli %parallel_loop3A_272, %parallel_loop3A_274 : vector<16xi32>
      %parallel_loop3A_276 = arith.constant 4 : i32
      %parallel_loop3A_277 = arith.addi %parallel_loop3A_276, %parallel_loop3A_235 : i32
      %parallel_loop3A_278 = vector.broadcast %parallel_loop3A_277 : i32 to vector<16xi32>
      %parallel_loop3A_279 = arith.addi %parallel_loop3A_275, %parallel_loop3A_278 : vector<16xi32>
      %parallel_loop3A_280 = tpu.vector_load_idx %arg6[%parallel_loop3A_279] : memref<20224xi32, #tpu.memory_space<vmem>>[vector<16xi32>], vector<16xi32>,
      %parallel_loop3A_281 = tpu.iota {dimensions = array<i32: 0>} : vector<16xi32>
      %parallel_loop3A_282 = arith.constant 16 : i32
      %parallel_loop3A_283 = vector.broadcast %parallel_loop3A_282 : i32 to vector<16xi32>
      %parallel_loop3A_284 = arith.muli %parallel_loop3A_281, %parallel_loop3A_283 : vector<16xi32>
      %parallel_loop3A_285 = arith.constant 5 : i32
      %parallel_loop3A_286 = arith.addi %parallel_loop3A_285, %parallel_loop3A_235 : i32
      %parallel_loop3A_287 = vector.broadcast %parallel_loop3A_286 : i32 to vector<16xi32>
      %parallel_loop3A_288 = arith.addi %parallel_loop3A_284, %parallel_loop3A_287 : vector<16xi32>
      %parallel_loop3A_289 = tpu.vector_load_idx %arg6[%parallel_loop3A_288] : memref<20224xi32, #tpu.memory_space<vmem>>[vector<16xi32>], vector<16xi32>,
      %parallel_loop3A_290 = tpu.iota {dimensions = array<i32: 0>} : vector<16xi32>
      %parallel_loop3A_291 = arith.constant 16 : i32
      %parallel_loop3A_292 = vector.broadcast %parallel_loop3A_291 : i32 to vector<16xi32>
      %parallel_loop3A_293 = arith.muli %parallel_loop3A_290, %parallel_loop3A_292 : vector<16xi32>
      %parallel_loop3A_294 = arith.constant 6 : i32
      %parallel_loop3A_295 = arith.addi %parallel_loop3A_294, %parallel_loop3A_235 : i32
      %parallel_loop3A_296 = vector.broadcast %parallel_loop3A_295 : i32 to vector<16xi32>
      %parallel_loop3A_297 = arith.addi %parallel_loop3A_293, %parallel_loop3A_296 : vector<16xi32>
      %parallel_loop3A_298 = tpu.vector_load_idx %arg6[%parallel_loop3A_297] : memref<20224xi32, #tpu.memory_space<vmem>>[vector<16xi32>], vector<16xi32>,
      %parallel_loop3A_299 = tpu.iota {dimensions = array<i32: 0>} : vector<16xi32>
      %parallel_loop3A_300 = arith.constant 16 : i32
      %parallel_loop3A_301 = vector.broadcast %parallel_loop3A_300 : i32 to vector<16xi32>
      %parallel_loop3A_302 = arith.muli %parallel_loop3A_299, %parallel_loop3A_301 : vector<16xi32>
      %parallel_loop3A_303 = arith.constant 7 : i32
      %parallel_loop3A_304 = arith.addi %parallel_loop3A_303, %parallel_loop3A_235 : i32
      %parallel_loop3A_305 = vector.broadcast %parallel_loop3A_304 : i32 to vector<16xi32>
      %parallel_loop3A_306 = arith.addi %parallel_loop3A_302, %parallel_loop3A_305 : vector<16xi32>
      %parallel_loop3A_307 = tpu.vector_load_idx %arg6[%parallel_loop3A_306] : memref<20224xi32, #tpu.memory_space<vmem>>[vector<16xi32>], vector<16xi32>,
      %parallel_loop3A_308 = tpu.iota {dimensions = array<i32: 0>} : vector<16xi32>
      %parallel_loop3A_309 = arith.constant 16 : i32
      %parallel_loop3A_310 = vector.broadcast %parallel_loop3A_309 : i32 to vector<16xi32>
      %parallel_loop3A_311 = arith.muli %parallel_loop3A_308, %parallel_loop3A_310 : vector<16xi32>
      %parallel_loop3A_312 = arith.constant 8 : i32
      %parallel_loop3A_313 = arith.addi %parallel_loop3A_312, %parallel_loop3A_235 : i32
      %parallel_loop3A_314 = vector.broadcast %parallel_loop3A_313 : i32 to vector<16xi32>
      %parallel_loop3A_315 = arith.addi %parallel_loop3A_311, %parallel_loop3A_314 : vector<16xi32>
      %parallel_loop3A_316 = tpu.vector_load_idx %arg6[%parallel_loop3A_315] : memref<20224xi32, #tpu.memory_space<vmem>>[vector<16xi32>], vector<16xi32>,
      %parallel_loop3A_317 = tpu.iota {dimensions = array<i32: 0>} : vector<16xi32>
      %parallel_loop3A_318 = arith.constant 16 : i32
      %parallel_loop3A_319 = vector.broadcast %parallel_loop3A_318 : i32 to vector<16xi32>
      %parallel_loop3A_320 = arith.muli %parallel_loop3A_317, %parallel_loop3A_319 : vector<16xi32>
      %parallel_loop3A_321 = arith.constant 9 : i32
      %parallel_loop3A_322 = arith.addi %parallel_loop3A_321, %parallel_loop3A_235 : i32
      %parallel_loop3A_323 = vector.broadcast %parallel_loop3A_322 : i32 to vector<16xi32>
      %parallel_loop3A_324 = arith.addi %parallel_loop3A_320, %parallel_loop3A_323 : vector<16xi32>
      %parallel_loop3A_325 = tpu.vector_load_idx %arg6[%parallel_loop3A_324] : memref<20224xi32, #tpu.memory_space<vmem>>[vector<16xi32>], vector<16xi32>,
      %parallel_loop3A_326 = tpu.iota {dimensions = array<i32: 0>} : vector<16xi32>
      %parallel_loop3A_327 = arith.constant 16 : i32
      %parallel_loop3A_328 = vector.broadcast %parallel_loop3A_327 : i32 to vector<16xi32>
      %parallel_loop3A_329 = arith.muli %parallel_loop3A_326, %parallel_loop3A_328 : vector<16xi32>
      %parallel_loop3A_330 = arith.constant 10 : i32
      %parallel_loop3A_331 = arith.addi %parallel_loop3A_330, %parallel_loop3A_235 : i32
      %parallel_loop3A_332 = vector.broadcast %parallel_loop3A_331 : i32 to vector<16xi32>
      %parallel_loop3A_333 = arith.addi %parallel_loop3A_329, %parallel_loop3A_332 : vector<16xi32>
      %parallel_loop3A_334 = tpu.vector_load_idx %arg6[%parallel_loop3A_333] : memref<20224xi32, #tpu.memory_space<vmem>>[vector<16xi32>], vector<16xi32>,
      %parallel_loop3A_335 = tpu.iota {dimensions = array<i32: 0>} : vector<16xi32>
      %parallel_loop3A_336 = arith.constant 16 : i32
      %parallel_loop3A_337 = vector.broadcast %parallel_loop3A_336 : i32 to vector<16xi32>
      %parallel_loop3A_338 = arith.muli %parallel_loop3A_335, %parallel_loop3A_337 : vector<16xi32>
      %parallel_loop3A_339 = arith.constant 11 : i32
      %parallel_loop3A_340 = arith.addi %parallel_loop3A_339, %parallel_loop3A_235 : i32
      %parallel_loop3A_341 = vector.broadcast %parallel_loop3A_340 : i32 to vector<16xi32>
      %parallel_loop3A_342 = arith.addi %parallel_loop3A_338, %parallel_loop3A_341 : vector<16xi32>
      %parallel_loop3A_343 = tpu.vector_load_idx %arg6[%parallel_loop3A_342] : memref<20224xi32, #tpu.memory_space<vmem>>[vector<16xi32>], vector<16xi32>,
      %parallel_loop3A_344 = tpu.iota {dimensions = array<i32: 0>} : vector<16xi32>
      %parallel_loop3A_345 = arith.constant 16 : i32
      %parallel_loop3A_346 = vector.broadcast %parallel_loop3A_345 : i32 to vector<16xi32>
      %parallel_loop3A_347 = arith.muli %parallel_loop3A_344, %parallel_loop3A_346 : vector<16xi32>
      %parallel_loop3A_348 = arith.constant 12 : i32
      %parallel_loop3A_349 = arith.addi %parallel_loop3A_348, %parallel_loop3A_235 : i32
      %parallel_loop3A_350 = vector.broadcast %parallel_loop3A_349 : i32 to vector<16xi32>
      %parallel_loop3A_351 = arith.addi %parallel_loop3A_347, %parallel_loop3A_350 : vector<16xi32>
      %parallel_loop3A_352 = tpu.vector_load_idx %arg6[%parallel_loop3A_351] : memref<20224xi32, #tpu.memory_space<vmem>>[vector<16xi32>], vector<16xi32>,
      %parallel_loop3A_353 = tpu.iota {dimensions = array<i32: 0>} : vector<16xi32>
      %parallel_loop3A_354 = arith.constant 16 : i32
      %parallel_loop3A_355 = vector.broadcast %parallel_loop3A_354 : i32 to vector<16xi32>
      %parallel_loop3A_356 = arith.muli %parallel_loop3A_353, %parallel_loop3A_355 : vector<16xi32>
      %parallel_loop3A_357 = arith.constant 13 : i32
      %parallel_loop3A_358 = arith.addi %parallel_loop3A_357, %parallel_loop3A_235 : i32
      %parallel_loop3A_359 = vector.broadcast %parallel_loop3A_358 : i32 to vector<16xi32>
      %parallel_loop3A_360 = arith.addi %parallel_loop3A_356, %parallel_loop3A_359 : vector<16xi32>
      %parallel_loop3A_361 = tpu.vector_load_idx %arg6[%parallel_loop3A_360] : memref<20224xi32, #tpu.memory_space<vmem>>[vector<16xi32>], vector<16xi32>,
      %parallel_loop3A_362 = tpu.iota {dimensions = array<i32: 0>} : vector<16xi32>
      %parallel_loop3A_363 = arith.constant 16 : i32
      %parallel_loop3A_364 = vector.broadcast %parallel_loop3A_363 : i32 to vector<16xi32>
      %parallel_loop3A_365 = arith.muli %parallel_loop3A_362, %parallel_loop3A_364 : vector<16xi32>
      %parallel_loop3A_366 = arith.constant 14 : i32
      %parallel_loop3A_367 = arith.addi %parallel_loop3A_366, %parallel_loop3A_235 : i32
      %parallel_loop3A_368 = vector.broadcast %parallel_loop3A_367 : i32 to vector<16xi32>
      %parallel_loop3A_369 = arith.addi %parallel_loop3A_365, %parallel_loop3A_368 : vector<16xi32>
      %parallel_loop3A_370 = tpu.vector_load_idx %arg6[%parallel_loop3A_369] : memref<20224xi32, #tpu.memory_space<vmem>>[vector<16xi32>], vector<16xi32>,
      %parallel_loop3A_371 = tpu.iota {dimensions = array<i32: 0>} : vector<16xi32>
      %parallel_loop3A_372 = arith.constant 16 : i32
      %parallel_loop3A_373 = vector.broadcast %parallel_loop3A_372 : i32 to vector<16xi32>
      %parallel_loop3A_374 = arith.muli %parallel_loop3A_371, %parallel_loop3A_373 : vector<16xi32>
      %parallel_loop3A_375 = arith.constant 15 : i32
      %parallel_loop3A_376 = arith.addi %parallel_loop3A_375, %parallel_loop3A_235 : i32
      %parallel_loop3A_377 = vector.broadcast %parallel_loop3A_376 : i32 to vector<16xi32>
      %parallel_loop3A_378 = arith.addi %parallel_loop3A_374, %parallel_loop3A_377 : vector<16xi32>
      %parallel_loop3A_379 = tpu.vector_load_idx %arg6[%parallel_loop3A_378] : memref<20224xi32, #tpu.memory_space<vmem>>[vector<16xi32>], vector<16xi32>,
      %parallel_loop3A_380 = arith.constant 0 : i32
      %parallel_loop3A_381 = vector.broadcast %parallel_loop3A_380 : i32 to vector<16xi32>
      %parallel_loop3A_382 = tpu.vector_load_idx %arg5[%parallel_loop3A_381, %parallel_loop3A_244] : memref<8x10000xi32, #tpu.memory_space<vmem>>[vector<16xi32>, vector<16xi32>], vector<16xi32>,
      %parallel_loop3A_383 = tpu.vector_load_idx %arg5[%parallel_loop3A_381, %parallel_loop3A_253] : memref<8x10000xi32, #tpu.memory_space<vmem>>[vector<16xi32>, vector<16xi32>], vector<16xi32>,
      %parallel_loop3A_384 = arith.addi %parallel_loop3A_382, %parallel_loop3A_383 : vector<16xi32>
      %parallel_loop3A_385 = tpu.vector_load_idx %arg5[%parallel_loop3A_381, %parallel_loop3A_262] : memref<8x10000xi32, #tpu.memory_space<vmem>>[vector<16xi32>, vector<16xi32>], vector<16xi32>,
      %parallel_loop3A_386 = arith.addi %parallel_loop3A_384, %parallel_loop3A_385 : vector<16xi32>
      %parallel_loop3A_387 = tpu.vector_load_idx %arg5[%parallel_loop3A_381, %parallel_loop3A_271] : memref<8x10000xi32, #tpu.memory_space<vmem>>[vector<16xi32>, vector<16xi32>], vector<16xi32>,
      %parallel_loop3A_388 = arith.addi %parallel_loop3A_386, %parallel_loop3A_387 : vector<16xi32>
      %parallel_loop3A_389 = tpu.vector_load_idx %arg5[%parallel_loop3A_381, %parallel_loop3A_280] : memref<8x10000xi32, #tpu.memory_space<vmem>>[vector<16xi32>, vector<16xi32>], vector<16xi32>,
      %parallel_loop3A_390 = arith.addi %parallel_loop3A_388, %parallel_loop3A_389 : vector<16xi32>
      %parallel_loop3A_391 = tpu.vector_load_idx %arg5[%parallel_loop3A_381, %parallel_loop3A_289] : memref<8x10000xi32, #tpu.memory_space<vmem>>[vector<16xi32>, vector<16xi32>], vector<16xi32>,
      %parallel_loop3A_392 = arith.addi %parallel_loop3A_390, %parallel_loop3A_391 : vector<16xi32>
      %parallel_loop3A_393 = tpu.vector_load_idx %arg5[%parallel_loop3A_381, %parallel_loop3A_298] : memref<8x10000xi32, #tpu.memory_space<vmem>>[vector<16xi32>, vector<16xi32>], vector<16xi32>,
      %parallel_loop3A_394 = arith.addi %parallel_loop3A_392, %parallel_loop3A_393 : vector<16xi32>
      %parallel_loop3A_395 = tpu.vector_load_idx %arg5[%parallel_loop3A_381, %parallel_loop3A_307] : memref<8x10000xi32, #tpu.memory_space<vmem>>[vector<16xi32>, vector<16xi32>], vector<16xi32>,
      %parallel_loop3A_396 = arith.addi %parallel_loop3A_394, %parallel_loop3A_395 : vector<16xi32>
      %parallel_loop3A_397 = tpu.vector_load_idx %arg5[%parallel_loop3A_381, %parallel_loop3A_316] : memref<8x10000xi32, #tpu.memory_space<vmem>>[vector<16xi32>, vector<16xi32>], vector<16xi32>,
      %parallel_loop3A_398 = arith.addi %parallel_loop3A_396, %parallel_loop3A_397 : vector<16xi32>
      %parallel_loop3A_399 = tpu.vector_load_idx %arg5[%parallel_loop3A_381, %parallel_loop3A_325] : memref<8x10000xi32, #tpu.memory_space<vmem>>[vector<16xi32>, vector<16xi32>], vector<16xi32>,
      %parallel_loop3A_400 = arith.addi %parallel_loop3A_398, %parallel_loop3A_399 : vector<16xi32>
      %parallel_loop3A_401 = tpu.vector_load_idx %arg5[%parallel_loop3A_381, %parallel_loop3A_334] : memref<8x10000xi32, #tpu.memory_space<vmem>>[vector<16xi32>, vector<16xi32>], vector<16xi32>,
      %parallel_loop3A_402 = arith.addi %parallel_loop3A_400, %parallel_loop3A_401 : vector<16xi32>
      %parallel_loop3A_403 = tpu.vector_load_idx %arg5[%parallel_loop3A_381, %parallel_loop3A_343] : memref<8x10000xi32, #tpu.memory_space<vmem>>[vector<16xi32>, vector<16xi32>], vector<16xi32>,
      %parallel_loop3A_404 = arith.addi %parallel_loop3A_402, %parallel_loop3A_403 : vector<16xi32>
      %parallel_loop3A_405 = tpu.vector_load_idx %arg5[%parallel_loop3A_381, %parallel_loop3A_352] : memref<8x10000xi32, #tpu.memory_space<vmem>>[vector<16xi32>, vector<16xi32>], vector<16xi32>,
      %parallel_loop3A_406 = arith.addi %parallel_loop3A_404, %parallel_loop3A_405 : vector<16xi32>
      %parallel_loop3A_407 = tpu.vector_load_idx %arg5[%parallel_loop3A_381, %parallel_loop3A_361] : memref<8x10000xi32, #tpu.memory_space<vmem>>[vector<16xi32>, vector<16xi32>], vector<16xi32>,
      %parallel_loop3A_408 = arith.addi %parallel_loop3A_406, %parallel_loop3A_407 : vector<16xi32>
      %parallel_loop3A_409 = tpu.vector_load_idx %arg5[%parallel_loop3A_381, %parallel_loop3A_370] : memref<8x10000xi32, #tpu.memory_space<vmem>>[vector<16xi32>, vector<16xi32>], vector<16xi32>,
      %parallel_loop3A_410 = arith.addi %parallel_loop3A_408, %parallel_loop3A_409 : vector<16xi32>
      %parallel_loop3A_411 = tpu.vector_load_idx %arg5[%parallel_loop3A_381, %parallel_loop3A_379] : memref<8x10000xi32, #tpu.memory_space<vmem>>[vector<16xi32>, vector<16xi32>], vector<16xi32>,
      %parallel_loop3A_412 = arith.addi %parallel_loop3A_410, %parallel_loop3A_411 : vector<16xi32>
      %parallel_loop3A_413 = arith.constant 65535 : i32
      %parallel_loop3A_414 = vector.broadcast %parallel_loop3A_413 : i32 to vector<16xi32>
      %parallel_loop3A_415 = arith.andi %parallel_loop3A_412, %parallel_loop3A_414 : vector<16xi32>
      %parallel_loop3A_416 = arith.sitofp %parallel_loop3A_415 : vector<16xi32> to vector<16xf32>
      %parallel_loop3A_417 = arith.constant 0.001953125 : f32
      %parallel_loop3A_418 = vector.broadcast %parallel_loop3A_417 : f32 to vector<16xf32>
      %parallel_loop3A_419 = arith.mulf %parallel_loop3A_416, %parallel_loop3A_418 : vector<16xf32>
      %parallel_loop3A_420 = arith.constant 1.600000e+01 : f32
      %parallel_loop3A_421 = vector.broadcast %parallel_loop3A_420 : f32 to vector<16xf32>
      %parallel_loop3A_422 = arith.subf %parallel_loop3A_419, %parallel_loop3A_421 : vector<16xf32>
      %parallel_loop3A_423 = arith.constant 16 : i32
      %parallel_loop3A_424 = vector.broadcast %parallel_loop3A_423 : i32 to vector<16xi32>
      %parallel_loop3A_425 = arith.shrsi %parallel_loop3A_412, %parallel_loop3A_424 : vector<16xi32>
      %parallel_loop3A_426 = arith.sitofp %parallel_loop3A_425 : vector<16xi32> to vector<16xf32>
      %parallel_loop3A_427 = arith.constant 0.001953125 : f32
      %parallel_loop3A_428 = vector.broadcast %parallel_loop3A_427 : f32 to vector<16xf32>
      %parallel_loop3A_429 = arith.mulf %parallel_loop3A_426, %parallel_loop3A_428 : vector<16xf32>
      %parallel_loop3A_430 = arith.constant 1.600000e+01 : f32
      %parallel_loop3A_431 = vector.broadcast %parallel_loop3A_430 : f32 to vector<16xf32>
      %parallel_loop3A_432 = arith.subf %parallel_loop3A_429, %parallel_loop3A_431 : vector<16xf32>
      %parallel_loop3A_433 = arith.constant 0 : i32
      %parallel_loop3A_434 = arith.index_cast %parallel_loop3A_433 : i32 to index
      %parallel_loop3A_435 = arith.index_cast %parallel_loop3A_233 : i32 to index
      %parallel_loop3A_436 = tpu.vector_load %arg5[%parallel_loop3A_434, %parallel_loop3A_435] {strides = array<i32>} : memref<8x10000xi32, #tpu.memory_space<vmem>>, vector<16xi32>,
      %parallel_loop3A_437 = arith.constant 65535 : i32
      %parallel_loop3A_438 = vector.broadcast %parallel_loop3A_437 : i32 to vector<16xi32>
      %parallel_loop3A_439 = arith.andi %parallel_loop3A_436, %parallel_loop3A_438 : vector<16xi32>
      %parallel_loop3A_440 = arith.sitofp %parallel_loop3A_439 : vector<16xi32> to vector<16xf32>
      %parallel_loop3A_441 = arith.constant 0.001953125 : f32
      %parallel_loop3A_442 = vector.broadcast %parallel_loop3A_441 : f32 to vector<16xf32>
      %parallel_loop3A_443 = arith.mulf %parallel_loop3A_440, %parallel_loop3A_442 : vector<16xf32>
      %parallel_loop3A_444 = arith.constant 1.000000e+00 : f32
      %parallel_loop3A_445 = vector.broadcast %parallel_loop3A_444 : f32 to vector<16xf32>
      %parallel_loop3A_446 = arith.subf %parallel_loop3A_443, %parallel_loop3A_445 : vector<16xf32>
      %parallel_loop3A_447 = arith.constant 16 : i32
      %parallel_loop3A_448 = vector.broadcast %parallel_loop3A_447 : i32 to vector<16xi32>
      %parallel_loop3A_449 = arith.shrsi %parallel_loop3A_436, %parallel_loop3A_448 : vector<16xi32>
      %parallel_loop3A_450 = arith.sitofp %parallel_loop3A_449 : vector<16xi32> to vector<16xf32>
      %parallel_loop3A_451 = arith.constant 0.001953125 : f32
      %parallel_loop3A_452 = vector.broadcast %parallel_loop3A_451 : f32 to vector<16xf32>
      %parallel_loop3A_453 = arith.mulf %parallel_loop3A_450, %parallel_loop3A_452 : vector<16xf32>
      %parallel_loop3A_454 = arith.constant 1.000000e+00 : f32
      %parallel_loop3A_455 = vector.broadcast %parallel_loop3A_454 : f32 to vector<16xf32>
      %parallel_loop3A_456 = arith.subf %parallel_loop3A_453, %parallel_loop3A_455 : vector<16xf32>
      %parallel_loop3A_457 = arith.mulf %parallel_loop3A_456, %parallel_loop3A_422 : vector<16xf32>
      %parallel_loop3A_458 = arith.mulf %parallel_loop3A_446, %parallel_loop3A_432 : vector<16xf32>
      %parallel_loop3A_459 = arith.subf %parallel_loop3A_457, %parallel_loop3A_458 : vector<16xf32>
      %parallel_loop3A_460 = arith.constant 1.250000e-01 : f32
      %parallel_loop3A_461 = vector.broadcast %parallel_loop3A_460 : f32 to vector<16xf32>
      %parallel_loop3A_462 = arith.mulf %parallel_loop3A_461, %parallel_loop3A_459 : vector<16xf32>
      %parallel_loop3A_463 = arith.index_cast %parallel_loop3A_232 : i32 to index
      %parallel_loop3A_464 = tpu.vector_load %arg7[%parallel_loop3A_463] {strides = array<i32>} : memref<1264xf32, #tpu.memory_space<vmem>>, vector<16xf32>,
      tpu.vector_store %arg7[%parallel_loop3A_463], %parallel_loop3A_462 {strides = array<i32>} : memref<1264xf32, #tpu.memory_space<vmem>>, vector<16xf32>,
      %parallel_loop3A_465 = arith.constant 1 : i32
      %parallel_loop3A_466 = vector.broadcast %parallel_loop3A_465 : i32 to vector<16xi32>
      %parallel_loop3A_467 = tpu.vector_load_idx %arg5[%parallel_loop3A_466, %parallel_loop3A_244] : memref<8x10000xi32, #tpu.memory_space<vmem>>[vector<16xi32>, vector<16xi32>], vector<16xi32>,
      %parallel_loop3A_468 = tpu.vector_load_idx %arg5[%parallel_loop3A_466, %parallel_loop3A_253] : memref<8x10000xi32, #tpu.memory_space<vmem>>[vector<16xi32>, vector<16xi32>], vector<16xi32>,
      %parallel_loop3A_469 = arith.addi %parallel_loop3A_467, %parallel_loop3A_468 : vector<16xi32>
      %parallel_loop3A_470 = tpu.vector_load_idx %arg5[%parallel_loop3A_466, %parallel_loop3A_262] : memref<8x10000xi32, #tpu.memory_space<vmem>>[vector<16xi32>, vector<16xi32>], vector<16xi32>,
      %parallel_loop3A_471 = arith.addi %parallel_loop3A_469, %parallel_loop3A_470 : vector<16xi32>
      %parallel_loop3A_472 = tpu.vector_load_idx %arg5[%parallel_loop3A_466, %parallel_loop3A_271] : memref<8x10000xi32, #tpu.memory_space<vmem>>[vector<16xi32>, vector<16xi32>], vector<16xi32>,
      %parallel_loop3A_473 = arith.addi %parallel_loop3A_471, %parallel_loop3A_472 : vector<16xi32>
      %parallel_loop3A_474 = tpu.vector_load_idx %arg5[%parallel_loop3A_466, %parallel_loop3A_280] : memref<8x10000xi32, #tpu.memory_space<vmem>>[vector<16xi32>, vector<16xi32>], vector<16xi32>,
      %parallel_loop3A_475 = arith.addi %parallel_loop3A_473, %parallel_loop3A_474 : vector<16xi32>
      %parallel_loop3A_476 = tpu.vector_load_idx %arg5[%parallel_loop3A_466, %parallel_loop3A_289] : memref<8x10000xi32, #tpu.memory_space<vmem>>[vector<16xi32>, vector<16xi32>], vector<16xi32>,
      %parallel_loop3A_477 = arith.addi %parallel_loop3A_475, %parallel_loop3A_476 : vector<16xi32>
      %parallel_loop3A_478 = tpu.vector_load_idx %arg5[%parallel_loop3A_466, %parallel_loop3A_298] : memref<8x10000xi32, #tpu.memory_space<vmem>>[vector<16xi32>, vector<16xi32>], vector<16xi32>,
      %parallel_loop3A_479 = arith.addi %parallel_loop3A_477, %parallel_loop3A_478 : vector<16xi32>
      %parallel_loop3A_480 = tpu.vector_load_idx %arg5[%parallel_loop3A_466, %parallel_loop3A_307] : memref<8x10000xi32, #tpu.memory_space<vmem>>[vector<16xi32>, vector<16xi32>], vector<16xi32>,
      %parallel_loop3A_481 = arith.addi %parallel_loop3A_479, %parallel_loop3A_480 : vector<16xi32>
      %parallel_loop3A_482 = tpu.vector_load_idx %arg5[%parallel_loop3A_466, %parallel_loop3A_316] : memref<8x10000xi32, #tpu.memory_space<vmem>>[vector<16xi32>, vector<16xi32>], vector<16xi32>,
      %parallel_loop3A_483 = arith.addi %parallel_loop3A_481, %parallel_loop3A_482 : vector<16xi32>
      %parallel_loop3A_484 = tpu.vector_load_idx %arg5[%parallel_loop3A_466, %parallel_loop3A_325] : memref<8x10000xi32, #tpu.memory_space<vmem>>[vector<16xi32>, vector<16xi32>], vector<16xi32>,
      %parallel_loop3A_485 = arith.addi %parallel_loop3A_483, %parallel_loop3A_484 : vector<16xi32>
      %parallel_loop3A_486 = tpu.vector_load_idx %arg5[%parallel_loop3A_466, %parallel_loop3A_334] : memref<8x10000xi32, #tpu.memory_space<vmem>>[vector<16xi32>, vector<16xi32>], vector<16xi32>,
      %parallel_loop3A_487 = arith.addi %parallel_loop3A_485, %parallel_loop3A_486 : vector<16xi32>
      %parallel_loop3A_488 = tpu.vector_load_idx %arg5[%parallel_loop3A_466, %parallel_loop3A_343] : memref<8x10000xi32, #tpu.memory_space<vmem>>[vector<16xi32>, vector<16xi32>], vector<16xi32>,
      %parallel_loop3A_489 = arith.addi %parallel_loop3A_487, %parallel_loop3A_488 : vector<16xi32>
      %parallel_loop3A_490 = tpu.vector_load_idx %arg5[%parallel_loop3A_466, %parallel_loop3A_352] : memref<8x10000xi32, #tpu.memory_space<vmem>>[vector<16xi32>, vector<16xi32>], vector<16xi32>,
      %parallel_loop3A_491 = arith.addi %parallel_loop3A_489, %parallel_loop3A_490 : vector<16xi32>
      %parallel_loop3A_492 = tpu.vector_load_idx %arg5[%parallel_loop3A_466, %parallel_loop3A_361] : memref<8x10000xi32, #tpu.memory_space<vmem>>[vector<16xi32>, vector<16xi32>], vector<16xi32>,
      %parallel_loop3A_493 = arith.addi %parallel_loop3A_491, %parallel_loop3A_492 : vector<16xi32>
      %parallel_loop3A_494 = tpu.vector_load_idx %arg5[%parallel_loop3A_466, %parallel_loop3A_370] : memref<8x10000xi32, #tpu.memory_space<vmem>>[vector<16xi32>, vector<16xi32>], vector<16xi32>,
      %parallel_loop3A_495 = arith.addi %parallel_loop3A_493, %parallel_loop3A_494 : vector<16xi32>
      %parallel_loop3A_496 = tpu.vector_load_idx %arg5[%parallel_loop3A_466, %parallel_loop3A_379] : memref<8x10000xi32, #tpu.memory_space<vmem>>[vector<16xi32>, vector<16xi32>], vector<16xi32>,
      %parallel_loop3A_497 = arith.addi %parallel_loop3A_495, %parallel_loop3A_496 : vector<16xi32>
      %parallel_loop3A_498 = arith.constant 65535 : i32
      %parallel_loop3A_499 = vector.broadcast %parallel_loop3A_498 : i32 to vector<16xi32>
      %parallel_loop3A_500 = arith.andi %parallel_loop3A_497, %parallel_loop3A_499 : vector<16xi32>
      %parallel_loop3A_501 = arith.sitofp %parallel_loop3A_500 : vector<16xi32> to vector<16xf32>
      %parallel_loop3A_502 = arith.constant 0.001953125 : f32
      %parallel_loop3A_503 = vector.broadcast %parallel_loop3A_502 : f32 to vector<16xf32>
      %parallel_loop3A_504 = arith.mulf %parallel_loop3A_501, %parallel_loop3A_503 : vector<16xf32>
      %parallel_loop3A_505 = arith.constant 1.600000e+01 : f32
      %parallel_loop3A_506 = vector.broadcast %parallel_loop3A_505 : f32 to vector<16xf32>
      %parallel_loop3A_507 = arith.subf %parallel_loop3A_504, %parallel_loop3A_506 : vector<16xf32>
      %parallel_loop3A_508 = arith.constant 16 : i32
      %parallel_loop3A_509 = vector.broadcast %parallel_loop3A_508 : i32 to vector<16xi32>
      %parallel_loop3A_510 = arith.shrsi %parallel_loop3A_497, %parallel_loop3A_509 : vector<16xi32>
      %parallel_loop3A_511 = arith.sitofp %parallel_loop3A_510 : vector<16xi32> to vector<16xf32>
      %parallel_loop3A_512 = arith.constant 0.001953125 : f32
      %parallel_loop3A_513 = vector.broadcast %parallel_loop3A_512 : f32 to vector<16xf32>
      %parallel_loop3A_514 = arith.mulf %parallel_loop3A_511, %parallel_loop3A_513 : vector<16xf32>
      %parallel_loop3A_515 = arith.constant 1.600000e+01 : f32
      %parallel_loop3A_516 = vector.broadcast %parallel_loop3A_515 : f32 to vector<16xf32>
      %parallel_loop3A_517 = arith.subf %parallel_loop3A_514, %parallel_loop3A_516 : vector<16xf32>
      %parallel_loop3A_518 = arith.constant 1 : i32
      %parallel_loop3A_519 = arith.index_cast %parallel_loop3A_518 : i32 to index
      %parallel_loop3A_520 = arith.index_cast %parallel_loop3A_233 : i32 to index
      %parallel_loop3A_521 = tpu.vector_load %arg5[%parallel_loop3A_519, %parallel_loop3A_520] {strides = array<i32>} : memref<8x10000xi32, #tpu.memory_space<vmem>>, vector<16xi32>,
      %parallel_loop3A_522 = arith.constant 65535 : i32
      %parallel_loop3A_523 = vector.broadcast %parallel_loop3A_522 : i32 to vector<16xi32>
      %parallel_loop3A_524 = arith.andi %parallel_loop3A_521, %parallel_loop3A_523 : vector<16xi32>
      %parallel_loop3A_525 = arith.sitofp %parallel_loop3A_524 : vector<16xi32> to vector<16xf32>
      %parallel_loop3A_526 = arith.constant 0.001953125 : f32
      %parallel_loop3A_527 = vector.broadcast %parallel_loop3A_526 : f32 to vector<16xf32>
      %parallel_loop3A_528 = arith.mulf %parallel_loop3A_525, %parallel_loop3A_527 : vector<16xf32>
      %parallel_loop3A_529 = arith.constant 1.000000e+00 : f32
      %parallel_loop3A_530 = vector.broadcast %parallel_loop3A_529 : f32 to vector<16xf32>
      %parallel_loop3A_531 = arith.subf %parallel_loop3A_528, %parallel_loop3A_530 : vector<16xf32>
      %parallel_loop3A_532 = arith.constant 16 : i32
      %parallel_loop3A_533 = vector.broadcast %parallel_loop3A_532 : i32 to vector<16xi32>
      %parallel_loop3A_534 = arith.shrsi %parallel_loop3A_521, %parallel_loop3A_533 : vector<16xi32>
      %parallel_loop3A_535 = arith.sitofp %parallel_loop3A_534 : vector<16xi32> to vector<16xf32>
      %parallel_loop3A_536 = arith.constant 0.001953125 : f32
      %parallel_loop3A_537 = vector.broadcast %parallel_loop3A_536 : f32 to vector<16xf32>
      %parallel_loop3A_538 = arith.mulf %parallel_loop3A_535, %parallel_loop3A_537 : vector<16xf32>
      %parallel_loop3A_539 = arith.constant 1.000000e+00 : f32
      %parallel_loop3A_540 = vector.broadcast %parallel_loop3A_539 : f32 to vector<16xf32>
      %parallel_loop3A_541 = arith.subf %parallel_loop3A_538, %parallel_loop3A_540 : vector<16xf32>
      %parallel_loop3A_542 = arith.mulf %parallel_loop3A_541, %parallel_loop3A_507 : vector<16xf32>
      %parallel_loop3A_543 = arith.mulf %parallel_loop3A_531, %parallel_loop3A_517 : vector<16xf32>
      %parallel_loop3A_544 = arith.subf %parallel_loop3A_542, %parallel_loop3A_543 : vector<16xf32>
      %parallel_loop3A_545 = arith.constant 1.250000e-01 : f32
      %parallel_loop3A_546 = vector.broadcast %parallel_loop3A_545 : f32 to vector<16xf32>
      %parallel_loop3A_547 = arith.mulf %parallel_loop3A_546, %parallel_loop3A_544 : vector<16xf32>
      %parallel_loop3A_548 = arith.index_cast %parallel_loop3A_232 : i32 to index
      %parallel_loop3A_549 = tpu.vector_load %arg8[%parallel_loop3A_548] {strides = array<i32>} : memref<1264xf32, #tpu.memory_space<vmem>>, vector<16xf32>,
      tpu.vector_store %arg8[%parallel_loop3A_548], %parallel_loop3A_547 {strides = array<i32>} : memref<1264xf32, #tpu.memory_space<vmem>>, vector<16xf32>,
      %parallel_loop3A_550 = arith.constant 2 : i32
      %parallel_loop3A_551 = vector.broadcast %parallel_loop3A_550 : i32 to vector<16xi32>
      %parallel_loop3A_552 = tpu.vector_load_idx %arg5[%parallel_loop3A_551, %parallel_loop3A_244] : memref<8x10000xi32, #tpu.memory_space<vmem>>[vector<16xi32>, vector<16xi32>], vector<16xi32>,
      %parallel_loop3A_553 = tpu.vector_load_idx %arg5[%parallel_loop3A_551, %parallel_loop3A_253] : memref<8x10000xi32, #tpu.memory_space<vmem>>[vector<16xi32>, vector<16xi32>], vector<16xi32>,
      %parallel_loop3A_554 = arith.addi %parallel_loop3A_552, %parallel_loop3A_553 : vector<16xi32>
      %parallel_loop3A_555 = tpu.vector_load_idx %arg5[%parallel_loop3A_551, %parallel_loop3A_262] : memref<8x10000xi32, #tpu.memory_space<vmem>>[vector<16xi32>, vector<16xi32>], vector<16xi32>,
      %parallel_loop3A_556 = arith.addi %parallel_loop3A_554, %parallel_loop3A_555 : vector<16xi32>
      %parallel_loop3A_557 = tpu.vector_load_idx %arg5[%parallel_loop3A_551, %parallel_loop3A_271] : memref<8x10000xi32, #tpu.memory_space<vmem>>[vector<16xi32>, vector<16xi32>], vector<16xi32>,
      %parallel_loop3A_558 = arith.addi %parallel_loop3A_556, %parallel_loop3A_557 : vector<16xi32>
      %parallel_loop3A_559 = tpu.vector_load_idx %arg5[%parallel_loop3A_551, %parallel_loop3A_280] : memref<8x10000xi32, #tpu.memory_space<vmem>>[vector<16xi32>, vector<16xi32>], vector<16xi32>,
      %parallel_loop3A_560 = arith.addi %parallel_loop3A_558, %parallel_loop3A_559 : vector<16xi32>
      %parallel_loop3A_561 = tpu.vector_load_idx %arg5[%parallel_loop3A_551, %parallel_loop3A_289] : memref<8x10000xi32, #tpu.memory_space<vmem>>[vector<16xi32>, vector<16xi32>], vector<16xi32>,
      %parallel_loop3A_562 = arith.addi %parallel_loop3A_560, %parallel_loop3A_561 : vector<16xi32>
      %parallel_loop3A_563 = tpu.vector_load_idx %arg5[%parallel_loop3A_551, %parallel_loop3A_298] : memref<8x10000xi32, #tpu.memory_space<vmem>>[vector<16xi32>, vector<16xi32>], vector<16xi32>,
      %parallel_loop3A_564 = arith.addi %parallel_loop3A_562, %parallel_loop3A_563 : vector<16xi32>
      %parallel_loop3A_565 = tpu.vector_load_idx %arg5[%parallel_loop3A_551, %parallel_loop3A_307] : memref<8x10000xi32, #tpu.memory_space<vmem>>[vector<16xi32>, vector<16xi32>], vector<16xi32>,
      %parallel_loop3A_566 = arith.addi %parallel_loop3A_564, %parallel_loop3A_565 : vector<16xi32>
      %parallel_loop3A_567 = tpu.vector_load_idx %arg5[%parallel_loop3A_551, %parallel_loop3A_316] : memref<8x10000xi32, #tpu.memory_space<vmem>>[vector<16xi32>, vector<16xi32>], vector<16xi32>,
      %parallel_loop3A_568 = arith.addi %parallel_loop3A_566, %parallel_loop3A_567 : vector<16xi32>
      %parallel_loop3A_569 = tpu.vector_load_idx %arg5[%parallel_loop3A_551, %parallel_loop3A_325] : memref<8x10000xi32, #tpu.memory_space<vmem>>[vector<16xi32>, vector<16xi32>], vector<16xi32>,
      %parallel_loop3A_570 = arith.addi %parallel_loop3A_568, %parallel_loop3A_569 : vector<16xi32>
      %parallel_loop3A_571 = tpu.vector_load_idx %arg5[%parallel_loop3A_551, %parallel_loop3A_334] : memref<8x10000xi32, #tpu.memory_space<vmem>>[vector<16xi32>, vector<16xi32>], vector<16xi32>,
      %parallel_loop3A_572 = arith.addi %parallel_loop3A_570, %parallel_loop3A_571 : vector<16xi32>
      %parallel_loop3A_573 = tpu.vector_load_idx %arg5[%parallel_loop3A_551, %parallel_loop3A_343] : memref<8x10000xi32, #tpu.memory_space<vmem>>[vector<16xi32>, vector<16xi32>], vector<16xi32>,
      %parallel_loop3A_574 = arith.addi %parallel_loop3A_572, %parallel_loop3A_573 : vector<16xi32>
      %parallel_loop3A_575 = tpu.vector_load_idx %arg5[%parallel_loop3A_551, %parallel_loop3A_352] : memref<8x10000xi32, #tpu.memory_space<vmem>>[vector<16xi32>, vector<16xi32>], vector<16xi32>,
      %parallel_loop3A_576 = arith.addi %parallel_loop3A_574, %parallel_loop3A_575 : vector<16xi32>
      %parallel_loop3A_577 = tpu.vector_load_idx %arg5[%parallel_loop3A_551, %parallel_loop3A_361] : memref<8x10000xi32, #tpu.memory_space<vmem>>[vector<16xi32>, vector<16xi32>], vector<16xi32>,
      %parallel_loop3A_578 = arith.addi %parallel_loop3A_576, %parallel_loop3A_577 : vector<16xi32>
      %parallel_loop3A_579 = tpu.vector_load_idx %arg5[%parallel_loop3A_551, %parallel_loop3A_370] : memref<8x10000xi32, #tpu.memory_space<vmem>>[vector<16xi32>, vector<16xi32>], vector<16xi32>,
      %parallel_loop3A_580 = arith.addi %parallel_loop3A_578, %parallel_loop3A_579 : vector<16xi32>
      %parallel_loop3A_581 = tpu.vector_load_idx %arg5[%parallel_loop3A_551, %parallel_loop3A_379] : memref<8x10000xi32, #tpu.memory_space<vmem>>[vector<16xi32>, vector<16xi32>], vector<16xi32>,
      %parallel_loop3A_582 = arith.addi %parallel_loop3A_580, %parallel_loop3A_581 : vector<16xi32>
      %parallel_loop3A_583 = arith.constant 65535 : i32
      %parallel_loop3A_584 = vector.broadcast %parallel_loop3A_583 : i32 to vector<16xi32>
      %parallel_loop3A_585 = arith.andi %parallel_loop3A_582, %parallel_loop3A_584 : vector<16xi32>
      %parallel_loop3A_586 = arith.sitofp %parallel_loop3A_585 : vector<16xi32> to vector<16xf32>
      %parallel_loop3A_587 = arith.constant 0.001953125 : f32
      %parallel_loop3A_588 = vector.broadcast %parallel_loop3A_587 : f32 to vector<16xf32>
      %parallel_loop3A_589 = arith.mulf %parallel_loop3A_586, %parallel_loop3A_588 : vector<16xf32>
      %parallel_loop3A_590 = arith.constant 1.600000e+01 : f32
      %parallel_loop3A_591 = vector.broadcast %parallel_loop3A_590 : f32 to vector<16xf32>
      %parallel_loop3A_592 = arith.subf %parallel_loop3A_589, %parallel_loop3A_591 : vector<16xf32>
      %parallel_loop3A_593 = arith.constant 16 : i32
      %parallel_loop3A_594 = vector.broadcast %parallel_loop3A_593 : i32 to vector<16xi32>
      %parallel_loop3A_595 = arith.shrsi %parallel_loop3A_582, %parallel_loop3A_594 : vector<16xi32>
      %parallel_loop3A_596 = arith.sitofp %parallel_loop3A_595 : vector<16xi32> to vector<16xf32>
      %parallel_loop3A_597 = arith.constant 0.001953125 : f32
      %parallel_loop3A_598 = vector.broadcast %parallel_loop3A_597 : f32 to vector<16xf32>
      %parallel_loop3A_599 = arith.mulf %parallel_loop3A_596, %parallel_loop3A_598 : vector<16xf32>
      %parallel_loop3A_600 = arith.constant 1.600000e+01 : f32
      %parallel_loop3A_601 = vector.broadcast %parallel_loop3A_600 : f32 to vector<16xf32>
      %parallel_loop3A_602 = arith.subf %parallel_loop3A_599, %parallel_loop3A_601 : vector<16xf32>
      %parallel_loop3A_603 = arith.constant 2 : i32
      %parallel_loop3A_604 = arith.index_cast %parallel_loop3A_603 : i32 to index
      %parallel_loop3A_605 = arith.index_cast %parallel_loop3A_233 : i32 to index
      %parallel_loop3A_606 = tpu.vector_load %arg5[%parallel_loop3A_604, %parallel_loop3A_605] {strides = array<i32>} : memref<8x10000xi32, #tpu.memory_space<vmem>>, vector<16xi32>,
      %parallel_loop3A_607 = arith.constant 65535 : i32
      %parallel_loop3A_608 = vector.broadcast %parallel_loop3A_607 : i32 to vector<16xi32>
      %parallel_loop3A_609 = arith.andi %parallel_loop3A_606, %parallel_loop3A_608 : vector<16xi32>
      %parallel_loop3A_610 = arith.sitofp %parallel_loop3A_609 : vector<16xi32> to vector<16xf32>
      %parallel_loop3A_611 = arith.constant 0.001953125 : f32
      %parallel_loop3A_612 = vector.broadcast %parallel_loop3A_611 : f32 to vector<16xf32>
      %parallel_loop3A_613 = arith.mulf %parallel_loop3A_610, %parallel_loop3A_612 : vector<16xf32>
      %parallel_loop3A_614 = arith.constant 1.000000e+00 : f32
      %parallel_loop3A_615 = vector.broadcast %parallel_loop3A_614 : f32 to vector<16xf32>
      %parallel_loop3A_616 = arith.subf %parallel_loop3A_613, %parallel_loop3A_615 : vector<16xf32>
      %parallel_loop3A_617 = arith.constant 16 : i32
      %parallel_loop3A_618 = vector.broadcast %parallel_loop3A_617 : i32 to vector<16xi32>
      %parallel_loop3A_619 = arith.shrsi %parallel_loop3A_606, %parallel_loop3A_618 : vector<16xi32>
      %parallel_loop3A_620 = arith.sitofp %parallel_loop3A_619 : vector<16xi32> to vector<16xf32>
      %parallel_loop3A_621 = arith.constant 0.001953125 : f32
      %parallel_loop3A_622 = vector.broadcast %parallel_loop3A_621 : f32 to vector<16xf32>
      %parallel_loop3A_623 = arith.mulf %parallel_loop3A_620, %parallel_loop3A_622 : vector<16xf32>
      %parallel_loop3A_624 = arith.constant 1.000000e+00 : f32
      %parallel_loop3A_625 = vector.broadcast %parallel_loop3A_624 : f32 to vector<16xf32>
      %parallel_loop3A_626 = arith.subf %parallel_loop3A_623, %parallel_loop3A_625 : vector<16xf32>
      %parallel_loop3A_627 = arith.mulf %parallel_loop3A_626, %parallel_loop3A_592 : vector<16xf32>
      %parallel_loop3A_628 = arith.mulf %parallel_loop3A_616, %parallel_loop3A_602 : vector<16xf32>
      %parallel_loop3A_629 = arith.subf %parallel_loop3A_627, %parallel_loop3A_628 : vector<16xf32>
      %parallel_loop3A_630 = arith.constant 1.250000e-01 : f32
      %parallel_loop3A_631 = vector.broadcast %parallel_loop3A_630 : f32 to vector<16xf32>
      %parallel_loop3A_632 = arith.mulf %parallel_loop3A_631, %parallel_loop3A_629 : vector<16xf32>
      %parallel_loop3A_633 = arith.index_cast %parallel_loop3A_232 : i32 to index
      %parallel_loop3A_634 = tpu.vector_load %arg9[%parallel_loop3A_633] {strides = array<i32>} : memref<1264xf32, #tpu.memory_space<vmem>>, vector<16xf32>,
      tpu.vector_store %arg9[%parallel_loop3A_633], %parallel_loop3A_632 {strides = array<i32>} : memref<1264xf32, #tpu.memory_space<vmem>>, vector<16xf32>,
      %parallel_loop3A_635 = arith.constant 3 : i32
      %parallel_loop3A_636 = vector.broadcast %parallel_loop3A_635 : i32 to vector<16xi32>
      %parallel_loop3A_637 = tpu.vector_load_idx %arg5[%parallel_loop3A_636, %parallel_loop3A_244] : memref<8x10000xi32, #tpu.memory_space<vmem>>[vector<16xi32>, vector<16xi32>], vector<16xi32>,
      %parallel_loop3A_638 = tpu.vector_load_idx %arg5[%parallel_loop3A_636, %parallel_loop3A_253] : memref<8x10000xi32, #tpu.memory_space<vmem>>[vector<16xi32>, vector<16xi32>], vector<16xi32>,
      %parallel_loop3A_639 = arith.addi %parallel_loop3A_637, %parallel_loop3A_638 : vector<16xi32>
      %parallel_loop3A_640 = tpu.vector_load_idx %arg5[%parallel_loop3A_636, %parallel_loop3A_262] : memref<8x10000xi32, #tpu.memory_space<vmem>>[vector<16xi32>, vector<16xi32>], vector<16xi32>,
      %parallel_loop3A_641 = arith.addi %parallel_loop3A_639, %parallel_loop3A_640 : vector<16xi32>
      %parallel_loop3A_642 = tpu.vector_load_idx %arg5[%parallel_loop3A_636, %parallel_loop3A_271] : memref<8x10000xi32, #tpu.memory_space<vmem>>[vector<16xi32>, vector<16xi32>], vector<16xi32>,
      %parallel_loop3A_643 = arith.addi %parallel_loop3A_641, %parallel_loop3A_642 : vector<16xi32>
      %parallel_loop3A_644 = tpu.vector_load_idx %arg5[%parallel_loop3A_636, %parallel_loop3A_280] : memref<8x10000xi32, #tpu.memory_space<vmem>>[vector<16xi32>, vector<16xi32>], vector<16xi32>,
      %parallel_loop3A_645 = arith.addi %parallel_loop3A_643, %parallel_loop3A_644 : vector<16xi32>
      %parallel_loop3A_646 = tpu.vector_load_idx %arg5[%parallel_loop3A_636, %parallel_loop3A_289] : memref<8x10000xi32, #tpu.memory_space<vmem>>[vector<16xi32>, vector<16xi32>], vector<16xi32>,
      %parallel_loop3A_647 = arith.addi %parallel_loop3A_645, %parallel_loop3A_646 : vector<16xi32>
      %parallel_loop3A_648 = tpu.vector_load_idx %arg5[%parallel_loop3A_636, %parallel_loop3A_298] : memref<8x10000xi32, #tpu.memory_space<vmem>>[vector<16xi32>, vector<16xi32>], vector<16xi32>,
      %parallel_loop3A_649 = arith.addi %parallel_loop3A_647, %parallel_loop3A_648 : vector<16xi32>
      %parallel_loop3A_650 = tpu.vector_load_idx %arg5[%parallel_loop3A_636, %parallel_loop3A_307] : memref<8x10000xi32, #tpu.memory_space<vmem>>[vector<16xi32>, vector<16xi32>], vector<16xi32>,
      %parallel_loop3A_651 = arith.addi %parallel_loop3A_649, %parallel_loop3A_650 : vector<16xi32>
      %parallel_loop3A_652 = tpu.vector_load_idx %arg5[%parallel_loop3A_636, %parallel_loop3A_316] : memref<8x10000xi32, #tpu.memory_space<vmem>>[vector<16xi32>, vector<16xi32>], vector<16xi32>,
      %parallel_loop3A_653 = arith.addi %parallel_loop3A_651, %parallel_loop3A_652 : vector<16xi32>
      %parallel_loop3A_654 = tpu.vector_load_idx %arg5[%parallel_loop3A_636, %parallel_loop3A_325] : memref<8x10000xi32, #tpu.memory_space<vmem>>[vector<16xi32>, vector<16xi32>], vector<16xi32>,
      %parallel_loop3A_655 = arith.addi %parallel_loop3A_653, %parallel_loop3A_654 : vector<16xi32>
      %parallel_loop3A_656 = tpu.vector_load_idx %arg5[%parallel_loop3A_636, %parallel_loop3A_334] : memref<8x10000xi32, #tpu.memory_space<vmem>>[vector<16xi32>, vector<16xi32>], vector<16xi32>,
      %parallel_loop3A_657 = arith.addi %parallel_loop3A_655, %parallel_loop3A_656 : vector<16xi32>
      %parallel_loop3A_658 = tpu.vector_load_idx %arg5[%parallel_loop3A_636, %parallel_loop3A_343] : memref<8x10000xi32, #tpu.memory_space<vmem>>[vector<16xi32>, vector<16xi32>], vector<16xi32>,
      %parallel_loop3A_659 = arith.addi %parallel_loop3A_657, %parallel_loop3A_658 : vector<16xi32>
      %parallel_loop3A_660 = tpu.vector_load_idx %arg5[%parallel_loop3A_636, %parallel_loop3A_352] : memref<8x10000xi32, #tpu.memory_space<vmem>>[vector<16xi32>, vector<16xi32>], vector<16xi32>,
      %parallel_loop3A_661 = arith.addi %parallel_loop3A_659, %parallel_loop3A_660 : vector<16xi32>
      %parallel_loop3A_662 = tpu.vector_load_idx %arg5[%parallel_loop3A_636, %parallel_loop3A_361] : memref<8x10000xi32, #tpu.memory_space<vmem>>[vector<16xi32>, vector<16xi32>], vector<16xi32>,
      %parallel_loop3A_663 = arith.addi %parallel_loop3A_661, %parallel_loop3A_662 : vector<16xi32>
      %parallel_loop3A_664 = tpu.vector_load_idx %arg5[%parallel_loop3A_636, %parallel_loop3A_370] : memref<8x10000xi32, #tpu.memory_space<vmem>>[vector<16xi32>, vector<16xi32>], vector<16xi32>,
      %parallel_loop3A_665 = arith.addi %parallel_loop3A_663, %parallel_loop3A_664 : vector<16xi32>
      %parallel_loop3A_666 = tpu.vector_load_idx %arg5[%parallel_loop3A_636, %parallel_loop3A_379] : memref<8x10000xi32, #tpu.memory_space<vmem>>[vector<16xi32>, vector<16xi32>], vector<16xi32>,
      %parallel_loop3A_667 = arith.addi %parallel_loop3A_665, %parallel_loop3A_666 : vector<16xi32>
      %parallel_loop3A_668 = arith.constant 65535 : i32
      %parallel_loop3A_669 = vector.broadcast %parallel_loop3A_668 : i32 to vector<16xi32>
      %parallel_loop3A_670 = arith.andi %parallel_loop3A_667, %parallel_loop3A_669 : vector<16xi32>
      %parallel_loop3A_671 = arith.sitofp %parallel_loop3A_670 : vector<16xi32> to vector<16xf32>
      %parallel_loop3A_672 = arith.constant 0.001953125 : f32
      %parallel_loop3A_673 = vector.broadcast %parallel_loop3A_672 : f32 to vector<16xf32>
      %parallel_loop3A_674 = arith.mulf %parallel_loop3A_671, %parallel_loop3A_673 : vector<16xf32>
      %parallel_loop3A_675 = arith.constant 1.600000e+01 : f32
      %parallel_loop3A_676 = vector.broadcast %parallel_loop3A_675 : f32 to vector<16xf32>
      %parallel_loop3A_677 = arith.subf %parallel_loop3A_674, %parallel_loop3A_676 : vector<16xf32>
      %parallel_loop3A_678 = arith.constant 16 : i32
      %parallel_loop3A_679 = vector.broadcast %parallel_loop3A_678 : i32 to vector<16xi32>
      %parallel_loop3A_680 = arith.shrsi %parallel_loop3A_667, %parallel_loop3A_679 : vector<16xi32>
      %parallel_loop3A_681 = arith.sitofp %parallel_loop3A_680 : vector<16xi32> to vector<16xf32>
      %parallel_loop3A_682 = arith.constant 0.001953125 : f32
      %parallel_loop3A_683 = vector.broadcast %parallel_loop3A_682 : f32 to vector<16xf32>
      %parallel_loop3A_684 = arith.mulf %parallel_loop3A_681, %parallel_loop3A_683 : vector<16xf32>
      %parallel_loop3A_685 = arith.constant 1.600000e+01 : f32
      %parallel_loop3A_686 = vector.broadcast %parallel_loop3A_685 : f32 to vector<16xf32>
      %parallel_loop3A_687 = arith.subf %parallel_loop3A_684, %parallel_loop3A_686 : vector<16xf32>
      %parallel_loop3A_688 = arith.constant 3 : i32
      %parallel_loop3A_689 = arith.index_cast %parallel_loop3A_688 : i32 to index
      %parallel_loop3A_690 = arith.index_cast %parallel_loop3A_233 : i32 to index
      %parallel_loop3A_691 = tpu.vector_load %arg5[%parallel_loop3A_689, %parallel_loop3A_690] {strides = array<i32>} : memref<8x10000xi32, #tpu.memory_space<vmem>>, vector<16xi32>,
      %parallel_loop3A_692 = arith.constant 65535 : i32
      %parallel_loop3A_693 = vector.broadcast %parallel_loop3A_692 : i32 to vector<16xi32>
      %parallel_loop3A_694 = arith.andi %parallel_loop3A_691, %parallel_loop3A_693 : vector<16xi32>
      %parallel_loop3A_695 = arith.sitofp %parallel_loop3A_694 : vector<16xi32> to vector<16xf32>
      %parallel_loop3A_696 = arith.constant 0.001953125 : f32
      %parallel_loop3A_697 = vector.broadcast %parallel_loop3A_696 : f32 to vector<16xf32>
      %parallel_loop3A_698 = arith.mulf %parallel_loop3A_695, %parallel_loop3A_697 : vector<16xf32>
      %parallel_loop3A_699 = arith.constant 1.000000e+00 : f32
      %parallel_loop3A_700 = vector.broadcast %parallel_loop3A_699 : f32 to vector<16xf32>
      %parallel_loop3A_701 = arith.subf %parallel_loop3A_698, %parallel_loop3A_700 : vector<16xf32>
      %parallel_loop3A_702 = arith.constant 16 : i32
      %parallel_loop3A_703 = vector.broadcast %parallel_loop3A_702 : i32 to vector<16xi32>
      %parallel_loop3A_704 = arith.shrsi %parallel_loop3A_691, %parallel_loop3A_703 : vector<16xi32>
      %parallel_loop3A_705 = arith.sitofp %parallel_loop3A_704 : vector<16xi32> to vector<16xf32>
      %parallel_loop3A_706 = arith.constant 0.001953125 : f32
      %parallel_loop3A_707 = vector.broadcast %parallel_loop3A_706 : f32 to vector<16xf32>
      %parallel_loop3A_708 = arith.mulf %parallel_loop3A_705, %parallel_loop3A_707 : vector<16xf32>
      %parallel_loop3A_709 = arith.constant 1.000000e+00 : f32
      %parallel_loop3A_710 = vector.broadcast %parallel_loop3A_709 : f32 to vector<16xf32>
      %parallel_loop3A_711 = arith.subf %parallel_loop3A_708, %parallel_loop3A_710 : vector<16xf32>
      %parallel_loop3A_712 = arith.mulf %parallel_loop3A_711, %parallel_loop3A_677 : vector<16xf32>
      %parallel_loop3A_713 = arith.mulf %parallel_loop3A_701, %parallel_loop3A_687 : vector<16xf32>
      %parallel_loop3A_714 = arith.subf %parallel_loop3A_712, %parallel_loop3A_713 : vector<16xf32>
      %parallel_loop3A_715 = arith.constant 1.250000e-01 : f32
      %parallel_loop3A_716 = vector.broadcast %parallel_loop3A_715 : f32 to vector<16xf32>
      %parallel_loop3A_717 = arith.mulf %parallel_loop3A_716, %parallel_loop3A_714 : vector<16xf32>
      %parallel_loop3A_718 = arith.index_cast %parallel_loop3A_232 : i32 to index
      %parallel_loop3A_719 = tpu.vector_load %arg10[%parallel_loop3A_718] {strides = array<i32>} : memref<1264xf32, #tpu.memory_space<vmem>>, vector<16xf32>,
      tpu.vector_store %arg10[%parallel_loop3A_718], %parallel_loop3A_717 {strides = array<i32>} : memref<1264xf32, #tpu.memory_space<vmem>>, vector<16xf32>,
      %parallel_loop3A_720 = arith.constant 4 : i32
      %parallel_loop3A_721 = vector.broadcast %parallel_loop3A_720 : i32 to vector<16xi32>
      %parallel_loop3A_722 = tpu.vector_load_idx %arg5[%parallel_loop3A_721, %parallel_loop3A_244] : memref<8x10000xi32, #tpu.memory_space<vmem>>[vector<16xi32>, vector<16xi32>], vector<16xi32>,
      %parallel_loop3A_723 = tpu.vector_load_idx %arg5[%parallel_loop3A_721, %parallel_loop3A_253] : memref<8x10000xi32, #tpu.memory_space<vmem>>[vector<16xi32>, vector<16xi32>], vector<16xi32>,
      %parallel_loop3A_724 = arith.addi %parallel_loop3A_722, %parallel_loop3A_723 : vector<16xi32>
      %parallel_loop3A_725 = tpu.vector_load_idx %arg5[%parallel_loop3A_721, %parallel_loop3A_262] : memref<8x10000xi32, #tpu.memory_space<vmem>>[vector<16xi32>, vector<16xi32>], vector<16xi32>,
      %parallel_loop3A_726 = arith.addi %parallel_loop3A_724, %parallel_loop3A_725 : vector<16xi32>
      %parallel_loop3A_727 = tpu.vector_load_idx %arg5[%parallel_loop3A_721, %parallel_loop3A_271] : memref<8x10000xi32, #tpu.memory_space<vmem>>[vector<16xi32>, vector<16xi32>], vector<16xi32>,
      %parallel_loop3A_728 = arith.addi %parallel_loop3A_726, %parallel_loop3A_727 : vector<16xi32>
      %parallel_loop3A_729 = tpu.vector_load_idx %arg5[%parallel_loop3A_721, %parallel_loop3A_280] : memref<8x10000xi32, #tpu.memory_space<vmem>>[vector<16xi32>, vector<16xi32>], vector<16xi32>,
      %parallel_loop3A_730 = arith.addi %parallel_loop3A_728, %parallel_loop3A_729 : vector<16xi32>
      %parallel_loop3A_731 = tpu.vector_load_idx %arg5[%parallel_loop3A_721, %parallel_loop3A_289] : memref<8x10000xi32, #tpu.memory_space<vmem>>[vector<16xi32>, vector<16xi32>], vector<16xi32>,
      %parallel_loop3A_732 = arith.addi %parallel_loop3A_730, %parallel_loop3A_731 : vector<16xi32>
      %parallel_loop3A_733 = tpu.vector_load_idx %arg5[%parallel_loop3A_721, %parallel_loop3A_298] : memref<8x10000xi32, #tpu.memory_space<vmem>>[vector<16xi32>, vector<16xi32>], vector<16xi32>,
      %parallel_loop3A_734 = arith.addi %parallel_loop3A_732, %parallel_loop3A_733 : vector<16xi32>
      %parallel_loop3A_735 = tpu.vector_load_idx %arg5[%parallel_loop3A_721, %parallel_loop3A_307] : memref<8x10000xi32, #tpu.memory_space<vmem>>[vector<16xi32>, vector<16xi32>], vector<16xi32>,
      %parallel_loop3A_736 = arith.addi %parallel_loop3A_734, %parallel_loop3A_735 : vector<16xi32>
      %parallel_loop3A_737 = tpu.vector_load_idx %arg5[%parallel_loop3A_721, %parallel_loop3A_316] : memref<8x10000xi32, #tpu.memory_space<vmem>>[vector<16xi32>, vector<16xi32>], vector<16xi32>,
      %parallel_loop3A_738 = arith.addi %parallel_loop3A_736, %parallel_loop3A_737 : vector<16xi32>
      %parallel_loop3A_739 = tpu.vector_load_idx %arg5[%parallel_loop3A_721, %parallel_loop3A_325] : memref<8x10000xi32, #tpu.memory_space<vmem>>[vector<16xi32>, vector<16xi32>], vector<16xi32>,
      %parallel_loop3A_740 = arith.addi %parallel_loop3A_738, %parallel_loop3A_739 : vector<16xi32>
      %parallel_loop3A_741 = tpu.vector_load_idx %arg5[%parallel_loop3A_721, %parallel_loop3A_334] : memref<8x10000xi32, #tpu.memory_space<vmem>>[vector<16xi32>, vector<16xi32>], vector<16xi32>,
      %parallel_loop3A_742 = arith.addi %parallel_loop3A_740, %parallel_loop3A_741 : vector<16xi32>
      %parallel_loop3A_743 = tpu.vector_load_idx %arg5[%parallel_loop3A_721, %parallel_loop3A_343] : memref<8x10000xi32, #tpu.memory_space<vmem>>[vector<16xi32>, vector<16xi32>], vector<16xi32>,
      %parallel_loop3A_744 = arith.addi %parallel_loop3A_742, %parallel_loop3A_743 : vector<16xi32>
      %parallel_loop3A_745 = tpu.vector_load_idx %arg5[%parallel_loop3A_721, %parallel_loop3A_352] : memref<8x10000xi32, #tpu.memory_space<vmem>>[vector<16xi32>, vector<16xi32>], vector<16xi32>,
      %parallel_loop3A_746 = arith.addi %parallel_loop3A_744, %parallel_loop3A_745 : vector<16xi32>
      %parallel_loop3A_747 = tpu.vector_load_idx %arg5[%parallel_loop3A_721, %parallel_loop3A_361] : memref<8x10000xi32, #tpu.memory_space<vmem>>[vector<16xi32>, vector<16xi32>], vector<16xi32>,
      %parallel_loop3A_748 = arith.addi %parallel_loop3A_746, %parallel_loop3A_747 : vector<16xi32>
      %parallel_loop3A_749 = tpu.vector_load_idx %arg5[%parallel_loop3A_721, %parallel_loop3A_370] : memref<8x10000xi32, #tpu.memory_space<vmem>>[vector<16xi32>, vector<16xi32>], vector<16xi32>,
      %parallel_loop3A_750 = arith.addi %parallel_loop3A_748, %parallel_loop3A_749 : vector<16xi32>
      %parallel_loop3A_751 = tpu.vector_load_idx %arg5[%parallel_loop3A_721, %parallel_loop3A_379] : memref<8x10000xi32, #tpu.memory_space<vmem>>[vector<16xi32>, vector<16xi32>], vector<16xi32>,
      %parallel_loop3A_752 = arith.addi %parallel_loop3A_750, %parallel_loop3A_751 : vector<16xi32>
      %parallel_loop3A_753 = arith.constant 65535 : i32
      %parallel_loop3A_754 = vector.broadcast %parallel_loop3A_753 : i32 to vector<16xi32>
      %parallel_loop3A_755 = arith.andi %parallel_loop3A_752, %parallel_loop3A_754 : vector<16xi32>
      %parallel_loop3A_756 = arith.sitofp %parallel_loop3A_755 : vector<16xi32> to vector<16xf32>
      %parallel_loop3A_757 = arith.constant 0.001953125 : f32
      %parallel_loop3A_758 = vector.broadcast %parallel_loop3A_757 : f32 to vector<16xf32>
      %parallel_loop3A_759 = arith.mulf %parallel_loop3A_756, %parallel_loop3A_758 : vector<16xf32>
      %parallel_loop3A_760 = arith.constant 1.600000e+01 : f32
      %parallel_loop3A_761 = vector.broadcast %parallel_loop3A_760 : f32 to vector<16xf32>
      %parallel_loop3A_762 = arith.subf %parallel_loop3A_759, %parallel_loop3A_761 : vector<16xf32>
      %parallel_loop3A_763 = arith.constant 16 : i32
      %parallel_loop3A_764 = vector.broadcast %parallel_loop3A_763 : i32 to vector<16xi32>
      %parallel_loop3A_765 = arith.shrsi %parallel_loop3A_752, %parallel_loop3A_764 : vector<16xi32>
      %parallel_loop3A_766 = arith.sitofp %parallel_loop3A_765 : vector<16xi32> to vector<16xf32>
      %parallel_loop3A_767 = arith.constant 0.001953125 : f32
      %parallel_loop3A_768 = vector.broadcast %parallel_loop3A_767 : f32 to vector<16xf32>
      %parallel_loop3A_769 = arith.mulf %parallel_loop3A_766, %parallel_loop3A_768 : vector<16xf32>
      %parallel_loop3A_770 = arith.constant 1.600000e+01 : f32
      %parallel_loop3A_771 = vector.broadcast %parallel_loop3A_770 : f32 to vector<16xf32>
      %parallel_loop3A_772 = arith.subf %parallel_loop3A_769, %parallel_loop3A_771 : vector<16xf32>
      %parallel_loop3A_773 = arith.constant 4 : i32
      %parallel_loop3A_774 = arith.index_cast %parallel_loop3A_773 : i32 to index
      %parallel_loop3A_775 = arith.index_cast %parallel_loop3A_233 : i32 to index
      %parallel_loop3A_776 = tpu.vector_load %arg5[%parallel_loop3A_774, %parallel_loop3A_775] {strides = array<i32>} : memref<8x10000xi32, #tpu.memory_space<vmem>>, vector<16xi32>,
      %parallel_loop3A_777 = arith.constant 65535 : i32
      %parallel_loop3A_778 = vector.broadcast %parallel_loop3A_777 : i32 to vector<16xi32>
      %parallel_loop3A_779 = arith.andi %parallel_loop3A_776, %parallel_loop3A_778 : vector<16xi32>
      %parallel_loop3A_780 = arith.sitofp %parallel_loop3A_779 : vector<16xi32> to vector<16xf32>
      %parallel_loop3A_781 = arith.constant 0.001953125 : f32
      %parallel_loop3A_782 = vector.broadcast %parallel_loop3A_781 : f32 to vector<16xf32>
      %parallel_loop3A_783 = arith.mulf %parallel_loop3A_780, %parallel_loop3A_782 : vector<16xf32>
      %parallel_loop3A_784 = arith.constant 1.000000e+00 : f32
      %parallel_loop3A_785 = vector.broadcast %parallel_loop3A_784 : f32 to vector<16xf32>
      %parallel_loop3A_786 = arith.subf %parallel_loop3A_783, %parallel_loop3A_785 : vector<16xf32>
      %parallel_loop3A_787 = arith.constant 16 : i32
      %parallel_loop3A_788 = vector.broadcast %parallel_loop3A_787 : i32 to vector<16xi32>
      %parallel_loop3A_789 = arith.shrsi %parallel_loop3A_776, %parallel_loop3A_788 : vector<16xi32>
      %parallel_loop3A_790 = arith.sitofp %parallel_loop3A_789 : vector<16xi32> to vector<16xf32>
      %parallel_loop3A_791 = arith.constant 0.001953125 : f32
      %parallel_loop3A_792 = vector.broadcast %parallel_loop3A_791 : f32 to vector<16xf32>
      %parallel_loop3A_793 = arith.mulf %parallel_loop3A_790, %parallel_loop3A_792 : vector<16xf32>
      %parallel_loop3A_794 = arith.constant 1.000000e+00 : f32
      %parallel_loop3A_795 = vector.broadcast %parallel_loop3A_794 : f32 to vector<16xf32>
      %parallel_loop3A_796 = arith.subf %parallel_loop3A_793, %parallel_loop3A_795 : vector<16xf32>
      %parallel_loop3A_797 = arith.mulf %parallel_loop3A_796, %parallel_loop3A_762 : vector<16xf32>
      %parallel_loop3A_798 = arith.mulf %parallel_loop3A_786, %parallel_loop3A_772 : vector<16xf32>
      %parallel_loop3A_799 = arith.subf %parallel_loop3A_797, %parallel_loop3A_798 : vector<16xf32>
      %parallel_loop3A_800 = arith.constant 1.250000e-01 : f32
      %parallel_loop3A_801 = vector.broadcast %parallel_loop3A_800 : f32 to vector<16xf32>
      %parallel_loop3A_802 = arith.mulf %parallel_loop3A_801, %parallel_loop3A_799 : vector<16xf32>
      %parallel_loop3A_803 = arith.index_cast %parallel_loop3A_232 : i32 to index
      %parallel_loop3A_804 = tpu.vector_load %arg11[%parallel_loop3A_803] {strides = array<i32>} : memref<1264xf32, #tpu.memory_space<vmem>>, vector<16xf32>,
      tpu.vector_store %arg11[%parallel_loop3A_803], %parallel_loop3A_802 {strides = array<i32>} : memref<1264xf32, #tpu.memory_space<vmem>>, vector<16xf32>,
      %parallel_loop3A_805 = arith.constant 5 : i32
      %parallel_loop3A_806 = vector.broadcast %parallel_loop3A_805 : i32 to vector<16xi32>
      %parallel_loop3A_807 = tpu.vector_load_idx %arg5[%parallel_loop3A_806, %parallel_loop3A_244] : memref<8x10000xi32, #tpu.memory_space<vmem>>[vector<16xi32>, vector<16xi32>], vector<16xi32>,
      %parallel_loop3A_808 = tpu.vector_load_idx %arg5[%parallel_loop3A_806, %parallel_loop3A_253] : memref<8x10000xi32, #tpu.memory_space<vmem>>[vector<16xi32>, vector<16xi32>], vector<16xi32>,
      %parallel_loop3A_809 = arith.addi %parallel_loop3A_807, %parallel_loop3A_808 : vector<16xi32>
      %parallel_loop3A_810 = tpu.vector_load_idx %arg5[%parallel_loop3A_806, %parallel_loop3A_262] : memref<8x10000xi32, #tpu.memory_space<vmem>>[vector<16xi32>, vector<16xi32>], vector<16xi32>,
      %parallel_loop3A_811 = arith.addi %parallel_loop3A_809, %parallel_loop3A_810 : vector<16xi32>
      %parallel_loop3A_812 = tpu.vector_load_idx %arg5[%parallel_loop3A_806, %parallel_loop3A_271] : memref<8x10000xi32, #tpu.memory_space<vmem>>[vector<16xi32>, vector<16xi32>], vector<16xi32>,
      %parallel_loop3A_813 = arith.addi %parallel_loop3A_811, %parallel_loop3A_812 : vector<16xi32>
      %parallel_loop3A_814 = tpu.vector_load_idx %arg5[%parallel_loop3A_806, %parallel_loop3A_280] : memref<8x10000xi32, #tpu.memory_space<vmem>>[vector<16xi32>, vector<16xi32>], vector<16xi32>,
      %parallel_loop3A_815 = arith.addi %parallel_loop3A_813, %parallel_loop3A_814 : vector<16xi32>
      %parallel_loop3A_816 = tpu.vector_load_idx %arg5[%parallel_loop3A_806, %parallel_loop3A_289] : memref<8x10000xi32, #tpu.memory_space<vmem>>[vector<16xi32>, vector<16xi32>], vector<16xi32>,
      %parallel_loop3A_817 = arith.addi %parallel_loop3A_815, %parallel_loop3A_816 : vector<16xi32>
      %parallel_loop3A_818 = tpu.vector_load_idx %arg5[%parallel_loop3A_806, %parallel_loop3A_298] : memref<8x10000xi32, #tpu.memory_space<vmem>>[vector<16xi32>, vector<16xi32>], vector<16xi32>,
      %parallel_loop3A_819 = arith.addi %parallel_loop3A_817, %parallel_loop3A_818 : vector<16xi32>
      %parallel_loop3A_820 = tpu.vector_load_idx %arg5[%parallel_loop3A_806, %parallel_loop3A_307] : memref<8x10000xi32, #tpu.memory_space<vmem>>[vector<16xi32>, vector<16xi32>], vector<16xi32>,
      %parallel_loop3A_821 = arith.addi %parallel_loop3A_819, %parallel_loop3A_820 : vector<16xi32>
      %parallel_loop3A_822 = tpu.vector_load_idx %arg5[%parallel_loop3A_806, %parallel_loop3A_316] : memref<8x10000xi32, #tpu.memory_space<vmem>>[vector<16xi32>, vector<16xi32>], vector<16xi32>,
      %parallel_loop3A_823 = arith.addi %parallel_loop3A_821, %parallel_loop3A_822 : vector<16xi32>
      %parallel_loop3A_824 = tpu.vector_load_idx %arg5[%parallel_loop3A_806, %parallel_loop3A_325] : memref<8x10000xi32, #tpu.memory_space<vmem>>[vector<16xi32>, vector<16xi32>], vector<16xi32>,
      %parallel_loop3A_825 = arith.addi %parallel_loop3A_823, %parallel_loop3A_824 : vector<16xi32>
      %parallel_loop3A_826 = tpu.vector_load_idx %arg5[%parallel_loop3A_806, %parallel_loop3A_334] : memref<8x10000xi32, #tpu.memory_space<vmem>>[vector<16xi32>, vector<16xi32>], vector<16xi32>,
      %parallel_loop3A_827 = arith.addi %parallel_loop3A_825, %parallel_loop3A_826 : vector<16xi32>
      %parallel_loop3A_828 = tpu.vector_load_idx %arg5[%parallel_loop3A_806, %parallel_loop3A_343] : memref<8x10000xi32, #tpu.memory_space<vmem>>[vector<16xi32>, vector<16xi32>], vector<16xi32>,
      %parallel_loop3A_829 = arith.addi %parallel_loop3A_827, %parallel_loop3A_828 : vector<16xi32>
      %parallel_loop3A_830 = tpu.vector_load_idx %arg5[%parallel_loop3A_806, %parallel_loop3A_352] : memref<8x10000xi32, #tpu.memory_space<vmem>>[vector<16xi32>, vector<16xi32>], vector<16xi32>,
      %parallel_loop3A_831 = arith.addi %parallel_loop3A_829, %parallel_loop3A_830 : vector<16xi32>
      %parallel_loop3A_832 = tpu.vector_load_idx %arg5[%parallel_loop3A_806, %parallel_loop3A_361] : memref<8x10000xi32, #tpu.memory_space<vmem>>[vector<16xi32>, vector<16xi32>], vector<16xi32>,
      %parallel_loop3A_833 = arith.addi %parallel_loop3A_831, %parallel_loop3A_832 : vector<16xi32>
      %parallel_loop3A_834 = tpu.vector_load_idx %arg5[%parallel_loop3A_806, %parallel_loop3A_370] : memref<8x10000xi32, #tpu.memory_space<vmem>>[vector<16xi32>, vector<16xi32>], vector<16xi32>,
      %parallel_loop3A_835 = arith.addi %parallel_loop3A_833, %parallel_loop3A_834 : vector<16xi32>
      %parallel_loop3A_836 = tpu.vector_load_idx %arg5[%parallel_loop3A_806, %parallel_loop3A_379] : memref<8x10000xi32, #tpu.memory_space<vmem>>[vector<16xi32>, vector<16xi32>], vector<16xi32>,
      %parallel_loop3A_837 = arith.addi %parallel_loop3A_835, %parallel_loop3A_836 : vector<16xi32>
      %parallel_loop3A_838 = arith.constant 65535 : i32
      %parallel_loop3A_839 = vector.broadcast %parallel_loop3A_838 : i32 to vector<16xi32>
      %parallel_loop3A_840 = arith.andi %parallel_loop3A_837, %parallel_loop3A_839 : vector<16xi32>
      %parallel_loop3A_841 = arith.sitofp %parallel_loop3A_840 : vector<16xi32> to vector<16xf32>
      %parallel_loop3A_842 = arith.constant 0.001953125 : f32
      %parallel_loop3A_843 = vector.broadcast %parallel_loop3A_842 : f32 to vector<16xf32>
      %parallel_loop3A_844 = arith.mulf %parallel_loop3A_841, %parallel_loop3A_843 : vector<16xf32>
      %parallel_loop3A_845 = arith.constant 1.600000e+01 : f32
      %parallel_loop3A_846 = vector.broadcast %parallel_loop3A_845 : f32 to vector<16xf32>
      %parallel_loop3A_847 = arith.subf %parallel_loop3A_844, %parallel_loop3A_846 : vector<16xf32>
      %parallel_loop3A_848 = arith.constant 16 : i32
      %parallel_loop3A_849 = vector.broadcast %parallel_loop3A_848 : i32 to vector<16xi32>
      %parallel_loop3A_850 = arith.shrsi %parallel_loop3A_837, %parallel_loop3A_849 : vector<16xi32>
      %parallel_loop3A_851 = arith.sitofp %parallel_loop3A_850 : vector<16xi32> to vector<16xf32>
      %parallel_loop3A_852 = arith.constant 0.001953125 : f32
      %parallel_loop3A_853 = vector.broadcast %parallel_loop3A_852 : f32 to vector<16xf32>
      %parallel_loop3A_854 = arith.mulf %parallel_loop3A_851, %parallel_loop3A_853 : vector<16xf32>
      %parallel_loop3A_855 = arith.constant 1.600000e+01 : f32
      %parallel_loop3A_856 = vector.broadcast %parallel_loop3A_855 : f32 to vector<16xf32>
      %parallel_loop3A_857 = arith.subf %parallel_loop3A_854, %parallel_loop3A_856 : vector<16xf32>
      %parallel_loop3A_858 = arith.constant 5 : i32
      %parallel_loop3A_859 = arith.index_cast %parallel_loop3A_858 : i32 to index
      %parallel_loop3A_860 = arith.index_cast %parallel_loop3A_233 : i32 to index
      %parallel_loop3A_861 = tpu.vector_load %arg5[%parallel_loop3A_859, %parallel_loop3A_860] {strides = array<i32>} : memref<8x10000xi32, #tpu.memory_space<vmem>>, vector<16xi32>,
      %parallel_loop3A_862 = arith.constant 65535 : i32
      %parallel_loop3A_863 = vector.broadcast %parallel_loop3A_862 : i32 to vector<16xi32>
      %parallel_loop3A_864 = arith.andi %parallel_loop3A_861, %parallel_loop3A_863 : vector<16xi32>
      %parallel_loop3A_865 = arith.sitofp %parallel_loop3A_864 : vector<16xi32> to vector<16xf32>
      %parallel_loop3A_866 = arith.constant 0.001953125 : f32
      %parallel_loop3A_867 = vector.broadcast %parallel_loop3A_866 : f32 to vector<16xf32>
      %parallel_loop3A_868 = arith.mulf %parallel_loop3A_865, %parallel_loop3A_867 : vector<16xf32>
      %parallel_loop3A_869 = arith.constant 1.000000e+00 : f32
      %parallel_loop3A_870 = vector.broadcast %parallel_loop3A_869 : f32 to vector<16xf32>
      %parallel_loop3A_871 = arith.subf %parallel_loop3A_868, %parallel_loop3A_870 : vector<16xf32>
      %parallel_loop3A_872 = arith.constant 16 : i32
      %parallel_loop3A_873 = vector.broadcast %parallel_loop3A_872 : i32 to vector<16xi32>
      %parallel_loop3A_874 = arith.shrsi %parallel_loop3A_861, %parallel_loop3A_873 : vector<16xi32>
      %parallel_loop3A_875 = arith.sitofp %parallel_loop3A_874 : vector<16xi32> to vector<16xf32>
      %parallel_loop3A_876 = arith.constant 0.001953125 : f32
      %parallel_loop3A_877 = vector.broadcast %parallel_loop3A_876 : f32 to vector<16xf32>
      %parallel_loop3A_878 = arith.mulf %parallel_loop3A_875, %parallel_loop3A_877 : vector<16xf32>
      %parallel_loop3A_879 = arith.constant 1.000000e+00 : f32
      %parallel_loop3A_880 = vector.broadcast %parallel_loop3A_879 : f32 to vector<16xf32>
      %parallel_loop3A_881 = arith.subf %parallel_loop3A_878, %parallel_loop3A_880 : vector<16xf32>
      %parallel_loop3A_882 = arith.mulf %parallel_loop3A_881, %parallel_loop3A_847 : vector<16xf32>
      %parallel_loop3A_883 = arith.mulf %parallel_loop3A_871, %parallel_loop3A_857 : vector<16xf32>
      %parallel_loop3A_884 = arith.subf %parallel_loop3A_882, %parallel_loop3A_883 : vector<16xf32>
      %parallel_loop3A_885 = arith.constant 1.250000e-01 : f32
      %parallel_loop3A_886 = vector.broadcast %parallel_loop3A_885 : f32 to vector<16xf32>
      %parallel_loop3A_887 = arith.mulf %parallel_loop3A_886, %parallel_loop3A_884 : vector<16xf32>
      %parallel_loop3A_888 = arith.index_cast %parallel_loop3A_232 : i32 to index
      %parallel_loop3A_889 = tpu.vector_load %arg12[%parallel_loop3A_888] {strides = array<i32>} : memref<1264xf32, #tpu.memory_space<vmem>>, vector<16xf32>,
      tpu.vector_store %arg12[%parallel_loop3A_888], %parallel_loop3A_887 {strides = array<i32>} : memref<1264xf32, #tpu.memory_space<vmem>>, vector<16xf32>,
      %parallel_loop3A_890 = arith.constant 6 : i32
      %parallel_loop3A_891 = vector.broadcast %parallel_loop3A_890 : i32 to vector<16xi32>
      %parallel_loop3A_892 = tpu.vector_load_idx %arg5[%parallel_loop3A_891, %parallel_loop3A_244] : memref<8x10000xi32, #tpu.memory_space<vmem>>[vector<16xi32>, vector<16xi32>], vector<16xi32>,
      %parallel_loop3A_893 = tpu.vector_load_idx %arg5[%parallel_loop3A_891, %parallel_loop3A_253] : memref<8x10000xi32, #tpu.memory_space<vmem>>[vector<16xi32>, vector<16xi32>], vector<16xi32>,
      %parallel_loop3A_894 = arith.addi %parallel_loop3A_892, %parallel_loop3A_893 : vector<16xi32>
      %parallel_loop3A_895 = tpu.vector_load_idx %arg5[%parallel_loop3A_891, %parallel_loop3A_262] : memref<8x10000xi32, #tpu.memory_space<vmem>>[vector<16xi32>, vector<16xi32>], vector<16xi32>,
      %parallel_loop3A_896 = arith.addi %parallel_loop3A_894, %parallel_loop3A_895 : vector<16xi32>
      %parallel_loop3A_897 = tpu.vector_load_idx %arg5[%parallel_loop3A_891, %parallel_loop3A_271] : memref<8x10000xi32, #tpu.memory_space<vmem>>[vector<16xi32>, vector<16xi32>], vector<16xi32>,
      %parallel_loop3A_898 = arith.addi %parallel_loop3A_896, %parallel_loop3A_897 : vector<16xi32>
      %parallel_loop3A_899 = tpu.vector_load_idx %arg5[%parallel_loop3A_891, %parallel_loop3A_280] : memref<8x10000xi32, #tpu.memory_space<vmem>>[vector<16xi32>, vector<16xi32>], vector<16xi32>,
      %parallel_loop3A_900 = arith.addi %parallel_loop3A_898, %parallel_loop3A_899 : vector<16xi32>
      %parallel_loop3A_901 = tpu.vector_load_idx %arg5[%parallel_loop3A_891, %parallel_loop3A_289] : memref<8x10000xi32, #tpu.memory_space<vmem>>[vector<16xi32>, vector<16xi32>], vector<16xi32>,
      %parallel_loop3A_902 = arith.addi %parallel_loop3A_900, %parallel_loop3A_901 : vector<16xi32>
      %parallel_loop3A_903 = tpu.vector_load_idx %arg5[%parallel_loop3A_891, %parallel_loop3A_298] : memref<8x10000xi32, #tpu.memory_space<vmem>>[vector<16xi32>, vector<16xi32>], vector<16xi32>,
      %parallel_loop3A_904 = arith.addi %parallel_loop3A_902, %parallel_loop3A_903 : vector<16xi32>
      %parallel_loop3A_905 = tpu.vector_load_idx %arg5[%parallel_loop3A_891, %parallel_loop3A_307] : memref<8x10000xi32, #tpu.memory_space<vmem>>[vector<16xi32>, vector<16xi32>], vector<16xi32>,
      %parallel_loop3A_906 = arith.addi %parallel_loop3A_904, %parallel_loop3A_905 : vector<16xi32>
      %parallel_loop3A_907 = tpu.vector_load_idx %arg5[%parallel_loop3A_891, %parallel_loop3A_316] : memref<8x10000xi32, #tpu.memory_space<vmem>>[vector<16xi32>, vector<16xi32>], vector<16xi32>,
      %parallel_loop3A_908 = arith.addi %parallel_loop3A_906, %parallel_loop3A_907 : vector<16xi32>
      %parallel_loop3A_909 = tpu.vector_load_idx %arg5[%parallel_loop3A_891, %parallel_loop3A_325] : memref<8x10000xi32, #tpu.memory_space<vmem>>[vector<16xi32>, vector<16xi32>], vector<16xi32>,
      %parallel_loop3A_910 = arith.addi %parallel_loop3A_908, %parallel_loop3A_909 : vector<16xi32>
      %parallel_loop3A_911 = tpu.vector_load_idx %arg5[%parallel_loop3A_891, %parallel_loop3A_334] : memref<8x10000xi32, #tpu.memory_space<vmem>>[vector<16xi32>, vector<16xi32>], vector<16xi32>,
      %parallel_loop3A_912 = arith.addi %parallel_loop3A_910, %parallel_loop3A_911 : vector<16xi32>
      %parallel_loop3A_913 = tpu.vector_load_idx %arg5[%parallel_loop3A_891, %parallel_loop3A_343] : memref<8x10000xi32, #tpu.memory_space<vmem>>[vector<16xi32>, vector<16xi32>], vector<16xi32>,
      %parallel_loop3A_914 = arith.addi %parallel_loop3A_912, %parallel_loop3A_913 : vector<16xi32>
      %parallel_loop3A_915 = tpu.vector_load_idx %arg5[%parallel_loop3A_891, %parallel_loop3A_352] : memref<8x10000xi32, #tpu.memory_space<vmem>>[vector<16xi32>, vector<16xi32>], vector<16xi32>,
      %parallel_loop3A_916 = arith.addi %parallel_loop3A_914, %parallel_loop3A_915 : vector<16xi32>
      %parallel_loop3A_917 = tpu.vector_load_idx %arg5[%parallel_loop3A_891, %parallel_loop3A_361] : memref<8x10000xi32, #tpu.memory_space<vmem>>[vector<16xi32>, vector<16xi32>], vector<16xi32>,
      %parallel_loop3A_918 = arith.addi %parallel_loop3A_916, %parallel_loop3A_917 : vector<16xi32>
      %parallel_loop3A_919 = tpu.vector_load_idx %arg5[%parallel_loop3A_891, %parallel_loop3A_370] : memref<8x10000xi32, #tpu.memory_space<vmem>>[vector<16xi32>, vector<16xi32>], vector<16xi32>,
      %parallel_loop3A_920 = arith.addi %parallel_loop3A_918, %parallel_loop3A_919 : vector<16xi32>
      %parallel_loop3A_921 = tpu.vector_load_idx %arg5[%parallel_loop3A_891, %parallel_loop3A_379] : memref<8x10000xi32, #tpu.memory_space<vmem>>[vector<16xi32>, vector<16xi32>], vector<16xi32>,
      %parallel_loop3A_922 = arith.addi %parallel_loop3A_920, %parallel_loop3A_921 : vector<16xi32>
      %parallel_loop3A_923 = arith.constant 65535 : i32
      %parallel_loop3A_924 = vector.broadcast %parallel_loop3A_923 : i32 to vector<16xi32>
      %parallel_loop3A_925 = arith.andi %parallel_loop3A_922, %parallel_loop3A_924 : vector<16xi32>
      %parallel_loop3A_926 = arith.sitofp %parallel_loop3A_925 : vector<16xi32> to vector<16xf32>
      %parallel_loop3A_927 = arith.constant 0.001953125 : f32
      %parallel_loop3A_928 = vector.broadcast %parallel_loop3A_927 : f32 to vector<16xf32>
      %parallel_loop3A_929 = arith.mulf %parallel_loop3A_926, %parallel_loop3A_928 : vector<16xf32>
      %parallel_loop3A_930 = arith.constant 1.600000e+01 : f32
      %parallel_loop3A_931 = vector.broadcast %parallel_loop3A_930 : f32 to vector<16xf32>
      %parallel_loop3A_932 = arith.subf %parallel_loop3A_929, %parallel_loop3A_931 : vector<16xf32>
      %parallel_loop3A_933 = arith.constant 16 : i32
      %parallel_loop3A_934 = vector.broadcast %parallel_loop3A_933 : i32 to vector<16xi32>
      %parallel_loop3A_935 = arith.shrsi %parallel_loop3A_922, %parallel_loop3A_934 : vector<16xi32>
      %parallel_loop3A_936 = arith.sitofp %parallel_loop3A_935 : vector<16xi32> to vector<16xf32>
      %parallel_loop3A_937 = arith.constant 0.001953125 : f32
      %parallel_loop3A_938 = vector.broadcast %parallel_loop3A_937 : f32 to vector<16xf32>
      %parallel_loop3A_939 = arith.mulf %parallel_loop3A_936, %parallel_loop3A_938 : vector<16xf32>
      %parallel_loop3A_940 = arith.constant 1.600000e+01 : f32
      %parallel_loop3A_941 = vector.broadcast %parallel_loop3A_940 : f32 to vector<16xf32>
      %parallel_loop3A_942 = arith.subf %parallel_loop3A_939, %parallel_loop3A_941 : vector<16xf32>
      %parallel_loop3A_943 = arith.constant 6 : i32
      %parallel_loop3A_944 = arith.index_cast %parallel_loop3A_943 : i32 to index
      %parallel_loop3A_945 = arith.index_cast %parallel_loop3A_233 : i32 to index
      %parallel_loop3A_946 = tpu.vector_load %arg5[%parallel_loop3A_944, %parallel_loop3A_945] {strides = array<i32>} : memref<8x10000xi32, #tpu.memory_space<vmem>>, vector<16xi32>,
      %parallel_loop3A_947 = arith.constant 65535 : i32
      %parallel_loop3A_948 = vector.broadcast %parallel_loop3A_947 : i32 to vector<16xi32>
      %parallel_loop3A_949 = arith.andi %parallel_loop3A_946, %parallel_loop3A_948 : vector<16xi32>
      %parallel_loop3A_950 = arith.sitofp %parallel_loop3A_949 : vector<16xi32> to vector<16xf32>
      %parallel_loop3A_951 = arith.constant 0.001953125 : f32
      %parallel_loop3A_952 = vector.broadcast %parallel_loop3A_951 : f32 to vector<16xf32>
      %parallel_loop3A_953 = arith.mulf %parallel_loop3A_950, %parallel_loop3A_952 : vector<16xf32>
      %parallel_loop3A_954 = arith.constant 1.000000e+00 : f32
      %parallel_loop3A_955 = vector.broadcast %parallel_loop3A_954 : f32 to vector<16xf32>
      %parallel_loop3A_956 = arith.subf %parallel_loop3A_953, %parallel_loop3A_955 : vector<16xf32>
      %parallel_loop3A_957 = arith.constant 16 : i32
      %parallel_loop3A_958 = vector.broadcast %parallel_loop3A_957 : i32 to vector<16xi32>
      %parallel_loop3A_959 = arith.shrsi %parallel_loop3A_946, %parallel_loop3A_958 : vector<16xi32>
      %parallel_loop3A_960 = arith.sitofp %parallel_loop3A_959 : vector<16xi32> to vector<16xf32>
      %parallel_loop3A_961 = arith.constant 0.001953125 : f32
      %parallel_loop3A_962 = vector.broadcast %parallel_loop3A_961 : f32 to vector<16xf32>
      %parallel_loop3A_963 = arith.mulf %parallel_loop3A_960, %parallel_loop3A_962 : vector<16xf32>
      %parallel_loop3A_964 = arith.constant 1.000000e+00 : f32
      %parallel_loop3A_965 = vector.broadcast %parallel_loop3A_964 : f32 to vector<16xf32>
      %parallel_loop3A_966 = arith.subf %parallel_loop3A_963, %parallel_loop3A_965 : vector<16xf32>
      %parallel_loop3A_967 = arith.mulf %parallel_loop3A_966, %parallel_loop3A_932 : vector<16xf32>
      %parallel_loop3A_968 = arith.mulf %parallel_loop3A_956, %parallel_loop3A_942 : vector<16xf32>
      %parallel_loop3A_969 = arith.subf %parallel_loop3A_967, %parallel_loop3A_968 : vector<16xf32>
      %parallel_loop3A_970 = arith.constant 1.250000e-01 : f32
      %parallel_loop3A_971 = vector.broadcast %parallel_loop3A_970 : f32 to vector<16xf32>
      %parallel_loop3A_972 = arith.mulf %parallel_loop3A_971, %parallel_loop3A_969 : vector<16xf32>
      %parallel_loop3A_973 = arith.index_cast %parallel_loop3A_232 : i32 to index
      %parallel_loop3A_974 = tpu.vector_load %arg13[%parallel_loop3A_973] {strides = array<i32>} : memref<1264xf32, #tpu.memory_space<vmem>>, vector<16xf32>,
      tpu.vector_store %arg13[%parallel_loop3A_973], %parallel_loop3A_972 {strides = array<i32>} : memref<1264xf32, #tpu.memory_space<vmem>>, vector<16xf32>,
      %parallel_loop3A_975 = arith.constant 7 : i32
      %parallel_loop3A_976 = vector.broadcast %parallel_loop3A_975 : i32 to vector<16xi32>
      %parallel_loop3A_977 = tpu.vector_load_idx %arg5[%parallel_loop3A_976, %parallel_loop3A_244] : memref<8x10000xi32, #tpu.memory_space<vmem>>[vector<16xi32>, vector<16xi32>], vector<16xi32>,
      %parallel_loop3A_978 = tpu.vector_load_idx %arg5[%parallel_loop3A_976, %parallel_loop3A_253] : memref<8x10000xi32, #tpu.memory_space<vmem>>[vector<16xi32>, vector<16xi32>], vector<16xi32>,
      %parallel_loop3A_979 = arith.addi %parallel_loop3A_977, %parallel_loop3A_978 : vector<16xi32>
      %parallel_loop3A_980 = tpu.vector_load_idx %arg5[%parallel_loop3A_976, %parallel_loop3A_262] : memref<8x10000xi32, #tpu.memory_space<vmem>>[vector<16xi32>, vector<16xi32>], vector<16xi32>,
      %parallel_loop3A_981 = arith.addi %parallel_loop3A_979, %parallel_loop3A_980 : vector<16xi32>
      %parallel_loop3A_982 = tpu.vector_load_idx %arg5[%parallel_loop3A_976, %parallel_loop3A_271] : memref<8x10000xi32, #tpu.memory_space<vmem>>[vector<16xi32>, vector<16xi32>], vector<16xi32>,
      %parallel_loop3A_983 = arith.addi %parallel_loop3A_981, %parallel_loop3A_982 : vector<16xi32>
      %parallel_loop3A_984 = tpu.vector_load_idx %arg5[%parallel_loop3A_976, %parallel_loop3A_280] : memref<8x10000xi32, #tpu.memory_space<vmem>>[vector<16xi32>, vector<16xi32>], vector<16xi32>,
      %parallel_loop3A_985 = arith.addi %parallel_loop3A_983, %parallel_loop3A_984 : vector<16xi32>
      %parallel_loop3A_986 = tpu.vector_load_idx %arg5[%parallel_loop3A_976, %parallel_loop3A_289] : memref<8x10000xi32, #tpu.memory_space<vmem>>[vector<16xi32>, vector<16xi32>], vector<16xi32>,
      %parallel_loop3A_987 = arith.addi %parallel_loop3A_985, %parallel_loop3A_986 : vector<16xi32>
      %parallel_loop3A_988 = tpu.vector_load_idx %arg5[%parallel_loop3A_976, %parallel_loop3A_298] : memref<8x10000xi32, #tpu.memory_space<vmem>>[vector<16xi32>, vector<16xi32>], vector<16xi32>,
      %parallel_loop3A_989 = arith.addi %parallel_loop3A_987, %parallel_loop3A_988 : vector<16xi32>
      %parallel_loop3A_990 = tpu.vector_load_idx %arg5[%parallel_loop3A_976, %parallel_loop3A_307] : memref<8x10000xi32, #tpu.memory_space<vmem>>[vector<16xi32>, vector<16xi32>], vector<16xi32>,
      %parallel_loop3A_991 = arith.addi %parallel_loop3A_989, %parallel_loop3A_990 : vector<16xi32>
      %parallel_loop3A_992 = tpu.vector_load_idx %arg5[%parallel_loop3A_976, %parallel_loop3A_316] : memref<8x10000xi32, #tpu.memory_space<vmem>>[vector<16xi32>, vector<16xi32>], vector<16xi32>,
      %parallel_loop3A_993 = arith.addi %parallel_loop3A_991, %parallel_loop3A_992 : vector<16xi32>
      %parallel_loop3A_994 = tpu.vector_load_idx %arg5[%parallel_loop3A_976, %parallel_loop3A_325] : memref<8x10000xi32, #tpu.memory_space<vmem>>[vector<16xi32>, vector<16xi32>], vector<16xi32>,
      %parallel_loop3A_995 = arith.addi %parallel_loop3A_993, %parallel_loop3A_994 : vector<16xi32>
      %parallel_loop3A_996 = tpu.vector_load_idx %arg5[%parallel_loop3A_976, %parallel_loop3A_334] : memref<8x10000xi32, #tpu.memory_space<vmem>>[vector<16xi32>, vector<16xi32>], vector<16xi32>,
      %parallel_loop3A_997 = arith.addi %parallel_loop3A_995, %parallel_loop3A_996 : vector<16xi32>
      %parallel_loop3A_998 = tpu.vector_load_idx %arg5[%parallel_loop3A_976, %parallel_loop3A_343] : memref<8x10000xi32, #tpu.memory_space<vmem>>[vector<16xi32>, vector<16xi32>], vector<16xi32>,
      %parallel_loop3A_999 = arith.addi %parallel_loop3A_997, %parallel_loop3A_998 : vector<16xi32>
      %parallel_loop3A_1000 = tpu.vector_load_idx %arg5[%parallel_loop3A_976, %parallel_loop3A_352] : memref<8x10000xi32, #tpu.memory_space<vmem>>[vector<16xi32>, vector<16xi32>], vector<16xi32>,
      %parallel_loop3A_1001 = arith.addi %parallel_loop3A_999, %parallel_loop3A_1000 : vector<16xi32>
      %parallel_loop3A_1002 = tpu.vector_load_idx %arg5[%parallel_loop3A_976, %parallel_loop3A_361] : memref<8x10000xi32, #tpu.memory_space<vmem>>[vector<16xi32>, vector<16xi32>], vector<16xi32>,
      %parallel_loop3A_1003 = arith.addi %parallel_loop3A_1001, %parallel_loop3A_1002 : vector<16xi32>
      %parallel_loop3A_1004 = tpu.vector_load_idx %arg5[%parallel_loop3A_976, %parallel_loop3A_370] : memref<8x10000xi32, #tpu.memory_space<vmem>>[vector<16xi32>, vector<16xi32>], vector<16xi32>,
      %parallel_loop3A_1005 = arith.addi %parallel_loop3A_1003, %parallel_loop3A_1004 : vector<16xi32>
      %parallel_loop3A_1006 = tpu.vector_load_idx %arg5[%parallel_loop3A_976, %parallel_loop3A_379] : memref<8x10000xi32, #tpu.memory_space<vmem>>[vector<16xi32>, vector<16xi32>], vector<16xi32>,
      %parallel_loop3A_1007 = arith.addi %parallel_loop3A_1005, %parallel_loop3A_1006 : vector<16xi32>
      %parallel_loop3A_1008 = arith.constant 65535 : i32
      %parallel_loop3A_1009 = vector.broadcast %parallel_loop3A_1008 : i32 to vector<16xi32>
      %parallel_loop3A_1010 = arith.andi %parallel_loop3A_1007, %parallel_loop3A_1009 : vector<16xi32>
      %parallel_loop3A_1011 = arith.sitofp %parallel_loop3A_1010 : vector<16xi32> to vector<16xf32>
      %parallel_loop3A_1012 = arith.constant 0.001953125 : f32
      %parallel_loop3A_1013 = vector.broadcast %parallel_loop3A_1012 : f32 to vector<16xf32>
      %parallel_loop3A_1014 = arith.mulf %parallel_loop3A_1011, %parallel_loop3A_1013 : vector<16xf32>
      %parallel_loop3A_1015 = arith.constant 1.600000e+01 : f32
      %parallel_loop3A_1016 = vector.broadcast %parallel_loop3A_1015 : f32 to vector<16xf32>
      %parallel_loop3A_1017 = arith.subf %parallel_loop3A_1014, %parallel_loop3A_1016 : vector<16xf32>
      %parallel_loop3A_1018 = arith.constant 16 : i32
      %parallel_loop3A_1019 = vector.broadcast %parallel_loop3A_1018 : i32 to vector<16xi32>
      %parallel_loop3A_1020 = arith.shrsi %parallel_loop3A_1007, %parallel_loop3A_1019 : vector<16xi32>
      %parallel_loop3A_1021 = arith.sitofp %parallel_loop3A_1020 : vector<16xi32> to vector<16xf32>
      %parallel_loop3A_1022 = arith.constant 0.001953125 : f32
      %parallel_loop3A_1023 = vector.broadcast %parallel_loop3A_1022 : f32 to vector<16xf32>
      %parallel_loop3A_1024 = arith.mulf %parallel_loop3A_1021, %parallel_loop3A_1023 : vector<16xf32>
      %parallel_loop3A_1025 = arith.constant 1.600000e+01 : f32
      %parallel_loop3A_1026 = vector.broadcast %parallel_loop3A_1025 : f32 to vector<16xf32>
      %parallel_loop3A_1027 = arith.subf %parallel_loop3A_1024, %parallel_loop3A_1026 : vector<16xf32>
      %parallel_loop3A_1028 = arith.constant 7 : i32
      %parallel_loop3A_1029 = arith.index_cast %parallel_loop3A_1028 : i32 to index
      %parallel_loop3A_1030 = arith.index_cast %parallel_loop3A_233 : i32 to index
      %parallel_loop3A_1031 = tpu.vector_load %arg5[%parallel_loop3A_1029, %parallel_loop3A_1030] {strides = array<i32>} : memref<8x10000xi32, #tpu.memory_space<vmem>>, vector<16xi32>,
      %parallel_loop3A_1032 = arith.constant 65535 : i32
      %parallel_loop3A_1033 = vector.broadcast %parallel_loop3A_1032 : i32 to vector<16xi32>
      %parallel_loop3A_1034 = arith.andi %parallel_loop3A_1031, %parallel_loop3A_1033 : vector<16xi32>
      %parallel_loop3A_1035 = arith.sitofp %parallel_loop3A_1034 : vector<16xi32> to vector<16xf32>
      %parallel_loop3A_1036 = arith.constant 0.001953125 : f32
      %parallel_loop3A_1037 = vector.broadcast %parallel_loop3A_1036 : f32 to vector<16xf32>
      %parallel_loop3A_1038 = arith.mulf %parallel_loop3A_1035, %parallel_loop3A_1037 : vector<16xf32>
      %parallel_loop3A_1039 = arith.constant 1.000000e+00 : f32
      %parallel_loop3A_1040 = vector.broadcast %parallel_loop3A_1039 : f32 to vector<16xf32>
      %parallel_loop3A_1041 = arith.subf %parallel_loop3A_1038, %parallel_loop3A_1040 : vector<16xf32>
      %parallel_loop3A_1042 = arith.constant 16 : i32
      %parallel_loop3A_1043 = vector.broadcast %parallel_loop3A_1042 : i32 to vector<16xi32>
      %parallel_loop3A_1044 = arith.shrsi %parallel_loop3A_1031, %parallel_loop3A_1043 : vector<16xi32>
      %parallel_loop3A_1045 = arith.sitofp %parallel_loop3A_1044 : vector<16xi32> to vector<16xf32>
      %parallel_loop3A_1046 = arith.constant 0.001953125 : f32
      %parallel_loop3A_1047 = vector.broadcast %parallel_loop3A_1046 : f32 to vector<16xf32>
      %parallel_loop3A_1048 = arith.mulf %parallel_loop3A_1045, %parallel_loop3A_1047 : vector<16xf32>
      %parallel_loop3A_1049 = arith.constant 1.000000e+00 : f32
      %parallel_loop3A_1050 = vector.broadcast %parallel_loop3A_1049 : f32 to vector<16xf32>
      %parallel_loop3A_1051 = arith.subf %parallel_loop3A_1048, %parallel_loop3A_1050 : vector<16xf32>
      %parallel_loop3A_1052 = arith.mulf %parallel_loop3A_1051, %parallel_loop3A_1017 : vector<16xf32>
      %parallel_loop3A_1053 = arith.mulf %parallel_loop3A_1041, %parallel_loop3A_1027 : vector<16xf32>
      %parallel_loop3A_1054 = arith.subf %parallel_loop3A_1052, %parallel_loop3A_1053 : vector<16xf32>
      %parallel_loop3A_1055 = arith.constant 1.250000e-01 : f32
      %parallel_loop3A_1056 = vector.broadcast %parallel_loop3A_1055 : f32 to vector<16xf32>
      %parallel_loop3A_1057 = arith.mulf %parallel_loop3A_1056, %parallel_loop3A_1054 : vector<16xf32>
      %parallel_loop3A_1058 = arith.index_cast %parallel_loop3A_232 : i32 to index
      %parallel_loop3A_1059 = tpu.vector_load %arg14[%parallel_loop3A_1058] {strides = array<i32>} : memref<1264xf32, #tpu.memory_space<vmem>>, vector<16xf32>,
      tpu.vector_store %arg14[%parallel_loop3A_1058], %parallel_loop3A_1057 {strides = array<i32>} : memref<1264xf32, #tpu.memory_space<vmem>>, vector<16xf32>,
    } {sc.loop_unroll_factor = 1 : i64, sc.parallel_access}
    %add3A_158 = arith.constant 0 : i32
    %add3A_159 = arith.addi %mul3A_32, %add3A_158 : i32
    %mul3A_160 = arith.constant 10000 : i32
    %mul3A_161 = arith.muli %add3A_159, %mul3A_160 : i32
    %add3A_162 = arith.addi %mul3A_161, %select_n3A_136 : i32
    %dma_start3A_163 = tpu.memref_slice %arg4[%add3A_162] : memref<640000xf32, #tpu.memory_space<hbm>> -> memref<1264xf32, #tpu.memory_space<hbm>>
    %dma_start3A_164 = tpu.memref_slice %arg4[%add3A_162] : memref<640000xf32, #tpu.memory_space<hbm>> -> memref<1264xf32, #tpu.memory_space<hbm>>
    tpu.enqueue_dma source(%arg7 : memref<1264xf32, #tpu.memory_space<vmem>>) target(%dma_start3A_164 : memref<1264xf32, #tpu.memory_space<hbm>>) target_semaphore(%arg18 : memref<!tpu.dma_semaphore, #tpu.memory_space<semaphore_mem>>)
    %add3A_165 = arith.constant 1 : i32
    %add3A_166 = arith.addi %mul3A_32, %add3A_165 : i32
    %mul3A_167 = arith.constant 10000 : i32
    %mul3A_168 = arith.muli %add3A_166, %mul3A_167 : i32
    %add3A_169 = arith.addi %mul3A_168, %select_n3A_136 : i32
    %dma_start3A_170 = tpu.memref_slice %arg4[%add3A_169] : memref<640000xf32, #tpu.memory_space<hbm>> -> memref<1264xf32, #tpu.memory_space<hbm>>
    %dma_start3A_171 = tpu.memref_slice %arg4[%add3A_169] : memref<640000xf32, #tpu.memory_space<hbm>> -> memref<1264xf32, #tpu.memory_space<hbm>>
    tpu.enqueue_dma source(%arg8 : memref<1264xf32, #tpu.memory_space<vmem>>) target(%dma_start3A_171 : memref<1264xf32, #tpu.memory_space<hbm>>) target_semaphore(%arg18 : memref<!tpu.dma_semaphore, #tpu.memory_space<semaphore_mem>>)
    %add3A_172 = arith.constant 2 : i32
    %add3A_173 = arith.addi %mul3A_32, %add3A_172 : i32
    %mul3A_174 = arith.constant 10000 : i32
    %mul3A_175 = arith.muli %add3A_173, %mul3A_174 : i32
    %add3A_176 = arith.addi %mul3A_175, %select_n3A_136 : i32
    %dma_start3A_177 = tpu.memref_slice %arg4[%add3A_176] : memref<640000xf32, #tpu.memory_space<hbm>> -> memref<1264xf32, #tpu.memory_space<hbm>>
    %dma_start3A_178 = tpu.memref_slice %arg4[%add3A_176] : memref<640000xf32, #tpu.memory_space<hbm>> -> memref<1264xf32, #tpu.memory_space<hbm>>
    tpu.enqueue_dma source(%arg9 : memref<1264xf32, #tpu.memory_space<vmem>>) target(%dma_start3A_178 : memref<1264xf32, #tpu.memory_space<hbm>>) target_semaphore(%arg18 : memref<!tpu.dma_semaphore, #tpu.memory_space<semaphore_mem>>)
    %add3A_179 = arith.constant 3 : i32
    %add3A_180 = arith.addi %mul3A_32, %add3A_179 : i32
    %mul3A_181 = arith.constant 10000 : i32
    %mul3A_182 = arith.muli %add3A_180, %mul3A_181 : i32
    %add3A_183 = arith.addi %mul3A_182, %select_n3A_136 : i32
    %dma_start3A_184 = tpu.memref_slice %arg4[%add3A_183] : memref<640000xf32, #tpu.memory_space<hbm>> -> memref<1264xf32, #tpu.memory_space<hbm>>
    %dma_start3A_185 = tpu.memref_slice %arg4[%add3A_183] : memref<640000xf32, #tpu.memory_space<hbm>> -> memref<1264xf32, #tpu.memory_space<hbm>>
    tpu.enqueue_dma source(%arg10 : memref<1264xf32, #tpu.memory_space<vmem>>) target(%dma_start3A_185 : memref<1264xf32, #tpu.memory_space<hbm>>) target_semaphore(%arg18 : memref<!tpu.dma_semaphore, #tpu.memory_space<semaphore_mem>>)
    %add3A_186 = arith.constant 4 : i32
    %add3A_187 = arith.addi %mul3A_32, %add3A_186 : i32
    %mul3A_188 = arith.constant 10000 : i32
    %mul3A_189 = arith.muli %add3A_187, %mul3A_188 : i32
    %add3A_190 = arith.addi %mul3A_189, %select_n3A_136 : i32
    %dma_start3A_191 = tpu.memref_slice %arg4[%add3A_190] : memref<640000xf32, #tpu.memory_space<hbm>> -> memref<1264xf32, #tpu.memory_space<hbm>>
    %dma_start3A_192 = tpu.memref_slice %arg4[%add3A_190] : memref<640000xf32, #tpu.memory_space<hbm>> -> memref<1264xf32, #tpu.memory_space<hbm>>
    tpu.enqueue_dma source(%arg11 : memref<1264xf32, #tpu.memory_space<vmem>>) target(%dma_start3A_192 : memref<1264xf32, #tpu.memory_space<hbm>>) target_semaphore(%arg18 : memref<!tpu.dma_semaphore, #tpu.memory_space<semaphore_mem>>)
    %add3A_193 = arith.constant 5 : i32
    %add3A_194 = arith.addi %mul3A_32, %add3A_193 : i32
    %mul3A_195 = arith.constant 10000 : i32
    %mul3A_196 = arith.muli %add3A_194, %mul3A_195 : i32
    %add3A_197 = arith.addi %mul3A_196, %select_n3A_136 : i32
    %dma_start3A_198 = tpu.memref_slice %arg4[%add3A_197] : memref<640000xf32, #tpu.memory_space<hbm>> -> memref<1264xf32, #tpu.memory_space<hbm>>
    %dma_start3A_199 = tpu.memref_slice %arg4[%add3A_197] : memref<640000xf32, #tpu.memory_space<hbm>> -> memref<1264xf32, #tpu.memory_space<hbm>>
    tpu.enqueue_dma source(%arg12 : memref<1264xf32, #tpu.memory_space<vmem>>) target(%dma_start3A_199 : memref<1264xf32, #tpu.memory_space<hbm>>) target_semaphore(%arg18 : memref<!tpu.dma_semaphore, #tpu.memory_space<semaphore_mem>>)
    %add3A_200 = arith.constant 6 : i32
    %add3A_201 = arith.addi %mul3A_32, %add3A_200 : i32
    %mul3A_202 = arith.constant 10000 : i32
    %mul3A_203 = arith.muli %add3A_201, %mul3A_202 : i32
    %add3A_204 = arith.addi %mul3A_203, %select_n3A_136 : i32
    %dma_start3A_205 = tpu.memref_slice %arg4[%add3A_204] : memref<640000xf32, #tpu.memory_space<hbm>> -> memref<1264xf32, #tpu.memory_space<hbm>>
    %dma_start3A_206 = tpu.memref_slice %arg4[%add3A_204] : memref<640000xf32, #tpu.memory_space<hbm>> -> memref<1264xf32, #tpu.memory_space<hbm>>
    tpu.enqueue_dma source(%arg13 : memref<1264xf32, #tpu.memory_space<vmem>>) target(%dma_start3A_206 : memref<1264xf32, #tpu.memory_space<hbm>>) target_semaphore(%arg18 : memref<!tpu.dma_semaphore, #tpu.memory_space<semaphore_mem>>)
    %add3A_207 = arith.constant 7 : i32
    %add3A_208 = arith.addi %mul3A_32, %add3A_207 : i32
    %mul3A_209 = arith.constant 10000 : i32
    %mul3A_210 = arith.muli %add3A_208, %mul3A_209 : i32
    %add3A_211 = arith.addi %mul3A_210, %select_n3A_136 : i32
    %dma_start3A_212 = tpu.memref_slice %arg4[%add3A_211] : memref<640000xf32, #tpu.memory_space<hbm>> -> memref<1264xf32, #tpu.memory_space<hbm>>
    %dma_start3A_213 = tpu.memref_slice %arg4[%add3A_211] : memref<640000xf32, #tpu.memory_space<hbm>> -> memref<1264xf32, #tpu.memory_space<hbm>>
    tpu.enqueue_dma source(%arg14 : memref<1264xf32, #tpu.memory_space<vmem>>) target(%dma_start3A_213 : memref<1264xf32, #tpu.memory_space<hbm>>) target_semaphore(%arg18 : memref<!tpu.dma_semaphore, #tpu.memory_space<semaphore_mem>>)
    %dma_wait3A_214 = tpu.memref_slice %arg4[%add3A_162] : memref<640000xf32, #tpu.memory_space<hbm>> -> memref<1264xf32, #tpu.memory_space<hbm>>
    %dma_wait3A_215 = tpu.memref_slice %arg4[%add3A_162] : memref<640000xf32, #tpu.memory_space<hbm>> -> memref<1264xf32, #tpu.memory_space<hbm>>
    tpu.wait_dma2 semaphore(%arg18 : memref<!tpu.dma_semaphore, #tpu.memory_space<semaphore_mem>>) src(%arg7 : memref<1264xf32, #tpu.memory_space<vmem>>) dst(%dma_wait3A_215 : memref<1264xf32, #tpu.memory_space<hbm>>)
    %dma_wait3A_216 = tpu.memref_slice %arg4[%add3A_169] : memref<640000xf32, #tpu.memory_space<hbm>> -> memref<1264xf32, #tpu.memory_space<hbm>>
    %dma_wait3A_217 = tpu.memref_slice %arg4[%add3A_169] : memref<640000xf32, #tpu.memory_space<hbm>> -> memref<1264xf32, #tpu.memory_space<hbm>>
    tpu.wait_dma2 semaphore(%arg18 : memref<!tpu.dma_semaphore, #tpu.memory_space<semaphore_mem>>) src(%arg8 : memref<1264xf32, #tpu.memory_space<vmem>>) dst(%dma_wait3A_217 : memref<1264xf32, #tpu.memory_space<hbm>>)
    %dma_wait3A_218 = tpu.memref_slice %arg4[%add3A_176] : memref<640000xf32, #tpu.memory_space<hbm>> -> memref<1264xf32, #tpu.memory_space<hbm>>
    %dma_wait3A_219 = tpu.memref_slice %arg4[%add3A_176] : memref<640000xf32, #tpu.memory_space<hbm>> -> memref<1264xf32, #tpu.memory_space<hbm>>
    tpu.wait_dma2 semaphore(%arg18 : memref<!tpu.dma_semaphore, #tpu.memory_space<semaphore_mem>>) src(%arg9 : memref<1264xf32, #tpu.memory_space<vmem>>) dst(%dma_wait3A_219 : memref<1264xf32, #tpu.memory_space<hbm>>)
    %dma_wait3A_220 = tpu.memref_slice %arg4[%add3A_183] : memref<640000xf32, #tpu.memory_space<hbm>> -> memref<1264xf32, #tpu.memory_space<hbm>>
    %dma_wait3A_221 = tpu.memref_slice %arg4[%add3A_183] : memref<640000xf32, #tpu.memory_space<hbm>> -> memref<1264xf32, #tpu.memory_space<hbm>>
    tpu.wait_dma2 semaphore(%arg18 : memref<!tpu.dma_semaphore, #tpu.memory_space<semaphore_mem>>) src(%arg10 : memref<1264xf32, #tpu.memory_space<vmem>>) dst(%dma_wait3A_221 : memref<1264xf32, #tpu.memory_space<hbm>>)
    %dma_wait3A_222 = tpu.memref_slice %arg4[%add3A_190] : memref<640000xf32, #tpu.memory_space<hbm>> -> memref<1264xf32, #tpu.memory_space<hbm>>
    %dma_wait3A_223 = tpu.memref_slice %arg4[%add3A_190] : memref<640000xf32, #tpu.memory_space<hbm>> -> memref<1264xf32, #tpu.memory_space<hbm>>
    tpu.wait_dma2 semaphore(%arg18 : memref<!tpu.dma_semaphore, #tpu.memory_space<semaphore_mem>>) src(%arg11 : memref<1264xf32, #tpu.memory_space<vmem>>) dst(%dma_wait3A_223 : memref<1264xf32, #tpu.memory_space<hbm>>)
    %dma_wait3A_224 = tpu.memref_slice %arg4[%add3A_197] : memref<640000xf32, #tpu.memory_space<hbm>> -> memref<1264xf32, #tpu.memory_space<hbm>>
    %dma_wait3A_225 = tpu.memref_slice %arg4[%add3A_197] : memref<640000xf32, #tpu.memory_space<hbm>> -> memref<1264xf32, #tpu.memory_space<hbm>>
    tpu.wait_dma2 semaphore(%arg18 : memref<!tpu.dma_semaphore, #tpu.memory_space<semaphore_mem>>) src(%arg12 : memref<1264xf32, #tpu.memory_space<vmem>>) dst(%dma_wait3A_225 : memref<1264xf32, #tpu.memory_space<hbm>>)
    %dma_wait3A_226 = tpu.memref_slice %arg4[%add3A_204] : memref<640000xf32, #tpu.memory_space<hbm>> -> memref<1264xf32, #tpu.memory_space<hbm>>
    %dma_wait3A_227 = tpu.memref_slice %arg4[%add3A_204] : memref<640000xf32, #tpu.memory_space<hbm>> -> memref<1264xf32, #tpu.memory_space<hbm>>
    tpu.wait_dma2 semaphore(%arg18 : memref<!tpu.dma_semaphore, #tpu.memory_space<semaphore_mem>>) src(%arg13 : memref<1264xf32, #tpu.memory_space<vmem>>) dst(%dma_wait3A_227 : memref<1264xf32, #tpu.memory_space<hbm>>)
    %dma_wait3A_228 = tpu.memref_slice %arg4[%add3A_211] : memref<640000xf32, #tpu.memory_space<hbm>> -> memref<1264xf32, #tpu.memory_space<hbm>>
    %dma_wait3A_229 = tpu.memref_slice %arg4[%add3A_211] : memref<640000xf32, #tpu.memory_space<hbm>> -> memref<1264xf32, #tpu.memory_space<hbm>>
    tpu.wait_dma2 semaphore(%arg18 : memref<!tpu.dma_semaphore, #tpu.memory_space<semaphore_mem>>) src(%arg14 : memref<1264xf32, #tpu.memory_space<vmem>>) dst(%dma_wait3A_229 : memref<1264xf32, #tpu.memory_space<hbm>>)
    return
  }
}

module attributes {stable_mosaic.version = 14 : i64} {
  func.func @_tc_pack_body(%arg0: i32, %arg1: memref<1xf32, #tpu.memory_space<smem>>, %arg2: memref<64x1280xf32, #tpu.memory_space<vmem>>, %arg3: memref<64x1280xf32, #tpu.memory_space<vmem>>, %arg4: memref<64x1280xi32, #tpu.memory_space<vmem>>, %arg5: memref<64x1280xf32, #tpu.memory_space<vmem>>) attributes {dimension_semantics = [#tpu.dimension_semantics<arbitrary>], iteration_bounds = array<i64: 8>, scalar_prefetch = 0 : i64, scratch_operands = 0 : i64, tpu.core_type = #tpu.core_type<tc>, window_params = [{transform_indices = @transform_0, window_bounds = array<i64: 1>}, {transform_indices = @transform_1, window_bounds = array<i64: 64, 1280>}, {transform_indices = @transform_2, window_bounds = array<i64: 64, 1280>}, {transform_indices = @transform_3, window_bounds = array<i64: 64, 1280>}, {transform_indices = @transform_4, window_bounds = array<i64: 64, 1280>}]} {
    %get3A = arith.constant 0 : index
    %get3A_0 = arith.constant 0 : index
    %get3A_1 = vector.load %arg2[%get3A, %get3A_0] : memref<64x1280xf32, #tpu.memory_space<vmem>>, vector<64x1280xf32>
    %mul3A = arith.constant 0.636619746 : f32
    %mul3A_2 = vector.broadcast %mul3A : f32 to vector<64x1280xf32>
    %mul3A_3 = arith.mulf %get3A_1, %mul3A_2 : vector<64x1280xf32>
    %convert_element_type3A = arith.fptosi %mul3A_3 : vector<64x1280xf32> to vector<64x1280xi32>
    %convert_element_type3A_4 = arith.sitofp %convert_element_type3A : vector<64x1280xi32> to vector<64x1280xf32>
    %mul3A_5 = arith.constant 1.57079637 : f32
    %mul3A_6 = vector.broadcast %mul3A_5 : f32 to vector<64x1280xf32>
    %mul3A_7 = arith.mulf %convert_element_type3A_4, %mul3A_6 : vector<64x1280xf32>
    %sub3A = arith.subf %get3A_1, %mul3A_7 : vector<64x1280xf32>
    %mul3A_8 = arith.mulf %sub3A, %sub3A : vector<64x1280xf32>
    %mul3A_9 = arith.constant -1.98412701E-4 : f32
    %mul3A_10 = vector.broadcast %mul3A_9 : f32 to vector<64x1280xf32>
    %mul3A_11 = arith.mulf %mul3A_8, %mul3A_10 : vector<64x1280xf32>
    %add3A = arith.constant 0.00833333377 : f32
    %add3A_12 = vector.broadcast %add3A : f32 to vector<64x1280xf32>
    %add3A_13 = arith.addf %add3A_12, %mul3A_11 : vector<64x1280xf32>
    %mul3A_14 = arith.mulf %mul3A_8, %add3A_13 : vector<64x1280xf32>
    %add3A_15 = arith.constant -0.166666672 : f32
    %add3A_16 = vector.broadcast %add3A_15 : f32 to vector<64x1280xf32>
    %add3A_17 = arith.addf %add3A_16, %mul3A_14 : vector<64x1280xf32>
    %mul3A_18 = arith.mulf %mul3A_8, %add3A_17 : vector<64x1280xf32>
    %add3A_19 = arith.constant 1.000000e+00 : f32
    %add3A_20 = vector.broadcast %add3A_19 : f32 to vector<64x1280xf32>
    %add3A_21 = arith.addf %add3A_20, %mul3A_18 : vector<64x1280xf32>
    %mul3A_22 = arith.mulf %sub3A, %add3A_21 : vector<64x1280xf32>
    %mul3A_23 = arith.constant 2.48015876E-5 : f32
    %mul3A_24 = vector.broadcast %mul3A_23 : f32 to vector<64x1280xf32>
    %mul3A_25 = arith.mulf %mul3A_8, %mul3A_24 : vector<64x1280xf32>
    %add3A_26 = arith.constant -0.00138888892 : f32
    %add3A_27 = vector.broadcast %add3A_26 : f32 to vector<64x1280xf32>
    %add3A_28 = arith.addf %add3A_27, %mul3A_25 : vector<64x1280xf32>
    %mul3A_29 = arith.mulf %mul3A_8, %add3A_28 : vector<64x1280xf32>
    %add3A_30 = arith.constant 0.0416666679 : f32
    %add3A_31 = vector.broadcast %add3A_30 : f32 to vector<64x1280xf32>
    %add3A_32 = arith.addf %add3A_31, %mul3A_29 : vector<64x1280xf32>
    %mul3A_33 = arith.mulf %mul3A_8, %add3A_32 : vector<64x1280xf32>
    %add3A_34 = arith.constant -5.000000e-01 : f32
    %add3A_35 = vector.broadcast %add3A_34 : f32 to vector<64x1280xf32>
    %add3A_36 = arith.addf %add3A_35, %mul3A_33 : vector<64x1280xf32>
    %mul3A_37 = arith.mulf %mul3A_8, %add3A_36 : vector<64x1280xf32>
    %add3A_38 = arith.constant 1.000000e+00 : f32
    %add3A_39 = vector.broadcast %add3A_38 : f32 to vector<64x1280xf32>
    %add3A_40 = arith.addf %add3A_39, %mul3A_37 : vector<64x1280xf32>
    %ge3A = arith.constant 2 : i32
    %ge3A_41 = vector.broadcast %ge3A : i32 to vector<64x1280xi32>
    %ge3A_42 = arith.cmpi sge, %convert_element_type3A, %ge3A_41 : vector<64x1280xi32>
    %eq3A = arith.constant 1 : i32
    %eq3A_43 = vector.broadcast %eq3A : i32 to vector<64x1280xi32>
    %eq3A_44 = arith.cmpi eq, %convert_element_type3A, %eq3A_43 : vector<64x1280xi32>
    %eq3A_45 = arith.constant 3 : i32
    %eq3A_46 = vector.broadcast %eq3A_45 : i32 to vector<64x1280xi32>
    %eq3A_47 = arith.cmpi eq, %convert_element_type3A, %eq3A_46 : vector<64x1280xi32>
    %or3A = arith.ori %eq3A_44, %eq3A_47 : vector<64x1280xi1>
    %select_n3A = arith.select %or3A, %add3A_40, %mul3A_22 : vector<64x1280xi1>, vector<64x1280xf32>
    %neg3A = arith.constant 0.000000e+00 : f32
    %neg3A_48 = vector.broadcast %neg3A : f32 to vector<64x1280xf32>
    %neg3A_49 = arith.subf %neg3A_48, %mul3A_22 : vector<64x1280xf32>
    %select_n3A_50 = arith.select %or3A, %neg3A_49, %add3A_40 : vector<64x1280xi1>, vector<64x1280xf32>
    %jit3A = arith.constant -1.000000e+00 : f32
    %jit3A_51 = arith.constant 1.000000e+00 : f32
    %broadcast_in_dim3A = vector.broadcast %jit3A : f32 to vector<64x1280xf32>
    %broadcast_in_dim3A_52 = vector.broadcast %jit3A_51 : f32 to vector<64x1280xf32>
    %select_n3A_53 = arith.select %ge3A_42, %broadcast_in_dim3A, %broadcast_in_dim3A_52 : vector<64x1280xi1>, vector<64x1280xf32>
    %mul3A_54 = arith.mulf %select_n3A_53, %select_n3A : vector<64x1280xf32>
    %mul3A_55 = arith.constant 5.120000e+02 : f32
    %mul3A_56 = vector.broadcast %mul3A_55 : f32 to vector<64x1280xf32>
    %mul3A_57 = arith.mulf %mul3A_54, %mul3A_56 : vector<64x1280xf32>
    %add3A_58 = arith.constant 5.125000e+02 : f32
    %add3A_59 = vector.broadcast %add3A_58 : f32 to vector<64x1280xf32>
    %add3A_60 = arith.addf %mul3A_57, %add3A_59 : vector<64x1280xf32>
    %convert_element_type3A_61 = arith.fptosi %add3A_60 : vector<64x1280xf32> to vector<64x1280xi32>
    %mul3A_62 = arith.mulf %select_n3A_53, %select_n3A_50 : vector<64x1280xf32>
    %mul3A_63 = arith.constant 5.120000e+02 : f32
    %mul3A_64 = vector.broadcast %mul3A_63 : f32 to vector<64x1280xf32>
    %mul3A_65 = arith.mulf %mul3A_62, %mul3A_64 : vector<64x1280xf32>
    %add3A_66 = arith.constant 5.125000e+02 : f32
    %add3A_67 = vector.broadcast %add3A_66 : f32 to vector<64x1280xf32>
    %add3A_68 = arith.addf %mul3A_65, %add3A_67 : vector<64x1280xf32>
    %convert_element_type3A_69 = arith.fptosi %add3A_68 : vector<64x1280xf32> to vector<64x1280xi32>
    %shift_left3A = arith.constant 16 : i32
    %shift_left3A_70 = vector.broadcast %shift_left3A : i32 to vector<64x1280xi32>
    %shift_left3A_71 = arith.shli %convert_element_type3A_69, %shift_left3A_70 : vector<64x1280xi32>
    %or3A_72 = arith.ori %shift_left3A_71, %convert_element_type3A_61 : vector<64x1280xi32>
    %swap3A = arith.constant 0 : index
    %swap3A_73 = arith.constant 0 : index
    %swap3A_74 = vector.load %arg4[%swap3A, %swap3A_73] : memref<64x1280xi32, #tpu.memory_space<vmem>>, vector<64x1280xi32>
    tpu.vector_store %arg4[%swap3A, %swap3A_73], %or3A_72 {strides = array<i32>} : memref<64x1280xi32, #tpu.memory_space<vmem>>, vector<64x1280xi32>,
    %get3A_75 = arith.constant 0 : index
    %get3A_76 = arith.constant 0 : index
    %get3A_77 = vector.load %arg3[%get3A_75, %get3A_76] : memref<64x1280xf32, #tpu.memory_space<vmem>>, vector<64x1280xf32>
    %get3A_78 = arith.constant 0 : index
    %get3A_79 = memref.load %arg1[%get3A_78] : memref<1xf32, #tpu.memory_space<smem>>
    %mul3A_80 = arith.constant 0.00999999977 : f32
    %mul3A_81 = vector.broadcast %mul3A_80 : f32 to vector<64x1280xf32>
    %mul3A_82 = arith.mulf %mul3A_81, %get3A_77 : vector<64x1280xf32>
    %mul3A_83 = arith.mulf %get3A_77, %get3A_77 : vector<64x1280xf32>
    %sub3A_84 = vector.broadcast %get3A_79 : f32 to vector<64x1280xf32>
    %sub3A_85 = arith.subf %sub3A_84, %mul3A_83 : vector<64x1280xf32>
    %mul3A_86 = arith.mulf %mul3A_82, %sub3A_85 : vector<64x1280xf32>
    %add3A_87 = arith.addf %get3A_77, %mul3A_86 : vector<64x1280xf32>
    %jit3A_88 = arith.constant 9.99999997E-7 : f32
    %jit3A_89 = arith.constant 1.000000e+01 : f32
    %max3A = vector.broadcast %jit3A_88 : f32 to vector<64x1280xf32>
    %max3A_90 = arith.maximumf %max3A, %add3A_87 : vector<64x1280xf32>
    %min3A = vector.broadcast %jit3A_89 : f32 to vector<64x1280xf32>
    %min3A_91 = arith.minimumf %min3A, %max3A_90 : vector<64x1280xf32>
    %swap3A_92 = arith.constant 0 : index
    %swap3A_93 = arith.constant 0 : index
    %swap3A_94 = vector.load %arg5[%swap3A_92, %swap3A_93] : memref<64x1280xf32, #tpu.memory_space<vmem>>, vector<64x1280xf32>
    tpu.vector_store %arg5[%swap3A_92, %swap3A_93], %min3A_91 {strides = array<i32>} : memref<64x1280xf32, #tpu.memory_space<vmem>>, vector<64x1280xf32>,
    return
  }
  func.func @transform_0(%arg0: i32) -> i32 {
    %c0_i32 = arith.constant 0 : i32
    %c0_i32_0 = arith.constant 0 : i32
    return %c0_i32 : i32
  }
  func.func @transform_1(%arg0: i32) -> (i32, i32) {
    %c0_i32 = arith.constant 0 : i32
    %c0_i32_0 = arith.constant 0 : i32
    return %c0_i32, %arg0 : i32, i32
  }
  func.func @transform_2(%arg0: i32) -> (i32, i32) {
    %c0_i32 = arith.constant 0 : i32
    %c0_i32_0 = arith.constant 0 : i32
    return %c0_i32, %arg0 : i32, i32
  }
  func.func @transform_3(%arg0: i32) -> (i32, i32) {
    %c0_i32 = arith.constant 0 : i32
    %c0_i32_0 = arith.constant 0 : i32
    return %c0_i32, %arg0 : i32, i32
  }
  func.func @transform_4(%arg0: i32) -> (i32, i32) {
    %c0_i32 = arith.constant 0 : i32
    %c0_i32_0 = arith.constant 0 : i32
    return %c0_i32, %arg0 : i32, i32
  }
}

</mosaic_0001>

<sc_bundles>
// kernel: kernel.4.cloned.1.call-start
scs
__scs_entry_jumppad:
0x0: {  	(pc) =	sbr.rel $0x88, $3  }
0x1: {  	(tag) =	ssettag $0x0;
	lr =	simm.s32 $0x1  }
0x2: {  	[smem:$0x3F9C] =	sst lr;
	_ =	strace $0xD0000000  }
0x3: {  	_ = 	snop  }
0x4: {  	_ = 	snop  }
0x5: {  	_ = 	snop  }
0x6: {  	_ = 	snop  }
0x7: {  	_ = 	snop  }
__scs_overlays_trampoline_lowered:
0x8: {  	[smem:$0x3FAB] =	sst s0  }
0x9: {  	[smem:$0x3FAC] =	sst s1  }
0xa: {  	[smem:$0x3FAD] =	sst s2  }
0xb: {  	[smem:$0x3FAE] =	sst s3  }
0xc: {  	[smem:$0x3FAF] =	sst s4  }
0xd: {  	[smem:$0x3FB0] =	sst s5  }
0xe: {  	[smem:$0x3FB1] =	sst s6  }
0xf: {  	[smem:$0x3FB2] =	sst s7  }
0x10: {  	[smem:$0x3FB3] =	sst s8  }
0x11: {  	[smem:$0x3FB4] =	sst s9;
	s0 =	simm.s32 @!p0 $0x0  }
0x12: {  	s1 =	sld [smem:$0x3F9A];
	s0 =	simm.s32 @p0 $0x1  }
0x13: {  	[smem:$0x3FB5] =	sst s0;
	s0 =	simm.s32 @!p1 $0x0  }
0x14: {  	s2 =	sld [smem:$0x3F99];
	s0 =	simm.s32 @p1 $0x1  }
0x15: {  	[smem:$0x3FB6] =	sst s0;
	s0 =	simm.s32 @!p2 $0x0  }
0x16: {  	s3 =	sld [smem:$0x3FDB];
	s0 =	simm.s32 @p2 $0x1  }
0x17: {  	s4 =	simm.s32 $0x1BF5;
	[smem:$0x3FB8] =	sst s0  }
0x18: {  	s0 =	sld [smem:$0x3F9B];
	_ =	swait.ge [sflag:s4], $0x0  }
0x19: {  	s7 =	sld [smem:$0x3F9C]  }
0x1a: {  	s8 =	sadd.s32 $0xFFFFE003, lr  }
0x1b: {  	s9 =	sadd.s32 $0xFFFFFEF7, lr;
	s5 =	simm.s32 $0xFFFFFFFF;
	p2 =	slt.u32 s8, $0xFFFFF086  }
0x1c: {  	p1 =	slt.u32 s9, $0xF7A;
	s5 =	simm.s32 @!p2 $0x0  }
0x1d: {  	s5 =	simm.s32 @p1 $0x1;
	p0 =	seq.s32 s7, s2  }
0x1e: {  	s7 =	smul.u32 @!p0 $0xF7A, s2;
	p2 =	seq.s32 @!p0 s5, $0x0  }
0x1f: {  	s9 =	smul.u32 $0xF7A, s1;
	s8 =	simm.s32 @!p0 $0x1BF5;
	p2 =	por !p2, p0  }
0x20: {  	[sflag:s8] =	ssyncset.s32 @!p0 $0xFFFFF086;
	s6 =	sadd.s32 @!p0 s3, s7;
	s7 =	simm.s32 @!p0 $0x108  }
0x21: {  	s3 =	sadd.s32 s3, s9;
	s6 =	sadd.s32 @!p0 $0x88, s6;
	s7 =	simm.s32 @p2 $0x1082  }
0x22: {  	[simem:s7], [sflag:s8] =	dma.local @!p0 [hbm:s6], $0xF7A  }
0x23: {  	s9 =	sor.u32 $0xD0000000, s2;
	s6 =	simm.s32 $0x108;
	_ =	swait.ge @!p0 [sflag:s8], $0x0  }
0x24: {  	s3 =	sadd.s32 $0x88, s3;
	s6 =	simm.s32 @!p1 $0x1082;
	[sflag:s4] =	ssyncset.s32 $0xFFFFF086  }
0x25: {  	[simem:s6], [sflag:s4] =	dma.local [hbm:s3], $0xF7A  }
0x26: {  	[smem:$0x3F9C] =	sst s1;
	(tag) =	ssettag s2;
	_ =	strace s9  }
0x27: {  	s1 =	sld [smem:$0x3FAC]  }
0x28: {  	s2 =	sld [smem:$0x3FAD]  }
0x29: {  	s4 =	sld [smem:$0x3FAF]  }
0x2a: {  	p0 =	seq.s32 s5, $0x0;
	s5 =	sld [smem:$0x3FB0]  }
0x2b: {  	s6 =	sld [smem:$0x3FB1]  }
0x2c: {  	s7 =	sld [smem:$0x3FB2]  }
0x2d: {  	s3 =	simm.s32 $0x108;
	s8 =	sld [smem:$0x3FB3]  }
0x2e: {  	s3 =	simm.s32 @!p0 $0x1082;
	s9 =	sld [smem:$0x3FB4]  }
0x2f: {  	lr =	sadd.s32 s0, s3;
	s0 =	sld [smem:$0x3FAB]  }
0x30: {  	s3 =	sld [smem:$0x3FAE]  }
0x31: {  	[smem:$0x3FB7] =	sst s10  }
0x32: {  	s10 =	sld [smem:$0x3FB5];
	_ =	sdelay $0x3  }
0x33: {  	p0 =	seq.s32 s10, $0x1;
	s10 =	sld [smem:$0x3FB7];
	_ =	sdelay $0x3  }
0x34: {  	[smem:$0x3FB7] =	sst s10  }
0x35: {  	s10 =	sld [smem:$0x3FB6];
	_ =	sdelay $0x3  }
0x36: {  	p1 =	seq.s32 s10, $0x1;
	s10 =	sld [smem:$0x3FB7];
	_ =	sdelay $0x3  }
0x37: {  	[smem:$0x3FB7] =	sst s10  }
0x38: {  	s10 =	sld [smem:$0x3FB8]  }
0x39: {  	_ = 	snop;
	(pc) =	sbr.ind lr, $3  }
0x3a: {  	_ = 	snop  }
0x3b: {  	_ = 	snop  }
0x3c: {  	p2 =	seq.s32 s10, $0x1;
	s10 =	sld [smem:$0x3FB7]  }
0x3d: {  	_ =	shalt  }
0x3e: {  	_ =	shalt  }
0x3f: {  	_ =	shalt  }
0x40: {  	_ =	shalt  }
0x41: {  	_ =	shalt  }
0x42: {  	_ =	shalt  }
0x43: {  	_ =	shalt  }
0x44: {  	_ =	shalt  }
0x45: {  	_ =	shalt  }
0x46: {  	_ =	shalt  }
0x47: {  	_ =	shalt  }
0x48: {  	_ =	shalt  }
0x49: {  	_ =	shalt  }
0x4a: {  	_ =	shalt  }
0x4b: {  	_ =	shalt  }
0x4c: {  	_ =	shalt  }
0x4d: {  	_ =	shalt  }
0x4e: {  	_ =	shalt  }
0x4f: {  	_ =	shalt  }
0x50: {  	_ =	shalt  }
0x51: {  	_ =	shalt  }
0x52: {  	_ =	shalt  }
0x53: {  	_ =	shalt  }
0x54: {  	_ =	shalt  }
0x55: {  	_ =	shalt  }
0x56: {  	_ =	shalt  }
0x57: {  	_ =	shalt  }
0x58: {  	_ =	shalt  }
0x59: {  	_ =	shalt  }
0x5a: {  	_ =	shalt  }
0x5b: {  	_ =	shalt  }
0x5c: {  	_ =	shalt  }
0x5d: {  	_ =	shalt  }
0x5e: {  	_ =	shalt  }
0x5f: {  	_ =	shalt  }
0x60: {  	_ =	shalt  }
0x61: {  	_ =	shalt  }
0x62: {  	_ =	shalt  }
0x63: {  	_ =	shalt  }
0x64: {  	_ =	shalt  }
0x65: {  	_ =	shalt  }
0x66: {  	_ =	shalt  }
0x67: {  	_ =	shalt  }
0x68: {  	_ =	shalt  }
0x69: {  	_ =	shalt  }
0x6a: {  	_ =	shalt  }
0x6b: {  	_ =	shalt  }
0x6c: {  	_ =	shalt  }
0x6d: {  	_ =	shalt  }
0x6e: {  	_ =	shalt  }
0x6f: {  	_ =	shalt  }
0x70: {  	_ =	shalt  }
0x71: {  	_ =	shalt  }
0x72: {  	_ =	shalt  }
0x73: {  	_ =	shalt  }
0x74: {  	_ =	shalt  }
0x75: {  	_ =	shalt  }
0x76: {  	_ =	shalt  }
0x77: {  	_ =	shalt  }
0x78: {  	_ =	shalt  }
0x79: {  	_ =	shalt  }
0x7a: {  	_ =	shalt  }
0x7b: {  	_ =	shalt  }
0x7c: {  	_ =	shalt  }
0x7d: {  	_ =	shalt  }
0x7e: {  	_ =	shalt  }
0x7f: {  	_ =	shalt  }
0x80: {  	_ =	shalt  }
0x81: {  	_ =	shalt  }
0x82: {  	_ =	shalt  }
0x83: {  	_ =	shalt  }
0x84: {  	_ =	shalt  }
0x85: {  	_ =	shalt  }
0x86: {  	_ =	shalt  }
0x87: {  	_ =	shalt  }
.Lfunc_end0:
.L_simem_size_0:
called_computation_lowered:
.L_overlay_start_0:
0x88: {  	s2 =	sld [smem:$0x3FD9]  }
0x89: {  	s3 =	sld [smem:$0x3FFE];
	_ =	sdelay $0x1  }
0x8a: {  	s1 =	srdreg.scid  }
0x8b: {  	s0 =	sand.u32 $0x1, s1  }
0x8c: {  	s14 =	sshll.u32 s0, $0xA;
	s2 =	sadd.s32 s3, s2  }
0x8d: {  	s2 =	sadd.s32 s2, s14  }
0x8e: {  	[smem:$0x3FC3] =	sst s2  }
0x8f: {  	_ = 	snop  }
0x90: {  	s2 =	sld [smem:$0x3FD0];
	_ =	sdelay $0x2  }
0x91: {  	s15 =	simm.s32 $0xA;
	s4 =	simm.s32 $0x10  }
0x92: {  	[smem:s4], [sflag:s15] =	dma.local [hbm:s2], $0x1  }
0x93: {  	_ =	swait.eq [sflag:s15], $0x1  }
0x94: {  	[sflag:s15] =	ssyncset.done $0x0  }
0x95: {  	[sflag:s15] =	ssyncadd.s32 $0xFFFFFFFF  }
0x96: {  	s16 =	sld [smem:$0x10];
	(tm) =	ssettm $0x1  }
0x97: {  	s17 =	sld [smem:$0x3FFB];
	_ =	sdelay $0x3  }
0x98: {  	_ =	strace s17  }
0x99: {  	s3 =	sld [smem:$0x3FFC];
	_ =	sdelay $0x3  }
0x9a: {  	_ =	strace s3  }
0x9b: {  	s3 =	sld [smem:$0x3FFD];
	_ =	sdelay $0x3  }
0x9c: {  	_ =	strace s3  }
0x9d: {  	_ =	strace $0x8FFFFFFF  }
0x9e: {  	s18 =	sld [smem:$0x3FDB];
	_ =	sdelay $0x1  }
0x9f: {  	s19 =	simm.s32 $_scs_section_size  }
0xa0: {  	s5 =	simm.s32 $_size__tile_overlayer_lowered;
	s6 =	simm.s32 $_tile_overlayer_lowered  }
0xa1: {  	s22 =	simm.s32 $0x1BFF;
	s21 =	sshll.u32 s6, $0x1;
	s3 =	sadd.s32 s19, s18  }
0xa2: {  	s7 =	simm.s32 $0x0;
	s20 =	sshll.u32 s5, $0x1;
	s5 =	sadd.s32 s21, s3  }
0xa3: {  	[timem:s7], [sflag:s22] =	dma.local [hbm:s5], s20  }
0xa4: {  	_ =	swait.ge [sflag:s22], s20  }
0xa5: {  	s4 =	ssub.s32 $0x0, s20;
	[sflag:s22] =	ssyncset.done $0x0  }
0xa6: {  	[sflag:s22] =	ssyncadd.s32 s4;
	_ =	sdelay $0x1  }
0xa7: {  	s23 =	simm.s32 $0x1B8B  }
0xa8: {  	_ =	swait.ge [sflag:s23], $0x1  }
0xa9: {  	[sflag:s23] =	ssyncset.done $0x0  }
0xaa: {  	s25 =	simm.s32 $0x1B8E;
	s24 =	sld [smem:$0x3FFE];
	[sflag:s23] =	ssyncadd.s32 $0xFFFFFFFF  }
0xab: {  	s26 =	simm.s32 $execute0_lowered;
	[smem:$0x3FD2] =	sst s25  }
0xac: {  	s5 =	sshll.u32 s26, $0x1;
	_ =	strace $0x80000046;
	[dreg:$0x1] =	wrdreg $0xFFFFFFFF  }
0xad: {  	s28 =	simm.s32 $_size_execute0_lowered;
	s3 =	sadd.s32 s3, s5;
	[dreg:$0x0] =	wrdreg $0x0  }
0xae: {  	s5 =	sshll.u32 s28, $0x1;
	[dreg:$0x2] =	wrdreg s3  }
0xaf: {  	[dreg:$0x3] =	wrdreg s5  }
0xb0: {  	[dreg:$0x4] =	wrdreg $0xC0  }
0xb1: {  	_ =	task [dreg:s7], $0x5FFFF  }
0xb2: {  	[dreg:$0x1] =	wrdreg $0xFFFFFFFF  }
0xb3: {  	[dreg:$0x0] =	wrdreg $0x60  }
0xb4: {  	[dreg:$0x2] =	wrdreg s16  }
0xb5: {  	[dreg:$0x3] =	wrdreg s24  }
0xb6: {  	[dreg:$0x4] =	wrdreg $0x9  }
0xb7: {  	_ =	task.clear_ibuf [dreg:s7], $0x5FFFF;
	_ =	strace $0x90000046  }
0xb8: {  	s29 =	simm.s32 $0x9;
	_ =	strace $0x80000048  }
0xb9: {  	_ =	swait.ge [sflag:s29], $0x1  }
0xba: {  	[sflag:s29] =	ssyncadd.s32 $0xFFFFFFFF  }
0xbb: {  	_ =	strace $0x90000048  }
0xbc: {  	_ =	sfence  }
0xbd: {  	s30 =	sld [smem:$0x0];
	_ =	sdelay $0x2  }
0xbe: {  	s31 =	sshll.u32 s1, $0xD;
	s1 =	sshrl.u32 s1, $0x2  }
0xbf: {  	s3 =	sand.u32 $0x4000, s31;
	s1 =	sadd.s32 s1, s30  }
0xc0: {  	s0 =	sor.u32 s3, s0;
	s1 =	sshll.u32 s1, $0x11  }
0xc1: {  	s0 =	sor.u32 s1, s0  }
0xc2: {  	s0 =	sadd.s32 $0x8F2B, s0  }
0xc3: {  	[sflag:s0] =	ssyncadd.remote.s32 $0x1  }
0xc4: {  	_ =	sfence.sel $0xFFFF  }
0xc5: {  	[dreg:$0x0] =	wrdreg $0xFFFFFFFF;
	(pc) =	sbr.abs _section_cstart, $3  }
0xc6: {  	[dreg:$0x1] =	wrdreg $0xFFFFFFFF  }
0xc7: {  	_ =	task.clear_ibuf [dreg:s7], $0x2FFFF;
	_ =	strace $0x9FFFFFFF  }
0xc8: {  	(tm) =	ssettm $0x7FFFFFFF  }
0xc9: {  	_ =	shalt  }
tec
execute0_lowered:
.L_overlay_start_1:
0x0: {  	(tag) =	ssettag $0x1  }
0x1: {  	s6 =	rddreg [dreg:$0x0];
	s5 =	stileid.u32  }
0x2: {  	s3 =	rddreg [dreg:$0x1];
	s0 =	srdreg.scid;
	s2 =	sshll.u32 s5, $0x1  }
0x3: {  	s1 =	simm.s32 $0x0;
	s0 =	sand.u32 $0x1, s0;
	s2 =	sand.u32 $0x6, s2  }
0x4: {  	s30 =	simm.s32 $0x13C00;
	s31 =	simm.s32 $0x1;
	s7 =	sor.u32 s0, s2  }
0x5: {  	s4 =	ssub.s32 $0x2, s0;
	s0 =	sshrl.u32 s5, $0x2;
	s8 =	smul.u32 $0x2780, s7  }
0x6: {  	[smem:$0x7FF] =	sst s1;
	s9 =	sadd.s32 $0xE00, s3;
	s2 =	smul.u32 $0x4F0, s0  }
0x7: {  	s10 =	sshrl.u32 s4, $0x1;
	s5 =	sadd.s32 $0x5E00, s3;
	s29 =	smul.u32 $0x9E0, s0  }
0x8: {  	s4 =	ssub.s32 s4, s10;
	p0 =	seq.s32 s0, $0x3;
	s7 =	smul.u32 $0x13880, s7  }
0x9: {  	s3 =	sadd.s32 $0x13C0, s2;
	s6 =	sadd.s32 s6, s8;
	s11 =	sadd.s32 s9, s29  }
0xa: {  	s13 =	sadd.s32 s2, s7;
	s10 =	sadd.s32 $0x2710, s7;
	s17 =	sadd.s32 $0x4E20, s7  }
0xb: {  	s19 =	sadd.s32 $0x7530, s7;
	s23 =	sadd.s32 $0xC350, s7;
	[dreg:$0x3] =	wrdreg s6  }
0xc: {  	[dreg:$0x4] =	wrdreg s11;
	s3 =	simm.s32 @p0 $0x2220;
	s14 =	sshrl.u32 s13, $0x3  }
0xd: {  	s15 =	sadd.s32 s2, s10;
	s18 =	sadd.s32 s2, s17;
	s11 =	sadd.s32 s2, s19  }
0xe: {  	s24 =	sadd.s32 s2, s23;
	s13 =	sadd.s32 $0xEA60, s7;
	s12 =	sshll.u32 s3, $0x1  }
0xf: {  	s16 =	sshrl.u32 s15, $0x3;
	s20 =	sshrl.u32 s11, $0x3;
	s15 =	sadd.s32 $0x11170, s7  }
0x10: {  	s10 =	sadd.s32 s3, s10;
	s28 =	sshll.u32 s3, $0x3;
	s6 =	sadd.s32 s9, s12  }
0x11: {  	s12 =	sadd.s32 $0x9C40, s7;
	s26 =	sadd.s32 s2, s15;
	s7 =	sadd.s32 s3, s7  }
0x12: {  	[dreg:$0x5] =	wrdreg s6;
	s6 =	sadd.s32 s5, s14;
	s21 =	sadd.s32 s2, s12  }
0x13: {  	s14 =	sadd.s32 s2, s13;
	s29 =	sshrl.u32 s26, $0x3;
	s7 =	sshrl.u32 s7, $0x3  }
0x14: {  	s26 =	sadd.s32 s3, s15;
	[dreg:$0x6] =	wrdreg s6;
	s6 =	sadd.s32 s5, s16  }
0x15: {  	s22 =	sshrl.u32 s21, $0x3;
	s25 =	sshrl.u32 s14, $0x3;
	s14 =	sshrl.u32 s10, $0x3  }
0x16: {  	s16 =	sadd.s32 s3, s17;
	[dreg:$0x7] =	wrdreg s6;
	s6 =	sshrl.u32 s18, $0x3  }
0x17: {  	s10 =	sshrl.u32 s3, $0x4;
	s17 =	sshrl.u32 s16, $0x3;
	s6 =	sadd.s32 s5, s6  }
0x18: {  	s18 =	sadd.s32 s3, s19;
	[dreg:$0x8] =	wrdreg s6;
	s6 =	sadd.s32 s5, s20  }
0x19: {  	s19 =	sshrl.u32 s18, $0x3;
	s20 =	sadd.s32 s3, s12;
	[dreg:$0x9] =	wrdreg s6  }
0x1a: {  	s6 =	sadd.s32 s5, s22;
	s21 =	sshrl.u32 s20, $0x3;
	s22 =	sadd.s32 s3, s23  }
0x1b: {  	s20 =	simm.s32 $0x2;
	[dreg:$0xa] =	wrdreg s6;
	s6 =	sshrl.u32 s24, $0x3  }
0x1c: {  	s23 =	sshrl.u32 s22, $0x3;
	s24 =	sadd.s32 s3, s13;
	s6 =	sadd.s32 s5, s6  }
0x1d: {  	[dreg:$0xb] =	wrdreg s6;
	s6 =	sadd.s32 s5, s25;
	s25 =	sshrl.u32 s24, $0x3  }
0x1e: {  	s24 =	smax.u32 s4, $0x1;
	[dreg:$0xc] =	wrdreg s6;
	s6 =	sadd.s32 s5, s29  }
0x1f: {  	s4 =	simm.s32 $0x4;
	[dreg:$0xd] =	wrdreg s6;
	s6 =	sadd.s32 s5, s7  }
0x20: {  	s22 =	sadd.s32 s5, s25;
	[dreg:$0xe] =	wrdreg s6;
	s6 =	sadd.s32 s5, s14  }
0x21: {  	s29 =	sshrl.u32 s26, $0x3;
	[dreg:$0xf] =	wrdreg s6;
	s6 =	sadd.s32 s5, s17  }
0x22: {  	v0 =	vlaneseq.u32;
	s25 =	smul.u32 $0x2780, s0;
	[dreg:$0x10] =	wrdreg s6;
	s6 =	sadd.s32 s5, s19  }
0x23: {  	v0 =	vmul.u32 $0x10, v0;
	s26 =	ssub.s32 $0x0, s0;
	[dreg:$0x11] =	wrdreg s6;
	s6 =	sadd.s32 s5, s21  }
0x24: {  	s0 =	simm.s32 $0x3;
	s21 =	sadd.s32 s5, s23;
	[dreg:$0x12] =	wrdreg s6  }
0x25: {  	s23 =	sadd.s32 s5, s29;
	s5 =	simm.s32 $0x0;
	_ =	strace $0x80000047;
	[tilespmem:$0x1FFF0] =	vst v0  }
.LBB2_1:
0x26: {  	s6 =	rddreg [dreg:$0x3]  }
0x27: {  	[tilespmem:s1], [sflag:$0x1] =	stream.linear.gather [hbm4b:s6+s1], $0x13C00, $0x38;
	[tilespmem:$0x1B300] =	vst v63  }
0x28: {  	s18 =	rddreg [dreg:$0x4]  }
0x29: {  	[tilespmem:s30], [sflag:$0x2] =	stream.linear.gather [hbm4b:s18+s1], $0x4F00, $0x38;
	[tilespmem:$0x1B300] =	vst v63  }
0x2a: {  	_ =	swait.ge [sflag:s31], $0x13C00  }
0x2b: {  	v0 =	vld [tilespmem:$0x1FFF0];
	_ =	sdelay $0x3  }
0x2c: {  	s19 =	simm.s32 $0xF  }
0x2d: {  	s7 =	simm.s32 $0xE;
	[sflag:s31] =	ssyncset.done $0x0;
	v1 =	vor.u32 s19, v0  }
0x2e: {  	s8 =	simm.s32 $0xC;
	[sflag:s31] =	ssyncadd.s32 $0xFFFEC400;
	v2 =	vor.u32 s7, v0  }
0x2f: {  	s9 =	simm.s32 $0xB;
	_ =	swait.ge [sflag:s20], $0x4F00;
	v4 =	vor.u32 s8, v0  }
0x30: {  	s11 =	simm.s32 $0xA;
	[sflag:s20] =	ssyncset.done $0x0;
	v5 =	vor.u32 s9, v0  }
0x31: {  	s12 =	simm.s32 $0x9;
	[sflag:s20] =	ssyncadd.s32 $0xFFFFB100;
	v6 =	vor.u32 s11, v0  }
0x32: {  	s13 =	simm.s32 $0x8;
	v7 =	vor.u32 s12, v0;
	v1 =	vld.idx.msk [tilespmem:v1+s30+$0x0], $0xffff  }
0x33: {  	s14 =	simm.s32 $0x7;
	v8 =	vor.u32 s13, v0;
	v2 =	vld.idx.msk [tilespmem:v2+s30+$0x0], $0xffff  }
0x34: {  	s15 =	simm.s32 $0x6;
	v9 =	vor.u32 s14, v0;
	v4 =	vld.idx.msk [tilespmem:v4+s30+$0x0], $0xffff  }
0x35: {  	s16 =	simm.s32 $0x5;
	v10 =	vor.u32 s15, v0;
	v5 =	vld.idx.msk [tilespmem:v5+s30+$0x0], $0xffff  }
0x36: {  	s17 =	simm.s32 $0x4;
	v11 =	vor.u32 s16, v0;
	v6 =	vld.idx.msk [tilespmem:v6+s30+$0x0], $0xffff  }
0x37: {  	s18 =	simm.s32 $0x3;
	v12 =	vor.u32 s17, v0;
	v7 =	vld.idx.msk [tilespmem:v7+s30+$0x0], $0xffff  }
0x38: {  	s19 =	simm.s32 $0x2;
	v13 =	vor.u32 s18, v0;
	v8 =	vld.idx.msk [tilespmem:v8+s30+$0x0], $0xffff  }
0x39: {  	s8 =	simm.s32 $0x0;
	v14 =	vor.u32 s19, v0;
	v9 =	vld.idx.msk [tilespmem:v9+s30+$0x0], $0xffff  }
0x3a: {  	s9 =	simm.s32 $0x1;
	v15 =	vor.u32 s8, v0;
	v10 =	vld.idx.msk [tilespmem:v10+s30+$0x0], $0xffff  }
0x3b: {  	v16 =	vor.u32 s9, v0;
	v11 =	vld.idx.msk [tilespmem:v11+s30+$0x0], $0xffff  }
0x3c: {  	v12 =	vld.idx.msk [tilespmem:v12+s30+$0x0], $0xffff  }
0x3d: {  	s7 =	simm.s32 $0xD;
	v13 =	vld.idx.msk [tilespmem:v13+s30+$0x0], $0xffff  }
0x3e: {  	v3 =	vor.u32 s7, v0;
	v14 =	vld.idx.msk [tilespmem:v14+s30+$0x0], $0xffff;
	v17 =	vand.u32 $0x7F, v1  }
0x3f: {  	v15 =	vld.idx.msk [tilespmem:v15+s30+$0x0], $0xffff;
	v1 =	vshll.u32 v1, $0x3;
	v18 =	vand.u32 $0x7F, v2;
	v2 =	vshll.u32 v2, $0x3  }
0x40: {  	v16 =	vld.idx.msk [tilespmem:v16+s30+$0x0], $0xffff;
	v20 =	vand.u32 $0x7F, v4;
	v25 =	vand.u32 $0x7F, v5;
	v28 =	vand.u32 $0x7F, v6  }
0x41: {  	v27 =	vand.u32 $0x7F, v7;
	v30 =	vand.u32 $0x7F, v8;
	v26 =	vand.u32 $0x7F, v9  }
0x42: {  	v31 =	vand.u32 $0x7F, v10;
	v32 =	vand.u32 $0x7F, v11;
	v29 =	vand.u32 $0x7F, v12  }
0x43: {  	v21 =	vand.u32 $0x7F, v13;
	v13 =	vshll.u32 v13, $0x3;
	v12 =	vshll.u32 v12, $0x3  }
0x44: {  	v24 =	vand.u32 $0x7F, v14;
	v22 =	vand.u32 $0x7F, v15;
	v15 =	vshll.u32 v15, $0x3  }
0x45: {  	v23 =	vand.u32 $0x7F, v16;
	v16 =	vshll.u32 v16, $0x3;
	v15 =	vand.u32 $0xFFFFFC00, v15  }
0x46: {  	v14 =	vshll.u32 v14, $0x3;
	v16 =	vand.u32 $0xFFFFFC00, v16;
	v22 =	vor.u32 v22, v15  }
0x47: {  	v11 =	vshll.u32 v11, $0x3;
	v14 =	vand.u32 $0xFFFFFC00, v14;
	v23 =	vor.u32 v23, v16  }
0x48: {  	s11 =	sand.u32 $0x70, s2;
	s12 =	sand.u32 $0xFC00, s25;
	v10 =	vshll.u32 v10, $0x3;
	v13 =	vand.u32 $0xFFFFFC00, v13;
	v24 =	vor.u32 v24, v14  }
0x49: {  	s9 =	sor.u32 s11, s12;
	v3 =	vld.idx.msk [tilespmem:v3+s30+$0x0], $0xffff;
	v9 =	vshll.u32 v9, $0x3;
	v12 =	vand.u32 $0xFFFFFC00, v12;
	v21 =	vor.u32 v21, v13  }
0x4a: {  	v8 =	vshll.u32 v8, $0x3;
	v11 =	vand.u32 $0xFFFFFC00, v11;
	v29 =	vor.u32 v29, v12;
	v12 =	vld [tilespmem:s9+$0x0]  }
0x4b: {  	v7 =	vshll.u32 v7, $0x3;
	v10 =	vand.u32 $0xFFFFFC00, v10;
	v32 =	vor.u32 v32, v11;
	v11 =	vld.idx.msk [tilespmem:v22+s1+$0x0], $0xffff  }
0x4c: {  	v6 =	vshll.u32 v6, $0x3;
	v9 =	vand.u32 $0xFFFFFC00, v9;
	v31 =	vor.u32 v31, v10;
	v10 =	vld.idx.msk [tilespmem:v23+s1+$0x0], $0xffff  }
0x4d: {  	v5 =	vshll.u32 v5, $0x3;
	v8 =	vand.u32 $0xFFFFFC00, v8;
	v26 =	vor.u32 v26, v9;
	v9 =	vld.idx.msk [tilespmem:v24+s1+$0x0], $0xffff  }
0x4e: {  	v4 =	vshll.u32 v4, $0x3;
	v7 =	vand.u32 $0xFFFFFC00, v7;
	v30 =	vor.u32 v30, v8;
	v13 =	vld.idx.msk [tilespmem:v21+s1+$0x0], $0xffff  }
0x4f: {  	v19 =	vand.u32 $0x7F, v3;
	v6 =	vand.u32 $0xFFFFFC00, v6;
	v27 =	vor.u32 v27, v7;
	v8 =	vld.idx.msk [tilespmem:v29+s1+$0x0], $0xffff  }
0x50: {  	v3 =	vshll.u32 v3, $0x3;
	v5 =	vand.u32 $0xFFFFFC00, v5;
	v28 =	vor.u32 v28, v6;
	v43 =	vld.idx.msk [tilespmem:v32+s1+$0x0], $0xffff  }
0x51: {  	v4 =	vand.u32 $0xFFFFFC00, v4;
	v25 =	vor.u32 v25, v5;
	v44 =	vld.idx.msk [tilespmem:v31+s1+$0x0], $0xffff;
	v45 =	vadd.s32 v11, v10  }
0x52: {  	v3 =	vand.u32 $0xFFFFFC00, v3;
	v20 =	vor.u32 v20, v4;
	v46 =	vld.idx.msk [tilespmem:v26+s1+$0x0], $0xffff;
	v5 =	vadd.s32 v9, v45  }
0x53: {  	v2 =	vand.u32 $0xFFFFFC00, v2;
	v19 =	vor.u32 v19, v3;
	v9 =	vld.idx.msk [tilespmem:v30+s1+$0x0], $0xffff;
	v47 =	vadd.s32 v13, v5  }
0x54: {  	v1 =	vand.u32 $0xFFFFFC00, v1;
	v18 =	vor.u32 v18, v2;
	v48 =	vld.idx.msk [tilespmem:v27+s1+$0x0], $0xffff;
	v3 =	vadd.s32 v8, v47  }
0x55: {  	v17 =	vor.u32 v17, v1;
	v49 =	vld.idx.msk [tilespmem:v28+s1+$0x0], $0xffff;
	v50 =	vadd.s32 v43, v3  }
0x56: {  	v51 =	vld.idx.msk [tilespmem:v25+s1+$0x0], $0xffff;
	v1 =	vadd.s32 v44, v50  }
0x57: {  	v52 =	vld.idx.msk [tilespmem:v20+s1+$0x0], $0xffff;
	v1 =	vadd.s32 v46, v1  }
0x58: {  	v53 =	vld.idx.msk [tilespmem:v19+s1+$0x0], $0xffff;
	v1 =	vadd.s32 v9, v1  }
0x59: {  	v54 =	vld.idx.msk [tilespmem:v18+s1+$0x0], $0xffff;
	v1 =	vadd.s32 v48, v1  }
0x5a: {  	v55 =	vld.idx.msk [tilespmem:v17+s1+$0x0], $0xffff;
	v1 =	vadd.s32 v49, v1  }
0x5b: {  	v1 =	vadd.s32 v51, v1  }
0x5c: {  	v1 =	vadd.s32 v52, v1  }
0x5d: {  	v1 =	vadd.s32 v53, v1  }
0x5e: {  	v57 =	vshra.s32 v12, $0x10;
	v1 =	vadd.s32 v54, v1  }
0x5f: {  	v56 =	vand.u32 $0xFFFF, v12;
	v58 =	vcvt.s32.f32 v57;
	v1 =	vadd.s32 v55, v1  }
0x60: {  	v3 =	vcvt.s32.f32 v56;
	v59 =	vand.u32 $0xFFFF, v1;
	v1 =	vshra.s32 v1, $0x10  }
0x61: {  	v4 =	vcvt.s32.f32 v59;
	v1 =	vcvt.s32.f32 v1  }
0x62: {  	v2 =	vmul.f32 $1.953125000e-03, v58;
	v3 =	vmul.f32 $1.953125000e-03, v3  }
0x63: {  	v4 =	vmul.f32 $1.953125000e-03, v4;
	v1 =	vmul.f32 $1.953125000e-03, v1  }
0x64: {  	v2 =	vadd.f32 $-1.000000000e+00, v2;
	v3 =	vadd.f32 $-1.000000000e+00, v3  }
0x65: {  	v4 =	vadd.f32 $-1.600000000e+01, v4;
	v1 =	vadd.f32 $-1.600000000e+01, v1;
	_ =	sdelay $0x1  }
0x66: {  	v2 =	vmul.f32 v4, v2;
	v1 =	vmul.f32 v1, v3;
	_ =	sdelay $0x1  }
0x67: {  	v1 =	vsub.f32 v2, v1  }
0x68: {  	v60 =	vor.u32 $0x80, v22  }
0x69: {  	v61 =	vor.u32 $0x80, v23;
	v1 =	vmul.f32 $1.250000000e-01, v1  }
0x6a: {  	s29 =	simm.s32 $0x0;
	v62 =	vor.u32 $0x80, v24  }
0x6b: {  	v63 =	vor.u32 $0x80, v21;
	[tilespmem:s29+$0x18B00] =	vst v1  }
0x6c: {  	v33 =	vor.u32 $0x80, v29;
	v34 =	vld [tilespmem:s9+$0x80]  }
0x6d: {  	v35 =	vor.u32 $0x80, v32;
	v2 =	vld.idx.msk [tilespmem:v60+s1+$0x0], $0xffff  }
0x6e: {  	v8 =	vor.u32 $0x80, v31;
	v3 =	vld.idx.msk [tilespmem:v61+s1+$0x0], $0xffff  }
0x6f: {  	v9 =	vor.u32 $0x80, v26;
	v4 =	vld.idx.msk [tilespmem:v62+s1+$0x0], $0xffff  }
0x70: {  	v10 =	vor.u32 $0x80, v30;
	v1 =	vld.idx.msk [tilespmem:v63+s1+$0x0], $0xffff  }
0x71: {  	v11 =	vor.u32 $0x80, v27;
	v5 =	vld.idx.msk [tilespmem:v33+s1+$0x0], $0xffff  }
0x72: {  	v12 =	vor.u32 $0x80, v28;
	v7 =	vld.idx.msk [tilespmem:v35+s1+$0x0], $0xffff  }
0x73: {  	v13 =	vor.u32 $0x80, v25;
	v8 =	vld.idx.msk [tilespmem:v8+s1+$0x0], $0xffff;
	v2 =	vadd.s32 v2, v3  }
0x74: {  	v36 =	vor.u32 $0x80, v20;
	v9 =	vld.idx.msk [tilespmem:v9+s1+$0x0], $0xffff;
	v2 =	vadd.s32 v4, v2  }
0x75: {  	v37 =	vld.idx.msk [tilespmem:v10+s1+$0x0], $0xffff;
	v10 =	vor.u32 $0x80, v19;
	v1 =	vadd.s32 v1, v2  }
0x76: {  	v38 =	vor.u32 $0x80, v18;
	v11 =	vld.idx.msk [tilespmem:v11+s1+$0x0], $0xffff;
	v1 =	vadd.s32 v5, v1  }
0x77: {  	v39 =	vld.idx.msk [tilespmem:v12+s1+$0x0], $0xffff;
	v12 =	vor.u32 $0x80, v17;
	v1 =	vadd.s32 v7, v1  }
0x78: {  	v40 =	vld.idx.msk [tilespmem:v13+s1+$0x0], $0xffff;
	v1 =	vadd.s32 v8, v1  }
0x79: {  	v3 =	vld.idx.msk [tilespmem:v36+s1+$0x0], $0xffff;
	v1 =	vadd.s32 v9, v1  }
0x7a: {  	v8 =	vld.idx.msk [tilespmem:v10+s1+$0x0], $0xffff;
	v1 =	vadd.s32 v37, v1  }
0x7b: {  	v2 =	vld.idx.msk [tilespmem:v38+s1+$0x0], $0xffff;
	v1 =	vadd.s32 v11, v1  }
0x7c: {  	v41 =	vld.idx.msk [tilespmem:v12+s1+$0x0], $0xffff;
	v1 =	vadd.s32 v39, v1  }
0x7d: {  	v1 =	vadd.s32 v40, v1  }
0x7e: {  	v1 =	vadd.s32 v3, v1  }
0x7f: {  	v1 =	vadd.s32 v8, v1  }
0x80: {  	v43 =	vshra.s32 v34, $0x10;
	v1 =	vadd.s32 v2, v1  }
0x81: {  	v42 =	vand.u32 $0xFFFF, v34;
	v3 =	vcvt.s32.f32 v43;
	v1 =	vadd.s32 v41, v1  }
0x82: {  	v2 =	vcvt.s32.f32 v42;
	v4 =	vand.u32 $0xFFFF, v1;
	v1 =	vshra.s32 v1, $0x10  }
0x83: {  	v4 =	vcvt.s32.f32 v4;
	v1 =	vcvt.s32.f32 v1  }
0x84: {  	v3 =	vmul.f32 $1.953125000e-03, v3;
	v2 =	vmul.f32 $1.953125000e-03, v2  }
0x85: {  	v4 =	vmul.f32 $1.953125000e-03, v4;
	v1 =	vmul.f32 $1.953125000e-03, v1  }
0x86: {  	v3 =	vadd.f32 $-1.000000000e+00, v3;
	v2 =	vadd.f32 $-1.000000000e+00, v2  }
0x87: {  	v4 =	vadd.f32 $-1.600000000e+01, v4;
	v1 =	vadd.f32 $-1.600000000e+01, v1;
	_ =	sdelay $0x1  }
0x88: {  	v3 =	vmul.f32 v4, v3;
	v1 =	vmul.f32 v1, v2;
	_ =	sdelay $0x1  }
0x89: {  	v44 =	vor.u32 $0x100, v22;
	v1 =	vsub.f32 v3, v1  }
0x8a: {  	v45 =	vor.u32 $0x100, v23  }
0x8b: {  	v46 =	vor.u32 $0x100, v24;
	v1 =	vmul.f32 $1.250000000e-01, v1  }
0x8c: {  	v47 =	vor.u32 $0x100, v21  }
0x8d: {  	v48 =	vor.u32 $0x100, v29;
	[tilespmem:s29+$0x19000] =	vst v1  }
0x8e: {  	v49 =	vor.u32 $0x100, v32;
	v2 =	vld.idx.msk [tilespmem:v44+s1+$0x0], $0xffff  }
0x8f: {  	v50 =	vor.u32 $0x100, v31;
	v3 =	vld.idx.msk [tilespmem:v45+s1+$0x0], $0xffff  }
0x90: {  	v8 =	vor.u32 $0x100, v26;
	v4 =	vld.idx.msk [tilespmem:v46+s1+$0x0], $0xffff  }
0x91: {  	v9 =	vor.u32 $0x100, v30;
	v5 =	vld.idx.msk [tilespmem:v47+s1+$0x0], $0xffff  }
0x92: {  	v10 =	vor.u32 $0x100, v27;
	v1 =	vld.idx.msk [tilespmem:v48+s1+$0x0], $0xffff  }
0x93: {  	v11 =	vor.u32 $0x100, v28;
	v6 =	vld.idx.msk [tilespmem:v49+s1+$0x0], $0xffff  }
0x94: {  	v12 =	vor.u32 $0x100, v25;
	v7 =	vld.idx.msk [tilespmem:v50+s1+$0x0], $0xffff  }
0x95: {  	v51 =	vor.u32 $0x100, v20;
	v8 =	vld.idx.msk [tilespmem:v8+s1+$0x0], $0xffff;
	v2 =	vadd.s32 v2, v3  }
0x96: {  	v52 =	vor.u32 $0x100, v19;
	v9 =	vld.idx.msk [tilespmem:v9+s1+$0x0], $0xffff;
	v2 =	vadd.s32 v4, v2  }
0x97: {  	v53 =	vor.u32 $0x100, v18;
	v10 =	vld.idx.msk [tilespmem:v10+s1+$0x0], $0xffff;
	v2 =	vadd.s32 v5, v2  }
0x98: {  	v11 =	vld.idx.msk [tilespmem:v11+s1+$0x0], $0xffff;
	v1 =	vadd.s32 v1, v2  }
0x99: {  	v54 =	vor.u32 $0x100, v17;
	v55 =	vld.idx.msk [tilespmem:v12+s1+$0x0], $0xffff;
	v1 =	vadd.s32 v6, v1  }
0x9a: {  	v3 =	vld.idx.msk [tilespmem:v51+s1+$0x0], $0xffff;
	v1 =	vadd.s32 v7, v1  }
0x9b: {  	v4 =	vld.idx.msk [tilespmem:v52+s1+$0x0], $0xffff;
	v1 =	vadd.s32 v8, v1  }
0x9c: {  	v5 =	vld.idx.msk [tilespmem:v53+s1+$0x0], $0xffff;
	v1 =	vadd.s32 v9, v1  }
0x9d: {  	s13 =	simm.s32 $0x10F;
	s11 =	simm.s32 $0x106;
	v8 =	vld [tilespmem:s9+$0x100];
	v1 =	vadd.s32 v10, v1  }
0x9e: {  	s14 =	simm.s32 $0x10E;
	v14 =	vor.u32 s11, v0;
	v56 =	vor.u32 s13, v0;
	s13 =	simm.s32 $0x104;
	v2 =	vld.idx.msk [tilespmem:v54+s1+$0x0], $0xffff;
	v1 =	vadd.s32 v11, v1  }
0x9f: {  	s16 =	simm.s32 $0x10B;
	s8 =	simm.s32 $0x107;
	v57 =	vor.u32 s14, v0;
	v16 =	vor.u32 s13, v0;
	v1 =	vadd.s32 v55, v1  }
0xa0: {  	s7 =	simm.s32 $0x108;
	s14 =	simm.s32 $0x103;
	v59 =	vor.u32 s16, v0;
	v13 =	vor.u32 s8, v0;
	v1 =	vadd.s32 v3, v1  }
0xa1: {  	v33 =	vor.u32 s14, v0;
	v12 =	vor.u32 s7, v0;
	v1 =	vadd.s32 v4, v1  }
0xa2: {  	s16 =	simm.s32 $0x101;
	v62 =	vand.u32 $0xFFFF, v8;
	v8 =	vshra.s32 v8, $0x10;
	v1 =	vadd.s32 v5, v1  }
0xa3: {  	v14 =	vld.idx.msk [tilespmem:v14+s30+$0x0], $0xffff;
	v35 =	vor.u32 s16, v0;
	v8 =	vcvt.s32.f32 v8;
	v1 =	vadd.s32 v2, v1  }
0xa4: {  	s15 =	simm.s32 $0x10D;
	v16 =	vld.idx.msk [tilespmem:v16+s30+$0x0], $0xffff;
	v7 =	vcvt.s32.f32 v62;
	v11 =	vand.u32 $0xFFFF, v1;
	v1 =	vshra.s32 v1, $0x10  }
0xa5: {  	v58 =	vor.u32 s15, v0;
	s15 =	simm.s32 $0x100;
	v61 =	vld.idx.msk [tilespmem:v56+s30+$0x0], $0xffff;
	v11 =	vcvt.s32.f32 v11;
	v1 =	vcvt.s32.f32 v1  }
0xa6: {  	v34 =	vld.idx.msk [tilespmem:v12+s30+$0x0], $0xffff;
	v12 =	vor.u32 s15, v0;
	v8 =	vmul.f32 $1.953125000e-03, v8;
	v7 =	vmul.f32 $1.953125000e-03, v7  }
0xa7: {  	s12 =	simm.s32 $0x105;
	v63 =	vld.idx.msk [tilespmem:v13+s30+$0x0], $0xffff;
	v11 =	vmul.f32 $1.953125000e-03, v11;
	v1 =	vmul.f32 $1.953125000e-03, v1  }
0xa8: {  	s17 =	simm.s32 $0x10C;
	v15 =	vor.u32 s12, v0;
	v35 =	vld.idx.msk [tilespmem:v35+s30+$0x0], $0xffff;
	v8 =	vadd.f32 $-1.000000000e+00, v8;
	v7 =	vadd.f32 $-1.000000000e+00, v7  }
0xa9: {  	v38 =	vld.idx.msk [tilespmem:v33+s30+$0x0], $0xffff;
	v9 =	vor.u32 s17, v0;
	v11 =	vadd.f32 $-1.600000000e+01, v11;
	v1 =	vadd.f32 $-1.600000000e+01, v1  }
0xaa: {  	s18 =	simm.s32 $0x10A;
	v6 =	vld.idx.msk [tilespmem:v57+s30+$0x0], $0xffff  }
0xab: {  	s19 =	simm.s32 $0x109;
	v60 =	vor.u32 s18, v0;
	v40 =	vld.idx.msk [tilespmem:v12+s30+$0x0], $0xffff;
	v8 =	vmul.f32 v11, v8;
	v1 =	vmul.f32 v1, v7  }
0xac: {  	v56 =	vor.u32 $0x180, v21;
	v13 =	vand.u32 $0x7F, v61;
	v10 =	vor.u32 s19, v0;
	v3 =	vld.idx.msk [tilespmem:v58+s30+$0x0], $0xffff  }
0xad: {  	v37 =	vor.u32 $0x180, v23;
	v1 =	vsub.f32 v8, v1;
	v8 =	vld.idx.msk [tilespmem:v15+s30+$0x0], $0xffff;
	v15 =	vor.u32 $0x180, v22  }
0xae: {  	v39 =	vor.u32 $0x180, v24;
	v44 =	vor.u32 $0x180, v31;
	v46 =	vor.u32 $0x180, v26;
	v9 =	vld.idx.msk [tilespmem:v9+s30+$0x0], $0xffff  }
0xaf: {  	v48 =	vor.u32 $0x180, v30;
	v50 =	vand.u32 $0x7F, v63;
	v4 =	vld.idx.msk [tilespmem:v59+s30+$0x0], $0xffff;
	v1 =	vmul.f32 $1.250000000e-01, v1  }
0xb0: {  	v53 =	vor.u32 $0x180, v19;
	v49 =	vand.u32 $0x7F, v34;
	v34 =	vshll.u32 v34, $0x3;
	s17 =	simm.s32 $0x102;
	v5 =	vld.idx.msk [tilespmem:v60+s30+$0x0], $0xffff  }
0xb1: {  	v57 =	vor.u32 $0x180, v29;
	v34 =	vand.u32 $0xFFFFFC00, v34;
	v36 =	vor.u32 s17, v0;
	v10 =	vld.idx.msk [tilespmem:v10+s30+$0x0], $0xffff;
	[tilespmem:s29+$0x19500] =	vst v1  }
0xb2: {  	v59 =	vor.u32 $0x180, v28;
	v62 =	vand.u32 $0x7F, v35;
	v58 =	vld.idx.msk [tilespmem:v15+s1+$0x0], $0xffff;
	v15 =	vor.u32 $0x180, v32  }
0xb3: {  	v35 =	vshll.u32 v35, $0x3;
	v60 =	vor.u32 $0x180, v25;
	v2 =	vshll.u32 v61, $0x3;
	v37 =	vld.idx.msk [tilespmem:v37+s1+$0x0], $0xffff  }
0xb4: {  	v33 =	vand.u32 $0xFFFFFC00, v2;
	v12 =	vand.u32 $0x7F, v3;
	v42 =	vshll.u32 v3, $0x3;
	v39 =	vld.idx.msk [tilespmem:v39+s1+$0x0], $0xffff  }
0xb5: {  	v41 =	vand.u32 $0x7F, v9;
	v43 =	vand.u32 $0x7F, v4;
	v9 =	vshll.u32 v9, $0x3;
	v2 =	vld.idx.msk [tilespmem:v56+s1+$0x0], $0xffff  }
0xb6: {  	v4 =	vshll.u32 v4, $0x3;
	v42 =	vand.u32 $0xFFFFFC00, v42;
	v9 =	vand.u32 $0xFFFFFC00, v9;
	v51 =	vld.idx.msk [tilespmem:v57+s1+$0x0], $0xffff  }
0xb7: {  	v45 =	vand.u32 $0x7F, v5;
	v55 =	vor.u32 v41, v9;
	v9 =	vor.u32 $0x180, v27;
	v15 =	vld.idx.msk [tilespmem:v15+s1+$0x0], $0xffff  }
0xb8: {  	v47 =	vand.u32 $0x7F, v10;
	v5 =	vshll.u32 v5, $0x3;
	v44 =	vld.idx.msk [tilespmem:v44+s1+$0x0], $0xffff;
	v3 =	vadd.s32 v58, v37  }
0xb9: {  	v10 =	vshll.u32 v10, $0x3;
	v41 =	vand.u32 $0x7F, v14;
	v46 =	vld.idx.msk [tilespmem:v46+s1+$0x0], $0xffff;
	v3 =	vadd.s32 v39, v3  }
0xba: {  	v14 =	vshll.u32 v14, $0x3;
	v54 =	vand.u32 $0xFFFFFC00, v10;
	v2 =	vadd.s32 v2, v3  }
0xbb: {  	v11 =	vand.u32 $0x7F, v6;
	v6 =	vshll.u32 v6, $0x3;
	v61 =	vld.idx.msk [tilespmem:v48+s1+$0x0], $0xffff;
	v2 =	vadd.s32 v51, v2  }
0xbc: {  	v7 =	vshll.u32 v63, $0x3;
	v52 =	vand.u32 $0x7F, v8;
	v9 =	vld.idx.msk [tilespmem:v9+s1+$0x0], $0xffff;
	v2 =	vadd.s32 v15, v2  }
0xbd: {  	v48 =	vand.u32 $0x7F, v16;
	v37 =	vld.idx.msk [tilespmem:v59+s1+$0x0], $0xffff;
	v15 =	vand.u32 $0x7F, v40;
	v2 =	vadd.s32 v44, v2  }
0xbe: {  	v40 =	vshll.u32 v40, $0x3;
	v2 =	vadd.s32 v46, v2;
	v46 =	vor.u32 $0x180, v20  }
0xbf: {  	v8 =	vshll.u32 v8, $0x3;
	v16 =	vshll.u32 v16, $0x3;
	v40 =	vand.u32 $0xFFFFFC00, v40  }
0xc0: {  	v36 =	vld.idx.msk [tilespmem:v36+s30+$0x0], $0xffff;
	v58 =	vor.u32 v15, v40;
	v15 =	vor.u32 $0x180, v18;
	v63 =	vadd.s32 v61, v2  }
0xc1: {  	v56 =	vor.u32 v49, v34;
	v39 =	vld.idx.msk [tilespmem:v60+s1+$0x0], $0xffff;
	v61 =	vor.u32 $0x180, v17;
	v9 =	vadd.s32 v9, v63  }
0xc2: {  	v8 =	vand.u32 $0xFFFFFC00, v8;
	v60 =	vand.u32 $0xFFFFFC00, v35;
	v9 =	vadd.s32 v37, v9;
	v37 =	vld [tilespmem:s9+$0x180]  }
0xc3: {  	v16 =	vand.u32 $0xFFFFFC00, v16;
	v3 =	vor.u32 v62, v60;
	v62 =	vand.u32 $0x7F, v38;
	v1 =	vld.idx.msk [tilespmem:v46+s1+$0x0], $0xffff  }
0xc4: {  	v38 =	vshll.u32 v38, $0x3;
	v51 =	vand.u32 $0xFFFFFC00, v5;
	v46 =	vand.u32 $0xFFFFFC00, v6;
	v6 =	vld.idx.msk [tilespmem:v53+s1+$0x0], $0xffff  }
0xc5: {  	v5 =	vand.u32 $0xFFFFFC00, v14;
	v63 =	vand.u32 $0x7F, v36;
	v36 =	vshll.u32 v36, $0x3;
	v15 =	vld.idx.msk [tilespmem:v15+s1+$0x0], $0xffff  }
0xc6: {  	v14 =	vand.u32 $0xFFFFFC00, v38;
	v2 =	vand.u32 $0xFFFFFC00, v7;
	v10 =	vand.u32 $0xFFFFFC00, v36;
	v7 =	vld.idx.msk [tilespmem:v61+s1+$0x0], $0xffff  }
0xc7: {  	v9 =	vadd.s32 v39, v9;
	v57 =	vor.u32 v63, v10;
	v63 =	vor.u32 v62, v14  }
0xc8: {  	s11 =	sadd.s32 $0x10, s2;
	s7 =	sadd.s32 $0x80, s25;
	v14 =	vor.u32 v48, v16;
	v10 =	vor.u32 v52, v8;
	v9 =	vadd.s32 v1, v9  }
0xc9: {  	s18 =	sand.u32 $0x70, s11;
	s8 =	sand.u32 $0xFC00, s7;
	v38 =	vld.idx.msk [tilespmem:v3+s1+$0x0], $0xffff;
	v53 =	vand.u32 $0xFFFFFC00, v4;
	v8 =	vand.u32 $0xFFFF, v37;
	v6 =	vadd.s32 v6, v9  }
0xca: {  	s8 =	sor.u32 s18, s8;
	v36 =	vld.idx.msk [tilespmem:v58+s1+$0x0], $0xffff;
	v44 =	vshra.s32 v37, $0x10;
	v1 =	vor.u32 v50, v2;
	v6 =	vadd.s32 v15, v6  }
0xcb: {  	v35 =	vld [tilespmem:s8+$0x0];
	v2 =	vor.u32 v41, v5;
	v50 =	vcvt.s32.f32 v44;
	v6 =	vadd.s32 v7, v6  }
0xcc: {  	v39 =	vld.idx.msk [tilespmem:v57+s1+$0x0], $0xffff;
	v9 =	vcvt.s32.f32 v8;
	v48 =	vand.u32 $0xFFFF, v6;
	v6 =	vshra.s32 v6, $0x10  }
0xcd: {  	v4 =	vor.u32 v45, v51;
	v52 =	vld.idx.msk [tilespmem:v63+s1+$0x0], $0xffff;
	v37 =	vcvt.s32.f32 v48;
	v60 =	vcvt.s32.f32 v6  }
0xce: {  	v61 =	vld.idx.msk [tilespmem:v14+s1+$0x0], $0xffff;
	v5 =	vor.u32 v47, v54;
	v40 =	vmul.f32 $1.953125000e-03, v50;
	v62 =	vmul.f32 $1.953125000e-03, v9  }
0xcf: {  	v36 =	vadd.s32 v36, v38;
	v48 =	vld.idx.msk [tilespmem:v10+s1+$0x0], $0xffff;
	v37 =	vmul.f32 $1.953125000e-03, v37;
	v41 =	vmul.f32 $1.953125000e-03, v60  }
0xd0: {  	v15 =	vmovc v3;
	v3 =	vor.u32 v43, v53;
	v40 =	vadd.f32 $-1.000000000e+00, v40;
	v49 =	vld.idx.msk [tilespmem:v2+s1+$0x0], $0xffff;
	v47 =	vadd.f32 $-1.000000000e+00, v62  }
0xd1: {  	v36 =	vadd.s32 v39, v36;
	v50 =	vld.idx.msk [tilespmem:v1+s1+$0x0], $0xffff;
	v37 =	vadd.f32 $-1.600000000e+01, v37;
	v41 =	vadd.f32 $-1.600000000e+01, v41  }
0xd2: {  	v59 =	vld.idx.msk [tilespmem:v56+s1+$0x0], $0xffff;
	v16 =	vor.u32 v11, v46;
	v6 =	vor.u32 v12, v42;
	v34 =	vadd.s32 v52, v36  }
0xd3: {  	v7 =	vld.idx.msk [tilespmem:v5+s1+$0x0], $0xffff;
	v34 =	vadd.s32 v61, v34;
	v37 =	vmul.f32 v37, v40;
	v51 =	vmul.f32 v41, v47  }
0xd4: {  	v54 =	vor.u32 $0x200, v22;
	v61 =	vor.u32 v13, v33;
	v52 =	vadd.s32 v48, v34;
	v41 =	vld.idx.msk [tilespmem:v4+s1+$0x0], $0xffff  }
0xd5: {  	v53 =	vld.idx.msk [tilespmem:v3+s1+$0x0], $0xffff;
	v60 =	vand.u32 $0xFFFF, v35;
	v33 =	vadd.s32 v49, v52;
	v37 =	vsub.f32 v37, v51  }
0xd6: {  	v35 =	vshra.s32 v35, $0x10;
	v48 =	vld.idx.msk [tilespmem:v55+s1+$0x0], $0xffff;
	v49 =	vor.u32 $0x200, v23;
	v33 =	vadd.s32 v50, v33  }
0xd7: {  	v50 =	vld.idx.msk [tilespmem:v6+s1+$0x0], $0xffff;
	v33 =	vadd.s32 v59, v33;
	v51 =	vor.u32 $0x200, v24;
	v37 =	vmul.f32 $1.250000000e-01, v37  }
0xd8: {  	v35 =	vcvt.s32.f32 v35;
	v59 =	vld.idx.msk [tilespmem:v16+s1+$0x0], $0xffff;
	v33 =	vadd.s32 v7, v33  }
0xd9: {  	v62 =	vld.idx.msk [tilespmem:v61+s1+$0x0], $0xffff;
	v7 =	vor.u32 $0x200, v21;
	v33 =	vadd.s32 v41, v33;
	[tilespmem:s29+$0x19A00] =	vst v37  }
0xda: {  	v35 =	vmul.f32 $1.953125000e-03, v35;
	v52 =	vor.u32 $0x200, v29;
	v33 =	vadd.s32 v53, v33;
	v34 =	vld.idx.msk [tilespmem:v54+s1+$0x0], $0xffff  }
0xdb: {  	v40 =	vcvt.s32.f32 v60;
	v53 =	vor.u32 $0x200, v32;
	v33 =	vadd.s32 v48, v33;
	v38 =	vld.idx.msk [tilespmem:v49+s1+$0x0], $0xffff  }
0xdc: {  	v47 =	vor.u32 $0x200, v26;
	v54 =	vor.u32 $0x200, v31;
	v39 =	vld.idx.msk [tilespmem:v51+s1+$0x0], $0xffff;
	v33 =	vadd.s32 v50, v33  }
0xdd: {  	v60 =	vor.u32 $0x200, v27;
	v35 =	vadd.f32 $-1.000000000e+00, v35;
	v43 =	vld [tilespmem:s9+$0x200];
	v33 =	vadd.s32 v59, v33  }
0xde: {  	v40 =	vmul.f32 $1.953125000e-03, v40;
	v37 =	vld.idx.msk [tilespmem:v7+s1+$0x0], $0xffff;
	v59 =	vor.u32 $0x200, v30;
	v33 =	vadd.s32 v62, v33  }
0xdf: {  	v48 =	vor.u32 $0x200, v18;
	v36 =	vld.idx.msk [tilespmem:v52+s1+$0x0], $0xffff;
	v62 =	vand.u32 $0xFFFF, v33;
	v33 =	vshra.s32 v33, $0x10  }
0xe0: {  	v7 =	vor.u32 $0x200, v28;
	v45 =	vld.idx.msk [tilespmem:v53+s1+$0x0], $0xffff;
	v50 =	vcvt.s32.f32 v62;
	v33 =	vcvt.s32.f32 v33  }
0xe1: {  	v53 =	vor.u32 $0x200, v25;
	v34 =	vadd.s32 v34, v38;
	v52 =	vld.idx.msk [tilespmem:v54+s1+$0x0], $0xffff;
	v54 =	vor.u32 $0x200, v20  }
0xe2: {  	v47 =	vld.idx.msk [tilespmem:v47+s1+$0x0], $0xffff;
	v34 =	vadd.s32 v39, v34;
	v50 =	vmul.f32 $1.953125000e-03, v50;
	v33 =	vmul.f32 $1.953125000e-03, v33  }
0xe3: {  	v49 =	vor.u32 $0x200, v19;
	v44 =	vld.idx.msk [tilespmem:v59+s1+$0x0], $0xffff;
	v34 =	vadd.s32 v37, v34;
	v59 =	vadd.f32 $-1.000000000e+00, v40  }
0xe4: {  	v60 =	vld.idx.msk [tilespmem:v60+s1+$0x0], $0xffff;
	v34 =	vadd.s32 v36, v34;
	v62 =	vadd.f32 $-1.600000000e+01, v50;
	v33 =	vadd.f32 $-1.600000000e+01, v33  }
0xe5: {  	v46 =	vor.u32 $0x200, v17;
	v7 =	vld.idx.msk [tilespmem:v7+s1+$0x0], $0xffff;
	v34 =	vadd.s32 v45, v34  }
0xe6: {  	v42 =	vld.idx.msk [tilespmem:v53+s1+$0x0], $0xffff;
	v34 =	vadd.s32 v52, v34;
	v35 =	vmul.f32 v62, v35;
	v33 =	vmul.f32 v33, v59  }
0xe7: {  	v50 =	vld.idx.msk [tilespmem:v54+s1+$0x0], $0xffff;
	v34 =	vadd.s32 v47, v34  }
0xe8: {  	v51 =	vld.idx.msk [tilespmem:v49+s1+$0x0], $0xffff;
	v53 =	vor.u32 $0x80, v58;
	v34 =	vadd.s32 v44, v34;
	v33 =	vsub.f32 v35, v33  }
0xe9: {  	v52 =	vld.idx.msk [tilespmem:v48+s1+$0x0], $0xffff;
	v59 =	vor.u32 $0x80, v15;
	v34 =	vadd.s32 v60, v34  }
0xea: {  	v54 =	vld.idx.msk [tilespmem:v46+s1+$0x0], $0xffff;
	v60 =	vor.u32 $0x80, v57;
	v34 =	vadd.s32 v7, v34;
	v33 =	vmul.f32 $1.250000000e-01, v33  }
0xeb: {  	s6 =	simm.s32 $0x10;
	v38 =	vor.u32 $0x80, v10;
	v36 =	vor.u32 $0x80, v1;
	v34 =	vadd.s32 v42, v34  }
0xec: {  	v62 =	vor.u32 $0x80, v63;
	v44 =	vor.u32 $0x80, v2;
	v34 =	vadd.s32 v50, v34;
	[tilespmem:s6+$0x18B00] =	vst v33  }
0xed: {  	v7 =	vor.u32 $0x80, v14;
	v42 =	vor.u32 $0x80, v55;
	v34 =	vadd.s32 v51, v34;
	v35 =	vld.idx.msk [tilespmem:v53+s1+$0x0], $0xffff  }
0xee: {  	v34 =	vadd.s32 v52, v34;
	v52 =	vand.u32 $0xFFFF, v43;
	v53 =	vld.idx.msk [tilespmem:v59+s1+$0x0], $0xffff;
	v43 =	vshra.s32 v43, $0x10  }
0xef: {  	v41 =	vld.idx.msk [tilespmem:v60+s1+$0x0], $0xffff;
	v60 =	vor.u32 $0x80, v56;
	v34 =	vadd.s32 v54, v34;
	v54 =	vcvt.s32.f32 v52  }
0xf0: {  	v45 =	vld [tilespmem:s8+$0x80];
	v43 =	vcvt.s32.f32 v43;
	v59 =	vand.u32 $0xFFFF, v34;
	v34 =	vshra.s32 v34, $0x10  }
0xf1: {  	v33 =	vld.idx.msk [tilespmem:v62+s1+$0x0], $0xffff;
	v62 =	vor.u32 $0x80, v5;
	v46 =	vcvt.s32.f32 v59;
	v34 =	vcvt.s32.f32 v34  }
0xf2: {  	v37 =	vld.idx.msk [tilespmem:v7+s1+$0x0], $0xffff;
	v7 =	vor.u32 $0x80, v4;
	v40 =	vmul.f32 $1.953125000e-03, v54;
	v43 =	vmul.f32 $1.953125000e-03, v43  }
0xf3: {  	v38 =	vld.idx.msk [tilespmem:v38+s1+$0x0], $0xffff;
	v52 =	vor.u32 $0x80, v3;
	v46 =	vmul.f32 $1.953125000e-03, v46;
	v34 =	vmul.f32 $1.953125000e-03, v34  }
0xf4: {  	v44 =	vld.idx.msk [tilespmem:v44+s1+$0x0], $0xffff;
	v40 =	vadd.f32 $-1.000000000e+00, v40;
	v43 =	vadd.f32 $-1.000000000e+00, v43;
	v35 =	vadd.s32 v35, v53  }
0xf5: {  	v36 =	vld.idx.msk [tilespmem:v36+s1+$0x0], $0xffff;
	v35 =	vadd.s32 v41, v35;
	v53 =	vadd.f32 $-1.600000000e+01, v46;
	v34 =	vadd.f32 $-1.600000000e+01, v34  }
0xf6: {  	v59 =	vor.u32 $0x80, v6;
	v54 =	vld.idx.msk [tilespmem:v60+s1+$0x0], $0xffff;
	v60 =	vor.u32 $0x80, v16;
	v33 =	vadd.s32 v33, v35  }
0xf7: {  	v62 =	vld.idx.msk [tilespmem:v62+s1+$0x0], $0xffff;
	v33 =	vadd.s32 v37, v33;
	v39 =	vmul.f32 v53, v43;
	v34 =	vmul.f32 v34, v40  }
0xf8: {  	v48 =	vor.u32 $0x80, v61;
	v7 =	vld.idx.msk [tilespmem:v7+s1+$0x0], $0xffff;
	v33 =	vadd.s32 v38, v33  }
0xf9: {  	v50 =	vor.u32 $0x280, v22;
	v49 =	vld.idx.msk [tilespmem:v52+s1+$0x0], $0xffff;
	v33 =	vadd.s32 v44, v33;
	v34 =	vsub.f32 v39, v34  }
0xfa: {  	v51 =	vor.u32 $0x280, v23;
	v42 =	vld.idx.msk [tilespmem:v42+s1+$0x0], $0xffff;
	v33 =	vadd.s32 v36, v33  }
0xfb: {  	v52 =	vld.idx.msk [tilespmem:v59+s1+$0x0], $0xffff;
	v53 =	vor.u32 $0x280, v24;
	v33 =	vadd.s32 v54, v33;
	v34 =	vmul.f32 $1.250000000e-01, v34  }
0xfc: {  	v47 =	vor.u32 $0x280, v19;
	v54 =	vld.idx.msk [tilespmem:v60+s1+$0x0], $0xffff;
	v60 =	vor.u32 $0x280, v21;
	v33 =	vadd.s32 v62, v33  }
0xfd: {  	v59 =	vld.idx.msk [tilespmem:v48+s1+$0x0], $0xffff;
	v48 =	vor.u32 $0x280, v28;
	v40 =	vor.u32 $0x280, v18;
	v33 =	vadd.s32 v7, v33;
	[tilespmem:s29+$0x19F00] =	vst v34  }
0xfe: {  	v43 =	vor.u32 $0x280, v26;
	v62 =	vor.u32 $0x280, v29;
	v33 =	vadd.s32 v49, v33;
	v38 =	vld.idx.msk [tilespmem:v50+s1+$0x0], $0xffff  }
0xff: {  	v39 =	vor.u32 $0x280, v32;
	v7 =	vand.u32 $0xFFFF, v45;
	v33 =	vadd.s32 v42, v33;
	v36 =	vld.idx.msk [tilespmem:v51+s1+$0x0], $0xffff  }
0x100: {  	v42 =	vor.u32 $0x280, v31;
	v41 =	vld.idx.msk [tilespmem:v53+s1+$0x0], $0xffff;
	v50 =	vor.u32 $0x280, v27;
	v33 =	vadd.s32 v52, v33  }
0x101: {  	v34 =	vld.idx.msk [tilespmem:v60+s1+$0x0], $0xffff;
	v60 =	vshra.s32 v45, $0x10;
	v33 =	vadd.s32 v54, v33;
	v54 =	vor.u32 $0x280, v30  }
0x102: {  	v49 =	vld [tilespmem:s9+$0x280];
	v44 =	vcvt.s32.f32 v60;
	v33 =	vadd.s32 v59, v33;
	v59 =	vcvt.s32.f32 v7  }
0x103: {  	v37 =	vld.idx.msk [tilespmem:v62+s1+$0x0], $0xffff;
	v7 =	vor.u32 $0x280, v25;
	v62 =	vand.u32 $0xFFFF, v33;
	v33 =	vshra.s32 v33, $0x10  }
0x104: {  	v39 =	vld.idx.msk [tilespmem:v39+s1+$0x0], $0xffff;
	v45 =	vcvt.s32.f32 v62;
	v36 =	vadd.s32 v38, v36;
	v33 =	vcvt.s32.f32 v33  }
0x105: {  	v44 =	vmul.f32 $1.953125000e-03, v44;
	v38 =	vld.idx.msk [tilespmem:v42+s1+$0x0], $0xffff;
	v35 =	vmul.f32 $1.953125000e-03, v59;
	v36 =	vadd.s32 v41, v36  }
0x106: {  	v43 =	vld.idx.msk [tilespmem:v43+s1+$0x0], $0xffff;
	v41 =	vor.u32 $0x280, v20;
	v45 =	vmul.f32 $1.953125000e-03, v45;
	v33 =	vmul.f32 $1.953125000e-03, v33  }
0x107: {  	v51 =	vld.idx.msk [tilespmem:v54+s1+$0x0], $0xffff;
	v34 =	vadd.s32 v34, v36;
	v35 =	vadd.f32 $-1.000000000e+00, v35;
	v54 =	vadd.f32 $-1.000000000e+00, v44  }
0x108: {  	v59 =	vld.idx.msk [tilespmem:v50+s1+$0x0], $0xffff;
	v34 =	vadd.s32 v37, v34;
	v60 =	vadd.f32 $-1.600000000e+01, v45;
	v33 =	vadd.f32 $-1.600000000e+01, v33  }
0x109: {  	v46 =	vor.u32 $0x280, v17;
	v62 =	vld.idx.msk [tilespmem:v48+s1+$0x0], $0xffff;
	v34 =	vadd.s32 v39, v34  }
0x10a: {  	v7 =	vld.idx.msk [tilespmem:v7+s1+$0x0], $0xffff;
	v34 =	vadd.s32 v38, v34;
	v36 =	vmul.f32 v60, v54;
	v33 =	vmul.f32 v33, v35  }
0x10b: {  	v48 =	vld.idx.msk [tilespmem:v41+s1+$0x0], $0xffff;
	v34 =	vadd.s32 v43, v34  }
0x10c: {  	v50 =	vld.idx.msk [tilespmem:v47+s1+$0x0], $0xffff;
	v34 =	vadd.s32 v51, v34;
	v33 =	vsub.f32 v36, v33  }
0x10d: {  	v53 =	vor.u32 $0x100, v61;
	v52 =	vld.idx.msk [tilespmem:v40+s1+$0x0], $0xffff;
	v34 =	vadd.s32 v59, v34  }
0x10e: {  	v54 =	vld.idx.msk [tilespmem:v46+s1+$0x0], $0xffff;
	v59 =	vor.u32 $0x100, v16;
	v34 =	vadd.s32 v62, v34;
	v33 =	vmul.f32 $1.250000000e-01, v33  }
0x10f: {  	v60 =	vor.u32 $0x100, v6;
	v34 =	vadd.s32 v7, v34  }
0x110: {  	v51 =	vshra.s32 v49, $0x10;
	v62 =	vor.u32 $0x100, v55;
	v34 =	vadd.s32 v48, v34;
	[tilespmem:s6+$0x19000] =	vst v33  }
0x111: {  	v41 =	vcvt.s32.f32 v51;
	v51 =	vor.u32 $0x100, v56;
	v34 =	vadd.s32 v50, v34;
	v37 =	vld [tilespmem:s8+$0x100]  }
0x112: {  	v7 =	vor.u32 $0x100, v3;
	v48 =	vand.u32 $0xFFFF, v49;
	v34 =	vadd.s32 v52, v34;
	v38 =	vld.idx.msk [tilespmem:v53+s1+$0x0], $0xffff  }
0x113: {  	v50 =	vor.u32 $0x100, v58;
	v36 =	vcvt.s32.f32 v48;
	v40 =	vld.idx.msk [tilespmem:v59+s1+$0x0], $0xffff;
	[tilespmem:$0x1FFA0] =	vst v15;
	v34 =	vadd.s32 v54, v34  }
0x114: {  	v53 =	vor.u32 $0x100, v15;
	v39 =	vld.idx.msk [tilespmem:v60+s1+$0x0], $0xffff;
	v52 =	vand.u32 $0xFFFF, v34;
	v34 =	vshra.s32 v34, $0x10  }
0x115: {  	v59 =	vor.u32 $0x100, v63;
	v33 =	vld.idx.msk [tilespmem:v62+s1+$0x0], $0xffff;
	v43 =	vcvt.s32.f32 v52;
	v34 =	vcvt.s32.f32 v34  }
0x116: {  	v41 =	vmul.f32 $1.953125000e-03, v41;
	v54 =	vor.u32 $0x100, v57;
	v36 =	vmul.f32 $1.953125000e-03, v36;
	v51 =	vld.idx.msk [tilespmem:v51+s1+$0x0], $0xffff  }
0x117: {  	v60 =	vor.u32 $0x100, v14;
	v35 =	vld.idx.msk [tilespmem:v7+s1+$0x0], $0xffff;
	v43 =	vmul.f32 $1.953125000e-03, v43;
	v34 =	vmul.f32 $1.953125000e-03, v34  }
0x118: {  	v41 =	vadd.f32 $-1.000000000e+00, v41;
	v62 =	vor.u32 $0x100, v10;
	v36 =	vadd.f32 $-1.000000000e+00, v36;
	v42 =	vld.idx.msk [tilespmem:v50+s1+$0x0], $0xffff  }
0x119: {  	v49 =	vor.u32 $0x100, v2;
	v44 =	vld.idx.msk [tilespmem:v53+s1+$0x0], $0xffff;
	v43 =	vadd.f32 $-1.600000000e+01, v43;
	v34 =	vadd.f32 $-1.600000000e+01, v34  }
0x11a: {  	v7 =	vor.u32 $0x100, v1;
	v46 =	vld.idx.msk [tilespmem:v59+s1+$0x0], $0xffff  }
0x11b: {  	v45 =	vld.idx.msk [tilespmem:v54+s1+$0x0], $0xffff;
	v54 =	vor.u32 $0x100, v5;
	v41 =	vmul.f32 v43, v41;
	v34 =	vmul.f32 v34, v36  }
0x11c: {  	v59 =	vld.idx.msk [tilespmem:v60+s1+$0x0], $0xffff;
	v60 =	vor.u32 $0x100, v4  }
0x11d: {  	v48 =	vld.idx.msk [tilespmem:v62+s1+$0x0], $0xffff;
	v62 =	vor.u32 $0x300, v22;
	v34 =	vsub.f32 v41, v34  }
0x11e: {  	v11 =	vmov v5;
	v49 =	vld.idx.msk [tilespmem:v49+s1+$0x0], $0xffff;
	v5 =	vor.u32 $0x300, v23  }
0x11f: {  	v50 =	vld.idx.msk [tilespmem:v7+s1+$0x0], $0xffff;
	v7 =	vor.u32 $0x300, v24;
	v34 =	vmul.f32 $1.250000000e-01, v34  }
0x120: {  	v52 =	vor.u32 $0x300, v21;
	v42 =	vadd.s32 v42, v44;
	v43 =	vld.idx.msk [tilespmem:v54+s1+$0x0], $0xffff  }
0x121: {  	v42 =	vadd.s32 v45, v42;
	v53 =	vld.idx.msk [tilespmem:v60+s1+$0x0], $0xffff;
	v60 =	vor.u32 $0x300, v29;
	[tilespmem:s29+$0x1A400] =	vst v34  }
0x122: {  	v54 =	vor.u32 $0x300, v30;
	v42 =	vadd.s32 v46, v42;
	v41 =	vld.idx.msk [tilespmem:v62+s1+$0x0], $0xffff  }
0x123: {  	v36 =	vadd.s32 v59, v42;
	v59 =	vor.u32 $0x300, v27;
	v44 =	vld.idx.msk [tilespmem:v5+s1+$0x0], $0xffff  }
0x124: {  	v36 =	vadd.s32 v48, v36;
	v62 =	vor.u32 $0x300, v32;
	v45 =	vld.idx.msk [tilespmem:v7+s1+$0x0], $0xffff  }
0x125: {  	v36 =	vadd.s32 v49, v36;
	v5 =	vor.u32 $0x300, v31;
	v46 =	vld.idx.msk [tilespmem:v52+s1+$0x0], $0xffff  }
0x126: {  	v36 =	vadd.s32 v50, v36;
	v34 =	vld.idx.msk [tilespmem:v60+s1+$0x0], $0xffff;
	v60 =	vor.u32 $0x300, v28  }
0x127: {  	v50 =	vld.idx.msk [tilespmem:v54+s1+$0x0], $0xffff;
	v36 =	vadd.s32 v51, v36  }
0x128: {  	s12 =	simm.s32 $0x20E;
	v7 =	vor.u32 $0x300, v26;
	v36 =	vadd.s32 v43, v36;
	v43 =	vld.idx.msk [tilespmem:v59+s1+$0x0], $0xffff  }
0x129: {  	v42 =	vor.u32 s12, v0;
	v54 =	vor.u32 $0x300, v18;
	v36 =	vadd.s32 v53, v36;
	v47 =	vld.idx.msk [tilespmem:v62+s1+$0x0], $0xffff  }
0x12a: {  	s13 =	simm.s32 $0x20F;
	v59 =	vor.u32 $0x300, v17;
	v35 =	vadd.s32 v35, v36;
	v48 =	vld.idx.msk [tilespmem:v5+s1+$0x0], $0xffff;
	v62 =	vor.u32 $0x300, v25  }
0x12b: {  	s19 =	simm.s32 $0x20D;
	v36 =	vor.u32 s13, v0;
	v41 =	vadd.s32 v41, v44;
	v5 =	vor.u32 $0x300, v20;
	v51 =	vld.idx.msk [tilespmem:v60+s1+$0x0], $0xffff  }
0x12c: {  	v33 =	vadd.s32 v33, v35;
	v35 =	vor.u32 s19, v0;
	v60 =	vld [tilespmem:s9+$0x300];
	v41 =	vadd.s32 v45, v41  }
0x12d: {  	s13 =	simm.s32 $0x20B;
	v49 =	vld.idx.msk [tilespmem:v7+s1+$0x0], $0xffff;
	v7 =	vor.u32 $0x300, v19;
	v33 =	vadd.s32 v39, v33;
	v41 =	vadd.s32 v46, v41  }
0x12e: {  	s14 =	simm.s32 $0x20C;
	v45 =	vor.u32 s13, v0;
	v33 =	vadd.s32 v40, v33;
	v34 =	vadd.s32 v34, v41  }
0x12f: {  	v41 =	vor.u32 s14, v0;
	v33 =	vadd.s32 v38, v33;
	v34 =	vadd.s32 v47, v34;
	v44 =	vld.idx.msk [tilespmem:v62+s1+$0x0], $0xffff  }
0x130: {  	v46 =	vld.idx.msk [tilespmem:v5+s1+$0x0], $0xffff;
	v62 =	vand.u32 $0xFFFF, v37;
	v37 =	vshra.s32 v37, $0x10;
	v5 =	vand.u32 $0xFFFF, v33  }
0x131: {  	s19 =	simm.s32 $0x206;
	v33 =	vshra.s32 v33, $0x10;
	v53 =	vand.u32 $0xFFFF, v60;
	v34 =	vadd.s32 v48, v34  }
0x132: {  	s15 =	simm.s32 $0x20A;
	v38 =	vshra.s32 v60, $0x10;
	v60 =	vor.u32 s19, v0;
	v34 =	vadd.s32 v49, v34  }
0x133: {  	v39 =	vld.idx.msk [tilespmem:v7+s1+$0x0], $0xffff;
	v48 =	vor.u32 s15, v0;
	v37 =	vcvt.s32.f32 v37;
	v34 =	vadd.s32 v50, v34  }
0x134: {  	s16 =	simm.s32 $0x209;
	v47 =	vld.idx.msk [tilespmem:v54+s1+$0x0], $0xffff;
	v33 =	vcvt.s32.f32 v33;
	v54 =	vcvt.s32.f32 v53;
	v34 =	vadd.s32 v43, v34  }
0x135: {  	s17 =	simm.s32 $0x208;
	v40 =	vld.idx.msk [tilespmem:v59+s1+$0x0], $0xffff;
	v38 =	vcvt.s32.f32 v38;
	v49 =	vor.u32 s16, v0;
	v34 =	vadd.s32 v51, v34  }
0x136: {  	v50 =	vor.u32 s17, v0;
	v37 =	vmul.f32 $1.953125000e-03, v37;
	v34 =	vadd.s32 v44, v34  }
0x137: {  	v33 =	vmul.f32 $1.953125000e-03, v33;
	v38 =	vmul.f32 $1.953125000e-03, v38;
	v34 =	vadd.s32 v46, v34  }
0x138: {  	v43 =	vcvt.s32.f32 v62;
	v51 =	vcvt.s32.f32 v5;
	v34 =	vadd.s32 v39, v34  }
0x139: {  	v37 =	vadd.f32 $-1.000000000e+00, v37;
	v33 =	vadd.f32 $-1.600000000e+01, v33;
	v34 =	vadd.s32 v47, v34  }
0x13a: {  	v38 =	vadd.f32 $-1.000000000e+00, v38;
	v43 =	vmul.f32 $1.953125000e-03, v43;
	v34 =	vadd.s32 v40, v34  }
0x13b: {  	s18 =	simm.s32 $0x207;
	v42 =	vld.idx.msk [tilespmem:v42+s30+$0x0], $0xffff;
	v51 =	vmul.f32 $1.953125000e-03, v51;
	v59 =	vand.u32 $0xFFFF, v34;
	v34 =	vshra.s32 v34, $0x10  }
0x13c: {  	v36 =	vld.idx.msk [tilespmem:v36+s30+$0x0], $0xffff;
	v44 =	vor.u32 s18, v0;
	v46 =	vcvt.s32.f32 v59;
	v34 =	vcvt.s32.f32 v34  }
0x13d: {  	s13 =	simm.s32 $0x204;
	v45 =	vld.idx.msk [tilespmem:v45+s30+$0x0], $0xffff;
	v43 =	vadd.f32 $-1.000000000e+00, v43;
	v7 =	vadd.f32 $-1.600000000e+01, v51;
	v40 =	vmul.f32 $1.953125000e-03, v54  }
0x13e: {  	v41 =	vld.idx.msk [tilespmem:v41+s30+$0x0], $0xffff;
	v5 =	vor.u32 s13, v0;
	v46 =	vmul.f32 $1.953125000e-03, v46;
	v34 =	vmul.f32 $1.953125000e-03, v34  }
0x13f: {  	s14 =	simm.s32 $0x200;
	v48 =	vld.idx.msk [tilespmem:v48+s30+$0x0], $0xffff;
	v33 =	vmul.f32 v33, v43;
	v37 =	vmul.f32 v7, v37;
	v40 =	vadd.f32 $-1.000000000e+00, v40  }
0x140: {  	v49 =	vld.idx.msk [tilespmem:v49+s30+$0x0], $0xffff;
	v7 =	vor.u32 s14, v0;
	v46 =	vadd.f32 $-1.600000000e+01, v46;
	v34 =	vadd.f32 $-1.600000000e+01, v34  }
0x141: {  	s12 =	simm.s32 $0x205;
	v52 =	vor.u32 $0x180, v63;
	v50 =	vld.idx.msk [tilespmem:v50+s30+$0x0], $0xffff;
	v33 =	vsub.f32 v37, v33  }
0x142: {  	v62 =	vor.u32 s12, v0;
	v38 =	vmul.f32 v46, v38;
	v34 =	vmul.f32 v34, v40;
	v40 =	vld.idx.msk [tilespmem:v44+s30+$0x0], $0xffff  }
0x143: {  	v33 =	vmul.f32 $1.250000000e-01, v33;
	v44 =	vld.idx.msk [tilespmem:v60+s30+$0x0], $0xffff;
	v60 =	vor.u32 $0x180, v58  }
0x144: {  	v22 =	vor.u32 $0x380, v22;
	v53 =	vor.u32 $0x380, v23;
	v23 =	vld.idx.msk [tilespmem:v5+s30+$0x0], $0xffff;
	v38 =	vsub.f32 v38, v34  }
0x145: {  	v43 =	vld.idx.msk [tilespmem:v7+s30+$0x0], $0xffff;
	[tilespmem:s6+$0x19500] =	vst v33  }
0x146: {  	v24 =	vor.u32 $0x380, v24;
	v37 =	vld.idx.msk [tilespmem:v52+s1+$0x0], $0xffff;
	v38 =	vmul.f32 $1.250000000e-01, v38  }
0x147: {  	v21 =	vor.u32 $0x380, v21;
	v34 =	vld.idx.msk [tilespmem:v62+s30+$0x0], $0xffff  }
0x148: {  	v29 =	vor.u32 $0x380, v29;
	[tilespmem:s29+$0x1A900] =	vst v38;
	v38 =	vld.idx.msk [tilespmem:v60+s1+$0x0], $0xffff  }
0x149: {  	v32 =	vor.u32 $0x380, v32;
	v22 =	vld.idx.msk [tilespmem:v22+s1+$0x0], $0xffff  }
0x14a: {  	v31 =	vor.u32 $0x380, v31;
	v59 =	vld.idx.msk [tilespmem:v53+s1+$0x0], $0xffff  }
0x14b: {  	v60 =	vor.u32 $0x380, v25;
	v24 =	vld.idx.msk [tilespmem:v24+s1+$0x0], $0xffff  }
0x14c: {  	v62 =	vor.u32 $0x180, v15;
	v21 =	vld.idx.msk [tilespmem:v21+s1+$0x0], $0xffff  }
0x14d: {  	v30 =	vor.u32 $0x380, v30;
	v26 =	vor.u32 $0x380, v26;
	v29 =	vld.idx.msk [tilespmem:v29+s1+$0x0], $0xffff  }
0x14e: {  	v28 =	vor.u32 $0x380, v28;
	v20 =	vor.u32 $0x380, v20;
	v7 =	vor.u32 $0x380, v27;
	v5 =	vld.idx.msk [tilespmem:v32+s1+$0x0], $0xffff  }
0x14f: {  	v19 =	vor.u32 $0x380, v19;
	v27 =	vand.u32 $0x7F, v36;
	v31 =	vld.idx.msk [tilespmem:v31+s1+$0x0], $0xffff;
	v22 =	vadd.s32 v22, v59  }
0x150: {  	s15 =	simm.s32 $0x202;
	s16 =	simm.s32 $0x203;
	v52 =	vor.u32 $0x380, v17;
	v22 =	vadd.s32 v24, v22;
	v24 =	vshll.u32 v36, $0x3;
	v36 =	vld.idx.msk [tilespmem:v60+s1+$0x0], $0xffff  }
0x151: {  	v47 =	vor.u32 s15, v0;
	v51 =	vor.u32 s16, v0;
	v33 =	vand.u32 $0xFFFFFC00, v24;
	v24 =	vld.idx.msk [tilespmem:v62+s1+$0x0], $0xffff  }
0x152: {  	v46 =	vand.u32 $0x7F, v44;
	v44 =	vshll.u32 v44, $0x3;
	v21 =	vadd.s32 v21, v22;
	v22 =	vld.idx.msk [tilespmem:v26+s1+$0x0], $0xffff  }
0x153: {  	s17 =	simm.s32 $0x201;
	v54 =	vor.u32 $0x180, v57;
	v25 =	vand.u32 $0x7F, v42;
	v44 =	vand.u32 $0xFFFFFC00, v44;
	v62 =	vld.idx.msk [tilespmem:v7+s1+$0x0], $0xffff  }
0x154: {  	v53 =	vor.u32 s17, v0;
	v0 =	vshll.u32 v42, $0x3;
	v21 =	vadd.s32 v29, v21;
	v29 =	vld.idx.msk [tilespmem:v30+s1+$0x0], $0xffff  }
0x155: {  	v60 =	vor.u32 $0x180, v2;
	v7 =	vld.idx.msk [tilespmem:v52+s1+$0x0], $0xffff;
	v52 =	vor.u32 $0x180, v3;
	v30 =	vand.u32 $0x7F, v41  }
0x156: {  	v51 =	vld.idx.msk [tilespmem:v51+s30+$0x0], $0xffff;
	v41 =	vshll.u32 v41, $0x3;
	v21 =	vadd.s32 v5, v21;
	v5 =	vor.u32 $0x380, v18  }
0x157: {  	s18 =	sand.u32 $0x7, s26;
	v28 =	vld.idx.msk [tilespmem:v28+s1+$0x0], $0xffff;
	v18 =	vadd.s32 v31, v21;
	v21 =	vand.u32 $0x7F, v40;
	v31 =	vand.u32 $0xFFFFFC00, v41  }
0x158: {  	s9 =	sshll.u32 s18, $0x4;
	v39 =	vld.idx.msk [tilespmem:v54+s1+$0x0], $0xffff;
	v8 =	vor.u32 v30, v31;
	v18 =	vadd.s32 v22, v18;
	v22 =	vor.u32 $0x180, v14  }
0x159: {  	s9 =	sadd.s32 s9, s25;
	v20 =	vld.idx.msk [tilespmem:v20+s1+$0x0], $0xffff;
	v31 =	vshll.u32 v40, $0x3;
	v18 =	vadd.s32 v29, v18;
	v29 =	vor.u32 $0x180, v10  }
0x15a: {  	s9 =	sor.u32 $0x380, s9;
	v19 =	vld.idx.msk [tilespmem:v19+s1+$0x0], $0xffff;
	v41 =	vshll.u32 v45, $0x3;
	v31 =	vand.u32 $0xFFFFFC00, v31;
	v24 =	vadd.s32 v38, v24  }
0x15b: {  	v30 =	vld [tilespmem:s9+$0x0];
	v38 =	vand.u32 $0x7F, v48;
	v54 =	vadd.s32 v62, v18;
	v62 =	vor.u32 $0x180, v1  }
0x15c: {  	v9 =	vor.u32 v21, v31;
	v21 =	vld.idx.msk [tilespmem:v5+s1+$0x0], $0xffff;
	v28 =	vadd.s32 v28, v54;
	v54 =	vor.u32 $0x180, v56  }
0x15d: {  	v31 =	vand.u32 $0x7F, v45;
	v45 =	vand.u32 $0x7F, v49;
	v24 =	vadd.s32 v39, v24;
	v22 =	vld.idx.msk [tilespmem:v22+s1+$0x0], $0xffff  }
0x15e: {  	v39 =	vand.u32 $0x7F, v50;
	v24 =	vadd.s32 v37, v24;
	v28 =	vadd.s32 v36, v28;
	v29 =	vld.idx.msk [tilespmem:v29+s1+$0x0], $0xffff  }
0x15f: {  	v42 =	vld.idx.msk [tilespmem:v60+s1+$0x0], $0xffff;
	v37 =	vand.u32 $0x7F, v51;
	v51 =	vshll.u32 v51, $0x3;
	v20 =	vadd.s32 v20, v28  }
0x160: {  	v51 =	vand.u32 $0xFFFFFC00, v51;
	v19 =	vadd.s32 v19, v20;
	v20 =	vor.u32 $0x180, v11;
	v60 =	vld.idx.msk [tilespmem:v62+s1+$0x0], $0xffff  }
0x161: {  	v36 =	vand.u32 $0x7F, v34;
	v34 =	vshll.u32 v34, $0x3;
	v19 =	vadd.s32 v21, v19;
	v21 =	vld.idx.msk [tilespmem:v54+s1+$0x0], $0xffff  }
0x162: {  	v28 =	vshll.u32 v48, $0x3;
	v22 =	vadd.s32 v22, v24;
	v24 =	vor.u32 $0x180, v4  }
0x163: {  	v48 =	vshll.u32 v49, $0x3;
	v49 =	vshll.u32 v50, $0x3;
	v22 =	vadd.s32 v29, v22  }
0x164: {  	v32 =	vmovc v11;
	v50 =	vld.idx.msk [tilespmem:v53+s30+$0x0], $0xffff;
	v34 =	vand.u32 $0xFFFFFC00, v34;
	v11 =	vor.u32 v37, v51;
	v22 =	vadd.s32 v42, v22  }
0x165: {  	v62 =	vand.u32 $0x7F, v43;
	v40 =	vadd.s32 v7, v19;
	v53 =	vld.idx.msk [tilespmem:v20+s1+$0x0], $0xffff;
	v19 =	vadd.s32 v60, v22  }
0x166: {  	v20 =	vshra.s32 v30, $0x10;
	v22 =	vld.idx.msk [tilespmem:v47+s30+$0x0], $0xffff;
	v21 =	vadd.s32 v21, v19;
	v19 =	vand.u32 $0xFFFF, v40  }
0x167: {  	v43 =	vshll.u32 v43, $0x3;
	v47 =	vcvt.s32.f32 v20;
	v24 =	vld.idx.msk [tilespmem:v24+s1+$0x0], $0xffff;
	v54 =	vcvt.s32.f32 v19  }
0x168: {  	v5 =	vmovc v1;
	v51 =	vand.u32 $0xFFFFFC00, v0;
	v13 =	vor.u32 v36, v34;
	v1 =	vand.u32 $0xFFFFFC00, v43  }
0x169: {  	v19 =	vor.u32 v62, v1;
	v43 =	vmul.f32 $1.953125000e-03, v47;
	v1 =	vmul.f32 $1.953125000e-03, v54  }
0x16a: {  	v7 =	vld.idx.msk [tilespmem:v52+s1+$0x0], $0xffff;
	v60 =	vand.u32 $0x7F, v50;
	v62 =	vshll.u32 v50, $0x3;
	v50 =	vor.u32 $0x180, v16  }
0x16b: {  	v21 =	vadd.s32 v53, v21;
	v43 =	vadd.f32 $-1.000000000e+00, v43;
	v47 =	vadd.f32 $-1.600000000e+01, v1  }
0x16c: {  	v35 =	vld.idx.msk [tilespmem:v35+s30+$0x0], $0xffff;
	v42 =	vand.u32 $0xFFFFFC00, v62;
	v21 =	vadd.s32 v24, v21;
	v24 =	vor.u32 $0x180, v55  }
0x16d: {  	v15 =	vor.u32 v60, v42;
	v43 =	vmul.f32 v47, v43;
	v47 =	vor.u32 $0x180, v6  }
0x16e: {  	v60 =	vor.u32 $0x180, v61;
	v54 =	vand.u32 $0x7F, v22;
	v22 =	vshll.u32 v22, $0x3;
	v34 =	vld.idx.msk [tilespmem:v19+s1+$0x0], $0xffff  }
0x16f: {  	v53 =	vand.u32 $0xFFFF, v30;
	v22 =	vand.u32 $0xFFFFFC00, v22;
	v21 =	vadd.s32 v7, v21;
	v7 =	vld [tilespmem:s8+$0x180]  }
0x170: {  	v30 =	vshra.s32 v40, $0x10;
	v0 =	vcvt.s32.f32 v53;
	v12 =	vor.u32 v54, v22;
	v1 =	vmovc v55;
	v55 =	vld.idx.msk [tilespmem:v50+s1+$0x0], $0xffff  }
0x171: {  	v59 =	vand.u32 $0x7F, v35;
	v35 =	vshll.u32 v35, $0x3;
	v30 =	vcvt.s32.f32 v30;
	v24 =	vld.idx.msk [tilespmem:v24+s1+$0x0], $0xffff  }
0x172: {  	v41 =	vand.u32 $0xFFFFFC00, v41;
	v48 =	vand.u32 $0xFFFFFC00, v48;
	v0 =	vmul.f32 $1.953125000e-03, v0;
	v54 =	vld.idx.msk [tilespmem:v47+s1+$0x0], $0xffff  }
0x173: {  	v29 =	vand.u32 $0x7F, v23;
	v62 =	vshll.u32 v23, $0x3;
	v30 =	vmul.f32 $1.953125000e-03, v30;
	v42 =	vld.idx.msk [tilespmem:v60+s1+$0x0], $0xffff  }
0x174: {  	s12 =	sadd.s32 $0x10, s11;
	s9 =	sadd.s32 $0x80, s7;
	v23 =	vor.u32 v46, v44;
	v17 =	vadd.f32 $-1.000000000e+00, v0;
	v60 =	vand.u32 $0xFFFFFC00, v62;
	v36 =	vld.idx.msk [tilespmem:v15+s1+$0x0], $0xffff  }
0x175: {  	s11 =	sand.u32 $0x70, s12;
	s19 =	sand.u32 $0xFC00, s9;
	v0 =	vadd.f32 $-1.600000000e+01, v30;
	v20 =	vmovc v12;
	v18 =	vor.u32 v29, v60;
	v40 =	vld.idx.msk [tilespmem:v12+s1+$0x0], $0xffff;
	v12 =	vor.u32 v45, v48  }
0x176: {  	s11 =	sor.u32 s11, s19;
	v47 =	vand.u32 $0xFFFFFC00, v28;
	v28 =	vand.u32 $0xFFFFFC00, v49;
	v24 =	vadd.s32 v24, v21  }
0x177: {  	v44 =	vld [tilespmem:s11+$0x0];
	v30 =	vand.u32 $0xFFFF, v7;
	v37 =	vshra.s32 v7, $0x10;
	v29 =	vadd.s32 v54, v24  }
0x178: {  	v26 =	vmovc v11;
	v46 =	vld.idx.msk [tilespmem:v11+s1+$0x0], $0xffff;
	v30 =	vcvt.s32.f32 v30;
	v11 =	vor.u32 v39, v28;
	v29 =	vadd.s32 v55, v29  }
0x179: {  	v48 =	vld.idx.msk [tilespmem:v13+s1+$0x0], $0xffff;
	v37 =	vcvt.s32.f32 v37;
	v34 =	vadd.s32 v34, v36;
	v29 =	vadd.s32 v42, v29  }
0x17a: {  	v49 =	vld.idx.msk [tilespmem:v18+s1+$0x0], $0xffff;
	v54 =	vmul.f32 $1.953125000e-03, v30;
	v55 =	vmovc v15;
	v15 =	vor.u32 v31, v41;
	v42 =	vand.u32 $0xFFFF, v29  }
0x17b: {  	v45 =	vld.idx.msk [tilespmem:v9+s1+$0x0], $0xffff;
	v24 =	vmovc v13;
	v13 =	vor.u32 v38, v47;
	v29 =	vshra.s32 v29, $0x10;
	v62 =	vcvt.s32.f32 v42  }
0x17c: {  	v35 =	vand.u32 $0xFFFFFC00, v35;
	v34 =	vadd.s32 v40, v34;
	v7 =	vcvt.s32.f32 v29;
	v42 =	vld.idx.msk [tilespmem:v23+s1+$0x0], $0xffff  }
0x17d: {  	v37 =	vmul.f32 $1.953125000e-03, v37;
	v34 =	vadd.s32 v46, v34;
	v40 =	vld.idx.msk [tilespmem:v11+s1+$0x0], $0xffff;
	v60 =	vmul.f32 $1.953125000e-03, v62  }
0x17e: {  	v62 =	vmul.f32 $1.953125000e-03, v7;
	v7 =	vadd.f32 $-1.000000000e+00, v54;
	v54 =	vmovc v11;
	v11 =	vor.u32 v59, v35;
	v35 =	vld.idx.msk [tilespmem:v12+s1+$0x0], $0xffff  }
0x17f: {  	v37 =	vadd.f32 $-1.000000000e+00, v37;
	v34 =	vadd.s32 v49, v34;
	v50 =	vld.idx.msk [tilespmem:v15+s1+$0x0], $0xffff  }
0x180: {  	v49 =	vadd.s32 v48, v34;
	v41 =	vld.idx.msk [tilespmem:v13+s1+$0x0], $0xffff;
	[tilespmem:$0x1FF90] =	vst v58;
	v38 =	vadd.f32 $-1.600000000e+01, v60;
	v39 =	vadd.f32 $-1.600000000e+01, v62  }
0x181: {  	v47 =	vmul.f32 v0, v17;
	v0 =	vor.u32 v27, v33;
	v33 =	vadd.s32 v42, v49;
	v42 =	vld.idx.msk [tilespmem:v8+s1+$0x0], $0xffff  }
0x182: {  	v21 =	vmov v8;
	v8 =	vld [tilespmem:$0x1FFA0];
	v37 =	vmul.f32 v38, v37;
	v46 =	vmul.f32 v39, v7  }
0x183: {  	v53 =	vmov v9;
	v9 =	vor.u32 v25, v51  }
0x184: {  	v37 =	vsub.f32 v37, v46;
	_ =	sdelay $0x1  }
0x185: {  	v51 =	vor.u32 $0x200, v58;
	v37 =	vmul.f32 $1.250000000e-01, v37  }
0x186: {  	v39 =	vsub.f32 v43, v47;
	v33 =	vadd.s32 v45, v33;
	v36 =	vld.idx.msk [tilespmem:v11+s1+$0x0], $0xffff;
	[tilespmem:$0x1FFB0] =	vst v57;
	v43 =	vor.u32 $0x200, v8  }
0x187: {  	v45 =	vor.u32 $0x200, v57;
	v33 =	vadd.s32 v40, v33;
	v40 =	vld.idx.msk [tilespmem:v9+s1+$0x0], $0xffff;
	[tilespmem:s6+$0x19A00] =	vst v37  }
0x188: {  	v52 =	vmovc v18;
	v18 =	vmov v0;
	v33 =	vadd.s32 v35, v33;
	v35 =	vld.idx.msk [tilespmem:v0+s1+$0x0], $0xffff;
	v0 =	vor.u32 $0x200, v63;
	[tilespmem:$0x1FFC0] =	vst v63  }
0x189: {  	v58 =	vshra.s32 v44, $0x10;
	v49 =	vor.u32 $0x200, v10;
	v33 =	vadd.s32 v41, v33;
	[tilespmem:$0x1FFD0] =	vst v14  }
0x18a: {  	v7 =	vor.u32 $0x200, v14;
	v47 =	vcvt.s32.f32 v58;
	v33 =	vadd.s32 v50, v33;
	v38 =	vld.idx.msk [tilespmem:v51+s1+$0x0], $0xffff;
	[tilespmem:$0x1FFE0] =	vst v10  }
0x18b: {  	v57 =	vand.u32 $0xFFFF, v44;
	v44 =	vor.u32 $0x200, v61;
	v34 =	vadd.s32 v42, v33;
	v43 =	vld.idx.msk [tilespmem:v43+s1+$0x0], $0xffff  }
0x18c: {  	v39 =	vmul.f32 $1.250000000e-01, v39;
	v34 =	vadd.s32 v36, v34;
	v51 =	vor.u32 $0x200, v5;
	v45 =	vld.idx.msk [tilespmem:v45+s1+$0x0], $0xffff  }
0x18d: {  	v25 =	vmovc v9;
	v30 =	vmovc v1;
	v48 =	vcvt.s32.f32 v57;
	v34 =	vadd.s32 v40, v34;
	v40 =	vld.idx.msk [tilespmem:v0+s1+$0x0], $0xffff;
	v0 =	vor.u32 $0x200, v32  }
0x18e: {  	v59 =	vmovc v15;
	v29 =	vmovc v16;
	v46 =	vor.u32 $0x200, v16;
	v41 =	vor.u32 $0x200, v1;
	v50 =	vor.u32 $0x200, v2;
	v33 =	vld [tilespmem:s8+$0x200]  }
0x18f: {  	v27 =	vmovc v11;
	v48 =	vmul.f32 $1.953125000e-03, v48;
	v63 =	vmovc v2;
	v2 =	vor.u32 $0x200, v56;
	v35 =	vadd.s32 v35, v34;
	v34 =	vld.idx.msk [tilespmem:v7+s1+$0x0], $0xffff  }
0x190: {  	v60 =	vmovc v12;
	v62 =	vmovc v13;
	v36 =	vld.idx.msk [tilespmem:v49+s1+$0x0], $0xffff;
	v7 =	vadd.s32 v38, v43;
	v43 =	vand.u32 $0xFFFF, v35;
	v35 =	vshra.s32 v35, $0x10  }
0x191: {  	v58 =	vmovc v32;
	v13 =	vmovc v3;
	v42 =	vor.u32 $0x200, v6;
	v37 =	vld.idx.msk [tilespmem:v51+s1+$0x0], $0xffff;
	v38 =	vcvt.s32.f32 v43;
	v1 =	vcvt.s32.f32 v35  }
0x192: {  	v32 =	vmovc v4;
	[tilespmem:s29+$0x1AE00] =	vst v39;
	v39 =	vld.idx.msk [tilespmem:v0+s1+$0x0], $0xffff;
	v45 =	vadd.s32 v45, v7;
	v43 =	vor.u32 $0x200, v4;
	v4 =	vmul.f32 $1.953125000e-03, v47  }
0x193: {  	v11 =	vmovc v61;
	v61 =	vmovc v56;
	v35 =	vld.idx.msk [tilespmem:v50+s1+$0x0], $0xffff;
	v47 =	vor.u32 $0x200, v3;
	v40 =	vadd.s32 v40, v45;
	v45 =	vadd.f32 $-1.000000000e+00, v48  }
0x194: {  	s13 =	simm.s32 $0x40;
	s14 =	simm.s32 $0x30F;
	v57 =	vmovc v5;
	v56 =	vmovc v6;
	s29 =	smov.u32 s26;
	v49 =	vmul.f32 $1.953125000e-03, v38;
	v38 =	vld.idx.msk [tilespmem:v2+s1+$0x0], $0xffff;
	v50 =	vmul.f32 $1.953125000e-03, v1;
	v48 =	vadd.f32 $-1.000000000e+00, v4  }
.LBB2_2:
0x195: {  	v0 =	vld [tilespmem:$0x1FFF0];
	_ =	sdelay $0x2  }
0x196: {  	v7 =	vld.idx.msk [tilespmem:v43+s1+$0x0], $0xffff;
	v49 =	vadd.f32 $-1.600000000e+01, v49  }
0x197: {  	v2 =	vld.idx.msk [tilespmem:v47+s1+$0x0], $0xffff;
	v43 =	vor.u32 $0x80, v21;
	v50 =	vadd.f32 $-1.600000000e+01, v50;
	v34 =	vadd.s32 v34, v40  }
0x198: {  	s15 =	sadd.s32 $0xFFFFFFFF, s14;
	v42 =	vld.idx.msk [tilespmem:v42+s1+$0x0], $0xffff;
	v49 =	vmul.f32 v49, v48;
	v51 =	vor.u32 s14, v0;
	v34 =	vadd.s32 v36, v34  }
0x199: {  	s17 =	sadd.s32 $0xFFFFFFFE, s14;
	v8 =	vmovc v21;
	[tilespmem:$0x1FEE0] =	vst v21;
	v21 =	vld [tilespmem:$0x1FFE0];
	v45 =	vmul.f32 v50, v45;
	v1 =	vor.u32 s15, v0;
	v34 =	vadd.s32 v35, v34  }
0x19a: {  	v50 =	vld.idx.msk [tilespmem:v41+s1+$0x0], $0xffff;
	v3 =	vor.u32 s17, v0;
	v34 =	vadd.s32 v37, v34  }
0x19b: {  	v4 =	vsub.f32 v49, v45;
	v45 =	vld.idx.msk [tilespmem:v46+s1+$0x0], $0xffff;
	v34 =	vadd.s32 v38, v34  }
0x19c: {  	v38 =	vadd.s32 v39, v34;
	v39 =	vld.idx.msk [tilespmem:v44+s1+$0x0], $0xffff  }
0x19d: {  	v34 =	vld.idx.msk [tilespmem:v51+s30+$0x0], $0xffff  }
0x19e: {  	v5 =	vor.u32 $0x80, v19;
	v17 =	vmovc v55;
	v47 =	vor.u32 $0x80, v55;
	v55 =	vadd.s32 v7, v38;
	v38 =	vld.idx.msk [tilespmem:v1+s30+$0x0], $0xffff  }
0x19f: {  	s13 =	sadd.s32 $0x40, s13;
	[tilespmem:$0x1FE70] =	vst v52;
	v51 =	vmul.f32 $1.250000000e-01, v4;
	v37 =	vld.idx.msk [tilespmem:v3+s30+$0x0], $0xffff  }
0x1a0: {  	v16 =	vmovc v52;
	v12 =	vmovc v18;
	[tilespmem:$0x1FF10] =	vst v18;
	s15 =	sshra.s32 s13, $0x2;
	v44 =	vor.u32 $0x80, v53;
	v3 =	vor.u32 $0x80, v52;
	v52 =	vor.u32 $0x80, v18;
	v18 =	vld [tilespmem:$0x1FFB0]  }
0x1a1: {  	v22 =	vmovc v26;
	v26 =	vmov v20;
	v1 =	vor.u32 $0x80, v20;
	v20 =	vld [tilespmem:$0x1FFD0];
	v36 =	vadd.s32 v2, v55;
	[tilespmem:s15+$0x18B00] =	vst v51  }
0x1a2: {  	v2 =	vor.u32 $0x80, v22;
	v35 =	vadd.s32 v50, v36;
	v49 =	vld [tilespmem:s11+$0x80]  }
0x1a3: {  	v35 =	vadd.s32 v42, v35;
	v42 =	vld.idx.msk [tilespmem:v5+s1+$0x0], $0xffff  }
0x1a4: {  	v15 =	vmovc v53;
	[tilespmem:$0x1FE90] =	vst v53;
	v6 =	vand.u32 $0xFFFF, v33;
	v53 =	vshra.s32 v33, $0x10;
	v5 =	vor.u32 $0x80, v24;
	v47 =	vld.idx.msk [tilespmem:v47+s1+$0x0], $0xffff  }
0x1a5: {  	v4 =	vor.u32 $0x80, v23;
	v7 =	vcvt.s32.f32 v6;
	v35 =	vadd.s32 v45, v35;
	v44 =	vld.idx.msk [tilespmem:v44+s1+$0x0], $0xffff  }
0x1a6: {  	v33 =	vcvt.s32.f32 v53;
	v35 =	vadd.s32 v39, v35;
	v40 =	vld.idx.msk [tilespmem:v1+s1+$0x0], $0xffff;
	v1 =	vor.u32 $0x80, v54  }
0x1a7: {  	v6 =	vor.u32 $0x80, v27;
	v55 =	vand.u32 $0xFFFF, v35;
	v35 =	vshra.s32 v35, $0x10;
	v41 =	vld.idx.msk [tilespmem:v2+s1+$0x0], $0xffff  }
0x1a8: {  	v36 =	vld.idx.msk [tilespmem:v3+s1+$0x0], $0xffff;
	v2 =	vor.u32 $0x80, v60;
	v45 =	vcvt.s32.f32 v55;
	v35 =	vcvt.s32.f32 v35  }
0x1a9: {  	v33 =	vmul.f32 $1.953125000e-03, v33;
	v39 =	vmul.f32 $1.953125000e-03, v7;
	v3 =	vor.u32 $0x80, v62;
	v46 =	vld.idx.msk [tilespmem:v5+s1+$0x0], $0xffff  }
0x1aa: {  	v48 =	vld.idx.msk [tilespmem:v4+s1+$0x0], $0xffff;
	v42 =	vadd.s32 v42, v47;
	v45 =	vmul.f32 $1.953125000e-03, v45;
	v35 =	vmul.f32 $1.953125000e-03, v35  }
0x1ab: {  	v33 =	vadd.f32 $-1.000000000e+00, v33;
	v39 =	vadd.f32 $-1.000000000e+00, v39;
	v40 =	vadd.s32 v40, v42;
	v5 =	vld.idx.msk [tilespmem:v1+s1+$0x0], $0xffff  }
0x1ac: {  	v1 =	vld [tilespmem:$0x1FF90];
	v45 =	vadd.f32 $-1.600000000e+01, v45;
	v35 =	vadd.f32 $-1.600000000e+01, v35;
	v40 =	vadd.s32 v41, v40  }
0x1ad: {  	v4 =	vor.u32 $0x80, v59;
	v41 =	vld.idx.msk [tilespmem:v2+s1+$0x0], $0xffff;
	v36 =	vadd.s32 v36, v40  }
0x1ae: {  	v2 =	vld [tilespmem:$0x1FFA0];
	v33 =	vmul.f32 v45, v33;
	v35 =	vmul.f32 v35, v39;
	v36 =	vadd.s32 v46, v36  }
0x1af: {  	v9 =	vmov v54;
	[tilespmem:$0x1FEA0] =	vst v54;
	v7 =	vor.u32 $0x80, v25;
	v39 =	vld.idx.msk [tilespmem:v3+s1+$0x0], $0xffff;
	v54 =	vadd.s32 v48, v36  }
0x1b0: {  	v33 =	vsub.f32 v33, v35;
	v35 =	vadd.s32 v44, v54;
	v44 =	vld.idx.msk [tilespmem:v6+s1+$0x0], $0xffff  }
0x1b1: {  	v48 =	vor.u32 $0x280, v11;
	v6 =	vmov v11;
	v11 =	vld [tilespmem:$0x1FFC0]  }
0x1b2: {  	v45 =	vld.idx.msk [tilespmem:v4+s1+$0x0], $0xffff;
	v55 =	vor.u32 $0x280, v1  }
0x1b3: {  	v36 =	vld.idx.msk [tilespmem:v43+s1+$0x0], $0xffff;
	v46 =	vor.u32 $0x280, v2;
	v35 =	vadd.s32 v5, v35;
	v33 =	vmul.f32 $1.250000000e-01, v33  }
0x1b4: {  	v47 =	vor.u32 $0x280, v18;
	v42 =	vld.idx.msk [tilespmem:v7+s1+$0x0], $0xffff;
	v35 =	vadd.s32 v41, v35  }
0x1b5: {  	v40 =	vld.idx.msk [tilespmem:v52+s1+$0x0], $0xffff;
	v35 =	vadd.s32 v39, v35;
	v39 =	vor.u32 $0x280, v20;
	[tilespmem:s6+$0x19F00] =	vst v33  }
0x1b6: {  	v53 =	vor.u32 $0x280, v32;
	v50 =	vor.u32 $0x280, v56;
	v33 =	vor.u32 $0x280, v11;
	v51 =	vld [tilespmem:s8+$0x280]  }
0x1b7: {  	v10 =	vmovc v25;
	v54 =	vor.u32 $0x280, v58;
	v35 =	vadd.s32 v45, v35;
	v45 =	vor.u32 $0x280, v21;
	v43 =	vld.idx.msk [tilespmem:v55+s1+$0x0], $0xffff  }
0x1b8: {  	[tilespmem:$0x1FF00] =	vst v25;
	v25 =	vmovc v58;
	v58 =	vand.u32 $0xFFFF, v49;
	v35 =	vadd.s32 v36, v35;
	v55 =	vor.u32 $0x280, v61;
	v36 =	vld.idx.msk [tilespmem:v46+s1+$0x0], $0xffff  }
0x1b9: {  	v3 =	vcvt.s32.f32 v58;
	v46 =	vor.u32 $0x280, v63;
	v35 =	vadd.s32 v44, v35;
	v44 =	vld.idx.msk [tilespmem:v47+s1+$0x0], $0xffff  }
0x1ba: {  	v28 =	vmovc v19;
	v19 =	vmovc v61;
	v41 =	vor.u32 $0x280, v29;
	v47 =	vor.u32 $0x280, v57;
	v35 =	vadd.s32 v42, v35;
	v39 =	vld.idx.msk [tilespmem:v39+s1+$0x0], $0xffff  }
0x1bb: {  	v7 =	vmovc v29;
	v29 =	vmovc v57;
	v61 =	vor.u32 $0x280, v13;
	v57 =	vshra.s32 v49, $0x10;
	v35 =	vadd.s32 v40, v35;
	v33 =	vld.idx.msk [tilespmem:v33+s1+$0x0], $0xffff  }
0x1bc: {  	v42 =	vcvt.s32.f32 v57;
	v58 =	vand.u32 $0xFFFF, v35;
	v35 =	vshra.s32 v35, $0x10;
	v45 =	vld.idx.msk [tilespmem:v45+s1+$0x0], $0xffff  }
0x1bd: {  	v52 =	vor.u32 $0x280, v30;
	v49 =	vcvt.s32.f32 v58;
	v35 =	vcvt.s32.f32 v35;
	v58 =	vld.idx.msk [tilespmem:v55+s1+$0x0], $0xffff  }
0x1be: {  	v40 =	vmul.f32 $1.953125000e-03, v3;
	v42 =	vmul.f32 $1.953125000e-03, v42;
	v46 =	vld.idx.msk [tilespmem:v46+s1+$0x0], $0xffff;
	v36 =	vadd.s32 v43, v36  }
0x1bf: {  	v43 =	vld.idx.msk [tilespmem:v47+s1+$0x0], $0xffff;
	v57 =	vmul.f32 $1.953125000e-03, v49;
	v35 =	vmul.f32 $1.953125000e-03, v35;
	v36 =	vadd.s32 v44, v36  }
0x1c0: {  	v40 =	vadd.f32 $-1.000000000e+00, v40;
	v61 =	vld.idx.msk [tilespmem:v61+s1+$0x0], $0xffff;
	v42 =	vadd.f32 $-1.000000000e+00, v42;
	v33 =	vadd.s32 v33, v36  }
0x1c1: {  	s18 =	sadd.s32 $0xFFFFFFFB, s14;
	s17 =	sadd.s32 $0xFFFFFFFD, s14;
	v47 =	vadd.f32 $-1.600000000e+01, v57;
	v35 =	vadd.f32 $-1.600000000e+01, v35;
	v36 =	vld.idx.msk [tilespmem:v54+s1+$0x0], $0xffff;
	v33 =	vadd.s32 v39, v33  }
0x1c2: {  	v5 =	vmovc v56;
	v56 =	vor.u32 s18, v0;
	v3 =	vor.u32 s17, v0;
	v39 =	vld.idx.msk [tilespmem:v53+s1+$0x0], $0xffff;
	v33 =	vadd.s32 v45, v33  }
0x1c3: {  	s16 =	sadd.s32 $0xFFFFFFFC, s14;
	v44 =	vld.idx.msk [tilespmem:v41+s1+$0x0], $0xffff;
	v42 =	vmul.f32 v47, v42;
	v35 =	vmul.f32 v35, v40;
	v33 =	vadd.s32 v46, v33  }
0x1c4: {  	v49 =	vor.u32 s16, v0;
	v40 =	vld.idx.msk [tilespmem:v52+s1+$0x0], $0xffff;
	v33 =	vadd.s32 v43, v33  }
0x1c5: {  	v57 =	vld.idx.msk [tilespmem:v50+s1+$0x0], $0xffff;
	v35 =	vsub.f32 v42, v35;
	v33 =	vadd.s32 v58, v33  }
0x1c6: {  	v50 =	vor.u32 $0x100, v17;
	v33 =	vadd.s32 v36, v33;
	v36 =	vld.idx.msk [tilespmem:v48+s1+$0x0], $0xffff  }
0x1c7: {  	v35 =	vmul.f32 $1.250000000e-01, v35;
	v48 =	vld.idx.msk [tilespmem:v3+s30+$0x0], $0xffff;
	v3 =	vor.u32 $0x100, v10;
	v33 =	vadd.s32 v39, v33  }
0x1c8: {  	v41 =	vld.idx.msk [tilespmem:v56+s30+$0x0], $0xffff;
	v58 =	vor.u32 $0x100, v12;
	v33 =	vadd.s32 v61, v33  }
0x1c9: {  	v53 =	vand.u32 $0xFFFF, v51;
	v39 =	vld.idx.msk [tilespmem:v49+s30+$0x0], $0xffff;
	v49 =	vor.u32 $0x100, v27;
	[tilespmem:s15+$0x19000] =	vst v35;
	v33 =	vadd.s32 v40, v33  }
0x1ca: {  	v54 =	vcvt.s32.f32 v53;
	v35 =	vor.u32 $0x100, v59;
	v55 =	vld [tilespmem:s11+$0x100];
	v33 =	vadd.s32 v57, v33  }
0x1cb: {  	v46 =	vor.u32 $0x100, v62;
	v12 =	vmovc v2;
	v61 =	vor.u32 $0x100, v8;
	v2 =	vld.idx.msk [tilespmem:v50+s1+$0x0], $0xffff;
	v33 =	vadd.s32 v44, v33  }
0x1cc: {  	v42 =	vmovc v6;
	v6 =	vor.u32 $0x100, v16;
	v57 =	vld.idx.msk [tilespmem:v3+s1+$0x0], $0xffff;
	v3 =	vshra.s32 v51, $0x10;
	v33 =	vadd.s32 v36, v33  }
0x1cd: {  	v56 =	vld.idx.msk [tilespmem:v58+s1+$0x0], $0xffff;
	v44 =	vcvt.s32.f32 v3;
	v52 =	vand.u32 $0xFFFF, v33;
	v33 =	vshra.s32 v33, $0x10  }
0x1ce: {  	v40 =	vor.u32 $0x100, v60;
	v58 =	vld.idx.msk [tilespmem:v49+s1+$0x0], $0xffff;
	v53 =	vcvt.s32.f32 v52;
	v33 =	vcvt.s32.f32 v33  }
0x1cf: {  	[tilespmem:$0x1FEB0] =	vst v60;
	v47 =	vor.u32 $0x100, v28;
	v54 =	vmul.f32 $1.953125000e-03, v54;
	v60 =	vld.idx.msk [tilespmem:v35+s1+$0x0], $0xffff;
	v3 =	vmul.f32 $1.953125000e-03, v44  }
0x1d0: {  	[tilespmem:$0x1FED0] =	vst v59;
	v31 =	vmovc v30;
	v49 =	vor.u32 $0x100, v26;
	v59 =	vld.idx.msk [tilespmem:v61+s1+$0x0], $0xffff;
	v45 =	vmul.f32 $1.953125000e-03, v53;
	v33 =	vmul.f32 $1.953125000e-03, v33  }
0x1d1: {  	v14 =	vmovc v23;
	v30 =	vmovc v13;
	v35 =	vadd.f32 $-1.000000000e+00, v54;
	v61 =	vld.idx.msk [tilespmem:v46+s1+$0x0], $0xffff;
	v44 =	vor.u32 $0x100, v22;
	v36 =	vadd.f32 $-1.000000000e+00, v3  }
0x1d2: {  	v4 =	vmovc v32;
	v51 =	vmovc v7;
	v7 =	vor.u32 $0x100, v24;
	v46 =	vld.idx.msk [tilespmem:v6+s1+$0x0], $0xffff;
	v45 =	vadd.f32 $-1.600000000e+01, v45;
	v33 =	vadd.f32 $-1.600000000e+01, v33  }
0x1d3: {  	[tilespmem:$0x1FEC0] =	vst v62;
	v32 =	vmovc v5;
	v5 =	vor.u32 $0x300, v18;
	v13 =	vmovc v1;
	v1 =	vor.u32 $0x300, v1;
	v62 =	vld.idx.msk [tilespmem:v40+s1+$0x0], $0xffff;
	v3 =	vor.u32 $0x100, v14  }
0x1d4: {  	s19 =	sadd.s32 $0xFFFFFFFA, s14;
	s17 =	sadd.s32 $0xFFFFFFF9, s14;
	v40 =	vld.idx.msk [tilespmem:v47+s1+$0x0], $0xffff;
	v14 =	vor.u32 $0x100, v15;
	v36 =	vmul.f32 v45, v36;
	v33 =	vmul.f32 v33, v35  }
0x1d5: {  	[tilespmem:$0x1FE80] =	vst v23;
	v23 =	vor.u32 s17, v0;
	s17 =	sadd.s32 $0xFFFFFFF6, s14;
	v43 =	vor.u32 s19, v0;
	v10 =	vld.idx.msk [tilespmem:v49+s1+$0x0], $0xffff;
	v35 =	vor.u32 $0x100, v9  }
0x1d6: {  	[tilespmem:$0x1FEF0] =	vst v27;
	s18 =	sadd.s32 $0xFFFFFFF7, s14;
	s16 =	sadd.s32 $0xFFFFFFF5, s14;
	s19 =	sadd.s32 $0xFFFFFFF8, s14;
	v27 =	vmovc v4;
	v4 =	vor.u32 $0x300, v12;
	v54 =	vor.u32 s17, v0;
	v45 =	vld.idx.msk [tilespmem:v44+s1+$0x0], $0xffff;
	v36 =	vsub.f32 v36, v33  }
0x1d7: {  	v16 =	vmovc v63;
	v47 =	vor.u32 s18, v0;
	v52 =	vor.u32 s19, v0;
	s19 =	sadd.s32 $0xFFFFFFF4, s14;
	v15 =	vor.u32 s16, v0;
	v63 =	vld.idx.msk [tilespmem:v7+s1+$0x0], $0xffff  }
0x1d8: {  	s17 =	sadd.s32 $0xFFFFFFF2, s14;
	v53 =	vor.u32 s19, v0;
	v7 =	vand.u32 $0x7F, v38;
	v3 =	vld.idx.msk [tilespmem:v3+s1+$0x0], $0xffff;
	v36 =	vmul.f32 $1.250000000e-01, v36  }
0x1d9: {  	[tilespmem:$0x1FF60] =	vst v7;
	v7 =	vor.u32 $0x300, v20;
	v2 =	vadd.s32 v40, v2;
	v44 =	vor.u32 s17, v0;
	v14 =	vld.idx.msk [tilespmem:v14+s1+$0x0], $0xffff  }
0x1da: {  	v9 =	vor.u32 $0x300, v21;
	v2 =	vadd.s32 v10, v2;
	v10 =	vld.idx.msk [tilespmem:v35+s1+$0x0], $0xffff;
	v35 =	vor.u32 $0x300, v11;
	[tilespmem:s6+$0x1A400] =	vst v36  }
0x1db: {  	v33 =	vand.u32 $0x7F, v34;
	v34 =	vshll.u32 v34, $0x3;
	v2 =	vadd.s32 v45, v2;
	v8 =	vld [tilespmem:s8+$0x300]  }
0x1dc: {  	[tilespmem:$0x1FF70] =	vst v33;
	v34 =	vand.u32 $0xFFFFFC00, v34;
	v33 =	vand.u32 $0x7F, v37;
	v2 =	vadd.s32 v46, v2;
	v1 =	vld.idx.msk [tilespmem:v1+s1+$0x0], $0xffff  }
0x1dd: {  	v45 =	vshll.u32 v38, $0x3;
	v38 =	vor.u32 $0x300, v16;
	v2 =	vadd.s32 v63, v2;
	v4 =	vld.idx.msk [tilespmem:v4+s1+$0x0], $0xffff  }
0x1de: {  	[tilespmem:$0x1FF80] =	vst v34;
	v34 =	vand.u32 $0x7F, v39;
	v2 =	vadd.s32 v3, v2;
	v3 =	vld.idx.msk [tilespmem:v5+s1+$0x0], $0xffff;
	v5 =	vor.u32 $0x300, v29  }
0x1df: {  	[tilespmem:$0x1FF40] =	vst v34;
	v34 =	vand.u32 $0xFFFF, v55;
	v2 =	vadd.s32 v14, v2;
	v14 =	vor.u32 $0x300, v19;
	v6 =	vld.idx.msk [tilespmem:v35+s1+$0x0], $0xffff  }
0x1e0: {  	v55 =	vshra.s32 v55, $0x10;
	v7 =	vld.idx.msk [tilespmem:v7+s1+$0x0], $0xffff;
	v2 =	vadd.s32 v10, v2;
	v10 =	vor.u32 $0x300, v25  }
0x1e1: {  	v46 =	vshll.u32 v37, $0x3;
	v9 =	vld.idx.msk [tilespmem:v9+s1+$0x0], $0xffff;
	v2 =	vadd.s32 v62, v2;
	v62 =	vor.u32 $0x300, v27  }
0x1e2: {  	v36 =	vor.u32 $0x300, v30;
	v37 =	vor.u32 $0x300, v31;
	v38 =	vld.idx.msk [tilespmem:v38+s1+$0x0], $0xffff;
	v1 =	vadd.s32 v1, v4  }
0x1e3: {  	v55 =	vcvt.s32.f32 v55;
	v2 =	vadd.s32 v61, v2;
	v4 =	vld.idx.msk [tilespmem:v5+s1+$0x0], $0xffff;
	v1 =	vadd.s32 v3, v1  }
0x1e4: {  	v2 =	vadd.s32 v60, v2;
	v3 =	vld.idx.msk [tilespmem:v14+s1+$0x0], $0xffff;
	v14 =	vor.u32 $0x300, v32;
	v1 =	vadd.s32 v6, v1  }
0x1e5: {  	[tilespmem:$0x1FF50] =	vst v33;
	v2 =	vadd.s32 v59, v2;
	v33 =	vld.idx.msk [tilespmem:v10+s1+$0x0], $0xffff;
	v10 =	vor.u32 $0x300, v51;
	v1 =	vadd.s32 v7, v1  }
0x1e6: {  	v63 =	vor.u32 $0x300, v42;
	v60 =	vmovc v51;
	v2 =	vadd.s32 v58, v2;
	v51 =	vld.idx.msk [tilespmem:v62+s1+$0x0], $0xffff;
	v1 =	vadd.s32 v9, v1  }
0x1e7: {  	v61 =	vmul.f32 $1.953125000e-03, v55;
	v2 =	vadd.s32 v57, v2;
	v9 =	vld.idx.msk [tilespmem:v36+s1+$0x0], $0xffff;
	v1 =	vadd.s32 v38, v1  }
0x1e8: {  	v5 =	vld.idx.msk [tilespmem:v37+s1+$0x0], $0xffff;
	v37 =	vshra.s32 v8, $0x10;
	v2 =	vadd.s32 v56, v2;
	v1 =	vadd.s32 v4, v1  }
0x1e9: {  	v36 =	vand.u32 $0xFFFF, v8;
	v56 =	vand.u32 $0xFFFF, v2;
	v58 =	vld.idx.msk [tilespmem:v14+s1+$0x0], $0xffff;
	v1 =	vadd.s32 v3, v1  }
0x1ea: {  	v2 =	vshra.s32 v2, $0x10;
	v56 =	vcvt.s32.f32 v56;
	v59 =	vld.idx.msk [tilespmem:v10+s1+$0x0], $0xffff;
	v1 =	vadd.s32 v33, v1  }
0x1eb: {  	v62 =	vld.idx.msk [tilespmem:v63+s1+$0x0], $0xffff;
	v2 =	vcvt.s32.f32 v2;
	v14 =	vcvt.s32.f32 v34;
	v1 =	vadd.s32 v51, v1  }
0x1ec: {  	v4 =	vcvt.s32.f32 v37;
	v3 =	vcvt.s32.f32 v36;
	v1 =	vadd.s32 v9, v1  }
0x1ed: {  	v10 =	vmul.f32 $1.953125000e-03, v56;
	v2 =	vmul.f32 $1.953125000e-03, v2;
	v1 =	vadd.s32 v5, v1  }
0x1ee: {  	v14 =	vmul.f32 $1.953125000e-03, v14;
	v4 =	vmul.f32 $1.953125000e-03, v4;
	v1 =	vadd.s32 v58, v1  }
0x1ef: {  	v3 =	vmul.f32 $1.953125000e-03, v3;
	v63 =	vadd.f32 $-1.600000000e+01, v10;
	v1 =	vadd.s32 v59, v1  }
0x1f0: {  	v38 =	vld.idx.msk [tilespmem:v23+s30+$0x0], $0xffff;
	v10 =	vadd.f32 $-1.000000000e+00, v61;
	v2 =	vadd.f32 $-1.600000000e+01, v2;
	v1 =	vadd.s32 v62, v1  }
0x1f1: {  	s18 =	sadd.s32 $0xFFFFFFF3, s14;
	v51 =	vld.idx.msk [tilespmem:v53+s30+$0x0], $0xffff;
	v14 =	vadd.f32 $-1.000000000e+00, v14;
	v57 =	vand.u32 $0xFFFF, v1;
	v1 =	vshra.s32 v1, $0x10  }
0x1f2: {  	v50 =	vor.u32 s18, v0;
	s16 =	sadd.s32 $0xFFFFFFF1, s14;
	v9 =	vld.idx.msk [tilespmem:v43+s30+$0x0], $0xffff;
	v7 =	vcvt.s32.f32 v57;
	v1 =	vcvt.s32.f32 v1  }
0x1f3: {  	v49 =	vor.u32 s16, v0;
	v43 =	vld.idx.msk [tilespmem:v15+s30+$0x0], $0xffff;
	v34 =	vmul.f32 v63, v10;
	v2 =	vmul.f32 v2, v14  }
0x1f4: {  	v4 =	vadd.f32 $-1.000000000e+00, v4;
	v10 =	vld.idx.msk [tilespmem:v52+s30+$0x0], $0xffff;
	v59 =	vmul.f32 $1.953125000e-03, v7;
	v1 =	vmul.f32 $1.953125000e-03, v1  }
0x1f5: {  	v61 =	vor.u32 $0x180, v22;
	v3 =	vadd.f32 $-1.000000000e+00, v3;
	v14 =	vld.idx.msk [tilespmem:v47+s30+$0x0], $0xffff;
	v2 =	vsub.f32 v34, v2  }
0x1f6: {  	v62 =	vor.u32 $0x180, v26;
	v57 =	vld.idx.msk [tilespmem:v44+s30+$0x0], $0xffff;
	v5 =	vadd.f32 $-1.600000000e+01, v59;
	v1 =	vadd.f32 $-1.600000000e+01, v1  }
0x1f7: {  	v33 =	vand.u32 $0x7F, v41;
	v63 =	vor.u32 $0x180, v28;
	v2 =	vmul.f32 $1.250000000e-01, v2;
	v7 =	vld.idx.msk [tilespmem:v54+s30+$0x0], $0xffff  }
0x1f8: {  	[tilespmem:$0x1FF30] =	vst v33;
	v33 =	vor.u32 $0x180, v17;
	v54 =	vld.idx.msk [tilespmem:v50+s30+$0x0], $0xffff;
	v4 =	vmul.f32 v5, v4;
	v1 =	vmul.f32 v1, v3  }
0x1f9: {  	v3 =	vld.idx.msk [tilespmem:v49+s30+$0x0], $0xffff;
	[tilespmem:s15+$0x19500] =	vst v2  }
0x1fa: {  	v50 =	vld.idx.msk [tilespmem:v61+s1+$0x0], $0xffff;
	v1 =	vsub.f32 v4, v1  }
0x1fb: {  	v23 =	vld.idx.msk [tilespmem:v62+s1+$0x0], $0xffff  }
0x1fc: {  	v53 =	vld.idx.msk [tilespmem:v63+s1+$0x0], $0xffff;
	v1 =	vmul.f32 $1.250000000e-01, v1  }
0x1fd: {  	v56 =	vld.idx.msk [tilespmem:v33+s1+$0x0], $0xffff  }
0x1fe: {  	[tilespmem:s6+$0x1A900] =	vst v1;
	v1 =	vor.u32 $0x380, v11;
	v11 =	vld [tilespmem:$0x1FEA0];
	_ =	sdelay $0x3  }
0x1ff: {  	s29 =	sadd.s32 $0x1, s29;
	v58 =	vand.u32 $0x7F, v9  }
0x200: {  	s17 =	sand.u32 $0x7, s29;
	v47 =	vand.u32 $0x7F, v43;
	[tilespmem:$0x1FF20] =	vst v58;
	v34 =	vmovc v20;
	v58 =	vshll.u32 v43, $0x3;
	v20 =	vand.u32 $0x7F, v10;
	v0 =	vmovc v11;
	v11 =	vld [tilespmem:$0x1FEB0]  }
0x201: {  	s8 =	smov.u32 s11;
	s11 =	sshll.u32 s17, $0x4;
	v43 =	vld [tilespmem:$0x1FE80];
	v44 =	vand.u32 $0x7F, v14;
	v59 =	vor.u32 $0x380, v34;
	v4 =	vor.u32 $0x380, v13  }
0x202: {  	s11 =	sadd.s32 s11, s7;
	v34 =	vld [tilespmem:$0x1FE70];
	v2 =	vshll.u32 v10, $0x3;
	v10 =	vshll.u32 v14, $0x3;
	v14 =	vor.u32 $0x380, v12  }
0x203: {  	s11 =	sor.u32 $0x380, s11;
	v55 =	vor.u32 $0x380, v18;
	v61 =	vld [tilespmem:$0x1FE90]  }
0x204: {  	v62 =	vld [tilespmem:s11+$0x0]  }
0x205: {  	v40 =	vand.u32 $0x7F, v48;
	v48 =	vshll.u32 v48, $0x3;
	v13 =	vmov v11;
	v11 =	vld [tilespmem:$0x1FEC0]  }
0x206: {  	v18 =	vand.u32 $0xFFFFFC00, v48;
	v5 =	vmov v26;
	v26 =	vor.u32 $0x380, v21;
	v4 =	vld.idx.msk [tilespmem:v4+s1+$0x0], $0xffff  }
0x207: {  	v8 =	vshll.u32 v39, $0x3;
	v15 =	vmovc v24;
	v24 =	vor.u32 $0x380, v16;
	v52 =	vshll.u32 v41, $0x3;
	v14 =	vld.idx.msk [tilespmem:v14+s1+$0x0], $0xffff  }
0x208: {  	v39 =	vmovc v28;
	v28 =	vmovc v43;
	v43 =	vand.u32 $0xFFFFFC00, v45;
	v45 =	vand.u32 $0xFFFFFC00, v46;
	v46 =	vand.u32 $0xFFFFFC00, v8;
	v55 =	vld.idx.msk [tilespmem:v55+s1+$0x0], $0xffff  }
0x209: {  	v33 =	vand.u32 $0x7F, v57;
	v21 =	vshll.u32 v57, $0x3;
	v57 =	vor.u32 $0x380, v29;
	v8 =	vld.idx.msk [tilespmem:v59+s1+$0x0], $0xffff  }
0x20a: {  	v35 =	vmovc v19;
	v6 =	vshll.u32 v38, $0x3;
	v41 =	vand.u32 $0x7F, v38;
	v48 =	vand.u32 $0xFFFFFC00, v52;
	v12 =	vmovc v11;
	v11 =	vld [tilespmem:$0x1FED0]  }
0x20b: {  	v52 =	vor.u32 $0x380, v25;
	v29 =	vmovc v61;
	v61 =	vor.u32 $0x380, v35;
	v35 =	vand.u32 $0xFFFFFC00, v6;
	v6 =	vld.idx.msk [tilespmem:v26+s1+$0x0], $0xffff  }
0x20c: {  	v37 =	vmovc v17;
	v9 =	vshll.u32 v9, $0x3;
	v17 =	vand.u32 $0xFFFFFC00, v58;
	v38 =	vand.u32 $0x7F, v7;
	v1 =	vld.idx.msk [tilespmem:v1+s1+$0x0], $0xffff  }
0x20d: {  	v7 =	vshll.u32 v7, $0x3;
	v59 =	vand.u32 $0xFFFFFC00, v9;
	v9 =	vor.u32 $0x380, v27;
	v26 =	vld.idx.msk [tilespmem:v24+s1+$0x0], $0xffff  }
0x20e: {  	v24 =	vand.u32 $0xFFFFFC00, v7;
	v7 =	vld.idx.msk [tilespmem:v57+s1+$0x0], $0xffff;
	v4 =	vadd.s32 v4, v14;
	v14 =	vor.u32 $0x380, v31  }
0x20f: {  	v30 =	vor.u32 $0x380, v30;
	v18 =	vor.u32 v40, v18;
	v17 =	vor.u32 v47, v17;
	v16 =	vmovc v11;
	v11 =	vld [tilespmem:$0x1FEE0]  }
0x210: {  	v49 =	vand.u32 $0x7F, v51;
	v51 =	vshll.u32 v51, $0x3;
	v4 =	vadd.s32 v55, v4;
	v55 =	vld.idx.msk [tilespmem:v61+s1+$0x0], $0xffff  }
0x211: {  	v36 =	vand.u32 $0x7F, v54;
	v57 =	vor.u32 $0x380, v32;
	v1 =	vadd.s32 v1, v4;
	v4 =	vld.idx.msk [tilespmem:v52+s1+$0x0], $0xffff  }
0x212: {  	v32 =	vand.u32 $0xFFFFFC00, v51;
	v51 =	vor.u32 $0x380, v60;
	v1 =	vadd.s32 v8, v1;
	v8 =	vld.idx.msk [tilespmem:v9+s1+$0x0], $0xffff  }
0x213: {  	v63 =	vmovc v22;
	v54 =	vshll.u32 v54, $0x3;
	v2 =	vand.u32 $0xFFFFFC00, v2;
	v9 =	vor.u32 $0x380, v42;
	v14 =	vld.idx.msk [tilespmem:v14+s1+$0x0], $0xffff  }
0x214: {  	v25 =	vand.u32 $0xFFFFFC00, v54;
	v22 =	vor.u32 v20, v2;
	v19 =	vmovc v34;
	v1 =	vadd.s32 v6, v1;
	v31 =	vmovc v11;
	v11 =	vld [tilespmem:$0x1FEF0]  }
0x215: {  	v2 =	vor.u32 $0x180, v28;
	v27 =	vor.u32 $0x180, v19;
	v6 =	vld.idx.msk [tilespmem:v30+s1+$0x0], $0xffff;
	v1 =	vadd.s32 v26, v1  }
0x216: {  	v21 =	vand.u32 $0xFFFFFC00, v21;
	v26 =	vor.u32 $0x180, v15;
	v1 =	vadd.s32 v7, v1;
	v7 =	vld.idx.msk [tilespmem:v57+s1+$0x0], $0xffff  }
0x217: {  	v34 =	vand.u32 $0x7F, v3;
	v3 =	vshll.u32 v3, $0x3;
	v57 =	vmovc v5;
	v5 =	vld.idx.msk [tilespmem:v51+s1+$0x0], $0xffff;
	v1 =	vadd.s32 v55, v1  }
0x218: {  	v21 =	vor.u32 v33, v21;
	v3 =	vand.u32 $0xFFFFFC00, v3;
	v1 =	vadd.s32 v4, v1;
	v4 =	vld.idx.msk [tilespmem:v9+s1+$0x0], $0xffff  }
0x219: {  	v40 =	vor.u32 $0x180, v29;
	v42 =	vadd.s32 v53, v56;
	v1 =	vadd.s32 v8, v1;
	v58 =	vmovc v11;
	v11 =	vld [tilespmem:$0x1FF00]  }
0x21a: {  	v9 =	vor.u32 $0x180, v0;
	v53 =	vor.u32 $0x180, v12;
	v8 =	vld.idx.msk [tilespmem:v27+s1+$0x0], $0xffff;
	v1 =	vadd.s32 v6, v1  }
0x21b: {  	v27 =	vor.u32 $0x180, v13;
	v26 =	vld.idx.msk [tilespmem:v26+s1+$0x0], $0xffff;
	v6 =	vadd.s32 v23, v42;
	v1 =	vadd.s32 v14, v1  }
0x21c: {  	v47 =	vld [tilespmem:$0x1FF60];
	v42 =	vand.u32 $0xFFFF, v62;
	v6 =	vadd.s32 v50, v6;
	v1 =	vadd.s32 v7, v1  }
0x21d: {  	v54 =	vld [tilespmem:s8+$0x180];
	v50 =	vshra.s32 v62, $0x10;
	v14 =	vor.u32 $0x180, v16;
	v1 =	vadd.s32 v5, v1  }
0x21e: {  	v5 =	vcvt.s32.f32 v50;
	v1 =	vadd.s32 v4, v1;
	v4 =	vcvt.s32.f32 v42;
	v61 =	vmovc v11;
	v11 =	vld [tilespmem:$0x1FF10]  }
0x21f: {  	v2 =	vld.idx.msk [tilespmem:v2+s1+$0x0], $0xffff;
	v6 =	vadd.s32 v8, v6;
	v20 =	vand.u32 $0xFFFF, v1;
	v1 =	vshra.s32 v1, $0x10  }
0x220: {  	v7 =	vld.idx.msk [tilespmem:v40+s1+$0x0], $0xffff;
	v6 =	vadd.s32 v26, v6;
	v20 =	vcvt.s32.f32 v20;
	v1 =	vcvt.s32.f32 v1  }
0x221: {  	v9 =	vld.idx.msk [tilespmem:v9+s1+$0x0], $0xffff;
	v5 =	vmul.f32 $1.953125000e-03, v5;
	v4 =	vmul.f32 $1.953125000e-03, v4;
	v55 =	vor.u32 $0x180, v31  }
0x222: {  	v27 =	vld.idx.msk [tilespmem:v27+s1+$0x0], $0xffff;
	v20 =	vmul.f32 $1.953125000e-03, v20;
	v1 =	vmul.f32 $1.953125000e-03, v1;
	v52 =	vor.u32 $0x180, v58  }
0x223: {  	v8 =	vld.idx.msk [tilespmem:v53+s1+$0x0], $0xffff;
	v5 =	vadd.f32 $-1.000000000e+00, v5;
	v4 =	vadd.f32 $-1.000000000e+00, v4;
	v51 =	vor.u32 $0x180, v61;
	v60 =	vmovc v11  }
0x224: {  	v14 =	vld.idx.msk [tilespmem:v14+s1+$0x0], $0xffff;
	v26 =	vadd.f32 $-1.600000000e+01, v20;
	v1 =	vadd.f32 $-1.600000000e+01, v1;
	v30 =	vor.u32 $0x180, v60  }
0x225: {  	v62 =	vor.u32 v36, v25;
	v2 =	vadd.s32 v2, v6;
	v20 =	vor.u32 v34, v3;
	v34 =	vld.idx.msk [tilespmem:v21+s1+$0x0], $0xffff  }
0x226: {  	v2 =	vadd.s32 v7, v2;
	v5 =	vmul.f32 v26, v5;
	v1 =	vmul.f32 v1, v4;
	v53 =	vld.idx.msk [tilespmem:v55+s1+$0x0], $0xffff  }
0x227: {  	v10 =	vand.u32 $0xFFFFFC00, v10;
	v2 =	vadd.s32 v9, v2;
	v55 =	vld.idx.msk [tilespmem:v52+s1+$0x0], $0xffff  }
0x228: {  	s12 =	sadd.s32 $0x10, s12;
	s7 =	smov.u32 s9;
	s9 =	sadd.s32 $0x80, s9;
	v25 =	vor.u32 v44, v10;
	v2 =	vadd.s32 v27, v2;
	v1 =	vsub.f32 v5, v1;
	v9 =	vld.idx.msk [tilespmem:v51+s1+$0x0], $0xffff  }
0x229: {  	s18 =	sand.u32 $0x70, s12;
	s19 =	sand.u32 $0xFC00, s9;
	v2 =	vadd.s32 v8, v2;
	v40 =	vmov v60;
	v60 =	vld.idx.msk [tilespmem:v30+s1+$0x0], $0xffff  }
0x22a: {  	s11 =	sor.u32 s18, s19;
	v10 =	vor.u32 v49, v32;
	v8 =	vld.idx.msk [tilespmem:v62+s1+$0x0], $0xffff;
	v2 =	vadd.s32 v14, v2;
	v1 =	vmul.f32 $1.250000000e-01, v1  }
0x22b: {  	v4 =	vld [tilespmem:s11+$0x0];
	v2 =	vadd.s32 v53, v2  }
0x22c: {  	v32 =	vld.idx.msk [tilespmem:v20+s1+$0x0], $0xffff;
	v2 =	vadd.s32 v55, v2;
	[tilespmem:s6+$0x1AE00] =	vst v1  }
0x22d: {  	v14 =	vor.u32 v38, v24;
	v38 =	vshra.s32 v54, $0x10;
	v2 =	vadd.s32 v9, v2;
	v42 =	vld.idx.msk [tilespmem:v25+s1+$0x0], $0xffff  }
0x22e: {  	v23 =	vmov v25;
	v6 =	vcvt.s32.f32 v38;
	v25 =	vld [tilespmem:$0x1FF40];
	v2 =	vadd.s32 v60, v2  }
0x22f: {  	v1 =	vld.idx.msk [tilespmem:v10+s1+$0x0], $0xffff;
	v9 =	vand.u32 $0xFFFF, v2  }
0x230: {  	v33 =	vand.u32 $0xFFFF, v54;
	v26 =	vmovc v10;
	v6 =	vmul.f32 $1.953125000e-03, v6;
	v10 =	vld.idx.msk [tilespmem:v17+s1+$0x0], $0xffff;
	v9 =	vcvt.s32.f32 v9  }
0x231: {  	v41 =	vor.u32 v41, v35;
	v36 =	vcvt.s32.f32 v33;
	v52 =	vmov v17;
	v17 =	vld [tilespmem:$0x1FF20]  }
0x232: {  	v6 =	vadd.f32 $-1.000000000e+00, v6;
	v5 =	vadd.s32 v32, v34;
	v55 =	vmovc v21;
	v21 =	vld [tilespmem:$0x1FF30];
	v9 =	vmul.f32 $1.953125000e-03, v9  }
0x233: {  	v24 =	vmovc v14;
	v5 =	vadd.s32 v8, v5;
	v14 =	vld.idx.msk [tilespmem:v14+s1+$0x0], $0xffff;
	v2 =	vshra.s32 v2, $0x10;
	v25 =	vor.u32 v25, v46  }
0x234: {  	v46 =	vld [tilespmem:$0x1FF50];
	v1 =	vadd.s32 v1, v5;
	v2 =	vcvt.s32.f32 v2;
	v9 =	vadd.f32 $-1.600000000e+01, v9  }
0x235: {  	v3 =	vmul.f32 $1.953125000e-03, v36;
	v1 =	vadd.s32 v10, v1;
	v10 =	vld [tilespmem:$0x1FF80]  }
0x236: {  	v17 =	vor.u32 v17, v59;
	v2 =	vmul.f32 $1.953125000e-03, v2;
	v6 =	vmul.f32 v9, v6;
	v9 =	vld [tilespmem:$0x1FF70]  }
0x237: {  	v21 =	vor.u32 v21, v48  }
0x238: {  	v3 =	vadd.f32 $-1.000000000e+00, v3;
	v44 =	vld.idx.msk [tilespmem:v22+s1+$0x0], $0xffff;
	v2 =	vadd.f32 $-1.600000000e+01, v2  }
0x239: {  	v56 =	vmov v0;
	v0 =	vor.u32 v47, v43;
	v8 =	vld.idx.msk [tilespmem:v41+s1+$0x0], $0xffff  }
0x23a: {  	v53 =	vmov v22;
	v50 =	vld.idx.msk [tilespmem:v18+s1+$0x0], $0xffff;
	v22 =	vor.u32 v46, v45;
	v2 =	vmul.f32 v2, v3  }
0x23b: {  	v60 =	vmov v17;
	v1 =	vadd.s32 v14, v1;
	v48 =	vld.idx.msk [tilespmem:v17+s1+$0x0], $0xffff;
	v17 =	vor.u32 v9, v10  }
0x23c: {  	v49 =	vld.idx.msk [tilespmem:v21+s1+$0x0], $0xffff;
	v1 =	vadd.s32 v42, v1;
	v2 =	vsub.f32 v6, v2  }
0x23d: {  	v1 =	vadd.s32 v44, v1;
	v9 =	vld.idx.msk [tilespmem:v25+s1+$0x0], $0xffff;
	v10 =	vor.u32 $0x200, v39  }
0x23e: {  	v14 =	vor.u32 $0x200, v37;
	v1 =	vadd.s32 v8, v1;
	v8 =	vld.idx.msk [tilespmem:v0+s1+$0x0], $0xffff;
	v2 =	vmul.f32 $1.250000000e-01, v2  }
0x23f: {  	[tilespmem:$0x1FFB0] =	vst v57;
	v57 =	vor.u32 $0x200, v57;
	v43 =	vor.u32 $0x200, v12;
	v54 =	vmovc v41;
	s6 =	smov.u32 s15;
	v41 =	vor.u32 $0x200, v63;
	v7 =	vld.idx.msk [tilespmem:v22+s1+$0x0], $0xffff  }
0x240: {  	v11 =	vmovc v19;
	v51 =	vand.u32 $0xFFFF, v4;
	v4 =	vshra.s32 v4, $0x10;
	v1 =	vadd.s32 v48, v1;
	v5 =	vld.idx.msk [tilespmem:v17+s1+$0x0], $0xffff;
	[tilespmem:s6+$0x19A00] =	vst v2  }
0x241: {  	[tilespmem:$0x1FF90] =	vst v39;
	v4 =	vcvt.s32.f32 v4;
	v48 =	vor.u32 $0x200, v11;
	v1 =	vadd.s32 v49, v1;
	v33 =	vld [tilespmem:s8+$0x200]  }
0x242: {  	[tilespmem:$0x1FFA0] =	vst v37;
	v47 =	vor.u32 $0x200, v16;
	v49 =	vor.u32 $0x200, v15;
	v1 =	vadd.s32 v9, v1;
	v10 =	vld.idx.msk [tilespmem:v10+s1+$0x0], $0xffff  }
0x243: {  	[tilespmem:$0x1FFE0] =	vst v15;
	v32 =	vmovc v12;
	v4 =	vmul.f32 $1.953125000e-03, v4;
	v3 =	vor.u32 $0x200, v13;
	v1 =	vadd.s32 v50, v1;
	v50 =	vld.idx.msk [tilespmem:v14+s1+$0x0], $0xffff  }
0x244: {  	[tilespmem:$0x1FFC0] =	vst v63;
	v19 =	vmovc v20;
	v20 =	vmovc v62;
	v42 =	vor.u32 $0x200, v58;
	v9 =	vcvt.s32.f32 v51;
	v51 =	vor.u32 $0x200, v29;
	v2 =	vld.idx.msk [tilespmem:v41+s1+$0x0], $0xffff  }
0x245: {  	v30 =	vmovc v31;
	v62 =	vmovc v21;
	v44 =	vor.u32 $0x200, v40;
	v14 =	vor.u32 $0x200, v28;
	v1 =	vadd.s32 v7, v1;
	v7 =	vld.idx.msk [tilespmem:v57+s1+$0x0], $0xffff  }
0x246: {  	p0 =	sne.s32 s14, $0x4E0F;
	v63 =	vmovc v28;
	v21 =	vmovc v18;
	v46 =	vor.u32 $0x200, v61;
	v34 =	vld.idx.msk [tilespmem:v48+s1+$0x0], $0xffff;
	v1 =	vadd.s32 v8, v1;
	v8 =	vor.u32 $0x200, v56  }
.Ltmp0:
0x247: {  	v59 =	vmovc v25;
	v27 =	vmovc v22;
	v41 =	vor.u32 $0x200, v31;
	v36 =	vld.idx.msk [tilespmem:v49+s1+$0x0], $0xffff;
	v48 =	vadd.f32 $-1.000000000e+00, v4;
	v1 =	vadd.s32 v5, v1;
	(pc) =	sbr.rel @p0 .LBB2_2-.Ltmp0, $4  }
0x248: {  	[tilespmem:$0x1FFD0] =	vst v11;
	v11 =	vmovc v40;
	v25 =	vmovc v0;
	v39 =	vld.idx.msk [tilespmem:v3+s1+$0x0], $0xffff;
	v9 =	vmul.f32 $1.953125000e-03, v9;
	v5 =	vand.u32 $0xFFFF, v1;
	v1 =	vshra.s32 v1, $0x10  }
0x249: {  	v18 =	vmovc v17;
	v57 =	vmovc v29;
	v37 =	vld.idx.msk [tilespmem:v51+s1+$0x0], $0xffff;
	v6 =	vadd.s32 v10, v50;
	v5 =	vcvt.s32.f32 v5;
	v1 =	vcvt.s32.f32 v1  }
0x24a: {  	v29 =	vmovc v61;
	v61 =	vmovc v56;
	v56 =	vmov v58;
	v45 =	vadd.f32 $-1.000000000e+00, v9;
	v35 =	vld.idx.msk [tilespmem:v14+s1+$0x0], $0xffff;
	v40 =	vadd.s32 v7, v6  }
0x24b: {  	s14 =	sadd.s32 $0x100, s14;
	v58 =	vmovc v13;
	v13 =	vmovc v16;
	v38 =	vld.idx.msk [tilespmem:v8+s1+$0x0], $0xffff;
	v40 =	vadd.s32 v2, v40;
	v49 =	vmul.f32 $1.953125000e-03, v5;
	v50 =	vmul.f32 $1.953125000e-03, v1  }
0x24c: {  	_ = 	snop  }
0x24d: {  	v1 =	vadd.f32 $-1.600000000e+01, v49;
	v2 =	vadd.f32 $-1.600000000e+01, v50;
	_ =	sdelay $0x1  }
0x24e: {  	v1 =	vmul.f32 v1, v48;
	v2 =	vmul.f32 v2, v45;
	_ =	sdelay $0x1  }
0x24f: {  	v1 =	vsub.f32 v1, v2  }
0x250: {  	v10 =	vor.u32 $0x80, v19  }
0x251: {  	v3 =	vor.u32 $0x80, v55;
	s12 =	sadd.s32 $0x40, s13;
	v1 =	vmul.f32 $1.250000000e-01, v1  }
0x252: {  	v4 =	vor.u32 $0x80, v20;
	s12 =	sshra.s32 s12, $0x2;
	v45 =	vld.idx.msk [tilespmem:v43+s1+$0x0], $0xffff  }
0x253: {  	v43 =	vld.idx.msk [tilespmem:v47+s1+$0x0], $0xffff;
	v47 =	vor.u32 $0x80, v26;
	[tilespmem:s12+$0x18B00] =	vst v1  }
0x254: {  	v5 =	vor.u32 $0x80, v52;
	v6 =	vld [tilespmem:s11+$0x80]  }
0x255: {  	v7 =	vor.u32 $0x80, v24;
	v2 =	vld.idx.msk [tilespmem:v10+s1+$0x0], $0xffff  }
0x256: {  	v8 =	vor.u32 $0x80, v23;
	v3 =	vld.idx.msk [tilespmem:v3+s1+$0x0], $0xffff  }
0x257: {  	v9 =	vor.u32 $0x80, v53;
	v4 =	vld.idx.msk [tilespmem:v4+s1+$0x0], $0xffff  }
0x258: {  	v1 =	vld.idx.msk [tilespmem:v47+s1+$0x0], $0xffff;
	v10 =	vor.u32 $0x80, v54  }
0x259: {  	v14 =	vor.u32 $0x80, v60;
	v5 =	vld.idx.msk [tilespmem:v5+s1+$0x0], $0xffff  }
0x25a: {  	v49 =	vmov v53;
	v53 =	vor.u32 $0x80, v62;
	v7 =	vld.idx.msk [tilespmem:v7+s1+$0x0], $0xffff  }
0x25b: {  	v8 =	vld.idx.msk [tilespmem:v8+s1+$0x0], $0xffff;
	v2 =	vadd.s32 v2, v3;
	v3 =	vor.u32 $0x80, v59  }
0x25c: {  	v9 =	vld.idx.msk [tilespmem:v9+s1+$0x0], $0xffff;
	v2 =	vadd.s32 v4, v2;
	v4 =	vor.u32 $0x80, v21  }
0x25d: {  	v10 =	vld.idx.msk [tilespmem:v10+s1+$0x0], $0xffff;
	v1 =	vadd.s32 v1, v2;
	v2 =	vor.u32 $0x80, v27  }
0x25e: {  	v14 =	vld.idx.msk [tilespmem:v14+s1+$0x0], $0xffff;
	v1 =	vadd.s32 v5, v1;
	v5 =	vor.u32 $0x80, v25  }
0x25f: {  	v47 =	vld.idx.msk [tilespmem:v53+s1+$0x0], $0xffff;
	v1 =	vadd.s32 v7, v1;
	v7 =	vor.u32 $0x80, v18  }
0x260: {  	v1 =	vadd.s32 v8, v1;
	v3 =	vld.idx.msk [tilespmem:v3+s1+$0x0], $0xffff  }
0x261: {  	v4 =	vld.idx.msk [tilespmem:v4+s1+$0x0], $0xffff;
	v1 =	vadd.s32 v9, v1  }
0x262: {  	v2 =	vld.idx.msk [tilespmem:v2+s1+$0x0], $0xffff;
	v1 =	vadd.s32 v10, v1  }
0x263: {  	v5 =	vld.idx.msk [tilespmem:v5+s1+$0x0], $0xffff;
	v1 =	vadd.s32 v14, v1  }
0x264: {  	v7 =	vld.idx.msk [tilespmem:v7+s1+$0x0], $0xffff;
	v1 =	vadd.s32 v47, v1  }
0x265: {  	v1 =	vadd.s32 v3, v1  }
0x266: {  	v1 =	vadd.s32 v4, v1  }
0x267: {  	v1 =	vadd.s32 v2, v1  }
0x268: {  	v10 =	vshra.s32 v6, $0x10;
	v1 =	vadd.s32 v5, v1  }
0x269: {  	v9 =	vand.u32 $0xFFFF, v6;
	v3 =	vcvt.s32.f32 v10;
	v1 =	vadd.s32 v7, v1  }
0x26a: {  	v2 =	vcvt.s32.f32 v9;
	v47 =	vand.u32 $0xFFFF, v1;
	v1 =	vshra.s32 v1, $0x10  }
0x26b: {  	v4 =	vcvt.s32.f32 v47;
	v1 =	vcvt.s32.f32 v1  }
0x26c: {  	v3 =	vmul.f32 $1.953125000e-03, v3;
	v2 =	vmul.f32 $1.953125000e-03, v2  }
0x26d: {  	v4 =	vmul.f32 $1.953125000e-03, v4;
	v1 =	vmul.f32 $1.953125000e-03, v1  }
0x26e: {  	v3 =	vadd.f32 $-1.000000000e+00, v3;
	v2 =	vadd.f32 $-1.000000000e+00, v2  }
0x26f: {  	v4 =	vadd.f32 $-1.600000000e+01, v4;
	v1 =	vadd.f32 $-1.600000000e+01, v1;
	_ =	sdelay $0x1  }
0x270: {  	v3 =	vmul.f32 v4, v3;
	v1 =	vmul.f32 v1, v2  }
0x271: {  	v51 =	vmov v19  }
0x272: {  	v8 =	vor.u32 $0x100, v51;
	v1 =	vsub.f32 v3, v1  }
0x273: {  	v41 =	vld.idx.msk [tilespmem:v41+s1+$0x0], $0xffff;
	v9 =	vor.u32 $0x100, v55  }
0x274: {  	v42 =	vld.idx.msk [tilespmem:v42+s1+$0x0], $0xffff;
	v10 =	vor.u32 $0x100, v20;
	v1 =	vmul.f32 $1.250000000e-01, v1  }
0x275: {  	v46 =	vld.idx.msk [tilespmem:v46+s1+$0x0], $0xffff;
	v47 =	vor.u32 $0x100, v26  }
0x276: {  	v44 =	vld.idx.msk [tilespmem:v44+s1+$0x0], $0xffff;
	v6 =	vor.u32 $0x100, v24;
	[tilespmem:s12+$0x19000] =	vst v1  }
0x277: {  	v1 =	vor.u32 $0x100, v52;
	v2 =	vld.idx.msk [tilespmem:v8+s1+$0x0], $0xffff  }
0x278: {  	v31 =	vmov v62;
	v7 =	vor.u32 $0x100, v23;
	v3 =	vld.idx.msk [tilespmem:v9+s1+$0x0], $0xffff  }
0x279: {  	v14 =	vor.u32 $0x100, v31;
	v4 =	vld.idx.msk [tilespmem:v10+s1+$0x0], $0xffff  }
0x27a: {  	v8 =	vor.u32 $0x100, v49;
	v5 =	vld.idx.msk [tilespmem:v47+s1+$0x0], $0xffff  }
0x27b: {  	v9 =	vor.u32 $0x100, v54;
	v6 =	vld.idx.msk [tilespmem:v6+s1+$0x0], $0xffff  }
0x27c: {  	v47 =	vor.u32 $0x100, v60;
	v1 =	vld.idx.msk [tilespmem:v1+s1+$0x0], $0xffff  }
0x27d: {  	v7 =	vld.idx.msk [tilespmem:v7+s1+$0x0], $0xffff;
	v2 =	vadd.s32 v2, v3;
	v3 =	vor.u32 $0x100, v59  }
0x27e: {  	v14 =	vld.idx.msk [tilespmem:v14+s1+$0x0], $0xffff;
	v2 =	vadd.s32 v4, v2;
	v4 =	vor.u32 $0x100, v21  }
0x27f: {  	v8 =	vld.idx.msk [tilespmem:v8+s1+$0x0], $0xffff;
	v2 =	vadd.s32 v5, v2;
	v5 =	vor.u32 $0x100, v27  }
0x280: {  	v9 =	vld.idx.msk [tilespmem:v9+s1+$0x0], $0xffff  }
0x281: {  	v10 =	vld.idx.msk [tilespmem:v47+s1+$0x0], $0xffff;
	v1 =	vadd.s32 v1, v2;
	v2 =	vor.u32 $0x100, v25  }
0x282: {  	v47 =	vor.u32 $0x100, v18;
	v1 =	vadd.s32 v6, v1;
	v3 =	vld.idx.msk [tilespmem:v3+s1+$0x0], $0xffff  }
0x283: {  	v1 =	vadd.s32 v7, v1;
	v4 =	vld.idx.msk [tilespmem:v4+s1+$0x0], $0xffff  }
0x284: {  	v1 =	vadd.s32 v8, v1;
	v5 =	vld.idx.msk [tilespmem:v5+s1+$0x0], $0xffff  }
0x285: {  	v8 =	vld [tilespmem:s11+$0x100];
	v1 =	vadd.s32 v9, v1  }
0x286: {  	v1 =	vadd.s32 v10, v1;
	v2 =	vld.idx.msk [tilespmem:v2+s1+$0x0], $0xffff  }
0x287: {  	v6 =	vld.idx.msk [tilespmem:v47+s1+$0x0], $0xffff;
	v1 =	vadd.s32 v14, v1  }
0x288: {  	v1 =	vadd.s32 v3, v1  }
0x289: {  	v1 =	vadd.s32 v4, v1  }
0x28a: {  	v1 =	vadd.s32 v5, v1  }
0x28b: {  	v3 =	vshra.s32 v8, $0x10;
	v1 =	vadd.s32 v2, v1  }
0x28c: {  	v9 =	vand.u32 $0xFFFF, v8;
	v3 =	vcvt.s32.f32 v3;
	v1 =	vadd.s32 v6, v1  }
0x28d: {  	v2 =	vcvt.s32.f32 v9;
	v10 =	vand.u32 $0xFFFF, v1;
	v1 =	vshra.s32 v1, $0x10  }
0x28e: {  	v4 =	vcvt.s32.f32 v10;
	v1 =	vcvt.s32.f32 v1  }
0x28f: {  	v3 =	vmul.f32 $1.953125000e-03, v3;
	v2 =	vmul.f32 $1.953125000e-03, v2  }
0x290: {  	v4 =	vmul.f32 $1.953125000e-03, v4;
	v1 =	vmul.f32 $1.953125000e-03, v1  }
0x291: {  	v3 =	vadd.f32 $-1.000000000e+00, v3;
	v2 =	vadd.f32 $-1.000000000e+00, v2  }
0x292: {  	v34 =	vadd.s32 v34, v40;
	v4 =	vadd.f32 $-1.600000000e+01, v4;
	v1 =	vadd.f32 $-1.600000000e+01, v1  }
0x293: {  	v5 =	vadd.s32 v36, v34  }
0x294: {  	v5 =	vadd.s32 v35, v5;
	v3 =	vmul.f32 v4, v3;
	v1 =	vmul.f32 v1, v2  }
0x295: {  	v5 =	vadd.s32 v37, v5  }
0x296: {  	v36 =	vor.u32 $0x180, v26;
	v35 =	vadd.s32 v38, v5;
	v1 =	vsub.f32 v3, v1  }
0x297: {  	v37 =	vor.u32 $0x180, v51;
	v2 =	vadd.s32 v39, v35  }
0x298: {  	v38 =	vor.u32 $0x180, v55;
	v2 =	vadd.s32 v45, v2;
	v1 =	vmul.f32 $1.250000000e-01, v1  }
0x299: {  	v2 =	vadd.s32 v43, v2;
	v43 =	vor.u32 $0x180, v20  }
0x29a: {  	[tilespmem:s12+$0x19500] =	vst v1  }
0x29b: {  	v47 =	vor.u32 $0x180, v52;
	v39 =	vshra.s32 v33, $0x10;
	v3 =	vld.idx.msk [tilespmem:v36+s1+$0x0], $0xffff  }
0x29c: {  	v19 =	vmov v55;
	v55 =	vor.u32 $0x180, v24;
	v9 =	vcvt.s32.f32 v39;
	v4 =	vld.idx.msk [tilespmem:v37+s1+$0x0], $0xffff  }
0x29d: {  	v14 =	vor.u32 $0x180, v23;
	v2 =	vadd.s32 v41, v2;
	v5 =	vld.idx.msk [tilespmem:v38+s1+$0x0], $0xffff  }
0x29e: {  	v41 =	vor.u32 $0x180, v49;
	v9 =	vmul.f32 $1.953125000e-03, v9;
	v2 =	vadd.s32 v42, v2;
	v6 =	vld.idx.msk [tilespmem:v43+s1+$0x0], $0xffff  }
0x29f: {  	v42 =	vor.u32 $0x180, v54;
	v45 =	vadd.s32 v46, v2;
	v46 =	vand.u32 $0xFFFF, v33;
	v35 =	vld [tilespmem:s11+$0x180]  }
0x2a0: {  	v9 =	vadd.f32 $-1.000000000e+00, v9;
	v1 =	vadd.s32 v44, v45;
	v2 =	vcvt.s32.f32 v46;
	v7 =	vld.idx.msk [tilespmem:v47+s1+$0x0], $0xffff  }
0x2a1: {  	v44 =	vor.u32 $0x180, v31;
	v40 =	vand.u32 $0xFFFF, v1;
	v1 =	vshra.s32 v1, $0x10;
	v8 =	vld.idx.msk [tilespmem:v55+s1+$0x0], $0xffff  }
0x2a2: {  	v43 =	vor.u32 $0x180, v60;
	v45 =	vld.idx.msk [tilespmem:v14+s1+$0x0], $0xffff;
	v10 =	vcvt.s32.f32 v40;
	v1 =	vcvt.s32.f32 v1  }
0x2a3: {  	v14 =	vor.u32 $0x180, v59;
	v55 =	vor.u32 $0x180, v27;
	v2 =	vmul.f32 $1.953125000e-03, v2;
	v47 =	vld.idx.msk [tilespmem:v41+s1+$0x0], $0xffff  }
0x2a4: {  	v50 =	vmovc v25;
	v40 =	vor.u32 $0x180, v25;
	v25 =	vld [tilespmem:$0x1FFA0];
	v10 =	vmul.f32 $1.953125000e-03, v10;
	v1 =	vmul.f32 $1.953125000e-03, v1  }
0x2a5: {  	v53 =	vmovc v18;
	v41 =	vor.u32 $0x180, v18;
	v18 =	vld [tilespmem:$0x1FFB0];
	v2 =	vadd.f32 $-1.000000000e+00, v2;
	v4 =	vadd.s32 v4, v5  }
0x2a6: {  	v62 =	vmovc v59;
	v59 =	vld.idx.msk [tilespmem:v42+s1+$0x0], $0xffff;
	v10 =	vadd.f32 $-1.600000000e+01, v10;
	v1 =	vadd.f32 $-1.600000000e+01, v1;
	v4 =	vadd.s32 v6, v4  }
0x2a7: {  	v46 =	vor.u32 $0x180, v21;
	v37 =	vld.idx.msk [tilespmem:v44+s1+$0x0], $0xffff;
	v3 =	vadd.s32 v3, v4  }
0x2a8: {  	v36 =	vld.idx.msk [tilespmem:v43+s1+$0x0], $0xffff;
	v42 =	vmul.f32 v10, v9;
	v1 =	vmul.f32 v1, v2;
	v3 =	vadd.s32 v7, v3  }
0x2a9: {  	v43 =	vld.idx.msk [tilespmem:v14+s1+$0x0], $0xffff;
	v3 =	vadd.s32 v8, v3  }
0x2aa: {  	v1 =	vsub.f32 v42, v1;
	v3 =	vadd.s32 v45, v3;
	v45 =	vld.idx.msk [tilespmem:v55+s1+$0x0], $0xffff  }
0x2ab: {  	v55 =	vld [tilespmem:$0x1FF90]  }
0x2ac: {  	v44 =	vld.idx.msk [tilespmem:v46+s1+$0x0], $0xffff;
	v3 =	vadd.s32 v47, v3;
	v1 =	vmul.f32 $1.250000000e-01, v1  }
0x2ad: {  	v7 =	vld.idx.msk [tilespmem:v41+s1+$0x0], $0xffff;
	v3 =	vadd.s32 v59, v3  }
0x2ae: {  	v38 =	vor.u32 $0x280, v18;
	v47 =	vld.idx.msk [tilespmem:v40+s1+$0x0], $0xffff;
	v3 =	vadd.s32 v36, v3;
	[tilespmem:s6+$0x19F00] =	vst v1  }
0x2af: {  	v41 =	vor.u32 $0x280, v63;
	v3 =	vadd.s32 v37, v3;
	v12 =	vld [tilespmem:$0x1FFC0]  }
0x2b0: {  	v22 =	vmov v20;
	v20 =	vld [tilespmem:$0x1FFD0];
	v46 =	vor.u32 $0x280, v55;
	v2 =	vadd.s32 v43, v3  }
0x2b1: {  	v28 =	vmovc v63;
	v63 =	vor.u32 $0x280, v58;
	v42 =	vor.u32 $0x280, v57;
	v5 =	vld [tilespmem:s8+$0x280];
	v2 =	vadd.s32 v44, v2  }
0x2b2: {  	v36 =	vor.u32 $0x280, v25;
	v59 =	vld [tilespmem:$0x1FFE0];
	v43 =	vand.u32 $0xFFFF, v35;
	v2 =	vadd.s32 v45, v2  }
0x2b3: {  	v10 =	vld.idx.msk [tilespmem:v38+s1+$0x0], $0xffff;
	v44 =	vcvt.s32.f32 v43;
	v45 =	vshra.s32 v35, $0x10;
	v2 =	vadd.s32 v47, v2  }
0x2b4: {  	v33 =	vld.idx.msk [tilespmem:v41+s1+$0x0], $0xffff;
	v8 =	vcvt.s32.f32 v45;
	v47 =	vor.u32 $0x280, v61;
	v2 =	vadd.s32 v7, v2  }
0x2b5: {  	v39 =	vor.u32 $0x280, v12;
	v4 =	vld.idx.msk [tilespmem:v46+s1+$0x0], $0xffff;
	v46 =	vand.u32 $0xFFFF, v2;
	v2 =	vshra.s32 v2, $0x10  }
0x2b6: {  	v6 =	vld.idx.msk [tilespmem:v42+s1+$0x0], $0xffff;
	v40 =	vor.u32 $0x280, v20;
	v34 =	vcvt.s32.f32 v46;
	v2 =	vcvt.s32.f32 v2  }
0x2b7: {  	v9 =	vld.idx.msk [tilespmem:v36+s1+$0x0], $0xffff;
	v14 =	vor.u32 $0x280, v59;
	v7 =	vmul.f32 $1.953125000e-03, v44;
	v8 =	vmul.f32 $1.953125000e-03, v8  }
0x2b8: {  	v45 =	vor.u32 $0x280, v56;
	v36 =	vld.idx.msk [tilespmem:v63+s1+$0x0], $0xffff;
	v34 =	vmul.f32 $1.953125000e-03, v34;
	v2 =	vmul.f32 $1.953125000e-03, v2  }
0x2b9: {  	v37 =	vor.u32 $0x280, v32;
	v7 =	vadd.f32 $-1.000000000e+00, v7;
	v8 =	vadd.f32 $-1.000000000e+00, v8;
	v35 =	vld.idx.msk [tilespmem:v47+s1+$0x0], $0xffff  }
0x2ba: {  	v38 =	vor.u32 $0x280, v13;
	v1 =	vld.idx.msk [tilespmem:v39+s1+$0x0], $0xffff;
	v34 =	vadd.f32 $-1.600000000e+01, v34;
	v2 =	vadd.f32 $-1.600000000e+01, v2  }
0x2bb: {  	v44 =	vor.u32 $0x280, v30;
	v3 =	vld.idx.msk [tilespmem:v40+s1+$0x0], $0xffff  }
0x2bc: {  	v46 =	vor.u32 $0x280, v29;
	v14 =	vld.idx.msk [tilespmem:v14+s1+$0x0], $0xffff;
	v8 =	vmul.f32 v34, v8;
	v2 =	vmul.f32 v2, v7  }
0x2bd: {  	v47 =	vor.u32 $0x280, v11;
	v39 =	vld.idx.msk [tilespmem:v45+s1+$0x0], $0xffff  }
0x2be: {  	v34 =	vld.idx.msk [tilespmem:v37+s1+$0x0], $0xffff;
	v2 =	vsub.f32 v8, v2  }
0x2bf: {  	v37 =	vld.idx.msk [tilespmem:v38+s1+$0x0], $0xffff;
	v38 =	vor.u32 $0x200, v51  }
0x2c0: {  	v8 =	vld.idx.msk [tilespmem:v44+s1+$0x0], $0xffff;
	v44 =	vor.u32 $0x200, v19;
	v2 =	vmul.f32 $1.250000000e-01, v2  }
0x2c1: {  	v45 =	vor.u32 $0x200, v22;
	v4 =	vadd.s32 v4, v9;
	v9 =	vld.idx.msk [tilespmem:v46+s1+$0x0], $0xffff  }
0x2c2: {  	v4 =	vadd.s32 v10, v4;
	v46 =	vor.u32 $0x200, v26;
	v7 =	vld.idx.msk [tilespmem:v47+s1+$0x0], $0xffff;
	[tilespmem:s12+$0x19A00] =	vst v2  }
0x2c3: {  	v47 =	vor.u32 $0x200, v52;
	v1 =	vadd.s32 v1, v4;
	v10 =	vld [tilespmem:s11+$0x200]  }
0x2c4: {  	v1 =	vadd.s32 v3, v1;
	v3 =	vld.idx.msk [tilespmem:v38+s1+$0x0], $0xffff;
	v38 =	vor.u32 $0x200, v24  }
0x2c5: {  	v40 =	vor.u32 $0x200, v23;
	v1 =	vadd.s32 v14, v1;
	v14 =	vld.idx.msk [tilespmem:v44+s1+$0x0], $0xffff  }
0x2c6: {  	v1 =	vadd.s32 v33, v1;
	v44 =	vld.idx.msk [tilespmem:v45+s1+$0x0], $0xffff;
	v45 =	vor.u32 $0x200, v49  }
0x2c7: {  	v1 =	vadd.s32 v6, v1;
	v2 =	vld.idx.msk [tilespmem:v46+s1+$0x0], $0xffff;
	v46 =	vor.u32 $0x200, v54  }
0x2c8: {  	v1 =	vadd.s32 v35, v1;
	v4 =	vld.idx.msk [tilespmem:v47+s1+$0x0], $0xffff;
	v47 =	vor.u32 $0x200, v60  }
0x2c9: {  	v1 =	vadd.s32 v36, v1;
	v36 =	vld.idx.msk [tilespmem:v38+s1+$0x0], $0xffff;
	v38 =	vor.u32 $0x200, v31  }
0x2ca: {  	v1 =	vadd.s32 v34, v1;
	v34 =	vld.idx.msk [tilespmem:v40+s1+$0x0], $0xffff;
	v3 =	vadd.s32 v3, v14;
	v14 =	vor.u32 $0x200, v62  }
0x2cb: {  	v1 =	vadd.s32 v37, v1;
	v37 =	vor.u32 $0x200, v21;
	v40 =	vld.idx.msk [tilespmem:v45+s1+$0x0], $0xffff;
	v3 =	vadd.s32 v44, v3  }
0x2cc: {  	v1 =	vadd.s32 v8, v1;
	v6 =	vld.idx.msk [tilespmem:v46+s1+$0x0], $0xffff;
	v44 =	vor.u32 $0x200, v27;
	v2 =	vadd.s32 v2, v3  }
0x2cd: {  	v1 =	vadd.s32 v39, v1;
	v45 =	vor.u32 $0x200, v50;
	v46 =	vld.idx.msk [tilespmem:v47+s1+$0x0], $0xffff;
	v2 =	vadd.s32 v4, v2  }
0x2ce: {  	v47 =	vor.u32 $0x200, v53;
	v1 =	vadd.s32 v9, v1;
	v39 =	vld.idx.msk [tilespmem:v38+s1+$0x0], $0xffff;
	v2 =	vadd.s32 v36, v2  }
0x2cf: {  	v1 =	vadd.s32 v7, v1;
	v41 =	vld.idx.msk [tilespmem:v14+s1+$0x0], $0xffff;
	v2 =	vadd.s32 v34, v2  }
0x2d0: {  	v42 =	vand.u32 $0xFFFF, v1;
	v43 =	vld.idx.msk [tilespmem:v37+s1+$0x0], $0xffff;
	v1 =	vshra.s32 v1, $0x10;
	v2 =	vadd.s32 v40, v2  }
0x2d1: {  	v1 =	vcvt.s32.f32 v1;
	v14 =	vshra.s32 v5, $0x10;
	v8 =	vld.idx.msk [tilespmem:v44+s1+$0x0], $0xffff;
	v2 =	vadd.s32 v6, v2  }
0x2d2: {  	v3 =	vld.idx.msk [tilespmem:v45+s1+$0x0], $0xffff;
	v14 =	vcvt.s32.f32 v14;
	v34 =	vcvt.s32.f32 v42;
	v2 =	vadd.s32 v46, v2  }
0x2d3: {  	v5 =	vand.u32 $0xFFFF, v5;
	v4 =	vld.idx.msk [tilespmem:v47+s1+$0x0], $0xffff;
	v47 =	vshra.s32 v10, $0x10;
	v2 =	vadd.s32 v39, v2  }
0x2d4: {  	v44 =	vmul.f32 $1.953125000e-03, v14;
	v14 =	vmul.f32 $1.953125000e-03, v34;
	v2 =	vadd.s32 v41, v2  }
0x2d5: {  	v5 =	vcvt.s32.f32 v5;
	v1 =	vmul.f32 $1.953125000e-03, v1;
	v2 =	vadd.s32 v43, v2  }
0x2d6: {  	v6 =	vadd.f32 $-1.000000000e+00, v44;
	v45 =	vadd.f32 $-1.600000000e+01, v14;
	v2 =	vadd.s32 v8, v2  }
0x2d7: {  	v5 =	vmul.f32 $1.953125000e-03, v5;
	v46 =	vand.u32 $0xFFFF, v10;
	v2 =	vadd.s32 v3, v2  }
0x2d8: {  	v6 =	vmul.f32 v45, v6;
	v3 =	vcvt.s32.f32 v46;
	v2 =	vadd.s32 v4, v2  }
0x2d9: {  	v4 =	vcvt.s32.f32 v47;
	v9 =	vand.u32 $0xFFFF, v2;
	v2 =	vshra.s32 v2, $0x10  }
0x2da: {  	v1 =	vadd.f32 $-1.600000000e+01, v1;
	v7 =	vcvt.s32.f32 v9;
	v2 =	vcvt.s32.f32 v2  }
0x2db: {  	v5 =	vadd.f32 $-1.000000000e+00, v5;
	v3 =	vmul.f32 $1.953125000e-03, v3;
	v4 =	vmul.f32 $1.953125000e-03, v4  }
0x2dc: {  	v7 =	vmul.f32 $1.953125000e-03, v7;
	v2 =	vmul.f32 $1.953125000e-03, v2  }
0x2dd: {  	v1 =	vmul.f32 v1, v5;
	v3 =	vadd.f32 $-1.000000000e+00, v3;
	v4 =	vadd.f32 $-1.000000000e+00, v4  }
0x2de: {  	v10 =	vadd.f32 $-1.600000000e+01, v7;
	v2 =	vadd.f32 $-1.600000000e+01, v2  }
0x2df: {  	v34 =	vor.u32 $0x300, v25;
	v1 =	vsub.f32 v6, v1  }
0x2e0: {  	v35 =	vor.u32 $0x300, v18;
	v4 =	vmul.f32 v10, v4;
	v2 =	vmul.f32 v2, v3  }
0x2e1: {  	v33 =	vor.u32 $0x300, v55;
	v1 =	vmul.f32 $1.250000000e-01, v1  }
0x2e2: {  	v2 =	vsub.f32 v4, v2  }
0x2e3: {  	v36 =	vor.u32 $0x280, v51;
	[tilespmem:s6+$0x1A400] =	vst v1  }
0x2e4: {  	v37 =	vor.u32 $0x280, v19;
	v6 =	vld.idx.msk [tilespmem:v34+s1+$0x0], $0xffff;
	v2 =	vmul.f32 $1.250000000e-01, v2  }
0x2e5: {  	v38 =	vor.u32 $0x280, v22;
	v3 =	vld.idx.msk [tilespmem:v35+s1+$0x0], $0xffff  }
0x2e6: {  	v39 =	vor.u32 $0x280, v26;
	v4 =	vld.idx.msk [tilespmem:v33+s1+$0x0], $0xffff;
	[tilespmem:s12+$0x19F00] =	vst v2  }
0x2e7: {  	v40 =	vor.u32 $0x280, v52;
	v9 =	vld [tilespmem:s11+$0x280]  }
0x2e8: {  	v41 =	vor.u32 $0x280, v24;
	v1 =	vld.idx.msk [tilespmem:v36+s1+$0x0], $0xffff  }
0x2e9: {  	v14 =	vor.u32 $0x280, v23;
	v5 =	vld.idx.msk [tilespmem:v37+s1+$0x0], $0xffff  }
0x2ea: {  	v42 =	vor.u32 $0x280, v49;
	v7 =	vld.idx.msk [tilespmem:v38+s1+$0x0], $0xffff  }
0x2eb: {  	v43 =	vor.u32 $0x280, v54;
	v2 =	vld.idx.msk [tilespmem:v39+s1+$0x0], $0xffff  }
0x2ec: {  	v44 =	vor.u32 $0x280, v60;
	v8 =	vld.idx.msk [tilespmem:v40+s1+$0x0], $0xffff  }
0x2ed: {  	v45 =	vor.u32 $0x280, v31;
	v10 =	vld.idx.msk [tilespmem:v41+s1+$0x0], $0xffff  }
0x2ee: {  	v46 =	vor.u32 $0x280, v62;
	v14 =	vld.idx.msk [tilespmem:v14+s1+$0x0], $0xffff;
	v1 =	vadd.s32 v1, v5  }
0x2ef: {  	v47 =	vor.u32 $0x280, v21;
	v33 =	vld.idx.msk [tilespmem:v42+s1+$0x0], $0xffff;
	v1 =	vadd.s32 v7, v1  }
0x2f0: {  	v40 =	vor.u32 $0x280, v27;
	v34 =	vld.idx.msk [tilespmem:v43+s1+$0x0], $0xffff;
	v1 =	vadd.s32 v2, v1  }
0x2f1: {  	v41 =	vor.u32 $0x280, v50;
	v35 =	vld.idx.msk [tilespmem:v44+s1+$0x0], $0xffff;
	v1 =	vadd.s32 v8, v1  }
0x2f2: {  	v42 =	vor.u32 $0x280, v53;
	v36 =	vld.idx.msk [tilespmem:v45+s1+$0x0], $0xffff;
	v1 =	vadd.s32 v10, v1  }
0x2f3: {  	v43 =	vld.idx.msk [tilespmem:v46+s1+$0x0], $0xffff;
	v1 =	vadd.s32 v14, v1  }
0x2f4: {  	v5 =	vld.idx.msk [tilespmem:v47+s1+$0x0], $0xffff;
	v1 =	vadd.s32 v33, v1  }
0x2f5: {  	v7 =	vld.idx.msk [tilespmem:v40+s1+$0x0], $0xffff;
	v1 =	vadd.s32 v34, v1  }
0x2f6: {  	v44 =	vor.u32 $0x300, v20;
	v2 =	vld.idx.msk [tilespmem:v41+s1+$0x0], $0xffff;
	v14 =	vor.u32 $0x300, v12;
	v1 =	vadd.s32 v35, v1  }
0x2f7: {  	v45 =	vor.u32 $0x300, v59;
	v46 =	vor.u32 $0x300, v28;
	v8 =	vld.idx.msk [tilespmem:v42+s1+$0x0], $0xffff;
	v1 =	vadd.s32 v36, v1  }
0x2f8: {  	v38 =	vor.u32 $0x300, v61;
	v39 =	vor.u32 $0x300, v32;
	v1 =	vadd.s32 v43, v1  }
0x2f9: {  	v4 =	vadd.s32 v4, v6;
	v6 =	vor.u32 $0x300, v30;
	v1 =	vadd.s32 v5, v1  }
0x2fa: {  	v3 =	vadd.s32 v3, v4;
	v47 =	vor.u32 $0x300, v57;
	v1 =	vadd.s32 v7, v1  }
0x2fb: {  	v42 =	vand.u32 $0xFFFF, v9;
	v10 =	vor.u32 $0x300, v13;
	v41 =	vld.idx.msk [tilespmem:v14+s1+$0x0], $0xffff;
	v1 =	vadd.s32 v2, v1  }
0x2fc: {  	v43 =	vld.idx.msk [tilespmem:v44+s1+$0x0], $0xffff;
	v44 =	vshra.s32 v9, $0x10;
	v2 =	vcvt.s32.f32 v42;
	v1 =	vadd.s32 v8, v1  }
0x2fd: {  	v45 =	vld.idx.msk [tilespmem:v45+s1+$0x0], $0xffff;
	v8 =	vcvt.s32.f32 v44;
	v14 =	vand.u32 $0xFFFF, v1;
	v1 =	vshra.s32 v1, $0x10  }
0x2fe: {  	v33 =	vld.idx.msk [tilespmem:v46+s1+$0x0], $0xffff;
	v36 =	vor.u32 $0x300, v58;
	v14 =	vcvt.s32.f32 v14;
	v1 =	vcvt.s32.f32 v1  }
0x2ff: {  	v46 =	vor.u32 $0x300, v56;
	v35 =	vld.idx.msk [tilespmem:v47+s1+$0x0], $0xffff;
	v2 =	vmul.f32 $1.953125000e-03, v2;
	v47 =	vmul.f32 $1.953125000e-03, v8  }
0x300: {  	v3 =	vadd.s32 v41, v3;
	v14 =	vmul.f32 $1.953125000e-03, v14;
	v1 =	vmul.f32 $1.953125000e-03, v1  }
0x301: {  	v10 =	vld.idx.msk [tilespmem:v10+s1+$0x0], $0xffff;
	v3 =	vadd.s32 v43, v3;
	v2 =	vadd.f32 $-1.000000000e+00, v2;
	v43 =	vadd.f32 $-1.000000000e+00, v47  }
0x302: {  	v41 =	vld.idx.msk [tilespmem:v38+s1+$0x0], $0xffff;
	v3 =	vadd.s32 v45, v3;
	v45 =	vadd.f32 $-1.600000000e+01, v14;
	v1 =	vadd.f32 $-1.600000000e+01, v1  }
0x303: {  	v42 =	vor.u32 $0x300, v29;
	v36 =	vld.idx.msk [tilespmem:v36+s1+$0x0], $0xffff  }
0x304: {  	v40 =	vor.u32 $0x300, v11;
	v44 =	vld.idx.msk [tilespmem:v39+s1+$0x0], $0xffff;
	v4 =	vmul.f32 v45, v43;
	v1 =	vmul.f32 v1, v2  }
0x305: {  	v7 =	vld [tilespmem:s8+$0x300];
	v3 =	vadd.s32 v33, v3  }
0x306: {  	v6 =	vld.idx.msk [tilespmem:v6+s1+$0x0], $0xffff;
	v3 =	vadd.s32 v35, v3;
	v1 =	vsub.f32 v4, v1  }
0x307: {  	v34 =	vor.u32 $0x300, v51;
	v46 =	vld.idx.msk [tilespmem:v46+s1+$0x0], $0xffff;
	v3 =	vadd.s32 v41, v3  }
0x308: {  	v47 =	vld.idx.msk [tilespmem:v42+s1+$0x0], $0xffff;
	v35 =	vor.u32 $0x300, v19;
	v3 =	vadd.s32 v36, v3;
	v1 =	vmul.f32 $1.250000000e-01, v1  }
0x309: {  	v37 =	vor.u32 $0x300, v26;
	v33 =	vld.idx.msk [tilespmem:v40+s1+$0x0], $0xffff;
	v36 =	vor.u32 $0x300, v22;
	v3 =	vadd.s32 v44, v3  }
0x30a: {  	v38 =	vand.u32 $0xFFFF, v7;
	v7 =	vshra.s32 v7, $0x10;
	v3 =	vadd.s32 v10, v3;
	[tilespmem:s12+$0x1A400] =	vst v1  }
0x30b: {  	v39 =	vor.u32 $0x300, v52;
	v7 =	vcvt.s32.f32 v7;
	v3 =	vadd.s32 v6, v3;
	v10 =	vld [tilespmem:s11+$0x300]  }
0x30c: {  	v42 =	vor.u32 $0x300, v23;
	v41 =	vor.u32 $0x300, v24;
	v2 =	vadd.s32 v46, v3;
	v40 =	vld.idx.msk [tilespmem:v34+s1+$0x0], $0xffff  }
0x30d: {  	v7 =	vmul.f32 $1.953125000e-03, v7;
	v43 =	vor.u32 $0x300, v49;
	v2 =	vadd.s32 v47, v2;
	v9 =	vld.idx.msk [tilespmem:v35+s1+$0x0], $0xffff  }
0x30e: {  	v44 =	vor.u32 $0x300, v54;
	v3 =	vcvt.s32.f32 v38;
	v2 =	vadd.s32 v33, v2;
	v6 =	vld.idx.msk [tilespmem:v36+s1+$0x0], $0xffff  }
0x30f: {  	v45 =	vor.u32 $0x300, v60;
	v7 =	vadd.f32 $-1.000000000e+00, v7;
	v14 =	vand.u32 $0xFFFF, v2;
	v1 =	vld.idx.msk [tilespmem:v37+s1+$0x0], $0xffff  }
0x310: {  	v3 =	vmul.f32 $1.953125000e-03, v3;
	v2 =	vshra.s32 v2, $0x10;
	v14 =	vcvt.s32.f32 v14;
	v8 =	vld.idx.msk [tilespmem:v39+s1+$0x0], $0xffff  }
0x311: {  	v46 =	vor.u32 $0x300, v31;
	v47 =	vor.u32 $0x300, v62;
	v2 =	vcvt.s32.f32 v2;
	v5 =	vld.idx.msk [tilespmem:v41+s1+$0x0], $0xffff  }
0x312: {  	v3 =	vadd.f32 $-1.000000000e+00, v3;
	v33 =	vld.idx.msk [tilespmem:v42+s1+$0x0], $0xffff;
	v14 =	vmul.f32 $1.953125000e-03, v14;
	v4 =	vadd.s32 v40, v9  }
0x313: {  	v2 =	vmul.f32 $1.953125000e-03, v2;
	v9 =	vld.idx.msk [tilespmem:v43+s1+$0x0], $0xffff;
	v40 =	vor.u32 $0x300, v21;
	v4 =	vadd.s32 v6, v4  }
0x314: {  	v42 =	vor.u32 $0x300, v27;
	v41 =	vadd.f32 $-1.600000000e+01, v14;
	v14 =	vld.idx.msk [tilespmem:v44+s1+$0x0], $0xffff;
	v1 =	vadd.s32 v1, v4  }
0x315: {  	v2 =	vadd.f32 $-1.600000000e+01, v2;
	v44 =	vor.u32 $0x300, v50;
	v43 =	vld.idx.msk [tilespmem:v45+s1+$0x0], $0xffff;
	v1 =	vadd.s32 v8, v1  }
0x316: {  	v37 =	vld.idx.msk [tilespmem:v46+s1+$0x0], $0xffff;
	v45 =	vor.u32 $0x300, v53;
	v1 =	vadd.s32 v5, v1  }
0x317: {  	v47 =	vld.idx.msk [tilespmem:v47+s1+$0x0], $0xffff;
	v46 =	vmul.f32 v41, v7;
	v2 =	vmul.f32 v2, v3;
	v1 =	vadd.s32 v33, v1  }
0x318: {  	v33 =	vld.idx.msk [tilespmem:v40+s1+$0x0], $0xffff;
	v1 =	vadd.s32 v9, v1  }
0x319: {  	s14 =	sadd.s32 $0x1, s29;
	v34 =	vld.idx.msk [tilespmem:v42+s1+$0x0], $0xffff;
	v2 =	vsub.f32 v46, v2;
	v1 =	vadd.s32 v14, v1  }
0x31a: {  	s15 =	sand.u32 $0x7, s14;
	v15 =	vor.u32 $0x380, v59;
	v35 =	vor.u32 $0x380, v55;
	v38 =	vld.idx.msk [tilespmem:v44+s1+$0x0], $0xffff;
	v1 =	vadd.s32 v43, v1  }
0x31b: {  	s11 =	sshll.u32 s15, $0x4;
	v39 =	vor.u32 $0x380, v25;
	v2 =	vmul.f32 $1.250000000e-01, v2;
	v8 =	vld.idx.msk [tilespmem:v45+s1+$0x0], $0xffff;
	v1 =	vadd.s32 v37, v1  }
0x31c: {  	v63 =	vmovc v11;
	v59 =	vor.u32 $0x380, v13;
	s7 =	sadd.s32 s11, s7;
	v14 =	vor.u32 $0x380, v18;
	v1 =	vadd.s32 v47, v1  }
0x31d: {  	v13 =	vor.u32 $0x380, v63;
	s7 =	sor.u32 $0x380, s7;
	v41 =	vor.u32 $0x380, v20;
	[tilespmem:s6+$0x1A900] =	vst v2;
	v1 =	vadd.s32 v33, v1  }
0x31e: {  	v55 =	vor.u32 $0x380, v61;
	v61 =	vor.u32 $0x380, v30;
	v6 =	vld [tilespmem:s7+$0x0];
	v1 =	vadd.s32 v34, v1  }
0x31f: {  	v46 =	vshra.s32 v10, $0x10;
	v44 =	vand.u32 $0xFFFF, v10;
	v42 =	vld.idx.msk [tilespmem:v35+s1+$0x0], $0xffff;
	v1 =	vadd.s32 v38, v1  }
0x320: {  	v40 =	vor.u32 $0x380, v12;
	v45 =	vcvt.s32.f32 v44;
	v4 =	vld.idx.msk [tilespmem:v39+s1+$0x0], $0xffff;
	v1 =	vadd.s32 v8, v1  }
0x321: {  	v9 =	vcvt.s32.f32 v46;
	v47 =	vld.idx.msk [tilespmem:v14+s1+$0x0], $0xffff;
	v14 =	vand.u32 $0xFFFF, v1;
	v1 =	vshra.s32 v1, $0x10  }
0x322: {  	v12 =	vor.u32 $0x380, v28;
	v3 =	vld.idx.msk [tilespmem:v41+s1+$0x0], $0xffff;
	v14 =	vcvt.s32.f32 v14;
	v1 =	vcvt.s32.f32 v1  }
0x323: {  	v9 =	vmul.f32 $1.953125000e-03, v9;
	v15 =	vld.idx.msk [tilespmem:v15+s1+$0x0], $0xffff;
	v8 =	vmul.f32 $1.953125000e-03, v45  }
0x324: {  	v43 =	vor.u32 $0x380, v57;
	v39 =	vld.idx.msk [tilespmem:v61+s1+$0x0], $0xffff;
	v14 =	vmul.f32 $1.953125000e-03, v14;
	v1 =	vmul.f32 $1.953125000e-03, v1  }
0x325: {  	v57 =	vor.u32 $0x380, v58;
	v13 =	vld.idx.msk [tilespmem:v13+s1+$0x0], $0xffff;
	v9 =	vadd.f32 $-1.000000000e+00, v9;
	v8 =	vadd.f32 $-1.000000000e+00, v8  }
0x326: {  	v58 =	vor.u32 $0x380, v32;
	v2 =	vld.idx.msk [tilespmem:v40+s1+$0x0], $0xffff;
	v14 =	vadd.f32 $-1.600000000e+01, v14;
	v1 =	vadd.f32 $-1.600000000e+01, v1  }
0x327: {  	v32 =	vor.u32 $0x380, v29;
	v16 =	vld.idx.msk [tilespmem:v12+s1+$0x0], $0xffff  }
0x328: {  	v12 =	vor.u32 $0x380, v56;
	v33 =	vld.idx.msk [tilespmem:v55+s1+$0x0], $0xffff;
	v9 =	vmul.f32 v14, v9;
	v1 =	vmul.f32 v1, v8  }
0x329: {  	v7 =	vld.idx.msk [tilespmem:v43+s1+$0x0], $0xffff  }
0x32a: {  	s16 =	sadd.s32 $0x1, s14;
	v34 =	vld.idx.msk [tilespmem:v57+s1+$0x0], $0xffff;
	v1 =	vsub.f32 v9, v1  }
0x32b: {  	v20 =	vor.u32 $0x380, v51;
	s7 =	sand.u32 $0x7, s16;
	v38 =	vld.idx.msk [tilespmem:v58+s1+$0x0], $0xffff  }
0x32c: {  	v19 =	vor.u32 $0x380, v19;
	s7 =	sshll.u32 s7, $0x4;
	v11 =	vld.idx.msk [tilespmem:v32+s1+$0x0], $0xffff;
	v1 =	vmul.f32 $1.250000000e-01, v1  }
0x32d: {  	v22 =	vor.u32 $0x380, v22;
	s7 =	sadd.s32 s7, s9;
	v12 =	vld.idx.msk [tilespmem:v12+s1+$0x0], $0xffff  }
0x32e: {  	v40 =	vor.u32 $0x380, v26;
	s7 =	sor.u32 $0x380, s7;
	v14 =	vld.idx.msk [tilespmem:v59+s1+$0x0], $0xffff;
	[tilespmem:s12+$0x1A900] =	vst v1  }
0x32f: {  	v41 =	vor.u32 $0x380, v52;
	v4 =	vadd.s32 v42, v4;
	v0 =	vld [tilespmem:s7+$0x0]  }
0x330: {  	v4 =	vadd.s32 v47, v4;
	v42 =	vld.idx.msk [tilespmem:v20+s1+$0x0], $0xffff;
	v20 =	vor.u32 $0x380, v24  }
0x331: {  	v2 =	vadd.s32 v2, v4;
	v43 =	vld.idx.msk [tilespmem:v19+s1+$0x0], $0xffff;
	v19 =	vor.u32 $0x380, v23  }
0x332: {  	v18 =	vor.u32 $0x380, v49;
	v2 =	vadd.s32 v3, v2;
	v44 =	vld.idx.msk [tilespmem:v22+s1+$0x0], $0xffff  }
0x333: {  	v2 =	vadd.s32 v15, v2;
	v15 =	vor.u32 $0x380, v54;
	v1 =	vld.idx.msk [tilespmem:v40+s1+$0x0], $0xffff  }
0x334: {  	v2 =	vadd.s32 v16, v2;
	v16 =	vor.u32 $0x380, v60;
	v5 =	vld.idx.msk [tilespmem:v41+s1+$0x0], $0xffff  }
0x335: {  	v2 =	vadd.s32 v7, v2;
	v45 =	vld.idx.msk [tilespmem:v20+s1+$0x0], $0xffff;
	v20 =	vor.u32 $0x380, v31  }
0x336: {  	v48 =	vmovc v21;
	v21 =	vor.u32 $0x380, v62;
	v2 =	vadd.s32 v33, v2;
	v19 =	vld.idx.msk [tilespmem:v19+s1+$0x0], $0xffff;
	v4 =	vadd.s32 v42, v43  }
0x337: {  	v17 =	vor.u32 $0x380, v48;
	v2 =	vadd.s32 v34, v2;
	v46 =	vld.idx.msk [tilespmem:v18+s1+$0x0], $0xffff;
	v3 =	vadd.s32 v44, v4  }
0x338: {  	v48 =	vor.u32 $0x380, v27;
	v2 =	vadd.s32 v38, v2;
	v47 =	vld.idx.msk [tilespmem:v15+s1+$0x0], $0xffff;
	v1 =	vadd.s32 v1, v3  }
0x339: {  	v2 =	vadd.s32 v14, v2;
	v14 =	vor.u32 $0x380, v50;
	v49 =	vld.idx.msk [tilespmem:v16+s1+$0x0], $0xffff;
	v1 =	vadd.s32 v5, v1  }
0x33a: {  	v51 =	vor.u32 $0x380, v53;
	v50 =	vld.idx.msk [tilespmem:v20+s1+$0x0], $0xffff;
	v1 =	vadd.s32 v45, v1  }
0x33b: {  	v53 =	vand.u32 $0xFFFF, v6;
	v2 =	vadd.s32 v39, v2;
	v52 =	vld.idx.msk [tilespmem:v21+s1+$0x0], $0xffff;
	v1 =	vadd.s32 v19, v1  }
0x33c: {  	v55 =	vshra.s32 v6, $0x10;
	v2 =	vadd.s32 v12, v2;
	v12 =	vld.idx.msk [tilespmem:v17+s1+$0x0], $0xffff;
	v1 =	vadd.s32 v46, v1  }
0x33d: {  	v58 =	vcvt.s32.f32 v55;
	v8 =	vld.idx.msk [tilespmem:v48+s1+$0x0], $0xffff;
	v2 =	vadd.s32 v11, v2;
	v1 =	vadd.s32 v47, v1  }
0x33e: {  	v54 =	vcvt.s32.f32 v53;
	v2 =	vadd.s32 v13, v2;
	v57 =	vld.idx.msk [tilespmem:v14+s1+$0x0], $0xffff;
	v1 =	vadd.s32 v49, v1  }
0x33f: {  	v59 =	vld.idx.msk [tilespmem:v51+s1+$0x0], $0xffff;
	v56 =	vand.u32 $0xFFFF, v2;
	v2 =	vshra.s32 v2, $0x10;
	v1 =	vadd.s32 v50, v1  }
0x340: {  	v61 =	vmul.f32 $1.953125000e-03, v54;
	v2 =	vcvt.s32.f32 v2;
	v1 =	vadd.s32 v52, v1  }
0x341: {  	v60 =	vcvt.s32.f32 v56;
	v62 =	vand.u32 $0xFFFF, v0;
	v1 =	vadd.s32 v12, v1  }
0x342: {  	v32 =	vshra.s32 v0, $0x10;
	v2 =	vmul.f32 $1.953125000e-03, v2;
	v1 =	vadd.s32 v8, v1  }
0x343: {  	v63 =	vcvt.s32.f32 v62;
	v7 =	vcvt.s32.f32 v32;
	v1 =	vadd.s32 v57, v1  }
0x344: {  	v3 =	vmul.f32 $1.953125000e-03, v58;
	v5 =	vmul.f32 $1.953125000e-03, v60;
	v1 =	vadd.s32 v59, v1  }
0x345: {  	v4 =	vmul.f32 $1.953125000e-03, v63;
	v33 =	vand.u32 $0xFFFF, v1;
	v1 =	vshra.s32 v1, $0x10  }
0x346: {  	v6 =	vadd.f32 $-1.000000000e+00, v61;
	v8 =	vcvt.s32.f32 v33;
	v1 =	vcvt.s32.f32 v1  }
0x347: {  	v7 =	vmul.f32 $1.953125000e-03, v7;
	v2 =	vadd.f32 $-1.600000000e+01, v2;
	v3 =	vadd.f32 $-1.000000000e+00, v3  }
0x348: {  	v5 =	vadd.f32 $-1.600000000e+01, v5;
	v8 =	vmul.f32 $1.953125000e-03, v8;
	v1 =	vmul.f32 $1.953125000e-03, v1  }
0x349: {  	v4 =	vadd.f32 $-1.000000000e+00, v4;
	v7 =	vadd.f32 $-1.000000000e+00, v7  }
0x34a: {  	v8 =	vadd.f32 $-1.600000000e+01, v8;
	v1 =	vadd.f32 $-1.600000000e+01, v1  }
0x34b: {  	v2 =	vmul.f32 v2, v6;
	v3 =	vmul.f32 v5, v3  }
0x34c: {  	v34 =	vmul.f32 v8, v7;
	v1 =	vmul.f32 v1, v4  }
0x34d: {  	v2 =	vsub.f32 v3, v2  }
0x34e: {  	v1 =	vsub.f32 v34, v1  }
0x34f: {  	v2 =	vmul.f32 $1.250000000e-01, v2  }
0x350: {  	v1 =	vmul.f32 $1.250000000e-01, v1  }
0x351: {  	[tilespmem:s6+$0x1AE00] =	vst v2  }
0x352: {  	[tilespmem:s12+$0x1AE00] =	vst v1  }
0x353: {  	s6 =	simm.s32 $0x0;
	s17 =	rddreg [dreg:$0x5]  }
0x354: {  	[tilespmem:s30], [sflag:$0x3] =	stream.linear.gather [hbm4b:s17+s6], $0x4F00, $0x38;
	[tilespmem:$0x1B300] =	vst v63  }
0x355: {  	s19 =	simm.s32 $0x18B00;
	s18 =	rddreg [dreg:$0x6]  }
0x356: {  	[hbm4b:s18+s6] =	stream.linear.scatter [tilespmem:s19], [sflag:$0x4], $0x4F0, $0x38;
	[tilespmem:$0x1B300] =	vst v63  }
0x357: {  	s11 =	simm.s32 $0x19000;
	s9 =	rddreg [dreg:$0x7]  }
0x358: {  	[hbm4b:s9+s6] =	stream.linear.scatter [tilespmem:s11], [sflag:$0x4], $0x4F0, $0x38;
	[tilespmem:$0x1B300] =	vst v63  }
0x359: {  	s13 =	simm.s32 $0x19500;
	s12 =	rddreg [dreg:$0x8]  }
0x35a: {  	[hbm4b:s12+s6] =	stream.linear.scatter [tilespmem:s13], [sflag:$0x4], $0x4F0, $0x38;
	[tilespmem:$0x1B300] =	vst v63  }
0x35b: {  	s15 =	simm.s32 $0x19A00;
	s14 =	rddreg [dreg:$0x9]  }
0x35c: {  	[hbm4b:s14+s6] =	stream.linear.scatter [tilespmem:s15], [sflag:$0x4], $0x4F0, $0x38;
	[tilespmem:$0x1B300] =	vst v63  }
0x35d: {  	s16 =	rddreg [dreg:$0xa];
	s17 =	simm.s32 $0x19F00  }
0x35e: {  	[hbm4b:s16+s6] =	stream.linear.scatter [tilespmem:s17], [sflag:$0x4], $0x4F0, $0x38;
	[tilespmem:$0x1B300] =	vst v63  }
0x35f: {  	s18 =	rddreg [dreg:$0xb];
	s19 =	simm.s32 $0x1A400  }
0x360: {  	[hbm4b:s18+s6] =	stream.linear.scatter [tilespmem:s19], [sflag:$0x4], $0x4F0, $0x38;
	[tilespmem:$0x1B300] =	vst v63  }
0x361: {  	s9 =	rddreg [dreg:$0xc];
	s11 =	simm.s32 $0x1A900  }
0x362: {  	[hbm4b:s9+s6] =	stream.linear.scatter [tilespmem:s11], [sflag:$0x4], $0x4F0, $0x38;
	[tilespmem:$0x1B300] =	vst v63  }
0x363: {  	s12 =	rddreg [dreg:$0xd];
	s13 =	simm.s32 $0x1AE00  }
0x364: {  	[hbm4b:s12+s6] =	stream.linear.scatter [tilespmem:s13], [sflag:$0x4], $0x4F0, $0x38;
	[tilespmem:$0x1B300] =	vst v63  }
0x365: {  	_ =	swait.ge [sflag:s0], $0x4F00  }
0x366: {  	[sflag:s0] =	ssyncset.done $0x0  }
0x367: {  	[sflag:s0] =	ssyncadd.s32 $0xFFFFB100  }
0x368: {  	_ =	swait.ge [sflag:s4], $0x4F0  }
0x369: {  	[sflag:s4] =	ssyncset.done $0x0  }
0x36a: {  	[sflag:s4] =	ssyncadd.s32 $0xFFFFFB10  }
0x36b: {  	_ =	swait.ge [sflag:s4], $0x4F0  }
0x36c: {  	[sflag:s4] =	ssyncset.done $0x0  }
0x36d: {  	[sflag:s4] =	ssyncadd.s32 $0xFFFFFB10  }
0x36e: {  	_ =	swait.ge [sflag:s4], $0x4F0  }
0x36f: {  	[sflag:s4] =	ssyncset.done $0x0  }
0x370: {  	[sflag:s4] =	ssyncadd.s32 $0xFFFFFB10  }
0x371: {  	_ =	swait.ge [sflag:s4], $0x4F0  }
0x372: {  	[sflag:s4] =	ssyncset.done $0x0  }
0x373: {  	[sflag:s4] =	ssyncadd.s32 $0xFFFFFB10  }
0x374: {  	_ =	swait.ge [sflag:s4], $0x4F0  }
0x375: {  	[sflag:s4] =	ssyncset.done $0x0  }
0x376: {  	[sflag:s4] =	ssyncadd.s32 $0xFFFFFB10  }
0x377: {  	_ =	swait.ge [sflag:s4], $0x4F0  }
0x378: {  	[sflag:s4] =	ssyncset.done $0x0  }
0x379: {  	[sflag:s4] =	ssyncadd.s32 $0xFFFFFB10  }
0x37a: {  	_ =	swait.ge [sflag:s4], $0x4F0  }
0x37b: {  	v0 =	vld [tilespmem:$0x1FFF0];
	_ =	sdelay $0x3  }
0x37c: {  	s14 =	simm.s32 $0xF  }
0x37d: {  	s15 =	simm.s32 $0xE;
	[sflag:s4] =	ssyncset.done $0x0;
	v35 =	vor.u32 s14, v0  }
0x37e: {  	s16 =	simm.s32 $0xD;
	[sflag:s4] =	ssyncadd.s32 $0xFFFFFB10;
	v36 =	vor.u32 s15, v0  }
0x37f: {  	s17 =	simm.s32 $0xC;
	_ =	swait.ge [sflag:s4], $0x4F0;
	v37 =	vor.u32 s16, v0  }
0x380: {  	s18 =	simm.s32 $0xB;
	[sflag:s4] =	ssyncset.done $0x0;
	v38 =	vor.u32 s17, v0  }
0x381: {  	s19 =	simm.s32 $0xA;
	[sflag:s4] =	ssyncadd.s32 $0xFFFFFB10;
	v39 =	vor.u32 s18, v0  }
0x382: {  	s7 =	simm.s32 $0x9;
	v40 =	vor.u32 s19, v0;
	v1 =	vld.idx.msk [tilespmem:v35+s30+$0x0], $0xffff  }
0x383: {  	s8 =	simm.s32 $0x8;
	v41 =	vor.u32 s7, v0;
	v2 =	vld.idx.msk [tilespmem:v36+s30+$0x0], $0xffff  }
0x384: {  	s9 =	simm.s32 $0x7;
	v42 =	vor.u32 s8, v0;
	v3 =	vld.idx.msk [tilespmem:v37+s30+$0x0], $0xffff  }
0x385: {  	s11 =	simm.s32 $0x6;
	v43 =	vor.u32 s9, v0;
	v4 =	vld.idx.msk [tilespmem:v38+s30+$0x0], $0xffff  }
0x386: {  	s12 =	simm.s32 $0x5;
	v44 =	vor.u32 s11, v0;
	v5 =	vld.idx.msk [tilespmem:v39+s30+$0x0], $0xffff  }
0x387: {  	s13 =	simm.s32 $0x4;
	v45 =	vor.u32 s12, v0;
	v6 =	vld.idx.msk [tilespmem:v40+s30+$0x0], $0xffff  }
0x388: {  	s14 =	simm.s32 $0x3;
	v12 =	vor.u32 s13, v0;
	v7 =	vld.idx.msk [tilespmem:v41+s30+$0x0], $0xffff  }
0x389: {  	s15 =	simm.s32 $0x2;
	v13 =	vor.u32 s14, v0;
	v8 =	vld.idx.msk [tilespmem:v42+s30+$0x0], $0xffff  }
0x38a: {  	s16 =	simm.s32 $0x0;
	v14 =	vor.u32 s15, v0;
	v9 =	vld.idx.msk [tilespmem:v43+s30+$0x0], $0xffff  }
0x38b: {  	s17 =	simm.s32 $0x1;
	v15 =	vor.u32 s16, v0;
	v10 =	vld.idx.msk [tilespmem:v44+s30+$0x0], $0xffff  }
0x38c: {  	v16 =	vor.u32 s17, v0;
	v11 =	vld.idx.msk [tilespmem:v45+s30+$0x0], $0xffff  }
0x38d: {  	v12 =	vld.idx.msk [tilespmem:v12+s30+$0x0], $0xffff  }
0x38e: {  	v13 =	vld.idx.msk [tilespmem:v13+s30+$0x0], $0xffff  }
0x38f: {  	v14 =	vld.idx.msk [tilespmem:v14+s30+$0x0], $0xffff;
	v17 =	vand.u32 $0x7F, v1  }
0x390: {  	v15 =	vld.idx.msk [tilespmem:v15+s30+$0x0], $0xffff;
	v1 =	vshll.u32 v1, $0x3;
	v18 =	vand.u32 $0x7F, v2;
	v19 =	vand.u32 $0x7F, v3  }
0x391: {  	v16 =	vld.idx.msk [tilespmem:v16+s30+$0x0], $0xffff;
	v2 =	vshll.u32 v2, $0x3;
	v20 =	vand.u32 $0x7F, v4;
	v3 =	vshll.u32 v3, $0x3  }
0x392: {  	v25 =	vand.u32 $0x7F, v5;
	v28 =	vand.u32 $0x7F, v6;
	v27 =	vand.u32 $0x7F, v7  }
0x393: {  	v30 =	vand.u32 $0x7F, v8;
	v26 =	vand.u32 $0x7F, v9;
	v31 =	vand.u32 $0x7F, v10  }
0x394: {  	v46 =	vand.u32 $0x7F, v11;
	v29 =	vand.u32 $0x7F, v12;
	v21 =	vand.u32 $0x7F, v13  }
0x395: {  	v24 =	vand.u32 $0x7F, v14;
	v22 =	vand.u32 $0x7F, v15;
	v15 =	vshll.u32 v15, $0x3  }
0x396: {  	v23 =	vand.u32 $0x7F, v16;
	v16 =	vshll.u32 v16, $0x3;
	v15 =	vand.u32 $0xFFFFFC00, v15  }
0x397: {  	v14 =	vshll.u32 v14, $0x3;
	v16 =	vand.u32 $0xFFFFFC00, v16;
	v22 =	vor.u32 v22, v15  }
0x398: {  	v13 =	vshll.u32 v13, $0x3;
	v14 =	vand.u32 $0xFFFFFC00, v14;
	v23 =	vor.u32 v23, v16  }
0x399: {  	s18 =	sand.u32 $0x70, s3;
	s19 =	sand.u32 $0x7FFFFC00, s28;
	v12 =	vshll.u32 v12, $0x3;
	v13 =	vand.u32 $0xFFFFFC00, v13;
	v24 =	vor.u32 v24, v14  }
0x39a: {  	s9 =	sor.u32 s18, s19;
	v11 =	vshll.u32 v11, $0x3;
	v12 =	vand.u32 $0xFFFFFC00, v12;
	v21 =	vor.u32 v21, v13  }
0x39b: {  	v10 =	vshll.u32 v10, $0x3;
	v11 =	vand.u32 $0xFFFFFC00, v11;
	v29 =	vor.u32 v29, v12;
	v12 =	vld [tilespmem:s9+$0x0]  }
0x39c: {  	v9 =	vshll.u32 v9, $0x3;
	v10 =	vand.u32 $0xFFFFFC00, v10;
	v32 =	vor.u32 v46, v11;
	v47 =	vld.idx.msk [tilespmem:v22+s1+$0x0], $0xffff  }
0x39d: {  	v8 =	vshll.u32 v8, $0x3;
	v9 =	vand.u32 $0xFFFFFC00, v9;
	v31 =	vor.u32 v31, v10;
	v48 =	vld.idx.msk [tilespmem:v23+s1+$0x0], $0xffff  }
0x39e: {  	v7 =	vshll.u32 v7, $0x3;
	v8 =	vand.u32 $0xFFFFFC00, v8;
	v26 =	vor.u32 v26, v9;
	v49 =	vld.idx.msk [tilespmem:v24+s1+$0x0], $0xffff  }
0x39f: {  	v6 =	vshll.u32 v6, $0x3;
	v7 =	vand.u32 $0xFFFFFC00, v7;
	v30 =	vor.u32 v30, v8;
	v13 =	vld.idx.msk [tilespmem:v21+s1+$0x0], $0xffff  }
0x3a0: {  	v5 =	vshll.u32 v5, $0x3;
	v6 =	vand.u32 $0xFFFFFC00, v6;
	v27 =	vor.u32 v27, v7;
	v50 =	vld.idx.msk [tilespmem:v29+s1+$0x0], $0xffff  }
0x3a1: {  	v4 =	vshll.u32 v4, $0x3;
	v5 =	vand.u32 $0xFFFFFC00, v5;
	v28 =	vor.u32 v28, v6;
	v51 =	vld.idx.msk [tilespmem:v32+s1+$0x0], $0xffff  }
0x3a2: {  	v4 =	vand.u32 $0xFFFFFC00, v4;
	v25 =	vor.u32 v25, v5;
	v52 =	vld.idx.msk [tilespmem:v31+s1+$0x0], $0xffff;
	v53 =	vadd.s32 v47, v48  }
0x3a3: {  	v3 =	vand.u32 $0xFFFFFC00, v3;
	v20 =	vor.u32 v20, v4;
	v54 =	vld.idx.msk [tilespmem:v26+s1+$0x0], $0xffff;
	v5 =	vadd.s32 v49, v53  }
0x3a4: {  	v2 =	vand.u32 $0xFFFFFC00, v2;
	v19 =	vor.u32 v19, v3;
	v55 =	vld.idx.msk [tilespmem:v30+s1+$0x0], $0xffff;
	v56 =	vadd.s32 v13, v5  }
0x3a5: {  	v1 =	vand.u32 $0xFFFFFC00, v1;
	v18 =	vor.u32 v18, v2;
	v57 =	vld.idx.msk [tilespmem:v27+s1+$0x0], $0xffff;
	v3 =	vadd.s32 v50, v56  }
0x3a6: {  	v17 =	vor.u32 v17, v1;
	v58 =	vld.idx.msk [tilespmem:v28+s1+$0x0], $0xffff;
	v59 =	vadd.s32 v51, v3  }
0x3a7: {  	v60 =	vld.idx.msk [tilespmem:v25+s1+$0x0], $0xffff;
	v1 =	vadd.s32 v52, v59  }
0x3a8: {  	v61 =	vld.idx.msk [tilespmem:v20+s1+$0x0], $0xffff;
	v1 =	vadd.s32 v54, v1  }
0x3a9: {  	v62 =	vld.idx.msk [tilespmem:v19+s1+$0x0], $0xffff;
	v1 =	vadd.s32 v55, v1  }
0x3aa: {  	v63 =	vld.idx.msk [tilespmem:v18+s1+$0x0], $0xffff;
	v1 =	vadd.s32 v57, v1  }
0x3ab: {  	v9 =	vld.idx.msk [tilespmem:v17+s1+$0x0], $0xffff;
	v1 =	vadd.s32 v58, v1  }
0x3ac: {  	v1 =	vadd.s32 v60, v1  }
0x3ad: {  	v1 =	vadd.s32 v61, v1  }
0x3ae: {  	v1 =	vadd.s32 v62, v1  }
0x3af: {  	v11 =	vshra.s32 v12, $0x10;
	v1 =	vadd.s32 v63, v1  }
0x3b0: {  	v10 =	vand.u32 $0xFFFF, v12;
	v33 =	vcvt.s32.f32 v11;
	v1 =	vadd.s32 v9, v1  }
0x3b1: {  	v3 =	vcvt.s32.f32 v10;
	v34 =	vand.u32 $0xFFFF, v1;
	v1 =	vshra.s32 v1, $0x10  }
0x3b2: {  	v4 =	vcvt.s32.f32 v34;
	v1 =	vcvt.s32.f32 v1  }
0x3b3: {  	v2 =	vmul.f32 $1.953125000e-03, v33;
	v3 =	vmul.f32 $1.953125000e-03, v3  }
0x3b4: {  	v4 =	vmul.f32 $1.953125000e-03, v4;
	v1 =	vmul.f32 $1.953125000e-03, v1  }
0x3b5: {  	v2 =	vadd.f32 $-1.000000000e+00, v2;
	v3 =	vadd.f32 $-1.000000000e+00, v3  }
0x3b6: {  	v4 =	vadd.f32 $-1.600000000e+01, v4;
	v1 =	vadd.f32 $-1.600000000e+01, v1;
	_ =	sdelay $0x1  }
0x3b7: {  	v2 =	vmul.f32 v4, v2;
	v1 =	vmul.f32 v1, v3;
	_ =	sdelay $0x1  }
0x3b8: {  	v1 =	vsub.f32 v2, v1  }
0x3b9: {  	v35 =	vor.u32 $0x80, v22  }
0x3ba: {  	v36 =	vor.u32 $0x80, v23;
	v1 =	vmul.f32 $1.250000000e-01, v1  }
0x3bb: {  	s29 =	simm.s32 $0x0;
	v37 =	vor.u32 $0x80, v24  }
0x3bc: {  	v38 =	vor.u32 $0x80, v21;
	[tilespmem:s29+$0x18B00] =	vst v1  }
0x3bd: {  	v39 =	vor.u32 $0x80, v29;
	v40 =	vld [tilespmem:s9+$0x80]  }
0x3be: {  	v41 =	vor.u32 $0x80, v32;
	v2 =	vld.idx.msk [tilespmem:v35+s1+$0x0], $0xffff  }
0x3bf: {  	v42 =	vor.u32 $0x80, v31;
	v3 =	vld.idx.msk [tilespmem:v36+s1+$0x0], $0xffff  }
0x3c0: {  	v43 =	vor.u32 $0x80, v26;
	v4 =	vld.idx.msk [tilespmem:v37+s1+$0x0], $0xffff  }
0x3c1: {  	v44 =	vor.u32 $0x80, v30;
	v1 =	vld.idx.msk [tilespmem:v38+s1+$0x0], $0xffff  }
0x3c2: {  	v45 =	vor.u32 $0x80, v27;
	v5 =	vld.idx.msk [tilespmem:v39+s1+$0x0], $0xffff  }
0x3c3: {  	v12 =	vor.u32 $0x80, v28;
	v7 =	vld.idx.msk [tilespmem:v41+s1+$0x0], $0xffff  }
0x3c4: {  	v13 =	vor.u32 $0x80, v25;
	v8 =	vld.idx.msk [tilespmem:v42+s1+$0x0], $0xffff;
	v2 =	vadd.s32 v2, v3  }
0x3c5: {  	v46 =	vor.u32 $0x80, v20;
	v9 =	vld.idx.msk [tilespmem:v43+s1+$0x0], $0xffff;
	v2 =	vadd.s32 v4, v2  }
0x3c6: {  	v48 =	vor.u32 $0x80, v19;
	v47 =	vld.idx.msk [tilespmem:v44+s1+$0x0], $0xffff;
	v1 =	vadd.s32 v1, v2  }
0x3c7: {  	v49 =	vor.u32 $0x80, v18;
	v11 =	vld.idx.msk [tilespmem:v45+s1+$0x0], $0xffff;
	v1 =	vadd.s32 v5, v1  }
0x3c8: {  	v50 =	vld.idx.msk [tilespmem:v12+s1+$0x0], $0xffff;
	v12 =	vor.u32 $0x80, v17;
	v1 =	vadd.s32 v7, v1  }
0x3c9: {  	v51 =	vld.idx.msk [tilespmem:v13+s1+$0x0], $0xffff;
	v1 =	vadd.s32 v8, v1  }
0x3ca: {  	v3 =	vld.idx.msk [tilespmem:v46+s1+$0x0], $0xffff;
	v1 =	vadd.s32 v9, v1  }
0x3cb: {  	v52 =	vld.idx.msk [tilespmem:v48+s1+$0x0], $0xffff;
	v1 =	vadd.s32 v47, v1  }
0x3cc: {  	v2 =	vld.idx.msk [tilespmem:v49+s1+$0x0], $0xffff;
	v1 =	vadd.s32 v11, v1  }
0x3cd: {  	v53 =	vld.idx.msk [tilespmem:v12+s1+$0x0], $0xffff;
	v1 =	vadd.s32 v50, v1  }
0x3ce: {  	v1 =	vadd.s32 v51, v1  }
0x3cf: {  	v1 =	vadd.s32 v3, v1  }
0x3d0: {  	v1 =	vadd.s32 v52, v1  }
0x3d1: {  	v55 =	vshra.s32 v40, $0x10;
	v1 =	vadd.s32 v2, v1  }
0x3d2: {  	v54 =	vand.u32 $0xFFFF, v40;
	v3 =	vcvt.s32.f32 v55;
	v1 =	vadd.s32 v53, v1  }
0x3d3: {  	v2 =	vcvt.s32.f32 v54;
	v4 =	vand.u32 $0xFFFF, v1;
	v1 =	vshra.s32 v1, $0x10  }
0x3d4: {  	v4 =	vcvt.s32.f32 v4;
	v1 =	vcvt.s32.f32 v1  }
0x3d5: {  	v3 =	vmul.f32 $1.953125000e-03, v3;
	v2 =	vmul.f32 $1.953125000e-03, v2  }
0x3d6: {  	v4 =	vmul.f32 $1.953125000e-03, v4;
	v1 =	vmul.f32 $1.953125000e-03, v1  }
0x3d7: {  	v3 =	vadd.f32 $-1.000000000e+00, v3;
	v2 =	vadd.f32 $-1.000000000e+00, v2  }
0x3d8: {  	v4 =	vadd.f32 $-1.600000000e+01, v4;
	v1 =	vadd.f32 $-1.600000000e+01, v1;
	_ =	sdelay $0x1  }
0x3d9: {  	v3 =	vmul.f32 v4, v3;
	v1 =	vmul.f32 v1, v2;
	_ =	sdelay $0x1  }
0x3da: {  	v56 =	vor.u32 $0x100, v22;
	v1 =	vsub.f32 v3, v1  }
0x3db: {  	v57 =	vor.u32 $0x100, v23  }
0x3dc: {  	v58 =	vor.u32 $0x100, v24;
	v1 =	vmul.f32 $1.250000000e-01, v1  }
0x3dd: {  	v59 =	vor.u32 $0x100, v21  }
0x3de: {  	v60 =	vor.u32 $0x100, v29;
	[tilespmem:s29+$0x19000] =	vst v1  }
0x3df: {  	v61 =	vor.u32 $0x100, v32;
	v2 =	vld.idx.msk [tilespmem:v56+s1+$0x0], $0xffff  }
0x3e0: {  	v62 =	vor.u32 $0x100, v31;
	v3 =	vld.idx.msk [tilespmem:v57+s1+$0x0], $0xffff  }
0x3e1: {  	v63 =	vor.u32 $0x100, v26;
	v4 =	vld.idx.msk [tilespmem:v58+s1+$0x0], $0xffff  }
0x3e2: {  	v33 =	vor.u32 $0x100, v30;
	v5 =	vld.idx.msk [tilespmem:v59+s1+$0x0], $0xffff  }
0x3e3: {  	v34 =	vor.u32 $0x100, v27;
	v1 =	vld.idx.msk [tilespmem:v60+s1+$0x0], $0xffff  }
0x3e4: {  	v35 =	vor.u32 $0x100, v28;
	v6 =	vld.idx.msk [tilespmem:v61+s1+$0x0], $0xffff  }
0x3e5: {  	v12 =	vor.u32 $0x100, v25;
	v7 =	vld.idx.msk [tilespmem:v62+s1+$0x0], $0xffff  }
0x3e6: {  	v8 =	vld.idx.msk [tilespmem:v63+s1+$0x0], $0xffff;
	v2 =	vadd.s32 v2, v3  }
0x3e7: {  	v36 =	vor.u32 $0x100, v20;
	v9 =	vld.idx.msk [tilespmem:v33+s1+$0x0], $0xffff;
	v2 =	vadd.s32 v4, v2  }
0x3e8: {  	v37 =	vor.u32 $0x100, v19;
	v10 =	vld.idx.msk [tilespmem:v34+s1+$0x0], $0xffff;
	v2 =	vadd.s32 v5, v2  }
0x3e9: {  	v38 =	vor.u32 $0x100, v18;
	v11 =	vld.idx.msk [tilespmem:v35+s1+$0x0], $0xffff;
	v1 =	vadd.s32 v1, v2  }
0x3ea: {  	v39 =	vor.u32 $0x100, v17;
	v40 =	vld.idx.msk [tilespmem:v12+s1+$0x0], $0xffff;
	v1 =	vadd.s32 v6, v1  }
0x3eb: {  	v42 =	vld [tilespmem:s9+$0x100];
	v1 =	vadd.s32 v7, v1  }
0x3ec: {  	v3 =	vld.idx.msk [tilespmem:v36+s1+$0x0], $0xffff;
	v1 =	vadd.s32 v8, v1  }
0x3ed: {  	v4 =	vld.idx.msk [tilespmem:v37+s1+$0x0], $0xffff;
	v1 =	vadd.s32 v9, v1  }
0x3ee: {  	s8 =	simm.s32 $0x10F;
	s11 =	simm.s32 $0x10E;
	v5 =	vld.idx.msk [tilespmem:v38+s1+$0x0], $0xffff;
	v1 =	vadd.s32 v10, v1  }
0x3ef: {  	s12 =	simm.s32 $0x10D;
	v41 =	vor.u32 s8, v0;
	v43 =	vor.u32 s11, v0;
	s11 =	simm.s32 $0x103;
	v2 =	vld.idx.msk [tilespmem:v39+s1+$0x0], $0xffff;
	v1 =	vadd.s32 v11, v1  }
0x3f0: {  	v44 =	vor.u32 s12, v0;
	s12 =	simm.s32 $0x100;
	v53 =	vor.u32 s11, v0;
	v1 =	vadd.s32 v40, v1  }
0x3f1: {  	s14 =	simm.s32 $0x10C;
	s17 =	simm.s32 $0x108;
	v54 =	vor.u32 s12, v0;
	v1 =	vadd.s32 v3, v1  }
0x3f2: {  	s8 =	simm.s32 $0x104;
	v46 =	vor.u32 s14, v0;
	v12 =	vor.u32 s17, v0;
	v1 =	vadd.s32 v4, v1  }
0x3f3: {  	v52 =	vor.u32 s8, v0;
	v50 =	vand.u32 $0xFFFF, v42;
	v1 =	vadd.s32 v5, v1  }
0x3f4: {  	v49 =	vld.idx.msk [tilespmem:v41+s30+$0x0], $0xffff;
	v7 =	vcvt.s32.f32 v50;
	v8 =	vshra.s32 v42, $0x10;
	v1 =	vadd.s32 v2, v1  }
0x3f5: {  	s16 =	simm.s32 $0x109;
	v34 =	vld.idx.msk [tilespmem:v53+s30+$0x0], $0xffff;
	v8 =	vcvt.s32.f32 v8;
	v51 =	vand.u32 $0xFFFF, v1;
	v1 =	vshra.s32 v1, $0x10  }
0x3f6: {  	v48 =	vor.u32 s16, v0;
	v35 =	vld.idx.msk [tilespmem:v54+s30+$0x0], $0xffff;
	v11 =	vcvt.s32.f32 v51;
	v1 =	vcvt.s32.f32 v1  }
0x3f7: {  	s13 =	simm.s32 $0x10B;
	v12 =	vld.idx.msk [tilespmem:v12+s30+$0x0], $0xffff;
	v7 =	vmul.f32 $1.953125000e-03, v7;
	v8 =	vmul.f32 $1.953125000e-03, v8  }
0x3f8: {  	s15 =	simm.s32 $0x10A;
	v45 =	vor.u32 s13, v0;
	v38 =	vld.idx.msk [tilespmem:v52+s30+$0x0], $0xffff;
	v11 =	vmul.f32 $1.953125000e-03, v11;
	v1 =	vmul.f32 $1.953125000e-03, v1  }
0x3f9: {  	s18 =	simm.s32 $0x107;
	v47 =	vor.u32 s15, v0;
	v6 =	vld.idx.msk [tilespmem:v43+s30+$0x0], $0xffff;
	v7 =	vadd.f32 $-1.000000000e+00, v7;
	v8 =	vadd.f32 $-1.000000000e+00, v8  }
0x3fa: {  	s19 =	simm.s32 $0x106;
	v13 =	vor.u32 s18, v0;
	v9 =	vld.idx.msk [tilespmem:v46+s30+$0x0], $0xffff;
	v11 =	vadd.f32 $-1.600000000e+01, v11;
	v1 =	vadd.f32 $-1.600000000e+01, v1  }
0x3fb: {  	v14 =	vor.u32 s19, v0;
	s13 =	simm.s32 $0x101;
	v10 =	vld.idx.msk [tilespmem:v48+s30+$0x0], $0xffff  }
0x3fc: {  	s7 =	simm.s32 $0x105;
	v55 =	vor.u32 s13, v0;
	v3 =	vld.idx.msk [tilespmem:v44+s30+$0x0], $0xffff;
	v8 =	vmul.f32 v11, v8;
	v1 =	vmul.f32 v1, v7  }
0x3fd: {  	v15 =	vor.u32 s7, v0;
	v16 =	vand.u32 $0x7F, v49;
	v56 =	vor.u32 $0x180, v22;
	v4 =	vld.idx.msk [tilespmem:v45+s30+$0x0], $0xffff  }
0x3fe: {  	v57 =	vor.u32 $0x180, v23;
	v58 =	vor.u32 $0x180, v24;
	v5 =	vld.idx.msk [tilespmem:v47+s30+$0x0], $0xffff;
	v1 =	vsub.f32 v8, v1  }
0x3ff: {  	v59 =	vor.u32 $0x180, v21;
	v60 =	vor.u32 $0x180, v29;
	v63 =	vor.u32 $0x180, v32;
	v7 =	vld.idx.msk [tilespmem:v13+s30+$0x0], $0xffff  }
0x400: {  	s14 =	simm.s32 $0x102;
	v54 =	vor.u32 $0x180, v31;
	v53 =	vor.u32 $0x180, v19;
	v13 =	vld.idx.msk [tilespmem:v14+s30+$0x0], $0xffff;
	v1 =	vmul.f32 $1.250000000e-01, v1  }
0x401: {  	v37 =	vor.u32 s14, v0;
	v61 =	vand.u32 $0x7F, v9;
	v9 =	vshll.u32 v9, $0x3;
	v11 =	vld.idx.msk [tilespmem:v55+s30+$0x0], $0xffff  }
0x402: {  	v48 =	vor.u32 $0x180, v30;
	v47 =	vand.u32 $0x7F, v10;
	v9 =	vand.u32 $0xFFFFFC00, v9;
	v8 =	vld.idx.msk [tilespmem:v15+s30+$0x0], $0xffff;
	[tilespmem:s29+$0x19500] =	vst v1  }
0x403: {  	v2 =	vshll.u32 v49, $0x3;
	v49 =	vand.u32 $0x7F, v12;
	v12 =	vshll.u32 v12, $0x3;
	v62 =	vld.idx.msk [tilespmem:v56+s1+$0x0], $0xffff  }
0x404: {  	v10 =	vshll.u32 v10, $0x3;
	v33 =	vand.u32 $0xFFFFFC00, v2;
	v12 =	vand.u32 $0xFFFFFC00, v12;
	v39 =	vld.idx.msk [tilespmem:v57+s1+$0x0], $0xffff  }
0x405: {  	v42 =	vshll.u32 v3, $0x3;
	v12 =	vor.u32 v49, v12;
	v55 =	vor.u32 $0x180, v26;
	v40 =	vld.idx.msk [tilespmem:v58+s1+$0x0], $0xffff  }
0x406: {  	v43 =	vand.u32 $0x7F, v4;
	v4 =	vshll.u32 v4, $0x3;
	v42 =	vand.u32 $0xFFFFFC00, v42;
	v2 =	vld.idx.msk [tilespmem:v59+s1+$0x0], $0xffff  }
0x407: {  	v45 =	vand.u32 $0x7F, v5;
	v5 =	vshll.u32 v5, $0x3;
	v14 =	vand.u32 $0x7F, v6;
	v60 =	vld.idx.msk [tilespmem:v60+s1+$0x0], $0xffff  }
0x408: {  	v6 =	vshll.u32 v6, $0x3;
	v15 =	vand.u32 $0x7F, v3;
	v50 =	vand.u32 $0x7F, v7;
	v36 =	vld.idx.msk [tilespmem:v63+s1+$0x0], $0xffff  }
0x409: {  	v59 =	vor.u32 v61, v9;
	v61 =	vor.u32 $0x180, v27;
	v44 =	vld.idx.msk [tilespmem:v54+s1+$0x0], $0xffff;
	v3 =	vadd.s32 v62, v39  }
0x40a: {  	v41 =	vand.u32 $0x7F, v13;
	v7 =	vshll.u32 v7, $0x3;
	v46 =	vld.idx.msk [tilespmem:v55+s1+$0x0], $0xffff;
	v3 =	vadd.s32 v40, v3  }
0x40b: {  	v13 =	vshll.u32 v13, $0x3;
	v62 =	vor.u32 $0x180, v28;
	v2 =	vadd.s32 v2, v3  }
0x40c: {  	v37 =	vld.idx.msk [tilespmem:v37+s30+$0x0], $0xffff;
	v63 =	vor.u32 $0x180, v25;
	v52 =	vand.u32 $0x7F, v8;
	v2 =	vadd.s32 v60, v2  }
0x40d: {  	v55 =	vld.idx.msk [tilespmem:v48+s1+$0x0], $0xffff;
	v48 =	vand.u32 $0x7F, v38;
	v8 =	vshll.u32 v8, $0x3;
	v2 =	vadd.s32 v36, v2  }
0x40e: {  	v56 =	vand.u32 $0x7F, v35;
	v57 =	vand.u32 $0x7F, v11;
	v9 =	vld.idx.msk [tilespmem:v61+s1+$0x0], $0xffff;
	v2 =	vadd.s32 v44, v2  }
0x40f: {  	v11 =	vshll.u32 v11, $0x3;
	v2 =	vadd.s32 v46, v2;
	v46 =	vor.u32 $0x180, v20  }
0x410: {  	v35 =	vshll.u32 v35, $0x3;
	v38 =	vshll.u32 v38, $0x3;
	v58 =	vand.u32 $0xFFFFFC00, v11;
	v39 =	vld.idx.msk [tilespmem:v62+s1+$0x0], $0xffff  }
0x411: {  	v35 =	vand.u32 $0xFFFFFC00, v35;
	v57 =	vor.u32 v57, v58;
	v61 =	vor.u32 $0x180, v18  }
0x412: {  	v58 =	vand.u32 $0x7F, v34;
	v40 =	vld.idx.msk [tilespmem:v63+s1+$0x0], $0xffff;
	v62 =	vor.u32 $0x180, v17;
	v51 =	vadd.s32 v55, v2  }
0x413: {  	v63 =	vand.u32 $0x7F, v37;
	v37 =	vshll.u32 v37, $0x3;
	v9 =	vadd.s32 v9, v51;
	v51 =	vld.idx.msk [tilespmem:v53+s1+$0x0], $0xffff  }
0x414: {  	v34 =	vshll.u32 v34, $0x3;
	v37 =	vand.u32 $0xFFFFFC00, v37;
	v60 =	vor.u32 v56, v35;
	v1 =	vld.idx.msk [tilespmem:v46+s1+$0x0], $0xffff  }
0x415: {  	v35 =	vand.u32 $0xFFFFFC00, v38;
	v38 =	vand.u32 $0xFFFFFC00, v34;
	v9 =	vadd.s32 v39, v9;
	v39 =	vld [tilespmem:s9+$0x180]  }
0x416: {  	v54 =	vand.u32 $0xFFFFFC00, v4;
	v63 =	vor.u32 v63, v37;
	v56 =	vor.u32 v58, v38;
	v11 =	vld.idx.msk [tilespmem:v61+s1+$0x0], $0xffff  }
0x417: {  	s7 =	sadd.s32 $0x80, s28;
	s11 =	sadd.s32 $0x10, s3;
	v3 =	vor.u32 v48, v35;
	v55 =	vand.u32 $0xFFFFFC00, v10;
	v53 =	vand.u32 $0xFFFFFC00, v5;
	v10 =	vld.idx.msk [tilespmem:v62+s1+$0x0], $0xffff  }
0x418: {  	s16 =	sand.u32 $0x7FFFFC00, s7;
	s15 =	sand.u32 $0x70, s11;
	v5 =	vand.u32 $0xFFFFFC00, v13;
	v13 =	vand.u32 $0xFFFFFC00, v8;
	v9 =	vadd.s32 v40, v9  }
0x419: {  	s8 =	sor.u32 s15, s16;
	v2 =	vand.u32 $0xFFFFFC00, v7;
	v58 =	vor.u32 v52, v13;
	v9 =	vadd.s32 v1, v9  }
0x41a: {  	v34 =	vld [tilespmem:s8+$0x0];
	v46 =	vand.u32 $0xFFFFFC00, v6;
	v13 =	vand.u32 $0xFFFF, v39;
	v9 =	vadd.s32 v51, v9  }
0x41b: {  	v35 =	vld.idx.msk [tilespmem:v60+s1+$0x0], $0xffff;
	v52 =	vshra.s32 v39, $0x10;
	v1 =	vor.u32 v50, v2;
	v11 =	vadd.s32 v11, v9  }
0x41c: {  	v2 =	vor.u32 v41, v5;
	v13 =	vcvt.s32.f32 v13;
	v51 =	vld.idx.msk [tilespmem:v57+s1+$0x0], $0xffff;
	v10 =	vadd.s32 v10, v11  }
0x41d: {  	v62 =	vld.idx.msk [tilespmem:v63+s1+$0x0], $0xffff;
	v7 =	vcvt.s32.f32 v52;
	v61 =	vand.u32 $0xFFFF, v10;
	v6 =	vshra.s32 v10, $0x10  }
0x41e: {  	v4 =	vor.u32 v43, v54;
	v41 =	vld.idx.msk [tilespmem:v56+s1+$0x0], $0xffff;
	v37 =	vcvt.s32.f32 v61;
	v39 =	vcvt.s32.f32 v6  }
0x41f: {  	v48 =	vmul.f32 $1.953125000e-03, v13;
	v40 =	vmul.f32 $1.953125000e-03, v7;
	v11 =	vor.u32 v47, v55;
	v10 =	vld.idx.msk [tilespmem:v3+s1+$0x0], $0xffff  }
0x420: {  	v49 =	vld.idx.msk [tilespmem:v58+s1+$0x0], $0xffff;
	v13 =	vor.u32 v45, v53;
	v37 =	vmul.f32 $1.953125000e-03, v37;
	v39 =	vmul.f32 $1.953125000e-03, v39  }
0x421: {  	v47 =	vadd.f32 $-1.000000000e+00, v48;
	v40 =	vadd.f32 $-1.000000000e+00, v40;
	v50 =	vld.idx.msk [tilespmem:v2+s1+$0x0], $0xffff;
	v35 =	vadd.s32 v35, v51  }
0x422: {  	v51 =	vld.idx.msk [tilespmem:v1+s1+$0x0], $0xffff;
	v35 =	vadd.s32 v62, v35;
	v37 =	vadd.f32 $-1.600000000e+01, v37;
	v39 =	vadd.f32 $-1.600000000e+01, v39  }
0x423: {  	v52 =	vld.idx.msk [tilespmem:v12+s1+$0x0], $0xffff;
	v5 =	vor.u32 v15, v42;
	v61 =	vor.u32 v14, v46;
	v35 =	vadd.s32 v41, v35  }
0x424: {  	v53 =	vld.idx.msk [tilespmem:v11+s1+$0x0], $0xffff;
	v35 =	vadd.s32 v10, v35;
	v37 =	vmul.f32 v37, v40;
	v39 =	vmul.f32 v39, v47  }
0x425: {  	v7 =	vor.u32 $0x200, v24;
	v6 =	vor.u32 v16, v33;
	v54 =	vld.idx.msk [tilespmem:v13+s1+$0x0], $0xffff;
	v55 =	vadd.s32 v49, v35  }
0x426: {  	v48 =	vor.u32 $0x200, v22;
	v62 =	vld.idx.msk [tilespmem:v4+s1+$0x0], $0xffff;
	v33 =	vadd.s32 v50, v55;
	v37 =	vsub.f32 v37, v39  }
0x427: {  	v9 =	vand.u32 $0xFFFF, v34;
	v49 =	vld.idx.msk [tilespmem:v59+s1+$0x0], $0xffff;
	v50 =	vor.u32 $0x200, v23;
	v33 =	vadd.s32 v51, v33  }
0x428: {  	v34 =	vshra.s32 v34, $0x10;
	v51 =	vld.idx.msk [tilespmem:v5+s1+$0x0], $0xffff;
	v33 =	vadd.s32 v52, v33;
	v37 =	vmul.f32 $1.250000000e-01, v37  }
0x429: {  	v34 =	vcvt.s32.f32 v34;
	v8 =	vld.idx.msk [tilespmem:v61+s1+$0x0], $0xffff;
	v33 =	vadd.s32 v53, v33  }
0x42a: {  	v10 =	vld.idx.msk [tilespmem:v6+s1+$0x0], $0xffff;
	v52 =	vor.u32 $0x200, v21;
	v33 =	vadd.s32 v54, v33;
	[tilespmem:s29+$0x19A00] =	vst v37  }
0x42b: {  	v34 =	vmul.f32 $1.953125000e-03, v34;
	v53 =	vor.u32 $0x200, v29;
	v33 =	vadd.s32 v62, v33;
	v54 =	vld.idx.msk [tilespmem:v48+s1+$0x0], $0xffff  }
0x42c: {  	v55 =	vor.u32 $0x200, v32;
	v39 =	vcvt.s32.f32 v9;
	v33 =	vadd.s32 v49, v33;
	v36 =	vld.idx.msk [tilespmem:v50+s1+$0x0], $0xffff  }
0x42d: {  	v34 =	vadd.f32 $-1.000000000e+00, v34;
	v62 =	vor.u32 $0x200, v31;
	v33 =	vadd.s32 v51, v33;
	v38 =	vld.idx.msk [tilespmem:v7+s1+$0x0], $0xffff  }
0x42e: {  	v47 =	vor.u32 $0x200, v26;
	v39 =	vmul.f32 $1.953125000e-03, v39;
	v43 =	vld [tilespmem:s9+$0x200];
	v33 =	vadd.s32 v8, v33  }
0x42f: {  	v49 =	vor.u32 $0x200, v19;
	v37 =	vld.idx.msk [tilespmem:v52+s1+$0x0], $0xffff;
	v7 =	vor.u32 $0x200, v30;
	v33 =	vadd.s32 v10, v33  }
0x430: {  	v40 =	vld.idx.msk [tilespmem:v53+s1+$0x0], $0xffff;
	v8 =	vor.u32 $0x200, v27;
	v9 =	vand.u32 $0xFFFF, v33;
	v33 =	vshra.s32 v33, $0x10  }
0x431: {  	v45 =	vld.idx.msk [tilespmem:v55+s1+$0x0], $0xffff;
	v10 =	vor.u32 $0x200, v28;
	v50 =	vcvt.s32.f32 v9;
	v33 =	vcvt.s32.f32 v33  }
0x432: {  	v55 =	vor.u32 $0x200, v25;
	v35 =	vadd.s32 v54, v36;
	v54 =	vld.idx.msk [tilespmem:v62+s1+$0x0], $0xffff;
	v62 =	vor.u32 $0x200, v20  }
0x433: {  	v47 =	vld.idx.msk [tilespmem:v47+s1+$0x0], $0xffff;
	v35 =	vadd.s32 v38, v35;
	v50 =	vmul.f32 $1.953125000e-03, v50;
	v33 =	vmul.f32 $1.953125000e-03, v33  }
0x434: {  	v48 =	vor.u32 $0x200, v18;
	v44 =	vld.idx.msk [tilespmem:v7+s1+$0x0], $0xffff;
	v7 =	vadd.f32 $-1.000000000e+00, v39;
	v35 =	vadd.s32 v37, v35  }
0x435: {  	v8 =	vld.idx.msk [tilespmem:v8+s1+$0x0], $0xffff;
	v35 =	vadd.s32 v40, v35;
	v9 =	vadd.f32 $-1.600000000e+01, v50;
	v33 =	vadd.f32 $-1.600000000e+01, v33  }
0x436: {  	v46 =	vor.u32 $0x200, v17;
	v10 =	vld.idx.msk [tilespmem:v10+s1+$0x0], $0xffff;
	v35 =	vadd.s32 v45, v35  }
0x437: {  	v42 =	vld.idx.msk [tilespmem:v55+s1+$0x0], $0xffff;
	v35 =	vadd.s32 v54, v35;
	v34 =	vmul.f32 v9, v34;
	v33 =	vmul.f32 v33, v7  }
0x438: {  	v50 =	vld.idx.msk [tilespmem:v62+s1+$0x0], $0xffff;
	v35 =	vadd.s32 v47, v35  }
0x439: {  	v53 =	vor.u32 $0x80, v60;
	v51 =	vld.idx.msk [tilespmem:v49+s1+$0x0], $0xffff;
	v35 =	vadd.s32 v44, v35;
	v33 =	vsub.f32 v34, v33  }
0x43a: {  	v52 =	vld.idx.msk [tilespmem:v48+s1+$0x0], $0xffff;
	v62 =	vor.u32 $0x80, v63;
	v35 =	vadd.s32 v8, v35  }
0x43b: {  	v55 =	vor.u32 $0x80, v57;
	v54 =	vld.idx.msk [tilespmem:v46+s1+$0x0], $0xffff;
	v35 =	vadd.s32 v10, v35;
	v33 =	vmul.f32 $1.250000000e-01, v33  }
0x43c: {  	s6 =	simm.s32 $0x10;
	v36 =	vor.u32 $0x80, v1;
	v7 =	vor.u32 $0x80, v56;
	v35 =	vadd.s32 v42, v35  }
0x43d: {  	v44 =	vor.u32 $0x80, v2;
	v8 =	vor.u32 $0x80, v3;
	v35 =	vadd.s32 v50, v35;
	[tilespmem:s6+$0x18B00] =	vst v33  }
0x43e: {  	v10 =	vor.u32 $0x80, v58;
	v42 =	vor.u32 $0x80, v59;
	v35 =	vadd.s32 v51, v35;
	v9 =	vld.idx.msk [tilespmem:v53+s1+$0x0], $0xffff  }
0x43f: {  	v51 =	vand.u32 $0xFFFF, v43;
	v43 =	vshra.s32 v43, $0x10;
	v41 =	vld.idx.msk [tilespmem:v62+s1+$0x0], $0xffff;
	v34 =	vadd.s32 v52, v35  }
0x440: {  	v62 =	vor.u32 $0x80, v11;
	v52 =	vld.idx.msk [tilespmem:v55+s1+$0x0], $0xffff;
	v53 =	vcvt.s32.f32 v51;
	v34 =	vadd.s32 v54, v34  }
0x441: {  	v45 =	vld [tilespmem:s8+$0x80];
	v43 =	vcvt.s32.f32 v43;
	v54 =	vand.u32 $0xFFFF, v34;
	v34 =	vshra.s32 v34, $0x10  }
0x442: {  	v33 =	vld.idx.msk [tilespmem:v7+s1+$0x0], $0xffff;
	v55 =	vor.u32 $0x80, v12;
	v46 =	vcvt.s32.f32 v54;
	v34 =	vcvt.s32.f32 v34  }
0x443: {  	v7 =	vor.u32 $0x80, v13;
	v37 =	vld.idx.msk [tilespmem:v8+s1+$0x0], $0xffff;
	v40 =	vmul.f32 $1.953125000e-03, v53;
	v43 =	vmul.f32 $1.953125000e-03, v43  }
0x444: {  	v8 =	vor.u32 $0x80, v4;
	v38 =	vld.idx.msk [tilespmem:v10+s1+$0x0], $0xffff;
	v46 =	vmul.f32 $1.953125000e-03, v46;
	v34 =	vmul.f32 $1.953125000e-03, v34  }
0x445: {  	v44 =	vld.idx.msk [tilespmem:v44+s1+$0x0], $0xffff;
	v40 =	vadd.f32 $-1.000000000e+00, v40;
	v43 =	vadd.f32 $-1.000000000e+00, v43;
	v35 =	vadd.s32 v9, v52  }
0x446: {  	v36 =	vld.idx.msk [tilespmem:v36+s1+$0x0], $0xffff;
	v35 =	vadd.s32 v41, v35;
	v9 =	vadd.f32 $-1.600000000e+01, v46;
	v34 =	vadd.f32 $-1.600000000e+01, v34  }
0x447: {  	v51 =	vor.u32 $0x80, v5;
	v10 =	vld.idx.msk [tilespmem:v55+s1+$0x0], $0xffff;
	v52 =	vor.u32 $0x80, v61;
	v33 =	vadd.s32 v33, v35  }
0x448: {  	v53 =	vld.idx.msk [tilespmem:v62+s1+$0x0], $0xffff;
	v33 =	vadd.s32 v37, v33;
	v39 =	vmul.f32 v9, v43;
	v34 =	vmul.f32 v34, v40  }
0x449: {  	v54 =	vld.idx.msk [tilespmem:v7+s1+$0x0], $0xffff;
	v55 =	vor.u32 $0x80, v6;
	v33 =	vadd.s32 v38, v33  }
0x44a: {  	v7 =	vor.u32 $0x280, v22;
	v62 =	vld.idx.msk [tilespmem:v8+s1+$0x0], $0xffff;
	v33 =	vadd.s32 v44, v33;
	v34 =	vsub.f32 v39, v34  }
0x44b: {  	v42 =	vld.idx.msk [tilespmem:v42+s1+$0x0], $0xffff;
	v8 =	vor.u32 $0x280, v23;
	v33 =	vadd.s32 v36, v33  }
0x44c: {  	v9 =	vld.idx.msk [tilespmem:v51+s1+$0x0], $0xffff;
	v33 =	vadd.s32 v10, v33;
	v10 =	vor.u32 $0x280, v24;
	v34 =	vmul.f32 $1.250000000e-01, v34  }
0x44d: {  	v48 =	vor.u32 $0x280, v28;
	v52 =	vld.idx.msk [tilespmem:v52+s1+$0x0], $0xffff;
	v33 =	vadd.s32 v53, v33;
	v53 =	vor.u32 $0x280, v21  }
0x44e: {  	v47 =	vor.u32 $0x280, v19;
	v50 =	vor.u32 $0x280, v27;
	v35 =	vld.idx.msk [tilespmem:v55+s1+$0x0], $0xffff;
	v33 =	vadd.s32 v54, v33;
	[tilespmem:s29+$0x19F00] =	vst v34  }
0x44f: {  	v40 =	vor.u32 $0x280, v18;
	v54 =	vor.u32 $0x280, v29;
	v33 =	vadd.s32 v62, v33;
	v55 =	vld.idx.msk [tilespmem:v7+s1+$0x0], $0xffff  }
0x450: {  	v62 =	vor.u32 $0x280, v32;
	v33 =	vadd.s32 v42, v33;
	v36 =	vld.idx.msk [tilespmem:v8+s1+$0x0], $0xffff;
	v7 =	vor.u32 $0x280, v31  }
0x451: {  	v8 =	vor.u32 $0x280, v26;
	v33 =	vadd.s32 v9, v33;
	v41 =	vld.idx.msk [tilespmem:v10+s1+$0x0], $0xffff;
	v9 =	vand.u32 $0xFFFF, v45  }
0x452: {  	v33 =	vadd.s32 v52, v33;
	v34 =	vld.idx.msk [tilespmem:v53+s1+$0x0], $0xffff;
	v52 =	vcvt.s32.f32 v9;
	v53 =	vshra.s32 v45, $0x10  }
0x453: {  	v49 =	vld [tilespmem:s9+$0x280];
	v10 =	vor.u32 $0x280, v30;
	v33 =	vadd.s32 v35, v33;
	v44 =	vcvt.s32.f32 v53  }
0x454: {  	v37 =	vld.idx.msk [tilespmem:v54+s1+$0x0], $0xffff;
	v54 =	vand.u32 $0xFFFF, v33;
	v33 =	vshra.s32 v33, $0x10;
	v35 =	vmul.f32 $1.953125000e-03, v52  }
0x455: {  	v39 =	vld.idx.msk [tilespmem:v62+s1+$0x0], $0xffff;
	v62 =	vor.u32 $0x280, v25;
	v45 =	vcvt.s32.f32 v54;
	v33 =	vcvt.s32.f32 v33  }
0x456: {  	v36 =	vadd.s32 v55, v36;
	v55 =	vld.idx.msk [tilespmem:v7+s1+$0x0], $0xffff;
	v7 =	vor.u32 $0x280, v20;
	v44 =	vmul.f32 $1.953125000e-03, v44  }
0x457: {  	v43 =	vld.idx.msk [tilespmem:v8+s1+$0x0], $0xffff;
	v36 =	vadd.s32 v41, v36;
	v45 =	vmul.f32 $1.953125000e-03, v45;
	v33 =	vmul.f32 $1.953125000e-03, v33  }
0x458: {  	v51 =	vld.idx.msk [tilespmem:v10+s1+$0x0], $0xffff;
	v35 =	vadd.f32 $-1.000000000e+00, v35;
	v34 =	vadd.s32 v34, v36;
	v8 =	vadd.f32 $-1.000000000e+00, v44  }
0x459: {  	v9 =	vld.idx.msk [tilespmem:v50+s1+$0x0], $0xffff;
	v34 =	vadd.s32 v37, v34;
	v10 =	vadd.f32 $-1.600000000e+01, v45;
	v33 =	vadd.f32 $-1.600000000e+01, v33  }
0x45a: {  	v46 =	vor.u32 $0x280, v17;
	v50 =	vld.idx.msk [tilespmem:v48+s1+$0x0], $0xffff;
	v34 =	vadd.s32 v39, v34  }
0x45b: {  	v52 =	vld.idx.msk [tilespmem:v62+s1+$0x0], $0xffff;
	v34 =	vadd.s32 v55, v34;
	v36 =	vmul.f32 v10, v8;
	v33 =	vmul.f32 v33, v35  }
0x45c: {  	v53 =	vld.idx.msk [tilespmem:v7+s1+$0x0], $0xffff;
	v34 =	vadd.s32 v43, v34  }
0x45d: {  	v54 =	vld.idx.msk [tilespmem:v47+s1+$0x0], $0xffff;
	v34 =	vadd.s32 v51, v34;
	v33 =	vsub.f32 v36, v33  }
0x45e: {  	v62 =	vor.u32 $0x100, v6;
	v55 =	vld.idx.msk [tilespmem:v40+s1+$0x0], $0xffff;
	v34 =	vadd.s32 v9, v34  }
0x45f: {  	v7 =	vld.idx.msk [tilespmem:v46+s1+$0x0], $0xffff;
	v8 =	vor.u32 $0x100, v61;
	v34 =	vadd.s32 v50, v34;
	v33 =	vmul.f32 $1.250000000e-01, v33  }
0x460: {  	v9 =	vor.u32 $0x100, v5;
	v34 =	vadd.s32 v52, v34  }
0x461: {  	v48 =	vor.u32 $0x100, v4;
	v10 =	vor.u32 $0x100, v59;
	v34 =	vadd.s32 v53, v34;
	[tilespmem:s6+$0x19000] =	vst v33  }
0x462: {  	v51 =	vor.u32 $0x100, v60;
	v50 =	vand.u32 $0xFFFF, v49;
	v34 =	vadd.s32 v54, v34;
	v37 =	vld [tilespmem:s8+$0x100]  }
0x463: {  	v36 =	vcvt.s32.f32 v50;
	v52 =	vshra.s32 v49, $0x10;
	v34 =	vadd.s32 v55, v34;
	v38 =	vld.idx.msk [tilespmem:v62+s1+$0x0], $0xffff  }
0x464: {  	v41 =	vcvt.s32.f32 v52;
	v54 =	vor.u32 $0x100, v57;
	v40 =	vld.idx.msk [tilespmem:v8+s1+$0x0], $0xffff;
	v34 =	vadd.s32 v7, v34  }
0x465: {  	v39 =	vld.idx.msk [tilespmem:v9+s1+$0x0], $0xffff;
	v55 =	vor.u32 $0x100, v63;
	v53 =	vand.u32 $0xFFFF, v34;
	v34 =	vshra.s32 v34, $0x10  }
0x466: {  	v33 =	vld.idx.msk [tilespmem:v10+s1+$0x0], $0xffff;
	v62 =	vor.u32 $0x100, v56;
	v43 =	vcvt.s32.f32 v53;
	v34 =	vcvt.s32.f32 v34  }
0x467: {  	v36 =	vmul.f32 $1.953125000e-03, v36;
	v35 =	vld.idx.msk [tilespmem:v48+s1+$0x0], $0xffff;
	v41 =	vmul.f32 $1.953125000e-03, v41;
	v8 =	vor.u32 $0x100, v58  }
0x468: {  	v42 =	vld.idx.msk [tilespmem:v51+s1+$0x0], $0xffff;
	v7 =	vor.u32 $0x100, v3;
	v43 =	vmul.f32 $1.953125000e-03, v43;
	v34 =	vmul.f32 $1.953125000e-03, v34  }
0x469: {  	v9 =	vor.u32 $0x100, v2;
	v36 =	vadd.f32 $-1.000000000e+00, v36;
	v41 =	vadd.f32 $-1.000000000e+00, v41;
	v44 =	vld.idx.msk [tilespmem:v54+s1+$0x0], $0xffff  }
0x46a: {  	v10 =	vor.u32 $0x100, v1;
	v45 =	vld.idx.msk [tilespmem:v55+s1+$0x0], $0xffff;
	v43 =	vadd.f32 $-1.600000000e+01, v43;
	v34 =	vadd.f32 $-1.600000000e+01, v34  }
0x46b: {  	v54 =	vor.u32 $0x100, v12;
	v46 =	vld.idx.msk [tilespmem:v62+s1+$0x0], $0xffff  }
0x46c: {  	v55 =	vor.u32 $0x100, v11;
	v48 =	vld.idx.msk [tilespmem:v8+s1+$0x0], $0xffff;
	v41 =	vmul.f32 v43, v41;
	v34 =	vmul.f32 v34, v36  }
0x46d: {  	v62 =	vld.idx.msk [tilespmem:v7+s1+$0x0], $0xffff;
	v7 =	vor.u32 $0x100, v13  }
0x46e: {  	v8 =	vor.u32 $0x300, v22;
	v49 =	vld.idx.msk [tilespmem:v9+s1+$0x0], $0xffff;
	v34 =	vsub.f32 v41, v34  }
0x46f: {  	v9 =	vor.u32 $0x300, v23;
	v50 =	vld.idx.msk [tilespmem:v10+s1+$0x0], $0xffff  }
0x470: {  	v10 =	vor.u32 $0x300, v24;
	v42 =	vadd.s32 v42, v44;
	v51 =	vld.idx.msk [tilespmem:v54+s1+$0x0], $0xffff;
	v34 =	vmul.f32 $1.250000000e-01, v34  }
0x471: {  	v53 =	vor.u32 $0x300, v21;
	v42 =	vadd.s32 v45, v42;
	v43 =	vld.idx.msk [tilespmem:v55+s1+$0x0], $0xffff  }
0x472: {  	v55 =	vor.u32 $0x300, v29;
	v42 =	vadd.s32 v46, v42;
	v54 =	vld.idx.msk [tilespmem:v7+s1+$0x0], $0xffff;
	[tilespmem:s29+$0x1A400] =	vst v34  }
0x473: {  	v7 =	vor.u32 $0x300, v31;
	v36 =	vadd.s32 v62, v42;
	v41 =	vld.idx.msk [tilespmem:v8+s1+$0x0], $0xffff  }
0x474: {  	v62 =	vor.u32 $0x300, v32;
	v36 =	vadd.s32 v48, v36;
	v44 =	vld.idx.msk [tilespmem:v9+s1+$0x0], $0xffff  }
0x475: {  	v36 =	vadd.s32 v49, v36;
	v45 =	vld.idx.msk [tilespmem:v10+s1+$0x0], $0xffff;
	v8 =	vor.u32 $0x300, v26  }
0x476: {  	v36 =	vadd.s32 v50, v36;
	v46 =	vld.idx.msk [tilespmem:v53+s1+$0x0], $0xffff;
	v9 =	vor.u32 $0x300, v30  }
0x477: {  	s17 =	simm.s32 $0x20E;
	v36 =	vadd.s32 v51, v36;
	v34 =	vld.idx.msk [tilespmem:v55+s1+$0x0], $0xffff;
	v10 =	vor.u32 $0x300, v27  }
0x478: {  	v42 =	vor.u32 s17, v0;
	v48 =	vld.idx.msk [tilespmem:v7+s1+$0x0], $0xffff;
	v55 =	vor.u32 $0x300, v25;
	v36 =	vadd.s32 v43, v36  }
0x479: {  	s18 =	simm.s32 $0x20F;
	v7 =	vor.u32 $0x300, v19;
	v47 =	vld.idx.msk [tilespmem:v62+s1+$0x0], $0xffff;
	v36 =	vadd.s32 v54, v36;
	v54 =	vor.u32 $0x300, v28  }
0x47a: {  	s19 =	simm.s32 $0x20D;
	v62 =	vor.u32 $0x300, v20;
	v35 =	vadd.s32 v35, v36;
	v36 =	vor.u32 s18, v0;
	v49 =	vld.idx.msk [tilespmem:v8+s1+$0x0], $0xffff  }
0x47b: {  	v33 =	vadd.s32 v33, v35;
	v35 =	vor.u32 s19, v0;
	v41 =	vadd.s32 v41, v44;
	v50 =	vld.idx.msk [tilespmem:v9+s1+$0x0], $0xffff  }
0x47c: {  	s13 =	simm.s32 $0x20B;
	v33 =	vadd.s32 v39, v33;
	v43 =	vld.idx.msk [tilespmem:v10+s1+$0x0], $0xffff;
	v8 =	vor.u32 $0x300, v18;
	v9 =	vor.u32 $0x300, v17  }
0x47d: {  	v10 =	vld [tilespmem:s9+$0x300];
	v41 =	vadd.s32 v45, v41;
	v45 =	vor.u32 s13, v0;
	v33 =	vadd.s32 v40, v33  }
0x47e: {  	v41 =	vadd.s32 v46, v41;
	v51 =	vld.idx.msk [tilespmem:v54+s1+$0x0], $0xffff;
	v33 =	vadd.s32 v38, v33;
	v54 =	vand.u32 $0xFFFF, v37  }
0x47f: {  	v44 =	vld.idx.msk [tilespmem:v55+s1+$0x0], $0xffff;
	v37 =	vshra.s32 v37, $0x10;
	v34 =	vadd.s32 v34, v41;
	v55 =	vand.u32 $0xFFFF, v33  }
0x480: {  	s14 =	simm.s32 $0x20C;
	v37 =	vcvt.s32.f32 v37;
	v33 =	vshra.s32 v33, $0x10;
	v34 =	vadd.s32 v47, v34  }
0x481: {  	s15 =	simm.s32 $0x20A;
	v41 =	vor.u32 s14, v0;
	v33 =	vcvt.s32.f32 v33;
	v34 =	vadd.s32 v48, v34  }
0x482: {  	s19 =	simm.s32 $0x206;
	v39 =	vld.idx.msk [tilespmem:v7+s1+$0x0], $0xffff;
	v48 =	vor.u32 s15, v0;
	v37 =	vmul.f32 $1.953125000e-03, v37;
	v7 =	vand.u32 $0xFFFF, v10  }
0x483: {  	s16 =	simm.s32 $0x209;
	v46 =	vld.idx.msk [tilespmem:v62+s1+$0x0], $0xffff;
	v38 =	vshra.s32 v10, $0x10;
	v10 =	vor.u32 s19, v0;
	v34 =	vadd.s32 v49, v34  }
0x484: {  	v49 =	vor.u32 s16, v0;
	v33 =	vmul.f32 $1.953125000e-03, v33;
	v34 =	vadd.s32 v50, v34  }
0x485: {  	s17 =	simm.s32 $0x208;
	v47 =	vld.idx.msk [tilespmem:v8+s1+$0x0], $0xffff;
	v8 =	vcvt.s32.f32 v7;
	v38 =	vcvt.s32.f32 v38;
	v34 =	vadd.s32 v43, v34  }
0x486: {  	v40 =	vld.idx.msk [tilespmem:v9+s1+$0x0], $0xffff;
	v50 =	vor.u32 s17, v0;
	v37 =	vadd.f32 $-1.000000000e+00, v37;
	v34 =	vadd.s32 v51, v34  }
0x487: {  	v43 =	vcvt.s32.f32 v54;
	v51 =	vcvt.s32.f32 v55;
	v34 =	vadd.s32 v44, v34  }
0x488: {  	v33 =	vadd.f32 $-1.600000000e+01, v33;
	v38 =	vmul.f32 $1.953125000e-03, v38;
	v34 =	vadd.s32 v46, v34  }
0x489: {  	v42 =	vld.idx.msk [tilespmem:v42+s30+$0x0], $0xffff;
	s18 =	simm.s32 $0x207;
	s13 =	simm.s32 $0x204;
	v43 =	vmul.f32 $1.953125000e-03, v43;
	v51 =	vmul.f32 $1.953125000e-03, v51;
	v34 =	vadd.s32 v39, v34  }
0x48a: {  	v36 =	vld.idx.msk [tilespmem:v36+s30+$0x0], $0xffff;
	v55 =	vor.u32 s13, v0;
	v44 =	vor.u32 s18, v0;
	v34 =	vadd.s32 v47, v34  }
0x48b: {  	v35 =	vld.idx.msk [tilespmem:v35+s30+$0x0], $0xffff;
	v43 =	vadd.f32 $-1.000000000e+00, v43;
	v62 =	vadd.f32 $-1.600000000e+01, v51;
	v34 =	vadd.s32 v40, v34  }
0x48c: {  	v45 =	vld.idx.msk [tilespmem:v45+s30+$0x0], $0xffff;
	s16 =	simm.s32 $0x203;
	v40 =	vmul.f32 $1.953125000e-03, v8;
	v9 =	vand.u32 $0xFFFF, v34;
	v34 =	vshra.s32 v34, $0x10  }
0x48d: {  	s14 =	simm.s32 $0x200;
	v41 =	vld.idx.msk [tilespmem:v41+s30+$0x0], $0xffff;
	v51 =	vor.u32 s16, v0;
	v46 =	vcvt.s32.f32 v9;
	v34 =	vcvt.s32.f32 v34  }
0x48e: {  	v48 =	vld.idx.msk [tilespmem:v48+s30+$0x0], $0xffff;
	v33 =	vmul.f32 v33, v43;
	v37 =	vmul.f32 v62, v37;
	v62 =	vor.u32 s14, v0  }
0x48f: {  	v38 =	vadd.f32 $-1.000000000e+00, v38;
	v49 =	vld.idx.msk [tilespmem:v49+s30+$0x0], $0xffff;
	v46 =	vmul.f32 $1.953125000e-03, v46;
	v34 =	vmul.f32 $1.953125000e-03, v34  }
0x490: {  	v7 =	vor.u32 $0x180, v56;
	v50 =	vld.idx.msk [tilespmem:v50+s30+$0x0], $0xffff;
	v40 =	vadd.f32 $-1.000000000e+00, v40;
	v33 =	vsub.f32 v37, v33  }
0x491: {  	v8 =	vor.u32 $0x380, v23;
	v23 =	vld.idx.msk [tilespmem:v55+s30+$0x0], $0xffff;
	v46 =	vadd.f32 $-1.600000000e+01, v46;
	v34 =	vadd.f32 $-1.600000000e+01, v34  }
0x492: {  	s12 =	simm.s32 $0x205;
	v9 =	vor.u32 $0x180, v63;
	v51 =	vld.idx.msk [tilespmem:v51+s30+$0x0], $0xffff;
	v33 =	vmul.f32 $1.250000000e-01, v33  }
0x493: {  	v54 =	vor.u32 s12, v0;
	v43 =	vld.idx.msk [tilespmem:v62+s30+$0x0], $0xffff;
	v38 =	vmul.f32 v46, v38;
	v34 =	vmul.f32 v34, v40  }
0x494: {  	v62 =	vor.u32 $0x180, v60;
	v40 =	vld.idx.msk [tilespmem:v44+s30+$0x0], $0xffff  }
0x495: {  	v22 =	vor.u32 $0x380, v22;
	[tilespmem:s6+$0x19500] =	vst v33;
	v44 =	vld.idx.msk [tilespmem:v10+s30+$0x0], $0xffff;
	v38 =	vsub.f32 v38, v34  }
0x496: {  	v37 =	vld.idx.msk [tilespmem:v7+s1+$0x0], $0xffff  }
0x497: {  	v24 =	vor.u32 $0x380, v24;
	v39 =	vld.idx.msk [tilespmem:v9+s1+$0x0], $0xffff;
	v38 =	vmul.f32 $1.250000000e-01, v38  }
0x498: {  	v21 =	vor.u32 $0x380, v21;
	v34 =	vld.idx.msk [tilespmem:v54+s30+$0x0], $0xffff  }
0x499: {  	v29 =	vor.u32 $0x380, v29;
	[tilespmem:s29+$0x1A900] =	vst v38;
	v38 =	vld.idx.msk [tilespmem:v62+s1+$0x0], $0xffff  }
0x49a: {  	v32 =	vor.u32 $0x380, v32;
	v22 =	vld.idx.msk [tilespmem:v22+s1+$0x0], $0xffff  }
0x49b: {  	v31 =	vor.u32 $0x380, v31;
	v10 =	vld.idx.msk [tilespmem:v8+s1+$0x0], $0xffff  }
0x49c: {  	v9 =	vor.u32 $0x380, v27;
	v24 =	vld.idx.msk [tilespmem:v24+s1+$0x0], $0xffff  }
0x49d: {  	v52 =	vor.u32 $0x180, v1;
	v26 =	vor.u32 $0x380, v26;
	v21 =	vld.idx.msk [tilespmem:v21+s1+$0x0], $0xffff  }
0x49e: {  	v30 =	vor.u32 $0x380, v30;
	v19 =	vor.u32 $0x380, v19;
	v20 =	vor.u32 $0x380, v20;
	s15 =	simm.s32 $0x202;
	s17 =	simm.s32 $0x201;
	v29 =	vld.idx.msk [tilespmem:v29+s1+$0x0], $0xffff  }
0x49f: {  	v28 =	vor.u32 $0x380, v28;
	v53 =	vor.u32 s17, v0;
	v47 =	vor.u32 s15, v0;
	v8 =	vld.idx.msk [tilespmem:v32+s1+$0x0], $0xffff  }
0x4a0: {  	v55 =	vor.u32 $0x380, v18;
	v7 =	vor.u32 $0x180, v57;
	v31 =	vld.idx.msk [tilespmem:v31+s1+$0x0], $0xffff;
	v22 =	vadd.s32 v22, v10  }
0x4a1: {  	v27 =	vand.u32 $0x7F, v36;
	v46 =	vand.u32 $0x7F, v44;
	v54 =	vld.idx.msk [tilespmem:v9+s1+$0x0], $0xffff;
	v22 =	vadd.s32 v24, v22  }
0x4a2: {  	v44 =	vshll.u32 v44, $0x3;
	v62 =	vor.u32 $0x380, v17;
	v21 =	vadd.s32 v21, v22;
	v22 =	vld.idx.msk [tilespmem:v26+s1+$0x0], $0xffff  }
0x4a3: {  	v44 =	vand.u32 $0xFFFFFC00, v44;
	v10 =	vor.u32 $0x380, v25;
	v21 =	vadd.s32 v29, v21;
	v29 =	vld.idx.msk [tilespmem:v30+s1+$0x0], $0xffff  }
0x4a4: {  	v32 =	vand.u32 $0x7F, v35;
	v35 =	vshll.u32 v35, $0x3;
	v28 =	vld.idx.msk [tilespmem:v28+s1+$0x0], $0xffff;
	v24 =	vshll.u32 v36, $0x3  }
0x4a5: {  	s18 =	sand.u32 $0x7, s10;
	v20 =	vld.idx.msk [tilespmem:v20+s1+$0x0], $0xffff;
	v30 =	vand.u32 $0x7F, v41;
	v41 =	vshll.u32 v41, $0x3;
	v21 =	vadd.s32 v8, v21  }
0x4a6: {  	s9 =	sshll.u32 s18, $0x4;
	v19 =	vld.idx.msk [tilespmem:v19+s1+$0x0], $0xffff;
	v33 =	vand.u32 $0xFFFFFC00, v24;
	v18 =	vadd.s32 v31, v21;
	v31 =	vand.u32 $0xFFFFFC00, v41  }
0x4a7: {  	s9 =	sadd.s32 s9, s28;
	v24 =	vld.idx.msk [tilespmem:v7+s1+$0x0], $0xffff;
	v0 =	vor.u32 v30, v31;
	v18 =	vadd.s32 v22, v18;
	v22 =	vor.u32 $0x180, v3  }
0x4a8: {  	s9 =	sor.u32 $0x380, s9;
	v36 =	vld.idx.msk [tilespmem:v10+s1+$0x0], $0xffff;
	v31 =	vshll.u32 v40, $0x3;
	v18 =	vadd.s32 v29, v18;
	v29 =	vor.u32 $0x180, v58  }
0x4a9: {  	v21 =	vand.u32 $0x7F, v40;
	v10 =	vor.u32 $0x180, v2;
	v30 =	vld [tilespmem:s9+$0x0];
	v31 =	vand.u32 $0xFFFFFC00, v31  }
0x4aa: {  	v25 =	vand.u32 $0x7F, v42;
	v26 =	vshll.u32 v42, $0x3;
	v7 =	vor.u32 v21, v31;
	v21 =	vld.idx.msk [tilespmem:v55+s1+$0x0], $0xffff  }
0x4ab: {  	v41 =	vshll.u32 v45, $0x3;
	v55 =	vor.u32 $0x180, v12;
	v9 =	vadd.s32 v54, v18;
	v54 =	vld.idx.msk [tilespmem:v62+s1+$0x0], $0xffff  }
0x4ac: {  	v24 =	vadd.s32 v38, v24;
	v38 =	vand.u32 $0x7F, v48;
	v28 =	vadd.s32 v28, v9;
	v22 =	vld.idx.msk [tilespmem:v22+s1+$0x0], $0xffff  }
0x4ad: {  	v31 =	vand.u32 $0x7F, v45;
	v45 =	vand.u32 $0x7F, v49;
	v28 =	vadd.s32 v36, v28;
	v29 =	vld.idx.msk [tilespmem:v29+s1+$0x0], $0xffff  }
0x4ae: {  	v24 =	vadd.s32 v39, v24;
	v39 =	vand.u32 $0x7F, v50;
	v42 =	vld.idx.msk [tilespmem:v10+s1+$0x0], $0xffff;
	v20 =	vadd.s32 v20, v28  }
0x4af: {  	v24 =	vadd.s32 v37, v24;
	v62 =	vld.idx.msk [tilespmem:v52+s1+$0x0], $0xffff;
	v19 =	vadd.s32 v19, v20;
	v20 =	vor.u32 $0x180, v11  }
0x4b0: {  	v52 =	vor.u32 $0x180, v4;
	v37 =	vand.u32 $0x7F, v51;
	v19 =	vadd.s32 v21, v19;
	v21 =	vld.idx.msk [tilespmem:v55+s1+$0x0], $0xffff  }
0x4b1: {  	v51 =	vshll.u32 v51, $0x3;
	v22 =	vadd.s32 v22, v24;
	v24 =	vor.u32 $0x180, v13  }
0x4b2: {  	v8 =	vld.idx.msk [tilespmem:v53+s30+$0x0], $0xffff;
	v9 =	vand.u32 $0x7F, v43;
	v43 =	vshll.u32 v43, $0x3;
	v22 =	vadd.s32 v29, v22  }
0x4b3: {  	v51 =	vand.u32 $0xFFFFFC00, v51;
	v36 =	vand.u32 $0x7F, v34;
	v22 =	vadd.s32 v42, v22  }
0x4b4: {  	v10 =	vand.u32 $0xFFFFFC00, v43;
	v40 =	vadd.s32 v54, v19;
	v53 =	vld.idx.msk [tilespmem:v20+s1+$0x0], $0xffff;
	v19 =	vadd.s32 v62, v22  }
0x4b5: {  	v20 =	vshra.s32 v30, $0x10;
	v22 =	vld.idx.msk [tilespmem:v47+s30+$0x0], $0xffff;
	v21 =	vadd.s32 v21, v19;
	v19 =	vand.u32 $0xFFFF, v40  }
0x4b6: {  	v34 =	vshll.u32 v34, $0x3;
	v47 =	vcvt.s32.f32 v20;
	v24 =	vld.idx.msk [tilespmem:v24+s1+$0x0], $0xffff;
	v19 =	vcvt.s32.f32 v19  }
0x4b7: {  	v18 =	vor.u32 v37, v51;
	v55 =	vshll.u32 v8, $0x3;
	v54 =	vand.u32 $0x7F, v8  }
0x4b8: {  	v42 =	vand.u32 $0xFFFFFC00, v55;
	v43 =	vmul.f32 $1.953125000e-03, v47;
	v62 =	vmul.f32 $1.953125000e-03, v19  }
0x4b9: {  	v17 =	vor.u32 v9, v10;
	v8 =	vor.u32 v54, v42;
	v42 =	vor.u32 $0x180, v6  }
0x4ba: {  	v21 =	vadd.s32 v53, v21;
	v43 =	vadd.f32 $-1.000000000e+00, v43;
	v47 =	vadd.f32 $-1.600000000e+01, v62  }
0x4bb: {  	v28 =	vshll.u32 v48, $0x3;
	v21 =	vadd.s32 v24, v21;
	v24 =	vor.u32 $0x180, v59  }
0x4bc: {  	v48 =	vshll.u32 v49, $0x3;
	v9 =	vld [tilespmem:s8+$0x180];
	v43 =	vmul.f32 v47, v43;
	v47 =	vor.u32 $0x180, v5  }
0x4bd: {  	v49 =	vshll.u32 v50, $0x3;
	v50 =	vor.u32 $0x180, v61;
	v34 =	vand.u32 $0xFFFFFC00, v34;
	v54 =	vld.idx.msk [tilespmem:v52+s1+$0x0], $0xffff  }
0x4be: {  	v51 =	vand.u32 $0xFFFFFC00, v26;
	v26 =	vand.u32 $0xFFFF, v30;
	v15 =	vor.u32 v36, v34;
	v34 =	vld.idx.msk [tilespmem:v17+s1+$0x0], $0xffff  }
0x4bf: {  	v41 =	vand.u32 $0xFFFFFC00, v41;
	v26 =	vcvt.s32.f32 v26;
	v30 =	vshra.s32 v40, $0x10;
	v42 =	vld.idx.msk [tilespmem:v42+s1+$0x0], $0xffff  }
0x4c0: {  	v16 =	vmovc v4;
	v4 =	vor.u32 v46, v44;
	v48 =	vand.u32 $0xFFFFFC00, v48;
	v30 =	vcvt.s32.f32 v30;
	v24 =	vld.idx.msk [tilespmem:v24+s1+$0x0], $0xffff  }
0x4c1: {  	v26 =	vmul.f32 $1.953125000e-03, v26;
	v37 =	vshra.s32 v9, $0x10;
	v29 =	vand.u32 $0x7F, v23;
	v53 =	vld.idx.msk [tilespmem:v47+s1+$0x0], $0xffff  }
0x4c2: {  	v37 =	vcvt.s32.f32 v37;
	v30 =	vmul.f32 $1.953125000e-03, v30;
	v21 =	vadd.s32 v54, v21;
	v54 =	vld.idx.msk [tilespmem:v50+s1+$0x0], $0xffff  }
0x4c3: {  	v19 =	vadd.f32 $-1.000000000e+00, v26;
	v55 =	vand.u32 $0x7F, v22;
	v22 =	vshll.u32 v22, $0x3;
	v36 =	vld.idx.msk [tilespmem:v8+s1+$0x0], $0xffff  }
0x4c4: {  	v26 =	vadd.f32 $-1.600000000e+01, v30;
	v22 =	vand.u32 $0xFFFFFC00, v22;
	v62 =	vshll.u32 v23, $0x3  }
0x4c5: {  	s12 =	sadd.s32 $0x10, s11;
	s9 =	sadd.s32 $0x80, s7;
	v10 =	vor.u32 v55, v22;
	v55 =	vand.u32 $0xFFFFFC00, v62;
	v24 =	vadd.s32 v24, v21  }
0x4c6: {  	s11 =	sand.u32 $0x70, s12;
	s19 =	sand.u32 $0x7FFFFC00, s9;
	v30 =	vand.u32 $0xFFFF, v9;
	v21 =	vor.u32 v29, v55;
	v29 =	vadd.s32 v53, v24  }
0x4c7: {  	s11 =	sor.u32 s11, s19;
	v37 =	vmul.f32 $1.953125000e-03, v37;
	v30 =	vcvt.s32.f32 v30;
	v29 =	vadd.s32 v54, v29  }
0x4c8: {  	v44 =	vld [tilespmem:s11+$0x0];
	v23 =	vor.u32 v31, v41;
	v34 =	vadd.s32 v34, v36;
	v29 =	vadd.s32 v42, v29  }
0x4c9: {  	v46 =	vld.idx.msk [tilespmem:v18+s1+$0x0], $0xffff;
	v47 =	vand.u32 $0xFFFFFC00, v28;
	v42 =	vand.u32 $0xFFFF, v29;
	v29 =	vshra.s32 v29, $0x10  }
0x4ca: {  	v40 =	vld.idx.msk [tilespmem:v10+s1+$0x0], $0xffff;
	v28 =	vand.u32 $0xFFFFFC00, v49;
	v62 =	vcvt.s32.f32 v42;
	v9 =	vcvt.s32.f32 v29  }
0x4cb: {  	v22 =	vmovc v10;
	v36 =	vld.idx.msk [tilespmem:v7+s1+$0x0], $0xffff;
	v10 =	vmul.f32 $1.953125000e-03, v30;
	v52 =	vor.u32 v39, v28;
	v30 =	vor.u32 v38, v47  }
0x4cc: {  	v53 =	vor.u32 v45, v48;
	v49 =	vld.idx.msk [tilespmem:v21+s1+$0x0], $0xffff;
	v47 =	vmul.f32 $1.953125000e-03, v62;
	v50 =	vmul.f32 $1.953125000e-03, v9  }
0x4cd: {  	v35 =	vand.u32 $0xFFFFFC00, v35;
	v37 =	vadd.f32 $-1.000000000e+00, v37;
	v48 =	vld.idx.msk [tilespmem:v15+s1+$0x0], $0xffff;
	v54 =	vadd.f32 $-1.000000000e+00, v10  }
0x4ce: {  	v20 =	vmovc v17;
	v17 =	vor.u32 v32, v35;
	v42 =	vld.idx.msk [tilespmem:v4+s1+$0x0], $0xffff;
	v38 =	vadd.f32 $-1.600000000e+01, v47;
	v39 =	vadd.f32 $-1.600000000e+01, v50  }
0x4cf: {  	v31 =	vmovc v7;
	v7 =	vor.u32 v25, v51;
	v51 =	vor.u32 $0x200, v60;
	v34 =	vadd.s32 v40, v34;
	v45 =	vld.idx.msk [tilespmem:v23+s1+$0x0], $0xffff  }
0x4d0: {  	v34 =	vadd.s32 v46, v34;
	v40 =	vld.idx.msk [tilespmem:v52+s1+$0x0], $0xffff;
	v37 =	vmul.f32 v38, v37;
	v9 =	vmul.f32 v39, v54  }
0x4d1: {  	v10 =	vmul.f32 v26, v19;
	v62 =	vld.idx.msk [tilespmem:v53+s1+$0x0], $0xffff;
	v34 =	vadd.s32 v49, v34;
	v54 =	vor.u32 v27, v33  }
0x4d2: {  	v41 =	vld.idx.msk [tilespmem:v30+s1+$0x0], $0xffff;
	v29 =	vmov v8;
	[tilespmem:$0x1FE40] =	vst v60;
	v49 =	vadd.s32 v48, v34;
	v50 =	vsub.f32 v37, v9  }
0x4d3: {  	v8 =	vsub.f32 v43, v10;
	v10 =	vor.u32 $0x200, v57;
	v33 =	vadd.s32 v42, v49;
	v9 =	vld.idx.msk [tilespmem:v0+s1+$0x0], $0xffff;
	[tilespmem:$0x1FE50] =	vst v57  }
0x4d4: {  	v26 =	vmovc v0;
	v33 =	vadd.s32 v36, v33;
	v0 =	vor.u32 $0x200, v63;
	v36 =	vld.idx.msk [tilespmem:v17+s1+$0x0], $0xffff;
	[tilespmem:$0x1FE60] =	vst v63;
	v34 =	vmul.f32 $1.250000000e-01, v50  }
0x4d5: {  	v35 =	vor.u32 $0x200, v61;
	v28 =	vmovc v15;
	v15 =	vmovc v4;
	v4 =	vand.u32 $0xFFFF, v44;
	v33 =	vadd.s32 v40, v33;
	v38 =	vld.idx.msk [tilespmem:v7+s1+$0x0], $0xffff  }
0x4d6: {  	v47 =	vmul.f32 $1.250000000e-01, v8;
	v8 =	vor.u32 $0x200, v56;
	v33 =	vadd.s32 v62, v33;
	v46 =	vld.idx.msk [tilespmem:v54+s1+$0x0], $0xffff;
	[tilespmem:s6+$0x19A00] =	vst v34  }
0x4d7: {  	v49 =	vor.u32 $0x200, v58;
	v40 =	vor.u32 $0x200, v59;
	v33 =	vadd.s32 v41, v33;
	v48 =	vld.idx.msk [tilespmem:v51+s1+$0x0], $0xffff  }
0x4d8: {  	v19 =	vmovc v7;
	v7 =	vshra.s32 v44, $0x10;
	v41 =	vor.u32 $0x200, v3;
	v33 =	vadd.s32 v45, v33;
	v42 =	vld.idx.msk [tilespmem:v10+s1+$0x0], $0xffff  }
0x4d9: {  	v55 =	vmovc v18;
	v18 =	vmovc v2;
	v50 =	vcvt.s32.f32 v7;
	v9 =	vadd.s32 v9, v33;
	v10 =	vor.u32 $0x200, v2;
	v43 =	vld.idx.msk [tilespmem:v0+s1+$0x0], $0xffff  }
0x4da: {  	v60 =	vmovc v56;
	v56 =	vmovc v58;
	v7 =	vor.u32 $0x200, v11;
	v33 =	vld [tilespmem:s8+$0x200];
	v2 =	vor.u32 $0x200, v1;
	v36 =	vadd.s32 v36, v9  }
0x4db: {  	v27 =	vmovc v6;
	v63 =	vmovc v3;
	v34 =	vor.u32 $0x200, v6;
	v6 =	vor.u32 $0x200, v12;
	v3 =	vld.idx.msk [tilespmem:v8+s1+$0x0], $0xffff;
	v37 =	vadd.s32 v38, v36  }
0x4dc: {  	v58 =	vmovc v61;
	v61 =	vmovc v11;
	v45 =	vcvt.s32.f32 v4;
	v39 =	vld.idx.msk [tilespmem:v49+s1+$0x0], $0xffff;
	v11 =	vmul.f32 $1.953125000e-03, v50;
	v38 =	vadd.s32 v46, v37  }
0x4dd: {  	v36 =	vor.u32 $0x200, v5;
	v37 =	vld.idx.msk [tilespmem:v41+s1+$0x0], $0xffff;
	v8 =	vand.u32 $0xFFFF, v38;
	v38 =	vshra.s32 v38, $0x10  }
0x4de: {  	v14 =	vmovc v1;
	v24 =	vmovc v5;
	v5 =	vadd.s32 v48, v42;
	v42 =	vcvt.s32.f32 v8;
	v9 =	vcvt.s32.f32 v38;
	v38 =	vld.idx.msk [tilespmem:v10+s1+$0x0], $0xffff  }
0x4df: {  	v32 =	vmovc v13;
	v25 =	vmovc v59;
	v44 =	vor.u32 $0x200, v13;
	v10 =	vmul.f32 $1.953125000e-03, v45;
	v41 =	vld.idx.msk [tilespmem:v2+s1+$0x0], $0xffff;
	v45 =	vor.u32 $0x200, v16  }
0x4e0: {  	v57 =	vmovc v17;
	v59 =	vmovc v16;
	v48 =	vadd.f32 $-1.000000000e+00, v11;
	v43 =	vadd.s32 v43, v5;
	v49 =	vmul.f32 $1.953125000e-03, v42;
	v42 =	vld.idx.msk [tilespmem:v6+s1+$0x0], $0xffff  }
0x4e1: {  	s13 =	simm.s32 $0x40;
	s14 =	simm.s32 $0x30F;
	v62 =	vmovc v12;
	[tilespmem:s29+$0x1AE00] =	vst v47;
	s29 =	smov.u32 s10;
	v46 =	vadd.s32 v3, v43;
	v50 =	vmul.f32 $1.953125000e-03, v9;
	v47 =	vadd.f32 $-1.000000000e+00, v10;
	v43 =	vld.idx.msk [tilespmem:v7+s1+$0x0], $0xffff  }
.LBB2_4:
0x4e2: {  	v0 =	vld [tilespmem:$0x1FFF0];
	_ =	sdelay $0x2  }
0x4e3: {  	v49 =	vadd.f32 $-1.600000000e+01, v49  }
0x4e4: {  	v44 =	vld.idx.msk [tilespmem:v44+s1+$0x0], $0xffff;
	s17 =	sadd.s32 $0xFFFFFFFE, s14;
	v50 =	vadd.f32 $-1.600000000e+01, v50  }
0x4e5: {  	v7 =	vld.idx.msk [tilespmem:v45+s1+$0x0], $0xffff;
	v1 =	vmul.f32 v49, v48;
	v37 =	vadd.s32 v37, v46;
	v2 =	vor.u32 s17, v0  }
0x4e6: {  	s15 =	sadd.s32 $0xFFFFFFFF, s14;
	v40 =	vld.idx.msk [tilespmem:v40+s1+$0x0], $0xffff;
	v47 =	vmul.f32 v50, v47;
	v51 =	vor.u32 s14, v0;
	v37 =	vadd.s32 v39, v37  }
0x4e7: {  	v36 =	vld.idx.msk [tilespmem:v36+s1+$0x0], $0xffff;
	v6 =	vor.u32 s15, v0;
	v37 =	vadd.s32 v38, v37  }
0x4e8: {  	v35 =	vld.idx.msk [tilespmem:v35+s1+$0x0], $0xffff;
	v3 =	vsub.f32 v1, v47;
	v37 =	vadd.s32 v41, v37  }
0x4e9: {  	v5 =	vor.u32 $0x80, v29;
	v37 =	vadd.s32 v42, v37;
	v42 =	vld.idx.msk [tilespmem:v34+s1+$0x0], $0xffff  }
0x4ea: {  	s13 =	sadd.s32 $0x40, s13;
	v48 =	vor.u32 $0x80, v15;
	v4 =	vmul.f32 $1.250000000e-01, v3;
	v1 =	vld.idx.msk [tilespmem:v2+s30+$0x0], $0xffff  }
0x4eb: {  	s15 =	sshra.s32 s13, $0x2;
	v41 =	vor.u32 $0x80, v20;
	v34 =	vld.idx.msk [tilespmem:v51+s30+$0x0], $0xffff  }
0x4ec: {  	v37 =	vadd.s32 v43, v37;
	v38 =	vld.idx.msk [tilespmem:v6+s30+$0x0], $0xffff;
	v6 =	vor.u32 $0x80, v22;
	[tilespmem:s15+$0x18B00] =	vst v4  }
0x4ed: {  	v11 =	vor.u32 $0x80, v52;
	v37 =	vadd.s32 v44, v37;
	v49 =	vld [tilespmem:s11+$0x80]  }
0x4ee: {  	v39 =	vadd.s32 v7, v37;
	v7 =	vor.u32 $0x80, v55;
	v45 =	vld.idx.msk [tilespmem:v5+s1+$0x0], $0xffff  }
0x4ef: {  	v48 =	vld.idx.msk [tilespmem:v48+s1+$0x0], $0xffff;
	v39 =	vadd.s32 v40, v39;
	[tilespmem:$0x1FD00] =	vst v1;
	v1 =	vor.u32 $0x80, v21  }
0x4f0: {  	v13 =	vmovc v55;
	v47 =	vor.u32 $0x80, v31;
	v55 =	vor.u32 $0x80, v28;
	v36 =	vadd.s32 v36, v39;
	v39 =	vld.idx.msk [tilespmem:v41+s1+$0x0], $0xffff  }
0x4f1: {  	v3 =	vshra.s32 v33, $0x10;
	v2 =	vand.u32 $0xFFFF, v33;
	v35 =	vadd.s32 v35, v36;
	v4 =	vld.idx.msk [tilespmem:v6+s1+$0x0], $0xffff  }
0x4f2: {  	v36 =	vcvt.s32.f32 v2;
	v2 =	vor.u32 $0x80, v30;
	v35 =	vadd.s32 v42, v35;
	v42 =	vld.idx.msk [tilespmem:v11+s1+$0x0], $0xffff  }
0x4f3: {  	v33 =	vcvt.s32.f32 v3;
	v5 =	vand.u32 $0xFFFF, v35;
	v35 =	vshra.s32 v35, $0x10;
	v43 =	vld.idx.msk [tilespmem:v7+s1+$0x0], $0xffff  }
0x4f4: {  	v44 =	vcvt.s32.f32 v5;
	v35 =	vcvt.s32.f32 v35;
	v40 =	vld.idx.msk [tilespmem:v1+s1+$0x0], $0xffff;
	v1 =	vor.u32 $0x80, v53  }
0x4f5: {  	v3 =	vor.u32 $0x80, v23;
	v33 =	vmul.f32 $1.953125000e-03, v33;
	v36 =	vmul.f32 $1.953125000e-03, v36;
	v41 =	vld.idx.msk [tilespmem:v55+s1+$0x0], $0xffff  }
0x4f6: {  	v39 =	vadd.s32 v39, v45;
	v45 =	vld.idx.msk [tilespmem:v47+s1+$0x0], $0xffff;
	v44 =	vmul.f32 $1.953125000e-03, v44;
	v35 =	vmul.f32 $1.953125000e-03, v35  }
0x4f7: {  	v46 =	vor.u32 $0x80, v26;
	v33 =	vadd.f32 $-1.000000000e+00, v33;
	v36 =	vadd.f32 $-1.000000000e+00, v36;
	v11 =	vld.idx.msk [tilespmem:v2+s1+$0x0], $0xffff  }
0x4f8: {  	v2 =	vld [tilespmem:$0x1FE50];
	v39 =	vadd.s32 v4, v39;
	v44 =	vadd.f32 $-1.600000000e+01, v44;
	v35 =	vadd.f32 $-1.600000000e+01, v35  }
0x4f9: {  	v5 =	vor.u32 $0x80, v19;
	v4 =	vor.u32 $0x80, v57;
	v39 =	vadd.s32 v43, v39;
	v6 =	vld.idx.msk [tilespmem:v1+s1+$0x0], $0xffff  }
0x4fa: {  	v33 =	vmul.f32 v44, v33;
	v35 =	vmul.f32 v35, v36;
	v7 =	vadd.s32 v40, v39;
	v1 =	vld [tilespmem:$0x1FE40]  }
0x4fb: {  	v8 =	vmov v52;
	[tilespmem:$0x1FD50] =	vst v52;
	v52 =	vor.u32 $0x80, v54;
	v36 =	vadd.s32 v41, v7;
	v41 =	vld.idx.msk [tilespmem:v3+s1+$0x0], $0xffff  }
0x4fc: {  	[tilespmem:$0x1FD90] =	vst v26;
	v33 =	vsub.f32 v33, v35;
	v3 =	vld [tilespmem:$0x1FE60]  }
0x4fd: {  	v9 =	vmovc v26;
	[tilespmem:$0x1FD60] =	vst v53;
	v26 =	vmov v53;
	v44 =	vor.u32 $0x280, v56;
	v53 =	vadd.s32 v48, v36;
	v36 =	vld.idx.msk [tilespmem:v46+s1+$0x0], $0xffff  }
0x4fe: {  	v7 =	vor.u32 $0x280, v2;
	v33 =	vmul.f32 $1.250000000e-01, v33;
	v35 =	vadd.s32 v45, v53;
	v45 =	vld.idx.msk [tilespmem:v4+s1+$0x0], $0xffff  }
0x4ff: {  	v35 =	vadd.s32 v42, v35;
	v42 =	vld.idx.msk [tilespmem:v5+s1+$0x0], $0xffff;
	v5 =	vor.u32 $0x280, v60  }
0x500: {  	v40 =	vld.idx.msk [tilespmem:v52+s1+$0x0], $0xffff;
	[tilespmem:s6+$0x19F00] =	vst v33;
	v55 =	vor.u32 $0x280, v1;
	v35 =	vadd.s32 v6, v35  }
0x501: {  	v10 =	vmovc v15;
	v50 =	vor.u32 $0x280, v24;
	v6 =	vor.u32 $0x280, v63;
	v51 =	vld [tilespmem:s8+$0x280];
	v35 =	vadd.s32 v11, v35  }
0x502: {  	[tilespmem:$0x1FDC0] =	vst v54;
	v12 =	vmovc v61;
	v47 =	vor.u32 $0x280, v14;
	v44 =	vld.idx.msk [tilespmem:v44+s1+$0x0], $0xffff;
	v4 =	vor.u32 $0x280, v3;
	v35 =	vadd.s32 v41, v35  }
0x503: {  	v15 =	vmovc v14;
	v14 =	vmovc v54;
	v54 =	vor.u32 $0x280, v61;
	v61 =	vor.u32 $0x280, v62;
	v35 =	vadd.s32 v36, v35;
	v36 =	vld.idx.msk [tilespmem:v7+s1+$0x0], $0xffff  }
0x504: {  	v37 =	vmovc v58;
	v43 =	vor.u32 $0x280, v58;
	v58 =	vand.u32 $0xFFFF, v49;
	v35 =	vadd.s32 v45, v35;
	v33 =	vld.idx.msk [tilespmem:v5+s1+$0x0], $0xffff  }
0x505: {  	s18 =	sadd.s32 $0xFFFFFFFB, s14;
	v7 =	vor.u32 $0x280, v18;
	v5 =	vshra.s32 v49, $0x10;
	v41 =	vld.idx.msk [tilespmem:v55+s1+$0x0], $0xffff;
	v35 =	vadd.s32 v42, v35  }
0x506: {  	v11 =	vmovc v24;
	v24 =	vmovc v56;
	v56 =	vor.u32 s18, v0;
	v39 =	vld.idx.msk [tilespmem:v6+s1+$0x0], $0xffff;
	v42 =	vcvt.s32.f32 v5;
	v35 =	vadd.s32 v40, v35  }
0x507: {  	v45 =	vld.idx.msk [tilespmem:v4+s1+$0x0], $0xffff;
	v4 =	vcvt.s32.f32 v58;
	v6 =	vand.u32 $0xFFFF, v35;
	v35 =	vshra.s32 v35, $0x10  }
0x508: {  	v52 =	vor.u32 $0x280, v25;
	v61 =	vld.idx.msk [tilespmem:v61+s1+$0x0], $0xffff;
	v49 =	vcvt.s32.f32 v6;
	v35 =	vcvt.s32.f32 v35  }
0x509: {  	v53 =	vor.u32 $0x280, v32;
	v58 =	vld.idx.msk [tilespmem:v47+s1+$0x0], $0xffff;
	v42 =	vmul.f32 $1.953125000e-03, v42;
	v40 =	vmul.f32 $1.953125000e-03, v4  }
0x50a: {  	v17 =	vmovc v31;
	[tilespmem:$0x1FD40] =	vst v31;
	v31 =	vmovc v59;
	v46 =	vld.idx.msk [tilespmem:v7+s1+$0x0], $0xffff;
	v7 =	vor.u32 $0x280, v59;
	v59 =	vmul.f32 $1.953125000e-03, v49;
	v35 =	vmul.f32 $1.953125000e-03, v35  }
0x50b: {  	v4 =	vld.idx.msk [tilespmem:v54+s1+$0x0], $0xffff;
	v42 =	vadd.f32 $-1.000000000e+00, v42;
	v36 =	vadd.s32 v41, v36;
	v40 =	vadd.f32 $-1.000000000e+00, v40  }
0x50c: {  	s17 =	sadd.s32 $0xFFFFFFFD, s14;
	v41 =	vld.idx.msk [tilespmem:v56+s30+$0x0], $0xffff;
	v36 =	vadd.s32 v45, v36;
	v47 =	vadd.f32 $-1.600000000e+01, v59;
	v35 =	vadd.f32 $-1.600000000e+01, v35  }
0x50d: {  	v48 =	vor.u32 $0x280, v27;
	v6 =	vor.u32 s17, v0;
	v45 =	vld.idx.msk [tilespmem:v43+s1+$0x0], $0xffff;
	v33 =	vadd.s32 v33, v36  }
0x50e: {  	s16 =	sadd.s32 $0xFFFFFFFC, s14;
	v33 =	vadd.s32 v39, v33;
	v39 =	vld.idx.msk [tilespmem:v53+s1+$0x0], $0xffff;
	v42 =	vmul.f32 v47, v42;
	v35 =	vmul.f32 v35, v40  }
0x50f: {  	v5 =	vor.u32 s16, v0;
	v7 =	vld.idx.msk [tilespmem:v7+s1+$0x0], $0xffff;
	v33 =	vadd.s32 v44, v33  }
0x510: {  	v40 =	vld.idx.msk [tilespmem:v52+s1+$0x0], $0xffff;
	v33 =	vadd.s32 v46, v33;
	v35 =	vsub.f32 v42, v35  }
0x511: {  	v59 =	vor.u32 $0x100, v14;
	v33 =	vadd.s32 v58, v33;
	v58 =	vld.idx.msk [tilespmem:v50+s1+$0x0], $0xffff  }
0x512: {  	v16 =	vmovc v18;
	v18 =	vmovc v63;
	v63 =	vor.u32 $0x100, v28;
	v33 =	vadd.s32 v61, v33;
	v61 =	vld.idx.msk [tilespmem:v48+s1+$0x0], $0xffff;
	v35 =	vmul.f32 $1.250000000e-01, v35  }
0x513: {  	s19 =	sadd.s32 $0xFFFFFFFA, s14;
	v49 =	vor.u32 $0x100, v22;
	v48 =	vld.idx.msk [tilespmem:v6+s30+$0x0], $0xffff;
	v6 =	vor.u32 $0x100, v23;
	v33 =	vadd.s32 v4, v33  }
0x514: {  	v43 =	vor.u32 s19, v0;
	v4 =	vor.u32 $0x100, v19;
	v33 =	vadd.s32 v39, v33;
	v39 =	vld.idx.msk [tilespmem:v5+s30+$0x0], $0xffff;
	[tilespmem:s15+$0x19000] =	vst v35  }
0x515: {  	s17 =	sadd.s32 $0xFFFFFFF9, s14;
	v53 =	vand.u32 $0xFFFF, v51;
	v5 =	vor.u32 $0x100, v57;
	v33 =	vadd.s32 v7, v33;
	v55 =	vld [tilespmem:s11+$0x100]  }
0x516: {  	v14 =	vor.u32 s17, v0;
	v54 =	vcvt.s32.f32 v53;
	v33 =	vadd.s32 v40, v33;
	v56 =	vld.idx.msk [tilespmem:v59+s1+$0x0], $0xffff  }
0x517: {  	v46 =	vor.u32 $0x100, v30;
	v7 =	vor.u32 $0x100, v9;
	v63 =	vld.idx.msk [tilespmem:v63+s1+$0x0], $0xffff;
	v33 =	vadd.s32 v58, v33  }
0x518: {  	[tilespmem:$0x1FD10] =	vst v27;
	v27 =	vmovc v60;
	v9 =	vor.u32 $0x100, v20;
	v40 =	vor.u32 $0x100, v26;
	v60 =	vld.idx.msk [tilespmem:v6+s1+$0x0], $0xffff;
	v33 =	vadd.s32 v45, v33  }
0x519: {  	[tilespmem:$0x1FDA0] =	vst v57;
	v6 =	vmul.f32 $1.953125000e-03, v54;
	v57 =	vld.idx.msk [tilespmem:v4+s1+$0x0], $0xffff;
	v33 =	vadd.s32 v61, v33;
	v61 =	vshra.s32 v51, $0x10  }
0x51a: {  	v26 =	vmovc v3;
	v58 =	vld.idx.msk [tilespmem:v5+s1+$0x0], $0xffff;
	v3 =	vand.u32 $0xFFFF, v33;
	v33 =	vshra.s32 v33, $0x10;
	v45 =	vcvt.s32.f32 v61  }
0x51b: {  	s18 =	sadd.s32 $0xFFFFFFF7, s14;
	v35 =	vadd.f32 $-1.000000000e+00, v6;
	v6 =	vld.idx.msk [tilespmem:v49+s1+$0x0], $0xffff;
	v5 =	vcvt.s32.f32 v3;
	v33 =	vcvt.s32.f32 v33  }
0x51c: {  	v47 =	vor.u32 s18, v0;
	v4 =	vor.u32 $0x100, v29;
	v59 =	vld.idx.msk [tilespmem:v7+s1+$0x0], $0xffff;
	v7 =	vmul.f32 $1.953125000e-03, v45  }
0x51d: {  	[tilespmem:$0x1FD70] =	vst v30;
	v30 =	vmovc v10;
	v10 =	vor.u32 $0x100, v10;
	v61 =	vld.idx.msk [tilespmem:v46+s1+$0x0], $0xffff;
	v44 =	vmul.f32 $1.953125000e-03, v5;
	v33 =	vmul.f32 $1.953125000e-03, v33  }
0x51e: {  	[tilespmem:$0x1FD30] =	vst v21;
	s19 =	sadd.s32 $0xFFFFFFF8, s14;
	v46 =	vor.u32 $0x100, v21;
	v21 =	vld [tilespmem:$0x1FD00];
	v45 =	vor.u32 $0x100, v13;
	v36 =	vadd.f32 $-1.000000000e+00, v7  }
0x51f: {  	[tilespmem:$0x1FD80] =	vst v23;
	v52 =	vor.u32 s19, v0;
	s18 =	sadd.s32 $0xFFFFFFF3, s14;
	s19 =	sadd.s32 $0xFFFFFFF4, s14;
	v42 =	vmovc v31;
	v31 =	vmovc v62;
	v62 =	vld.idx.msk [tilespmem:v40+s1+$0x0], $0xffff;
	v44 =	vadd.f32 $-1.600000000e+01, v44;
	v33 =	vadd.f32 $-1.600000000e+01, v33  }
0x520: {  	[tilespmem:$0x1FD20] =	vst v14;
	v14 =	vmovc v1;
	v53 =	vor.u32 s19, v0;
	v1 =	vor.u32 $0x300, v1;
	v50 =	vor.u32 s18, v0;
	v23 =	vmovc v13;
	v40 =	vld.idx.msk [tilespmem:v9+s1+$0x0], $0xffff  }
0x521: {  	s17 =	sadd.s32 $0xFFFFFFF6, s14;
	v13 =	vmovc v2;
	v9 =	vld.idx.msk [tilespmem:v4+s1+$0x0], $0xffff;
	v7 =	vor.u32 $0x100, v17;
	v36 =	vmul.f32 v44, v36;
	v33 =	vmul.f32 v33, v35  }
0x522: {  	s16 =	sadd.s32 $0xFFFFFFF5, s14;
	v54 =	vor.u32 s17, v0;
	v51 =	vmovc v11;
	v11 =	vor.u32 $0x100, v8;
	v3 =	vld.idx.msk [tilespmem:v10+s1+$0x0], $0xffff;
	v4 =	vor.u32 $0x300, v13  }
0x523: {  	v5 =	vor.u32 $0x300, v26;
	v17 =	vor.u32 s16, v0;
	s16 =	sadd.s32 $0xFFFFFFF1, s14;
	v45 =	vld.idx.msk [tilespmem:v45+s1+$0x0], $0xffff;
	v36 =	vsub.f32 v36, v33  }
0x524: {  	s17 =	sadd.s32 $0xFFFFFFF2, s14;
	v46 =	vld.idx.msk [tilespmem:v46+s1+$0x0], $0xffff;
	v49 =	vor.u32 s16, v0;
	v33 =	vand.u32 $0x7F, v34;
	v34 =	vshll.u32 v34, $0x3  }
0x525: {  	v44 =	vor.u32 s17, v0;
	v0 =	vld [tilespmem:$0x1FD10];
	[tilespmem:$0x1FE20] =	vst v33;
	v34 =	vand.u32 $0xFFFFFC00, v34;
	v36 =	vmul.f32 $1.250000000e-01, v36  }
0x526: {  	v35 =	vor.u32 $0x300, v18;
	v2 =	vadd.s32 v40, v9;
	v40 =	vor.u32 $0x300, v27;
	v7 =	vld.idx.msk [tilespmem:v7+s1+$0x0], $0xffff;
	[tilespmem:$0x1FE30] =	vst v34  }
0x527: {  	v2 =	vadd.s32 v6, v2;
	v6 =	vld.idx.msk [tilespmem:v11+s1+$0x0], $0xffff;
	v11 =	vor.u32 $0x300, v24;
	v34 =	vand.u32 $0x7F, v38;
	[tilespmem:s6+$0x1A400] =	vst v36  }
0x528: {  	v33 =	vor.u32 $0x300, v15;
	[tilespmem:$0x1FE10] =	vst v34;
	v2 =	vadd.s32 v45, v2;
	v45 =	vand.u32 $0x7F, v21;
	v10 =	vld [tilespmem:s8+$0x300]  }
0x529: {  	v34 =	vand.u32 $0x7F, v39;
	[tilespmem:$0x1FE00] =	vst v45;
	v2 =	vadd.s32 v46, v2;
	v45 =	vshll.u32 v38, $0x3;
	v1 =	vld.idx.msk [tilespmem:v1+s1+$0x0], $0xffff  }
0x52a: {  	v38 =	vor.u32 $0x300, v16;
	v46 =	vshll.u32 v21, $0x3;
	v2 =	vadd.s32 v63, v2;
	v4 =	vld.idx.msk [tilespmem:v4+s1+$0x0], $0xffff  }
0x52b: {  	[tilespmem:$0x1FDF0] =	vst v34;
	v36 =	vor.u32 $0x300, v42;
	v34 =	vor.u32 $0x300, v51;
	v2 =	vadd.s32 v3, v2;
	v3 =	vld.idx.msk [tilespmem:v5+s1+$0x0], $0xffff  }
0x52c: {  	v63 =	vand.u32 $0x7F, v48;
	v48 =	vshll.u32 v48, $0x3;
	v2 =	vadd.s32 v7, v2;
	v7 =	vld.idx.msk [tilespmem:v40+s1+$0x0], $0xffff  }
0x52d: {  	v11 =	vld.idx.msk [tilespmem:v11+s1+$0x0], $0xffff;
	[tilespmem:$0x1FDD0] =	vst v63;
	v63 =	vor.u32 $0x300, v0;
	v40 =	vor.u32 $0x300, v31;
	v2 =	vadd.s32 v6, v2  }
0x52e: {  	v6 =	vld.idx.msk [tilespmem:v35+s1+$0x0], $0xffff;
	v35 =	vor.u32 $0x300, v12;
	v2 =	vadd.s32 v62, v2;
	v62 =	vor.u32 $0x300, v32  }
0x52f: {  	v2 =	vadd.s32 v61, v2;
	v1 =	vadd.s32 v1, v4;
	v4 =	vld.idx.msk [tilespmem:v33+s1+$0x0], $0xffff;
	v33 =	vor.u32 $0x300, v25  }
0x530: {  	v38 =	vld.idx.msk [tilespmem:v38+s1+$0x0], $0xffff;
	v9 =	vand.u32 $0xFFFF, v10;
	v2 =	vadd.s32 v60, v2;
	v1 =	vadd.s32 v3, v1  }
0x531: {  	v10 =	vshra.s32 v10, $0x10;
	v2 =	vadd.s32 v59, v2;
	v1 =	vadd.s32 v7, v1  }
0x532: {  	v3 =	vld.idx.msk [tilespmem:v40+s1+$0x0], $0xffff;
	v40 =	vmovc v51;
	v51 =	vand.u32 $0xFFFF, v55;
	v55 =	vshra.s32 v55, $0x10;
	v2 =	vadd.s32 v58, v2  }
0x533: {  	v7 =	vld.idx.msk [tilespmem:v35+s1+$0x0], $0xffff;
	v1 =	vadd.s32 v6, v1;
	v55 =	vcvt.s32.f32 v55;
	v2 =	vadd.s32 v57, v2  }
0x534: {  	v35 =	vor.u32 $0x300, v37;
	v58 =	vld.idx.msk [tilespmem:v43+s30+$0x0], $0xffff;
	v1 =	vadd.s32 v11, v1;
	v2 =	vadd.s32 v56, v2  }
0x535: {  	v1 =	vadd.s32 v38, v1;
	v5 =	vld.idx.msk [tilespmem:v33+s1+$0x0], $0xffff;
	v33 =	vcvt.s32.f32 v51;
	v51 =	vmul.f32 $1.953125000e-03, v55  }
0x536: {  	v6 =	vld.idx.msk [tilespmem:v62+s1+$0x0], $0xffff;
	v56 =	vand.u32 $0xFFFF, v2;
	v2 =	vshra.s32 v2, $0x10;
	v1 =	vadd.s32 v4, v1  }
0x537: {  	v62 =	vld.idx.msk [tilespmem:v36+s1+$0x0], $0xffff;
	v4 =	vcvt.s32.f32 v10;
	v10 =	vor.u32 $0x380, v13;
	v60 =	vcvt.s32.f32 v56  }
0x538: {  	v2 =	vcvt.s32.f32 v2;
	v1 =	vadd.s32 v3, v1;
	v8 =	vmul.f32 $1.953125000e-03, v33  }
0x539: {  	v61 =	vld.idx.msk [tilespmem:v34+s1+$0x0], $0xffff;
	v57 =	vadd.f32 $-1.000000000e+00, v51;
	v3 =	vcvt.s32.f32 v9;
	v1 =	vadd.s32 v7, v1  }
0x53a: {  	v34 =	vld.idx.msk [tilespmem:v35+s1+$0x0], $0xffff;
	v4 =	vmul.f32 $1.953125000e-03, v4;
	v11 =	vshll.u32 v58, $0x3;
	v35 =	vmul.f32 $1.953125000e-03, v60  }
0x53b: {  	v2 =	vmul.f32 $1.953125000e-03, v2;
	v1 =	vadd.s32 v6, v1;
	v8 =	vadd.f32 $-1.000000000e+00, v8  }
0x53c: {  	v55 =	vld.idx.msk [tilespmem:v63+s1+$0x0], $0xffff;
	v3 =	vmul.f32 $1.953125000e-03, v3;
	v1 =	vadd.s32 v62, v1;
	v4 =	vadd.f32 $-1.000000000e+00, v4  }
0x53d: {  	v33 =	vld [tilespmem:$0x1FD20];
	v62 =	vand.u32 $0x7F, v41;
	v56 =	vadd.f32 $-1.600000000e+01, v35;
	v2 =	vadd.f32 $-1.600000000e+01, v2  }
0x53e: {  	v13 =	vld [tilespmem:$0x1FD30];
	v1 =	vadd.s32 v5, v1;
	[tilespmem:$0x1FDE0] =	vst v62;
	v3 =	vadd.f32 $-1.000000000e+00, v3;
	v62 =	vor.u32 $0x180, v22  }
0x53f: {  	v35 =	vld.idx.msk [tilespmem:v47+s30+$0x0], $0xffff;
	v1 =	vadd.s32 v61, v1;
	v61 =	vor.u32 $0x180, v23;
	v63 =	vmul.f32 v56, v57  }
0x540: {  	v51 =	vld.idx.msk [tilespmem:v53+s30+$0x0], $0xffff;
	v2 =	vmul.f32 v2, v8;
	v1 =	vadd.s32 v34, v1;
	v8 =	vshll.u32 v39, $0x3  }
0x541: {  	v34 =	vld.idx.msk [tilespmem:v52+s30+$0x0], $0xffff;
	v39 =	vand.u32 $0x7F, v58;
	v52 =	vshll.u32 v41, $0x3;
	v1 =	vadd.s32 v55, v1  }
0x542: {  	v60 =	vld.idx.msk [tilespmem:v17+s30+$0x0], $0xffff;
	v55 =	vor.u32 $0x380, v26;
	v26 =	vor.u32 $0x380, v24;
	v24 =	vor.u32 $0x380, v16  }
0x543: {  	v57 =	vld.idx.msk [tilespmem:v44+s30+$0x0], $0xffff;
	v7 =	vand.u32 $0xFFFF, v1;
	v1 =	vshra.s32 v1, $0x10;
	v2 =	vsub.f32 v63, v2  }
0x544: {  	v16 =	vld [tilespmem:$0x1FD50];
	v7 =	vcvt.s32.f32 v7;
	v1 =	vcvt.s32.f32 v1;
	v44 =	vand.u32 $0x7F, v35  }
0x545: {  	v6 =	vld.idx.msk [tilespmem:v33+s30+$0x0], $0xffff;
	v9 =	vshll.u32 v35, $0x3;
	v35 =	vor.u32 $0x380, v18;
	v18 =	vand.u32 $0xFFFFFC00, v48  }
0x546: {  	v48 =	vand.u32 $0xFFFFFC00, v52;
	v52 =	vor.u32 $0x380, v12;
	v12 =	vld [tilespmem:$0x1FD60];
	v1 =	vmul.f32 $1.953125000e-03, v1  }
0x547: {  	v56 =	vor.u32 $0x180, v29;
	v63 =	vor.u32 $0x180, v20;
	v59 =	vmul.f32 $1.953125000e-03, v7;
	v7 =	vld.idx.msk [tilespmem:v54+s30+$0x0], $0xffff  }
0x548: {  	v58 =	vmovc v23;
	v2 =	vmul.f32 $1.250000000e-01, v2;
	v54 =	vld.idx.msk [tilespmem:v50+s30+$0x0], $0xffff;
	v23 =	vand.u32 $0x7F, v57;
	v1 =	vadd.f32 $-1.600000000e+01, v1  }
0x549: {  	v21 =	vshll.u32 v57, $0x3;
	v57 =	vor.u32 $0x380, v15;
	v15 =	vld [tilespmem:$0x1FD40];
	v5 =	vadd.f32 $-1.600000000e+01, v59  }
0x54a: {  	v1 =	vmul.f32 v1, v3;
	v3 =	vld.idx.msk [tilespmem:v49+s30+$0x0], $0xffff;
	[tilespmem:s15+$0x19500] =	vst v2  }
0x54b: {  	v4 =	vmul.f32 v5, v4;
	v50 =	vld.idx.msk [tilespmem:v61+s1+$0x0], $0xffff  }
0x54c: {  	v36 =	vmov v20;
	v20 =	vld.idx.msk [tilespmem:v62+s1+$0x0], $0xffff  }
0x54d: {  	s29 =	sadd.s32 $0x1, s29;
	v53 =	vld.idx.msk [tilespmem:v63+s1+$0x0], $0xffff;
	v1 =	vsub.f32 v4, v1  }
0x54e: {  	s17 =	sand.u32 $0x7, s29;
	v47 =	vand.u32 $0x7F, v60;
	v63 =	vshll.u32 v60, $0x3;
	v56 =	vld.idx.msk [tilespmem:v56+s1+$0x0], $0xffff;
	v4 =	vor.u32 $0x380, v14  }
0x54f: {  	s8 =	smov.u32 s11;
	s11 =	sshll.u32 s17, $0x4;
	v60 =	vmovc v13;
	v13 =	vmovc v15;
	v15 =	vmov v16;
	v16 =	vmov v12;
	v12 =	vld [tilespmem:$0x1FD70];
	v1 =	vmul.f32 $1.250000000e-01, v1  }
0x550: {  	s11 =	sadd.s32 s11, s7;
	v14 =	vmov v30;
	v30 =	vor.u32 $0x380, v42;
	v42 =	vld [tilespmem:$0x1FD80]  }
0x551: {  	s11 =	sor.u32 $0x380, s11;
	v33 =	vor.u32 $0x380, v27;
	v61 =	vor.u32 $0x380, v31;
	v31 =	vand.u32 $0xFFFFFC00, v63;
	v63 =	vld [tilespmem:$0x1FDA0];
	[tilespmem:s6+$0x1A900] =	vst v1  }
0x552: {  	v62 =	vld [tilespmem:s11+$0x0]  }
0x553: {  	v4 =	vld.idx.msk [tilespmem:v4+s1+$0x0], $0xffff  }
0x554: {  	v10 =	vld.idx.msk [tilespmem:v10+s1+$0x0], $0xffff  }
0x555: {  	v55 =	vld.idx.msk [tilespmem:v55+s1+$0x0], $0xffff  }
0x556: {  	v43 =	vand.u32 $0xFFFFFC00, v45;
	v45 =	vand.u32 $0xFFFFFC00, v46;
	v37 =	vor.u32 $0x380, v37;
	v1 =	vld.idx.msk [tilespmem:v33+s1+$0x0], $0xffff  }
0x557: {  	v46 =	vand.u32 $0xFFFFFC00, v8;
	v41 =	vand.u32 $0x7F, v6;
	v6 =	vshll.u32 v6, $0x3;
	v8 =	vld.idx.msk [tilespmem:v35+s1+$0x0], $0xffff  }
0x558: {  	v33 =	vand.u32 $0xFFFFFC00, v6;
	v6 =	vld.idx.msk [tilespmem:v26+s1+$0x0], $0xffff  }
0x559: {  	v38 =	vand.u32 $0x7F, v7;
	v7 =	vshll.u32 v7, $0x3;
	v26 =	vld.idx.msk [tilespmem:v24+s1+$0x0], $0xffff  }
0x55a: {  	v17 =	vmov v22;
	v2 =	vshll.u32 v34, $0x3;
	v22 =	vand.u32 $0xFFFFFC00, v7;
	v7 =	vld.idx.msk [tilespmem:v57+s1+$0x0], $0xffff  }
0x55b: {  	[tilespmem:$0x1FDB0] =	vst v19;
	v5 =	vand.u32 $0x7F, v34;
	v2 =	vand.u32 $0xFFFFFC00, v2;
	v57 =	vld [tilespmem:$0x1FD90]  }
0x55c: {  	v35 =	vand.u32 $0xFFFFFC00, v11;
	v11 =	vor.u32 $0x380, v32;
	v24 =	vmovc v63;
	v63 =	vmovc v17;
	v17 =	vor.u32 v5, v2;
	v5 =	vld.idx.msk [tilespmem:v37+s1+$0x0], $0xffff  }
0x55d: {  	v19 =	vmov v28;
	v4 =	vadd.s32 v4, v10;
	v10 =	vor.u32 $0x380, v25;
	v25 =	vld [tilespmem:$0x1FDB0]  }
0x55e: {  	v27 =	vmov v19;
	v4 =	vadd.s32 v55, v4;
	v55 =	vld.idx.msk [tilespmem:v61+s1+$0x0], $0xffff  }
0x55f: {  	v19 =	vand.u32 $0xFFFFFC00, v9;
	v21 =	vand.u32 $0xFFFFFC00, v21;
	v49 =	vand.u32 $0x7F, v51;
	v61 =	vmovc v27;
	v27 =	vld [tilespmem:$0x1FDC0]  }
0x560: {  	v51 =	vshll.u32 v51, $0x3;
	v59 =	vmovc v12;
	v12 =	vmovc v57;
	v57 =	vor.u32 $0x380, v40;
	v1 =	vadd.s32 v1, v4;
	v4 =	vld.idx.msk [tilespmem:v52+s1+$0x0], $0xffff  }
0x561: {  	v34 =	vmovc v29;
	v29 =	vand.u32 $0x7F, v54;
	v54 =	vshll.u32 v54, $0x3;
	v1 =	vadd.s32 v8, v1;
	v8 =	vld.idx.msk [tilespmem:v11+s1+$0x0], $0xffff  }
0x562: {  	v32 =	vmovc v42;
	v1 =	vadd.s32 v6, v1;
	v6 =	vld.idx.msk [tilespmem:v30+s1+$0x0], $0xffff;
	v42 =	vmovc v25;
	v25 =	vand.u32 $0xFFFFFC00, v54;
	v54 =	vor.u32 $0x380, v0  }
0x563: {  	v9 =	vand.u32 $0xFFFFFC00, v51;
	v28 =	vand.u32 $0x7F, v3;
	v1 =	vadd.s32 v26, v1;
	v26 =	vld [tilespmem:$0x1FDD0]  }
0x564: {  	v3 =	vshll.u32 v3, $0x3;
	v2 =	vor.u32 $0x180, v14;
	v10 =	vld.idx.msk [tilespmem:v10+s1+$0x0], $0xffff;
	v1 =	vadd.s32 v7, v1  }
0x565: {  	v37 =	vor.u32 $0x180, v13;
	v52 =	vor.u32 $0x180, v24;
	v7 =	vld.idx.msk [tilespmem:v57+s1+$0x0], $0xffff;
	v1 =	vadd.s32 v55, v1  }
0x566: {  	v11 =	vor.u32 $0x180, v15;
	v0 =	vmovc v27;
	v27 =	vor.u32 $0x180, v60;
	v1 =	vadd.s32 v4, v1  }
0x567: {  	v51 =	vor.u32 $0x180, v42;
	v57 =	vadd.s32 v53, v56;
	v1 =	vadd.s32 v8, v1;
	v4 =	vld.idx.msk [tilespmem:v54+s1+$0x0], $0xffff  }
0x568: {  	v18 =	vor.u32 v26, v18;
	v26 =	vor.u32 $0x180, v61;
	v1 =	vadd.s32 v6, v1  }
0x569: {  	v2 =	vld.idx.msk [tilespmem:v2+s1+$0x0], $0xffff;
	v53 =	vor.u32 $0x180, v59;
	v55 =	vor.u32 $0x180, v12;
	v1 =	vadd.s32 v10, v1  }
0x56a: {  	v37 =	vld.idx.msk [tilespmem:v37+s1+$0x0], $0xffff;
	v6 =	vadd.s32 v20, v57;
	v57 =	vshra.s32 v62, $0x10;
	v1 =	vadd.s32 v7, v1  }
0x56b: {  	v11 =	vld.idx.msk [tilespmem:v11+s1+$0x0], $0xffff;
	v6 =	vadd.s32 v50, v6;
	v50 =	vand.u32 $0xFFFF, v62;
	v1 =	vadd.s32 v5, v1  }
0x56c: {  	v8 =	vld.idx.msk [tilespmem:v27+s1+$0x0], $0xffff;
	v27 =	vor.u32 $0x180, v16;
	v56 =	vcvt.s32.f32 v50;
	v1 =	vadd.s32 v4, v1  }
0x56d: {  	v5 =	vcvt.s32.f32 v57;
	v26 =	vld.idx.msk [tilespmem:v26+s1+$0x0], $0xffff;
	v20 =	vand.u32 $0xFFFF, v1;
	v1 =	vshra.s32 v1, $0x10  }
0x56e: {  	v54 =	vld [tilespmem:s8+$0x180];
	v10 =	vor.u32 $0x180, v32;
	v20 =	vcvt.s32.f32 v20;
	v1 =	vcvt.s32.f32 v1  }
0x56f: {  	v40 =	vmovc v15;
	v15 =	vor.u32 v23, v21;
	v62 =	vld.idx.msk [tilespmem:v55+s1+$0x0], $0xffff;
	v4 =	vmul.f32 $1.953125000e-03, v56;
	v5 =	vmul.f32 $1.953125000e-03, v5  }
0x570: {  	v30 =	vor.u32 $0x180, v0;
	v55 =	vld.idx.msk [tilespmem:v51+s1+$0x0], $0xffff;
	v20 =	vmul.f32 $1.953125000e-03, v20;
	v1 =	vmul.f32 $1.953125000e-03, v1  }
0x571: {  	v27 =	vld.idx.msk [tilespmem:v27+s1+$0x0], $0xffff;
	v6 =	vadd.s32 v8, v6;
	v4 =	vadd.f32 $-1.000000000e+00, v4;
	v5 =	vadd.f32 $-1.000000000e+00, v5  }
0x572: {  	v50 =	vmovc v60;
	v60 =	vld.idx.msk [tilespmem:v53+s1+$0x0], $0xffff;
	v6 =	vadd.s32 v26, v6;
	v26 =	vadd.f32 $-1.600000000e+01, v20;
	v1 =	vadd.f32 $-1.600000000e+01, v1  }
0x573: {  	v3 =	vand.u32 $0xFFFFFC00, v3;
	v51 =	vmovc v32;
	v57 =	vor.u32 v29, v25;
	v10 =	vld.idx.msk [tilespmem:v10+s1+$0x0], $0xffff;
	v2 =	vadd.s32 v2, v6  }
0x574: {  	v32 =	vld.idx.msk [tilespmem:v15+s1+$0x0], $0xffff;
	v2 =	vadd.s32 v37, v2;
	v5 =	vmul.f32 v26, v5;
	v1 =	vmul.f32 v1, v4  }
0x575: {  	v28 =	vor.u32 v28, v3;
	v23 =	vor.u32 v44, v19;
	v37 =	vld.idx.msk [tilespmem:v52+s1+$0x0], $0xffff;
	v2 =	vadd.s32 v11, v2  }
0x576: {  	s12 =	sadd.s32 $0x10, s12;
	s7 =	smov.u32 s9;
	s9 =	sadd.s32 $0x80, s9;
	v19 =	vor.u32 v38, v22;
	v29 =	vmovc v15;
	v15 =	vld [tilespmem:$0x1FDE0];
	v2 =	vadd.s32 v27, v2;
	v1 =	vsub.f32 v5, v1  }
0x577: {  	s18 =	sand.u32 $0x70, s12;
	s19 =	sand.u32 $0x7FFFFC00, s9;
	v56 =	vld.idx.msk [tilespmem:v30+s1+$0x0], $0xffff;
	v2 =	vadd.s32 v60, v2  }
0x578: {  	s11 =	sor.u32 s18, s19;
	v8 =	vld.idx.msk [tilespmem:v57+s1+$0x0], $0xffff;
	v2 =	vadd.s32 v10, v2;
	v1 =	vmul.f32 $1.250000000e-01, v1  }
0x579: {  	v4 =	vld [tilespmem:s11+$0x0];
	v2 =	vadd.s32 v62, v2  }
0x57a: {  	v62 =	vld.idx.msk [tilespmem:v28+s1+$0x0], $0xffff;
	v2 =	vadd.s32 v37, v2;
	[tilespmem:s6+$0x1AE00] =	vst v1  }
0x57b: {  	v60 =	vor.u32 v49, v9;
	v2 =	vadd.s32 v55, v2;
	v49 =	vld.idx.msk [tilespmem:v19+s1+$0x0], $0xffff  }
0x57c: {  	v26 =	vor.u32 v47, v31;
	v2 =	vadd.s32 v56, v2;
	v56 =	vld.idx.msk [tilespmem:v23+s1+$0x0], $0xffff  }
0x57d: {  	v38 =	vshra.s32 v54, $0x10;
	v20 =	vmovc v28;
	v28 =	vmovc v19;
	v19 =	vor.u32 v15, v48;
	v15 =	vmov v23;
	v23 =	vld [tilespmem:$0x1FDF0]  }
0x57e: {  	v22 =	vmov v57;
	v6 =	vcvt.s32.f32 v38;
	v57 =	vld.idx.msk [tilespmem:v17+s1+$0x0], $0xffff  }
0x57f: {  	v31 =	vmov v17;
	v17 =	vld [tilespmem:$0x1FE00]  }
0x580: {  	v11 =	vand.u32 $0xFFFF, v54;
	v6 =	vmul.f32 $1.953125000e-03, v6;
	v1 =	vld.idx.msk [tilespmem:v60+s1+$0x0], $0xffff  }
0x581: {  	v37 =	vcvt.s32.f32 v11;
	v47 =	vld.idx.msk [tilespmem:v26+s1+$0x0], $0xffff;
	v44 =	vand.u32 $0xFFFF, v2;
	v2 =	vshra.s32 v2, $0x10  }
0x582: {  	v25 =	vmovc v24;
	v24 =	vor.u32 v41, v33;
	v9 =	vcvt.s32.f32 v44;
	v2 =	vcvt.s32.f32 v2;
	v44 =	vld [tilespmem:$0x1FE20]  }
0x583: {  	v21 =	vmovc v26;
	v26 =	vor.u32 v39, v35;
	v3 =	vmul.f32 $1.953125000e-03, v37;
	v27 =	vor.u32 v23, v46;
	v23 =	vld [tilespmem:$0x1FE10]  }
0x584: {  	v9 =	vmul.f32 $1.953125000e-03, v9;
	v2 =	vmul.f32 $1.953125000e-03, v2;
	v17 =	vor.u32 v17, v45;
	v45 =	vld [tilespmem:$0x1FE30]  }
0x585: {  	v6 =	vadd.f32 $-1.000000000e+00, v6;
	v3 =	vadd.f32 $-1.000000000e+00, v3;
	v5 =	vadd.s32 v62, v32  }
0x586: {  	v5 =	vadd.s32 v8, v5;
	v9 =	vadd.f32 $-1.600000000e+01, v9;
	v2 =	vadd.f32 $-1.600000000e+01, v2  }
0x587: {  	v52 =	vmov v24;
	v55 =	vmov v60;
	v60 =	vld.idx.msk [tilespmem:v24+s1+$0x0], $0xffff;
	v1 =	vadd.s32 v1, v5  }
0x588: {  	v62 =	vld.idx.msk [tilespmem:v26+s1+$0x0], $0xffff;
	v6 =	vmul.f32 v9, v6;
	v2 =	vmul.f32 v2, v3;
	v24 =	vor.u32 v23, v43  }
0x589: {  	v1 =	vadd.s32 v47, v1;
	v3 =	vld.idx.msk [tilespmem:v19+s1+$0x0], $0xffff;
	v46 =	vor.u32 v44, v45  }
0x58a: {  	v1 =	vadd.s32 v49, v1;
	v47 =	vld.idx.msk [tilespmem:v27+s1+$0x0], $0xffff;
	v2 =	vsub.f32 v6, v2  }
0x58b: {  	v48 =	vor.u32 $0x200, v36;
	v1 =	vadd.s32 v56, v1;
	v6 =	vld.idx.msk [tilespmem:v18+s1+$0x0], $0xffff  }
0x58c: {  	v49 =	vor.u32 $0x200, v34;
	v1 =	vadd.s32 v57, v1;
	v7 =	vld.idx.msk [tilespmem:v17+s1+$0x0], $0xffff;
	v2 =	vmul.f32 $1.250000000e-01, v2  }
0x58d: {  	[tilespmem:$0x1FE40] =	vst v36;
	v41 =	vand.u32 $0xFFFF, v4;
	s6 =	smov.u32 s15;
	v1 =	vadd.s32 v60, v1;
	v45 =	vor.u32 $0x200, v58;
	v8 =	vld.idx.msk [tilespmem:v24+s1+$0x0], $0xffff  }
0x58e: {  	v4 =	vshra.s32 v4, $0x10;
	v43 =	vor.u32 $0x200, v63;
	v1 =	vadd.s32 v62, v1;
	v44 =	vld.idx.msk [tilespmem:v46+s1+$0x0], $0xffff;
	[tilespmem:s6+$0x19A00] =	vst v2  }
0x58f: {  	[tilespmem:$0x1FE50] =	vst v34;
	v4 =	vcvt.s32.f32 v4;
	v1 =	vadd.s32 v3, v1;
	v3 =	vor.u32 $0x200, v16;
	v33 =	vld [tilespmem:s8+$0x200]  }
0x590: {  	[tilespmem:$0x1FE60] =	vst v63;
	v35 =	vor.u32 $0x200, v42;
	v36 =	vor.u32 $0x200, v25;
	v53 =	vmovc v26;
	v54 =	vmovc v46;
	v46 =	vor.u32 $0x200, v50;
	v10 =	vld.idx.msk [tilespmem:v48+s1+$0x0], $0xffff  }
0x591: {  	v30 =	vmovc v19;
	v4 =	vmul.f32 $1.953125000e-03, v4;
	v32 =	vmovc v59;
	v1 =	vadd.s32 v47, v1;
	v47 =	vor.u32 $0x200, v61;
	v48 =	vld.idx.msk [tilespmem:v49+s1+$0x0], $0xffff  }
0x592: {  	v26 =	vmovc v18;
	v9 =	vcvt.s32.f32 v41;
	v63 =	vmovc v50;
	v50 =	vor.u32 $0x200, v13;
	v1 =	vadd.s32 v6, v1;
	v2 =	vld.idx.msk [tilespmem:v45+s1+$0x0], $0xffff  }
0x593: {  	v34 =	vor.u32 $0x200, v0;
	v56 =	vmovc v61;
	v57 =	vmovc v17;
	v49 =	vor.u32 $0x200, v14;
	v1 =	vadd.s32 v7, v1;
	v7 =	vld.idx.msk [tilespmem:v43+s1+$0x0], $0xffff  }
0x594: {  	p0 =	sne.s32 s14, $0x4E0F;
	v23 =	vmovc v27;
	v60 =	vmovc v58;
	v9 =	vmul.f32 $1.953125000e-03, v9;
	v43 =	vld.idx.msk [tilespmem:v3+s1+$0x0], $0xffff;
	v1 =	vadd.s32 v8, v1;
	v8 =	vor.u32 $0x200, v40  }
.Ltmp1:
0x595: {  	v27 =	vmovc v0;
	v62 =	vmovc v40;
	v45 =	vor.u32 $0x200, v51;
	v37 =	vld.idx.msk [tilespmem:v46+s1+$0x0], $0xffff;
	v40 =	vor.u32 $0x200, v12;
	v1 =	vadd.s32 v44, v1;
	(pc) =	sbr.rel @p0 .LBB2_4-.Ltmp1, $4  }
0x596: {  	v18 =	vmovc v14;
	v58 =	vmovc v42;
	v39 =	vld.idx.msk [tilespmem:v47+s1+$0x0], $0xffff;
	v47 =	vadd.f32 $-1.000000000e+00, v9;
	v5 =	vand.u32 $0xFFFF, v1;
	v1 =	vshra.s32 v1, $0x10  }
0x597: {  	v19 =	vmovc v24;
	v24 =	vmovc v25;
	v41 =	vld.idx.msk [tilespmem:v50+s1+$0x0], $0xffff;
	v6 =	vadd.s32 v10, v48;
	v5 =	vcvt.s32.f32 v5;
	v1 =	vcvt.s32.f32 v1  }
0x598: {  	v61 =	vmovc v16;
	v25 =	vmovc v12;
	v44 =	vor.u32 $0x200, v59;
	v38 =	vld.idx.msk [tilespmem:v49+s1+$0x0], $0xffff;
	v48 =	vadd.f32 $-1.000000000e+00, v4;
	v11 =	vadd.s32 v7, v6  }
0x599: {  	s14 =	sadd.s32 $0x100, s14;
	v14 =	vmovc v13;
	v59 =	vmovc v51;
	v46 =	vadd.s32 v2, v11;
	v49 =	vmul.f32 $1.953125000e-03, v5;
	v50 =	vmul.f32 $1.953125000e-03, v1;
	v42 =	vld.idx.msk [tilespmem:v8+s1+$0x0], $0xffff  }
0x59a: {  	_ = 	snop  }
0x59b: {  	v1 =	vadd.f32 $-1.600000000e+01, v49;
	v2 =	vadd.f32 $-1.600000000e+01, v50;
	_ =	sdelay $0x1  }
0x59c: {  	v1 =	vmul.f32 v1, v48;
	v2 =	vmul.f32 v2, v47;
	_ =	sdelay $0x1  }
0x59d: {  	v1 =	vsub.f32 v1, v2  }
0x59e: {  	v11 =	vor.u32 $0x80, v20  }
0x59f: {  	v3 =	vor.u32 $0x80, v29;
	s12 =	sadd.s32 $0x40, s13;
	v1 =	vmul.f32 $1.250000000e-01, v1  }
0x5a0: {  	v4 =	vor.u32 $0x80, v22;
	s12 =	sshra.s32 s12, $0x2  }
0x5a1: {  	v12 =	vor.u32 $0x80, v55;
	[tilespmem:s12+$0x18B00] =	vst v1  }
0x5a2: {  	v5 =	vor.u32 $0x80, v21;
	v6 =	vld [tilespmem:s11+$0x80]  }
0x5a3: {  	v7 =	vor.u32 $0x80, v28;
	v2 =	vld.idx.msk [tilespmem:v11+s1+$0x0], $0xffff  }
0x5a4: {  	v8 =	vor.u32 $0x80, v15;
	v3 =	vld.idx.msk [tilespmem:v3+s1+$0x0], $0xffff  }
0x5a5: {  	v9 =	vor.u32 $0x80, v31;
	v4 =	vld.idx.msk [tilespmem:v4+s1+$0x0], $0xffff  }
0x5a6: {  	v10 =	vor.u32 $0x80, v52;
	v1 =	vld.idx.msk [tilespmem:v12+s1+$0x0], $0xffff  }
0x5a7: {  	v5 =	vld.idx.msk [tilespmem:v5+s1+$0x0], $0xffff;
	v11 =	vor.u32 $0x80, v53  }
0x5a8: {  	v13 =	vor.u32 $0x80, v30;
	v7 =	vld.idx.msk [tilespmem:v7+s1+$0x0], $0xffff  }
0x5a9: {  	v16 =	vor.u32 $0x80, v23;
	v8 =	vld.idx.msk [tilespmem:v8+s1+$0x0], $0xffff;
	v2 =	vadd.s32 v2, v3  }
0x5aa: {  	v17 =	vor.u32 $0x80, v26;
	v9 =	vld.idx.msk [tilespmem:v9+s1+$0x0], $0xffff;
	v2 =	vadd.s32 v4, v2  }
0x5ab: {  	v48 =	vor.u32 $0x80, v57;
	v10 =	vld.idx.msk [tilespmem:v10+s1+$0x0], $0xffff;
	v1 =	vadd.s32 v1, v2  }
0x5ac: {  	v49 =	vor.u32 $0x80, v19;
	v11 =	vld.idx.msk [tilespmem:v11+s1+$0x0], $0xffff;
	v1 =	vadd.s32 v5, v1  }
0x5ad: {  	v51 =	vor.u32 $0x80, v54;
	v47 =	vld.idx.msk [tilespmem:v13+s1+$0x0], $0xffff;
	v1 =	vadd.s32 v7, v1  }
0x5ae: {  	v3 =	vld.idx.msk [tilespmem:v16+s1+$0x0], $0xffff;
	v1 =	vadd.s32 v8, v1  }
0x5af: {  	v4 =	vld.idx.msk [tilespmem:v17+s1+$0x0], $0xffff;
	v1 =	vadd.s32 v9, v1  }
0x5b0: {  	v2 =	vld.idx.msk [tilespmem:v48+s1+$0x0], $0xffff;
	v1 =	vadd.s32 v10, v1  }
0x5b1: {  	v5 =	vld.idx.msk [tilespmem:v49+s1+$0x0], $0xffff;
	v1 =	vadd.s32 v11, v1  }
0x5b2: {  	v7 =	vld.idx.msk [tilespmem:v51+s1+$0x0], $0xffff;
	v1 =	vadd.s32 v47, v1  }
0x5b3: {  	v1 =	vadd.s32 v3, v1  }
0x5b4: {  	v1 =	vadd.s32 v4, v1  }
0x5b5: {  	v1 =	vadd.s32 v2, v1  }
0x5b6: {  	v10 =	vshra.s32 v6, $0x10;
	v1 =	vadd.s32 v5, v1  }
0x5b7: {  	v9 =	vand.u32 $0xFFFF, v6;
	v3 =	vcvt.s32.f32 v10;
	v1 =	vadd.s32 v7, v1  }
0x5b8: {  	v2 =	vcvt.s32.f32 v9;
	v11 =	vand.u32 $0xFFFF, v1;
	v1 =	vshra.s32 v1, $0x10  }
0x5b9: {  	v4 =	vcvt.s32.f32 v11;
	v1 =	vcvt.s32.f32 v1  }
0x5ba: {  	v3 =	vmul.f32 $1.953125000e-03, v3;
	v2 =	vmul.f32 $1.953125000e-03, v2  }
0x5bb: {  	v4 =	vmul.f32 $1.953125000e-03, v4;
	v1 =	vmul.f32 $1.953125000e-03, v1  }
0x5bc: {  	v3 =	vadd.f32 $-1.000000000e+00, v3;
	v2 =	vadd.f32 $-1.000000000e+00, v2  }
0x5bd: {  	v4 =	vadd.f32 $-1.600000000e+01, v4;
	v1 =	vadd.f32 $-1.600000000e+01, v1;
	_ =	sdelay $0x1  }
0x5be: {  	v3 =	vmul.f32 v4, v3;
	v1 =	vmul.f32 v1, v2;
	_ =	sdelay $0x1  }
0x5bf: {  	v12 =	vor.u32 $0x100, v20;
	v1 =	vsub.f32 v3, v1  }
0x5c0: {  	v13 =	vor.u32 $0x100, v29  }
0x5c1: {  	v16 =	vor.u32 $0x100, v22;
	v1 =	vmul.f32 $1.250000000e-01, v1  }
0x5c2: {  	v50 =	vmov v21;
	v17 =	vor.u32 $0x100, v55  }
0x5c3: {  	v47 =	vor.u32 $0x100, v50;
	[tilespmem:s12+$0x19000] =	vst v1  }
0x5c4: {  	v48 =	vor.u32 $0x100, v28;
	v2 =	vld.idx.msk [tilespmem:v12+s1+$0x0], $0xffff  }
0x5c5: {  	v49 =	vor.u32 $0x100, v15;
	v3 =	vld.idx.msk [tilespmem:v13+s1+$0x0], $0xffff  }
0x5c6: {  	v51 =	vor.u32 $0x100, v31;
	v4 =	vld.idx.msk [tilespmem:v16+s1+$0x0], $0xffff  }
0x5c7: {  	v5 =	vld.idx.msk [tilespmem:v17+s1+$0x0], $0xffff;
	v12 =	vor.u32 $0x100, v52  }
0x5c8: {  	v13 =	vor.u32 $0x100, v53;
	v1 =	vld.idx.msk [tilespmem:v47+s1+$0x0], $0xffff  }
0x5c9: {  	v16 =	vor.u32 $0x100, v30;
	v6 =	vld.idx.msk [tilespmem:v48+s1+$0x0], $0xffff  }
0x5ca: {  	v17 =	vor.u32 $0x100, v23;
	v7 =	vld.idx.msk [tilespmem:v49+s1+$0x0], $0xffff  }
0x5cb: {  	v8 =	vld.idx.msk [tilespmem:v51+s1+$0x0], $0xffff;
	v2 =	vadd.s32 v2, v3  }
0x5cc: {  	v47 =	vor.u32 $0x100, v26;
	v9 =	vld.idx.msk [tilespmem:v12+s1+$0x0], $0xffff;
	v2 =	vadd.s32 v4, v2  }
0x5cd: {  	v48 =	vor.u32 $0x100, v57;
	v10 =	vld.idx.msk [tilespmem:v13+s1+$0x0], $0xffff;
	v2 =	vadd.s32 v5, v2  }
0x5ce: {  	v49 =	vor.u32 $0x100, v19;
	v11 =	vld.idx.msk [tilespmem:v16+s1+$0x0], $0xffff;
	v1 =	vadd.s32 v1, v2  }
0x5cf: {  	v51 =	vor.u32 $0x100, v54;
	v3 =	vld.idx.msk [tilespmem:v17+s1+$0x0], $0xffff;
	v1 =	vadd.s32 v6, v1  }
0x5d0: {  	v12 =	vld [tilespmem:s11+$0x100];
	v1 =	vadd.s32 v7, v1  }
0x5d1: {  	v4 =	vld.idx.msk [tilespmem:v47+s1+$0x0], $0xffff;
	v1 =	vadd.s32 v8, v1  }
0x5d2: {  	v5 =	vld.idx.msk [tilespmem:v48+s1+$0x0], $0xffff;
	v1 =	vadd.s32 v9, v1  }
0x5d3: {  	v2 =	vld.idx.msk [tilespmem:v49+s1+$0x0], $0xffff;
	v1 =	vadd.s32 v10, v1  }
0x5d4: {  	v6 =	vld.idx.msk [tilespmem:v51+s1+$0x0], $0xffff;
	v1 =	vadd.s32 v11, v1  }
0x5d5: {  	v1 =	vadd.s32 v3, v1  }
0x5d6: {  	v1 =	vadd.s32 v4, v1  }
0x5d7: {  	v1 =	vadd.s32 v5, v1  }
0x5d8: {  	v16 =	vshra.s32 v12, $0x10;
	v1 =	vadd.s32 v2, v1  }
0x5d9: {  	v13 =	vand.u32 $0xFFFF, v12;
	v3 =	vcvt.s32.f32 v16;
	v1 =	vadd.s32 v6, v1  }
0x5da: {  	v2 =	vcvt.s32.f32 v13;
	v17 =	vand.u32 $0xFFFF, v1;
	v1 =	vshra.s32 v1, $0x10  }
0x5db: {  	v4 =	vcvt.s32.f32 v17;
	v1 =	vcvt.s32.f32 v1  }
0x5dc: {  	v3 =	vmul.f32 $1.953125000e-03, v3;
	v2 =	vmul.f32 $1.953125000e-03, v2  }
0x5dd: {  	v4 =	vmul.f32 $1.953125000e-03, v4;
	v1 =	vmul.f32 $1.953125000e-03, v1  }
0x5de: {  	v3 =	vadd.f32 $-1.000000000e+00, v3;
	v2 =	vadd.f32 $-1.000000000e+00, v2  }
0x5df: {  	v4 =	vadd.f32 $-1.600000000e+01, v4;
	v1 =	vadd.f32 $-1.600000000e+01, v1;
	_ =	sdelay $0x1  }
0x5e0: {  	v3 =	vmul.f32 v4, v3;
	v1 =	vmul.f32 v1, v2  }
0x5e1: {  	v7 =	vld.idx.msk [tilespmem:v36+s1+$0x0], $0xffff  }
0x5e2: {  	v4 =	vld.idx.msk [tilespmem:v45+s1+$0x0], $0xffff;
	v45 =	vor.u32 $0x180, v55;
	v1 =	vsub.f32 v3, v1  }
0x5e3: {  	v47 =	vor.u32 $0x180, v20;
	v9 =	vld.idx.msk [tilespmem:v35+s1+$0x0], $0xffff  }
0x5e4: {  	v48 =	vor.u32 $0x180, v29;
	v11 =	vld.idx.msk [tilespmem:v34+s1+$0x0], $0xffff;
	v1 =	vmul.f32 $1.250000000e-01, v1  }
0x5e5: {  	v49 =	vor.u32 $0x180, v22;
	v5 =	vld.idx.msk [tilespmem:v40+s1+$0x0], $0xffff  }
0x5e6: {  	v2 =	vld.idx.msk [tilespmem:v44+s1+$0x0], $0xffff;
	[tilespmem:s12+$0x19500] =	vst v1  }
0x5e7: {  	v51 =	vor.u32 $0x180, v50;
	v1 =	vld.idx.msk [tilespmem:v45+s1+$0x0], $0xffff  }
0x5e8: {  	v12 =	vor.u32 $0x180, v28;
	v6 =	vld.idx.msk [tilespmem:v47+s1+$0x0], $0xffff  }
0x5e9: {  	v13 =	vor.u32 $0x180, v15;
	v8 =	vld.idx.msk [tilespmem:v48+s1+$0x0], $0xffff  }
0x5ea: {  	v17 =	vor.u32 $0x180, v31;
	v10 =	vld.idx.msk [tilespmem:v49+s1+$0x0], $0xffff  }
0x5eb: {  	v16 =	vadd.s32 v37, v46;
	v45 =	vor.u32 $0x180, v52;
	v40 =	vld [tilespmem:s11+$0x180]  }
0x5ec: {  	v46 =	vor.u32 $0x180, v53;
	v36 =	vadd.s32 v39, v16;
	v3 =	vld.idx.msk [tilespmem:v51+s1+$0x0], $0xffff  }
0x5ed: {  	v36 =	vadd.s32 v38, v36;
	v34 =	vld.idx.msk [tilespmem:v12+s1+$0x0], $0xffff;
	v47 =	vor.u32 $0x180, v30  }
0x5ee: {  	v36 =	vadd.s32 v41, v36;
	v48 =	vld.idx.msk [tilespmem:v13+s1+$0x0], $0xffff;
	v49 =	vor.u32 $0x180, v23;
	v6 =	vadd.s32 v6, v8  }
0x5ef: {  	v36 =	vadd.s32 v42, v36;
	v51 =	vor.u32 $0x180, v26;
	v12 =	vld.idx.msk [tilespmem:v17+s1+$0x0], $0xffff;
	v6 =	vadd.s32 v10, v6  }
0x5f0: {  	v36 =	vadd.s32 v43, v36;
	v13 =	vor.u32 $0x180, v57;
	v16 =	vld.idx.msk [tilespmem:v45+s1+$0x0], $0xffff;
	v1 =	vadd.s32 v1, v6  }
0x5f1: {  	v2 =	vadd.s32 v2, v36;
	v17 =	vor.u32 $0x180, v19;
	v43 =	vld.idx.msk [tilespmem:v46+s1+$0x0], $0xffff;
	v1 =	vadd.s32 v3, v1  }
0x5f2: {  	v44 =	vor.u32 $0x180, v54;
	v2 =	vadd.s32 v4, v2;
	v45 =	vld.idx.msk [tilespmem:v47+s1+$0x0], $0xffff;
	v1 =	vadd.s32 v34, v1  }
0x5f3: {  	v2 =	vadd.s32 v5, v2;
	v46 =	vld.idx.msk [tilespmem:v49+s1+$0x0], $0xffff;
	v1 =	vadd.s32 v48, v1  }
0x5f4: {  	v2 =	vadd.s32 v7, v2;
	v48 =	vld.idx.msk [tilespmem:v51+s1+$0x0], $0xffff;
	v1 =	vadd.s32 v12, v1  }
0x5f5: {  	v2 =	vadd.s32 v9, v2;
	v49 =	vld.idx.msk [tilespmem:v13+s1+$0x0], $0xffff;
	v1 =	vadd.s32 v16, v1  }
0x5f6: {  	v2 =	vadd.s32 v11, v2;
	v4 =	vld.idx.msk [tilespmem:v17+s1+$0x0], $0xffff;
	v1 =	vadd.s32 v43, v1  }
0x5f7: {  	v11 =	vand.u32 $0xFFFF, v2;
	v3 =	vld.idx.msk [tilespmem:v44+s1+$0x0], $0xffff;
	v1 =	vadd.s32 v45, v1  }
0x5f8: {  	v2 =	vshra.s32 v2, $0x10;
	v47 =	vand.u32 $0xFFFF, v33;
	v1 =	vadd.s32 v46, v1  }
0x5f9: {  	v11 =	vcvt.s32.f32 v11;
	v2 =	vcvt.s32.f32 v2;
	v1 =	vadd.s32 v48, v1  }
0x5fa: {  	v13 =	vand.u32 $0xFFFF, v40;
	v8 =	vcvt.s32.f32 v47;
	v1 =	vadd.s32 v49, v1  }
0x5fb: {  	v17 =	vshra.s32 v40, $0x10;
	v51 =	vshra.s32 v33, $0x10;
	v1 =	vadd.s32 v4, v1  }
0x5fc: {  	v12 =	vmul.f32 $1.953125000e-03, v8;
	v16 =	vcvt.s32.f32 v13;
	v1 =	vadd.s32 v3, v1  }
0x5fd: {  	v4 =	vcvt.s32.f32 v17;
	v33 =	vand.u32 $0xFFFF, v1;
	v1 =	vshra.s32 v1, $0x10  }
0x5fe: {  	v8 =	vcvt.s32.f32 v33;
	v1 =	vcvt.s32.f32 v1  }
0x5ff: {  	v3 =	vmul.f32 $1.953125000e-03, v16;
	v4 =	vmul.f32 $1.953125000e-03, v4  }
0x600: {  	v8 =	vmul.f32 $1.953125000e-03, v8;
	v1 =	vmul.f32 $1.953125000e-03, v1  }
0x601: {  	v6 =	vcvt.s32.f32 v51;
	v3 =	vadd.f32 $-1.000000000e+00, v3;
	v4 =	vadd.f32 $-1.000000000e+00, v4  }
0x602: {  	v5 =	vmul.f32 $1.953125000e-03, v11;
	v8 =	vadd.f32 $-1.600000000e+01, v8;
	v1 =	vadd.f32 $-1.600000000e+01, v1  }
0x603: {  	v2 =	vmul.f32 $1.953125000e-03, v2;
	v6 =	vmul.f32 $1.953125000e-03, v6  }
0x604: {  	v5 =	vadd.f32 $-1.600000000e+01, v5;
	v4 =	vmul.f32 v8, v4;
	v1 =	vmul.f32 v1, v3  }
0x605: {  	v2 =	vadd.f32 $-1.600000000e+01, v2;
	v7 =	vadd.f32 $-1.000000000e+00, v12  }
0x606: {  	v6 =	vadd.f32 $-1.000000000e+00, v6;
	v1 =	vsub.f32 v4, v1  }
0x607: {  	v34 =	vor.u32 $0x200, v20;
	v2 =	vmul.f32 v2, v7  }
0x608: {  	v35 =	vor.u32 $0x200, v29;
	v5 =	vmul.f32 v5, v6;
	v1 =	vmul.f32 $1.250000000e-01, v1  }
0x609: {  	v36 =	vor.u32 $0x200, v22  }
0x60a: {  	v37 =	vor.u32 $0x200, v55;
	v2 =	vsub.f32 v5, v2;
	[tilespmem:s12+$0x19A00] =	vst v1  }
0x60b: {  	v38 =	vor.u32 $0x200, v50;
	v7 =	vld [tilespmem:s11+$0x200]  }
0x60c: {  	v39 =	vor.u32 $0x200, v28;
	v2 =	vmul.f32 $1.250000000e-01, v2;
	v3 =	vld.idx.msk [tilespmem:v34+s1+$0x0], $0xffff  }
0x60d: {  	v40 =	vor.u32 $0x200, v15;
	v4 =	vld.idx.msk [tilespmem:v35+s1+$0x0], $0xffff  }
0x60e: {  	v41 =	vor.u32 $0x200, v31;
	[tilespmem:s6+$0x19F00] =	vst v2;
	v2 =	vld.idx.msk [tilespmem:v36+s1+$0x0], $0xffff  }
0x60f: {  	v42 =	vor.u32 $0x200, v52;
	v1 =	vld.idx.msk [tilespmem:v37+s1+$0x0], $0xffff  }
0x610: {  	v6 =	vld.idx.msk [tilespmem:v38+s1+$0x0], $0xffff  }
0x611: {  	v8 =	vld.idx.msk [tilespmem:v39+s1+$0x0], $0xffff  }
0x612: {  	v9 =	vld.idx.msk [tilespmem:v40+s1+$0x0], $0xffff  }
0x613: {  	v43 =	vor.u32 $0x200, v53;
	v10 =	vld.idx.msk [tilespmem:v41+s1+$0x0], $0xffff  }
0x614: {  	v44 =	vor.u32 $0x200, v30;
	v11 =	vld.idx.msk [tilespmem:v42+s1+$0x0], $0xffff  }
0x615: {  	v45 =	vor.u32 $0x200, v23;
	v12 =	vld [tilespmem:$0x1FE40];
	v3 =	vadd.s32 v3, v4  }
0x616: {  	v46 =	vor.u32 $0x200, v26;
	v16 =	vld [tilespmem:$0x1FE50];
	v2 =	vadd.s32 v2, v3  }
0x617: {  	v47 =	vor.u32 $0x200, v57;
	v17 =	vld [tilespmem:$0x1FE60];
	v1 =	vadd.s32 v1, v2  }
0x618: {  	v48 =	vor.u32 $0x200, v19;
	v33 =	vld.idx.msk [tilespmem:v43+s1+$0x0], $0xffff;
	v1 =	vadd.s32 v6, v1  }
0x619: {  	v49 =	vor.u32 $0x200, v54;
	v34 =	vld.idx.msk [tilespmem:v44+s1+$0x0], $0xffff;
	v1 =	vadd.s32 v8, v1  }
0x61a: {  	v35 =	vld.idx.msk [tilespmem:v45+s1+$0x0], $0xffff;
	v51 =	vor.u32 $0x280, v12;
	v1 =	vadd.s32 v9, v1  }
0x61b: {  	v13 =	vor.u32 $0x280, v16;
	v4 =	vld.idx.msk [tilespmem:v46+s1+$0x0], $0xffff;
	v1 =	vadd.s32 v10, v1  }
0x61c: {  	v44 =	vor.u32 $0x280, v17;
	v3 =	vld.idx.msk [tilespmem:v47+s1+$0x0], $0xffff;
	v1 =	vadd.s32 v11, v1  }
0x61d: {  	v45 =	vor.u32 $0x280, v60;
	v2 =	vld.idx.msk [tilespmem:v48+s1+$0x0], $0xffff;
	v1 =	vadd.s32 v33, v1  }
0x61e: {  	v46 =	vor.u32 $0x280, v63;
	v6 =	vld.idx.msk [tilespmem:v49+s1+$0x0], $0xffff;
	v1 =	vadd.s32 v34, v1  }
0x61f: {  	v36 =	vor.u32 $0x280, v61;
	v47 =	vor.u32 $0x280, v56;
	v8 =	vld.idx.msk [tilespmem:v51+s1+$0x0], $0xffff;
	v1 =	vadd.s32 v35, v1  }
0x620: {  	v37 =	vor.u32 $0x280, v59;
	v48 =	vor.u32 $0x280, v18;
	v9 =	vld.idx.msk [tilespmem:v13+s1+$0x0], $0xffff;
	v1 =	vadd.s32 v4, v1  }
0x621: {  	v49 =	vor.u32 $0x280, v14;
	v51 =	vor.u32 $0x280, v62;
	v4 =	vld.idx.msk [tilespmem:v44+s1+$0x0], $0xffff;
	v1 =	vadd.s32 v3, v1  }
0x622: {  	v13 =	vld.idx.msk [tilespmem:v45+s1+$0x0], $0xffff;
	v45 =	vshra.s32 v7, $0x10;
	v44 =	vand.u32 $0xFFFF, v7;
	v1 =	vadd.s32 v2, v1  }
0x623: {  	v38 =	vld.idx.msk [tilespmem:v46+s1+$0x0], $0xffff;
	v35 =	vor.u32 $0x280, v32;
	v2 =	vcvt.s32.f32 v44;
	v1 =	vadd.s32 v6, v1  }
0x624: {  	v46 =	vld.idx.msk [tilespmem:v47+s1+$0x0], $0xffff;
	v6 =	vcvt.s32.f32 v45;
	v47 =	vand.u32 $0xFFFF, v1;
	v1 =	vshra.s32 v1, $0x10  }
0x625: {  	v40 =	vld.idx.msk [tilespmem:v48+s1+$0x0], $0xffff;
	v8 =	vadd.s32 v8, v9;
	v48 =	vcvt.s32.f32 v47;
	v1 =	vcvt.s32.f32 v1  }
0x626: {  	v2 =	vmul.f32 $1.953125000e-03, v2;
	v4 =	vadd.s32 v4, v8;
	v6 =	vmul.f32 $1.953125000e-03, v6  }
0x627: {  	v5 =	vld [tilespmem:s8+$0x280];
	v3 =	vadd.s32 v13, v4;
	v13 =	vmul.f32 $1.953125000e-03, v48;
	v1 =	vmul.f32 $1.953125000e-03, v1  }
0x628: {  	v49 =	vld.idx.msk [tilespmem:v49+s1+$0x0], $0xffff;
	v34 =	vor.u32 $0x280, v25;
	v2 =	vadd.f32 $-1.000000000e+00, v2;
	v6 =	vadd.f32 $-1.000000000e+00, v6  }
0x629: {  	v33 =	vor.u32 $0x280, v24;
	v51 =	vld.idx.msk [tilespmem:v51+s1+$0x0], $0xffff;
	v4 =	vadd.f32 $-1.600000000e+01, v13;
	v1 =	vadd.f32 $-1.600000000e+01, v1  }
0x62a: {  	v36 =	vld.idx.msk [tilespmem:v36+s1+$0x0], $0xffff;
	v10 =	vor.u32 $0x280, v27;
	v11 =	vor.u32 $0x280, v58;
	v3 =	vadd.s32 v38, v3  }
0x62b: {  	v35 =	vld.idx.msk [tilespmem:v35+s1+$0x0], $0xffff;
	v3 =	vadd.s32 v46, v3;
	v4 =	vmul.f32 v4, v6;
	v1 =	vmul.f32 v1, v2  }
0x62c: {  	v37 =	vld.idx.msk [tilespmem:v37+s1+$0x0], $0xffff;
	v3 =	vadd.s32 v40, v3  }
0x62d: {  	v34 =	vld.idx.msk [tilespmem:v34+s1+$0x0], $0xffff;
	v3 =	vadd.s32 v49, v3;
	v1 =	vsub.f32 v4, v1  }
0x62e: {  	v41 =	vor.u32 $0x280, v20;
	v42 =	vor.u32 $0x280, v29;
	v38 =	vld.idx.msk [tilespmem:v33+s1+$0x0], $0xffff;
	v3 =	vadd.s32 v51, v3  }
0x62f: {  	v43 =	vor.u32 $0x280, v22;
	v39 =	vld.idx.msk [tilespmem:v11+s1+$0x0], $0xffff;
	v3 =	vadd.s32 v36, v3;
	v1 =	vmul.f32 $1.250000000e-01, v1  }
0x630: {  	v45 =	vand.u32 $0xFFFF, v5;
	v5 =	vshra.s32 v5, $0x10;
	v40 =	vld.idx.msk [tilespmem:v10+s1+$0x0], $0xffff;
	v3 =	vadd.s32 v35, v3  }
0x631: {  	v44 =	vor.u32 $0x280, v55;
	v5 =	vcvt.s32.f32 v5;
	v3 =	vadd.s32 v37, v3;
	[tilespmem:s12+$0x19F00] =	vst v1  }
0x632: {  	v46 =	vor.u32 $0x280, v50;
	v3 =	vadd.s32 v34, v3;
	v10 =	vld [tilespmem:s11+$0x280]  }
0x633: {  	v5 =	vmul.f32 $1.953125000e-03, v5;
	v48 =	vor.u32 $0x280, v28;
	v2 =	vadd.s32 v38, v3;
	v47 =	vld.idx.msk [tilespmem:v41+s1+$0x0], $0xffff  }
0x634: {  	v51 =	vor.u32 $0x280, v15;
	v3 =	vcvt.s32.f32 v45;
	v2 =	vadd.s32 v39, v2;
	v7 =	vld.idx.msk [tilespmem:v42+s1+$0x0], $0xffff  }
0x635: {  	v5 =	vadd.f32 $-1.000000000e+00, v5;
	v13 =	vor.u32 $0x280, v31;
	v2 =	vadd.s32 v40, v2;
	v9 =	vld.idx.msk [tilespmem:v43+s1+$0x0], $0xffff  }
0x636: {  	v1 =	vld.idx.msk [tilespmem:v44+s1+$0x0], $0xffff;
	v40 =	vor.u32 $0x280, v52;
	v3 =	vmul.f32 $1.953125000e-03, v3;
	v41 =	vor.u32 $0x280, v53  }
0x637: {  	v6 =	vld.idx.msk [tilespmem:v46+s1+$0x0], $0xffff;
	v42 =	vor.u32 $0x280, v30;
	v49 =	vand.u32 $0xFFFF, v2;
	v2 =	vshra.s32 v2, $0x10  }
0x638: {  	v8 =	vld.idx.msk [tilespmem:v48+s1+$0x0], $0xffff;
	v43 =	vor.u32 $0x280, v23;
	v11 =	vcvt.s32.f32 v49;
	v2 =	vcvt.s32.f32 v2  }
0x639: {  	v33 =	vld.idx.msk [tilespmem:v51+s1+$0x0], $0xffff;
	v44 =	vor.u32 $0x280, v26;
	v46 =	vor.u32 $0x280, v57;
	v4 =	vadd.s32 v47, v7  }
0x63a: {  	v34 =	vld.idx.msk [tilespmem:v13+s1+$0x0], $0xffff;
	v11 =	vmul.f32 $1.953125000e-03, v11;
	v2 =	vmul.f32 $1.953125000e-03, v2;
	v4 =	vadd.s32 v9, v4  }
0x63b: {  	v3 =	vadd.f32 $-1.000000000e+00, v3;
	v35 =	vld.idx.msk [tilespmem:v40+s1+$0x0], $0xffff;
	v47 =	vor.u32 $0x280, v19;
	v1 =	vadd.s32 v1, v4  }
0x63c: {  	v36 =	vld.idx.msk [tilespmem:v41+s1+$0x0], $0xffff;
	v45 =	vadd.f32 $-1.600000000e+01, v11;
	v2 =	vadd.f32 $-1.600000000e+01, v2;
	v1 =	vadd.s32 v6, v1  }
0x63d: {  	v48 =	vor.u32 $0x280, v54;
	v37 =	vld.idx.msk [tilespmem:v42+s1+$0x0], $0xffff;
	v1 =	vadd.s32 v8, v1  }
0x63e: {  	v49 =	vld.idx.msk [tilespmem:v43+s1+$0x0], $0xffff;
	v5 =	vmul.f32 v45, v5;
	v2 =	vmul.f32 v2, v3;
	v1 =	vadd.s32 v33, v1  }
0x63f: {  	v7 =	vld.idx.msk [tilespmem:v44+s1+$0x0], $0xffff;
	v1 =	vadd.s32 v34, v1  }
0x640: {  	v13 =	vor.u32 $0x300, v12;
	v51 =	vld.idx.msk [tilespmem:v46+s1+$0x0], $0xffff;
	v2 =	vsub.f32 v5, v2;
	v1 =	vadd.s32 v35, v1  }
0x641: {  	v38 =	vor.u32 $0x300, v16;
	v4 =	vld.idx.msk [tilespmem:v47+s1+$0x0], $0xffff;
	v1 =	vadd.s32 v36, v1  }
0x642: {  	v39 =	vor.u32 $0x300, v17;
	v6 =	vld.idx.msk [tilespmem:v48+s1+$0x0], $0xffff;
	v2 =	vmul.f32 $1.250000000e-01, v2;
	v1 =	vadd.s32 v37, v1  }
0x643: {  	v40 =	vor.u32 $0x300, v60;
	v1 =	vadd.s32 v49, v1  }
0x644: {  	v41 =	vor.u32 $0x300, v63;
	v42 =	vor.u32 $0x300, v56;
	[tilespmem:s6+$0x1A400] =	vst v2;
	v1 =	vadd.s32 v7, v1  }
0x645: {  	v43 =	vor.u32 $0x300, v18;
	v44 =	vor.u32 $0x300, v14;
	v5 =	vld.idx.msk [tilespmem:v13+s1+$0x0], $0xffff;
	v1 =	vadd.s32 v51, v1  }
0x646: {  	v46 =	vshra.s32 v10, $0x10;
	v45 =	vand.u32 $0xFFFF, v10;
	v9 =	vld.idx.msk [tilespmem:v38+s1+$0x0], $0xffff;
	v1 =	vadd.s32 v4, v1  }
0x647: {  	v48 =	vor.u32 $0x300, v62;
	v10 =	vld.idx.msk [tilespmem:v39+s1+$0x0], $0xffff;
	v4 =	vcvt.s32.f32 v45;
	v1 =	vadd.s32 v6, v1  }
0x648: {  	v2 =	vld.idx.msk [tilespmem:v40+s1+$0x0], $0xffff;
	v6 =	vcvt.s32.f32 v46;
	v47 =	vand.u32 $0xFFFF, v1;
	v1 =	vshra.s32 v1, $0x10  }
0x649: {  	v3 =	vld.idx.msk [tilespmem:v41+s1+$0x0], $0xffff;
	v11 =	vcvt.s32.f32 v47;
	v1 =	vcvt.s32.f32 v1  }
0x64a: {  	v49 =	vor.u32 $0x300, v61;
	v33 =	vld.idx.msk [tilespmem:v42+s1+$0x0], $0xffff;
	v4 =	vmul.f32 $1.953125000e-03, v4;
	v6 =	vmul.f32 $1.953125000e-03, v6  }
0x64b: {  	v34 =	vld.idx.msk [tilespmem:v43+s1+$0x0], $0xffff;
	v13 =	vor.u32 $0x300, v59;
	v11 =	vmul.f32 $1.953125000e-03, v11;
	v1 =	vmul.f32 $1.953125000e-03, v1  }
0x64c: {  	v8 =	vld.idx.msk [tilespmem:v44+s1+$0x0], $0xffff;
	v45 =	vor.u32 $0x300, v24;
	v4 =	vadd.f32 $-1.000000000e+00, v4;
	v6 =	vadd.f32 $-1.000000000e+00, v6  }
0x64d: {  	v35 =	vld.idx.msk [tilespmem:v48+s1+$0x0], $0xffff;
	v46 =	vor.u32 $0x300, v58;
	v11 =	vadd.f32 $-1.600000000e+01, v11;
	v1 =	vadd.f32 $-1.600000000e+01, v1  }
0x64e: {  	v7 =	vld [tilespmem:s8+$0x300];
	v51 =	vor.u32 $0x300, v32  }
0x64f: {  	v36 =	vld.idx.msk [tilespmem:v49+s1+$0x0], $0xffff;
	v47 =	vor.u32 $0x300, v27;
	v6 =	vmul.f32 v11, v6;
	v1 =	vmul.f32 v1, v4  }
0x650: {  	v44 =	vor.u32 $0x300, v25;
	v37 =	vld.idx.msk [tilespmem:v13+s1+$0x0], $0xffff  }
0x651: {  	v48 =	vor.u32 $0x300, v20;
	v39 =	vld.idx.msk [tilespmem:v45+s1+$0x0], $0xffff;
	v1 =	vsub.f32 v6, v1  }
0x652: {  	v49 =	vor.u32 $0x300, v29;
	v41 =	vld.idx.msk [tilespmem:v46+s1+$0x0], $0xffff  }
0x653: {  	v11 =	vld.idx.msk [tilespmem:v51+s1+$0x0], $0xffff;
	v51 =	vor.u32 $0x300, v22;
	v1 =	vmul.f32 $1.250000000e-01, v1  }
0x654: {  	v13 =	vor.u32 $0x300, v55;
	v5 =	vadd.s32 v5, v9;
	v4 =	vld.idx.msk [tilespmem:v47+s1+$0x0], $0xffff  }
0x655: {  	v5 =	vadd.s32 v10, v5;
	v45 =	vor.u32 $0x300, v50;
	v6 =	vld.idx.msk [tilespmem:v44+s1+$0x0], $0xffff;
	[tilespmem:s12+$0x1A400] =	vst v1  }
0x656: {  	v2 =	vadd.s32 v2, v5;
	v46 =	vor.u32 $0x300, v28;
	v10 =	vld.idx.msk [tilespmem:v48+s1+$0x0], $0xffff  }
0x657: {  	v2 =	vadd.s32 v3, v2;
	v47 =	vld.idx.msk [tilespmem:v49+s1+$0x0], $0xffff;
	v48 =	vor.u32 $0x300, v15  }
0x658: {  	v2 =	vadd.s32 v33, v2;
	v49 =	vld.idx.msk [tilespmem:v51+s1+$0x0], $0xffff;
	v51 =	vor.u32 $0x300, v31  }
0x659: {  	v2 =	vadd.s32 v34, v2;
	v1 =	vld.idx.msk [tilespmem:v13+s1+$0x0], $0xffff;
	v13 =	vor.u32 $0x300, v52  }
0x65a: {  	v21 =	vmov v15;
	v2 =	vadd.s32 v8, v2;
	v9 =	vld.idx.msk [tilespmem:v45+s1+$0x0], $0xffff;
	v15 =	vor.u32 $0x300, v53  }
0x65b: {  	v2 =	vadd.s32 v35, v2;
	v8 =	vld.idx.msk [tilespmem:v46+s1+$0x0], $0xffff  }
0x65c: {  	v2 =	vadd.s32 v36, v2;
	v44 =	vor.u32 $0x300, v30;
	v45 =	vld.idx.msk [tilespmem:v48+s1+$0x0], $0xffff;
	v5 =	vadd.s32 v10, v47  }
0x65d: {  	v2 =	vadd.s32 v11, v2;
	v46 =	vor.u32 $0x300, v23;
	v47 =	vld.idx.msk [tilespmem:v51+s1+$0x0], $0xffff;
	v3 =	vadd.s32 v49, v5  }
0x65e: {  	v2 =	vadd.s32 v37, v2;
	v48 =	vor.u32 $0x300, v26;
	v49 =	vld.idx.msk [tilespmem:v13+s1+$0x0], $0xffff;
	v1 =	vadd.s32 v1, v3  }
0x65f: {  	v2 =	vadd.s32 v6, v2;
	v13 =	vld.idx.msk [tilespmem:v15+s1+$0x0], $0xffff;
	v1 =	vadd.s32 v9, v1  }
0x660: {  	v2 =	vadd.s32 v39, v2;
	v1 =	vadd.s32 v8, v1  }
0x661: {  	v38 =	vld.idx.msk [tilespmem:v44+s1+$0x0], $0xffff;
	v44 =	vand.u32 $0xFFFF, v7;
	v2 =	vadd.s32 v41, v2;
	v1 =	vadd.s32 v45, v1  }
0x662: {  	v2 =	vadd.s32 v4, v2;
	v42 =	vld.idx.msk [tilespmem:v46+s1+$0x0], $0xffff;
	v46 =	vcvt.s32.f32 v44;
	v1 =	vadd.s32 v47, v1  }
0x663: {  	v45 =	vld.idx.msk [tilespmem:v48+s1+$0x0], $0xffff;
	v48 =	vshra.s32 v7, $0x10;
	v1 =	vadd.s32 v49, v1;
	v49 =	vand.u32 $0xFFFF, v2  }
0x664: {  	v2 =	vshra.s32 v2, $0x10;
	v1 =	vadd.s32 v13, v1;
	v13 =	vcvt.s32.f32 v48  }
0x665: {  	v33 =	vcvt.s32.f32 v49;
	v2 =	vcvt.s32.f32 v2  }
0x666: {  	v4 =	vmul.f32 $1.953125000e-03, v46;
	v3 =	vmul.f32 $1.953125000e-03, v13  }
0x667: {  	v6 =	vmul.f32 $1.953125000e-03, v33;
	v2 =	vmul.f32 $1.953125000e-03, v2  }
0x668: {  	v51 =	vor.u32 $0x300, v57;
	v4 =	vadd.f32 $-1.000000000e+00, v4;
	v3 =	vadd.f32 $-1.000000000e+00, v3  }
0x669: {  	v15 =	vor.u32 $0x300, v19;
	v6 =	vadd.f32 $-1.600000000e+01, v6;
	v2 =	vadd.f32 $-1.600000000e+01, v2  }
0x66a: {  	v37 =	vor.u32 $0x300, v54  }
0x66b: {  	v43 =	vld [tilespmem:s11+$0x300];
	v3 =	vmul.f32 v6, v3;
	v2 =	vmul.f32 v2, v4;
	_ =	sdelay $0x1  }
0x66c: {  	s18 =	sadd.s32 $0x1, s29;
	v47 =	vld.idx.msk [tilespmem:v51+s1+$0x0], $0xffff;
	v2 =	vsub.f32 v3, v2  }
0x66d: {  	s19 =	sand.u32 $0x7, s18;
	v39 =	vor.u32 $0x380, v12;
	v51 =	vld.idx.msk [tilespmem:v15+s1+$0x0], $0xffff  }
0x66e: {  	v40 =	vor.u32 $0x380, v16;
	s11 =	sshll.u32 s19, $0x4;
	v15 =	vld.idx.msk [tilespmem:v37+s1+$0x0], $0xffff;
	v1 =	vadd.s32 v38, v1;
	v2 =	vmul.f32 $1.250000000e-01, v2  }
0x66f: {  	s7 =	sadd.s32 s11, s7;
	v34 =	vand.u32 $0xFFFF, v43;
	v1 =	vadd.s32 v42, v1;
	v42 =	vor.u32 $0x380, v60  }
0x670: {  	s7 =	sor.u32 $0x380, s7;
	v36 =	vshra.s32 v43, $0x10;
	v1 =	vadd.s32 v45, v1;
	v45 =	vor.u32 $0x380, v18;
	[tilespmem:s6+$0x1A900] =	vst v2  }
0x671: {  	v44 =	vor.u32 $0x380, v56;
	v46 =	vor.u32 $0x380, v14;
	v1 =	vadd.s32 v47, v1;
	v2 =	vld [tilespmem:s7+$0x0]  }
0x672: {  	v35 =	vcvt.s32.f32 v34;
	v47 =	vor.u32 $0x380, v62;
	v1 =	vadd.s32 v51, v1;
	v3 =	vld.idx.msk [tilespmem:v39+s1+$0x0], $0xffff  }
0x673: {  	v7 =	vcvt.s32.f32 v36;
	v48 =	vor.u32 $0x380, v61;
	v1 =	vadd.s32 v15, v1;
	v4 =	vld.idx.msk [tilespmem:v40+s1+$0x0], $0xffff  }
0x674: {  	v49 =	vor.u32 $0x380, v32;
	v37 =	vand.u32 $0xFFFF, v1;
	v1 =	vshra.s32 v1, $0x10;
	v6 =	vld.idx.msk [tilespmem:v42+s1+$0x0], $0xffff  }
0x675: {  	v13 =	vor.u32 $0x380, v59;
	v8 =	vcvt.s32.f32 v37;
	v1 =	vcvt.s32.f32 v1;
	v9 =	vld.idx.msk [tilespmem:v45+s1+$0x0], $0xffff  }
0x676: {  	v5 =	vmul.f32 $1.953125000e-03, v35;
	v7 =	vmul.f32 $1.953125000e-03, v7;
	v51 =	vor.u32 $0x380, v25;
	v10 =	vld.idx.msk [tilespmem:v46+s1+$0x0], $0xffff  }
0x677: {  	v56 =	vor.u32 $0x380, v24;
	v8 =	vmul.f32 $1.953125000e-03, v8;
	v1 =	vmul.f32 $1.953125000e-03, v1;
	v11 =	vld.idx.msk [tilespmem:v47+s1+$0x0], $0xffff  }
0x678: {  	v58 =	vor.u32 $0x380, v58;
	v5 =	vadd.f32 $-1.000000000e+00, v5;
	v7 =	vadd.f32 $-1.000000000e+00, v7;
	v33 =	vld.idx.msk [tilespmem:v48+s1+$0x0], $0xffff  }
0x679: {  	v59 =	vor.u32 $0x380, v27;
	v8 =	vadd.f32 $-1.600000000e+01, v8;
	v1 =	vadd.f32 $-1.600000000e+01, v1;
	v12 =	vld.idx.msk [tilespmem:v49+s1+$0x0], $0xffff  }
0x67a: {  	v41 =	vor.u32 $0x380, v17;
	v13 =	vld.idx.msk [tilespmem:v13+s1+$0x0], $0xffff  }
0x67b: {  	v43 =	vor.u32 $0x380, v63;
	v34 =	vld.idx.msk [tilespmem:v51+s1+$0x0], $0xffff;
	v38 =	vmul.f32 v8, v7;
	v1 =	vmul.f32 v1, v5  }
0x67c: {  	v15 =	vld.idx.msk [tilespmem:v56+s1+$0x0], $0xffff  }
0x67d: {  	s8 =	sadd.s32 $0x1, s18;
	v14 =	vld.idx.msk [tilespmem:v58+s1+$0x0], $0xffff;
	v1 =	vsub.f32 v38, v1  }
0x67e: {  	s8 =	sand.u32 $0x7, s8;
	v60 =	vor.u32 $0x380, v20;
	v25 =	vld.idx.msk [tilespmem:v59+s1+$0x0], $0xffff  }
0x67f: {  	s8 =	sshll.u32 s8, $0x4;
	v61 =	vor.u32 $0x380, v29;
	v5 =	vld.idx.msk [tilespmem:v41+s1+$0x0], $0xffff;
	v1 =	vmul.f32 $1.250000000e-01, v1  }
0x680: {  	s8 =	sadd.s32 s8, s9;
	v62 =	vor.u32 $0x380, v22;
	v7 =	vld.idx.msk [tilespmem:v43+s1+$0x0], $0xffff  }
0x681: {  	s29 =	sor.u32 $0x380, s8;
	v63 =	vor.u32 $0x380, v55;
	v8 =	vld.idx.msk [tilespmem:v44+s1+$0x0], $0xffff;
	[tilespmem:s12+$0x1A900] =	vst v1  }
0x682: {  	v27 =	vor.u32 $0x380, v50;
	v1 =	vld [tilespmem:s29+$0x0]  }
0x683: {  	v32 =	vor.u32 $0x380, v28;
	v29 =	vld.idx.msk [tilespmem:v60+s1+$0x0], $0xffff  }
0x684: {  	v0 =	vor.u32 $0x380, v21;
	v35 =	vld.idx.msk [tilespmem:v61+s1+$0x0], $0xffff  }
0x685: {  	v37 =	vor.u32 $0x380, v31;
	v36 =	vld.idx.msk [tilespmem:v62+s1+$0x0], $0xffff  }
0x686: {  	v39 =	vor.u32 $0x380, v52;
	v45 =	vor.u32 $0x380, v23;
	v47 =	vor.u32 $0x380, v26;
	v38 =	vld.idx.msk [tilespmem:v63+s1+$0x0], $0xffff  }
0x687: {  	v49 =	vor.u32 $0x380, v57;
	v41 =	vor.u32 $0x380, v53;
	v3 =	vadd.s32 v3, v4;
	v40 =	vld.idx.msk [tilespmem:v27+s1+$0x0], $0xffff  }
0x688: {  	v51 =	vor.u32 $0x380, v19;
	v43 =	vor.u32 $0x380, v30;
	v3 =	vadd.s32 v5, v3;
	v42 =	vld.idx.msk [tilespmem:v32+s1+$0x0], $0xffff  }
0x689: {  	v53 =	vor.u32 $0x380, v54;
	v3 =	vadd.s32 v6, v3;
	v44 =	vld.idx.msk [tilespmem:v0+s1+$0x0], $0xffff;
	v5 =	vadd.s32 v29, v35  }
0x68a: {  	v55 =	vand.u32 $0xFFFF, v2;
	v3 =	vadd.s32 v7, v3;
	v46 =	vld.idx.msk [tilespmem:v37+s1+$0x0], $0xffff;
	v5 =	vadd.s32 v36, v5  }
0x68b: {  	v2 =	vshra.s32 v2, $0x10;
	v48 =	vld.idx.msk [tilespmem:v39+s1+$0x0], $0xffff;
	v3 =	vadd.s32 v8, v3;
	v5 =	vadd.s32 v38, v5  }
0x68c: {  	v57 =	vcvt.s32.f32 v55;
	v50 =	vld.idx.msk [tilespmem:v41+s1+$0x0], $0xffff;
	v3 =	vadd.s32 v9, v3;
	v5 =	vadd.s32 v40, v5  }
0x68d: {  	v2 =	vcvt.s32.f32 v2;
	v52 =	vld.idx.msk [tilespmem:v43+s1+$0x0], $0xffff;
	v3 =	vadd.s32 v10, v3;
	v5 =	vadd.s32 v42, v5  }
0x68e: {  	v54 =	vld.idx.msk [tilespmem:v45+s1+$0x0], $0xffff;
	v4 =	vmul.f32 $1.953125000e-03, v57;
	v3 =	vadd.s32 v11, v3;
	v5 =	vadd.s32 v44, v5  }
0x68f: {  	v56 =	vld.idx.msk [tilespmem:v47+s1+$0x0], $0xffff;
	v2 =	vmul.f32 $1.953125000e-03, v2;
	v3 =	vadd.s32 v33, v3;
	v5 =	vadd.s32 v46, v5  }
0x690: {  	v58 =	vld.idx.msk [tilespmem:v49+s1+$0x0], $0xffff;
	v4 =	vadd.f32 $-1.000000000e+00, v4;
	v3 =	vadd.s32 v12, v3;
	v5 =	vadd.s32 v48, v5  }
0x691: {  	v60 =	vld.idx.msk [tilespmem:v51+s1+$0x0], $0xffff;
	v62 =	vand.u32 $0xFFFF, v1;
	v3 =	vadd.s32 v13, v3;
	v5 =	vadd.s32 v50, v5  }
0x692: {  	v61 =	vld.idx.msk [tilespmem:v53+s1+$0x0], $0xffff;
	v1 =	vshra.s32 v1, $0x10;
	v3 =	vadd.s32 v34, v3;
	v5 =	vadd.s32 v52, v5  }
0x693: {  	v6 =	vcvt.s32.f32 v62;
	v3 =	vadd.s32 v15, v3;
	v5 =	vadd.s32 v54, v5  }
0x694: {  	v1 =	vcvt.s32.f32 v1;
	v3 =	vadd.s32 v14, v3;
	v5 =	vadd.s32 v56, v5  }
0x695: {  	v6 =	vmul.f32 $1.953125000e-03, v6;
	v3 =	vadd.s32 v25, v3;
	v5 =	vadd.s32 v58, v5  }
0x696: {  	v1 =	vmul.f32 $1.953125000e-03, v1;
	v59 =	vand.u32 $0xFFFF, v3;
	v5 =	vadd.s32 v60, v5  }
0x697: {  	v3 =	vshra.s32 v3, $0x10;
	v7 =	vcvt.s32.f32 v59;
	v5 =	vadd.s32 v61, v5  }
0x698: {  	v3 =	vcvt.s32.f32 v3;
	v8 =	vand.u32 $0xFFFF, v5;
	v5 =	vshra.s32 v5, $0x10  }
0x699: {  	v2 =	vadd.f32 $-1.000000000e+00, v2;
	v8 =	vcvt.s32.f32 v8;
	v5 =	vcvt.s32.f32 v5  }
0x69a: {  	v6 =	vadd.f32 $-1.000000000e+00, v6;
	v7 =	vmul.f32 $1.953125000e-03, v7;
	v3 =	vmul.f32 $1.953125000e-03, v3  }
0x69b: {  	v1 =	vadd.f32 $-1.000000000e+00, v1;
	v8 =	vmul.f32 $1.953125000e-03, v8;
	v5 =	vmul.f32 $1.953125000e-03, v5  }
0x69c: {  	v7 =	vadd.f32 $-1.600000000e+01, v7;
	v3 =	vadd.f32 $-1.600000000e+01, v3  }
0x69d: {  	v8 =	vadd.f32 $-1.600000000e+01, v8;
	v5 =	vadd.f32 $-1.600000000e+01, v5  }
0x69e: {  	v2 =	vmul.f32 v7, v2;
	v3 =	vmul.f32 v3, v4  }
0x69f: {  	v1 =	vmul.f32 v8, v1;
	v63 =	vmul.f32 v5, v6  }
0x6a0: {  	v2 =	vsub.f32 v2, v3  }
0x6a1: {  	v1 =	vsub.f32 v1, v63  }
0x6a2: {  	v2 =	vmul.f32 $1.250000000e-01, v2  }
0x6a3: {  	v1 =	vmul.f32 $1.250000000e-01, v1  }
0x6a4: {  	[tilespmem:s6+$0x1AE00] =	vst v2  }
0x6a5: {  	[tilespmem:s12+$0x1AE00] =	vst v1  }
0x6a6: {  	s8 =	simm.s32 $0x18B00;
	s6 =	rddreg [dreg:$0xe]  }
0x6a7: {  	[hbm4b:s6+s1] =	stream.linear.scatter [tilespmem:s8], [sflag:$0x4], $0x4F0, $0x38;
	[tilespmem:$0x1B300] =	vst v63  }
0x6a8: {  	s11 =	simm.s32 $0x19000;
	s9 =	rddreg [dreg:$0xf]  }
0x6a9: {  	[hbm4b:s9+s1] =	stream.linear.scatter [tilespmem:s11], [sflag:$0x4], $0x4F0, $0x38;
	[tilespmem:$0x1B300] =	vst v63  }
0x6aa: {  	s13 =	simm.s32 $0x19500;
	s12 =	rddreg [dreg:$0x10]  }
0x6ab: {  	[hbm4b:s12+s1] =	stream.linear.scatter [tilespmem:s13], [sflag:$0x4], $0x4F0, $0x38;
	[tilespmem:$0x1B300] =	vst v63  }
0x6ac: {  	s15 =	simm.s32 $0x19A00;
	s14 =	rddreg [dreg:$0x11]  }
0x6ad: {  	[hbm4b:s14+s1] =	stream.linear.scatter [tilespmem:s15], [sflag:$0x4], $0x4F0, $0x38;
	[tilespmem:$0x1B300] =	vst v63  }
0x6ae: {  	s17 =	simm.s32 $0x19F00;
	s16 =	rddreg [dreg:$0x12]  }
0x6af: {  	[hbm4b:s16+s1] =	stream.linear.scatter [tilespmem:s17], [sflag:$0x4], $0x4F0, $0x38;
	[tilespmem:$0x1B300] =	vst v63  }
0x6b0: {  	s18 =	simm.s32 $0x1A400  }
0x6b1: {  	[hbm4b:s21+s1] =	stream.linear.scatter [tilespmem:s18], [sflag:$0x4], $0x4F0, $0x38;
	[tilespmem:$0x1B300] =	vst v63  }
0x6b2: {  	s19 =	simm.s32 $0x1A900  }
0x6b3: {  	[hbm4b:s22+s1] =	stream.linear.scatter [tilespmem:s19], [sflag:$0x4], $0x4F0, $0x38;
	[tilespmem:$0x1B300] =	vst v63  }
0x6b4: {  	s29 =	simm.s32 $0x1AE00  }
0x6b5: {  	[hbm4b:s23+s1] =	stream.linear.scatter [tilespmem:s29], [sflag:$0x4], $0x4F0, $0x38;
	[tilespmem:$0x1B300] =	vst v63  }
0x6b6: {  	_ =	swait.ge [sflag:s4], $0x4F0  }
0x6b7: {  	[sflag:s4] =	ssyncset.done $0x0  }
0x6b8: {  	[sflag:s4] =	ssyncadd.s32 $0xFFFFFB10  }
0x6b9: {  	_ =	swait.ge [sflag:s4], $0x4F0  }
0x6ba: {  	[sflag:s4] =	ssyncset.done $0x0  }
0x6bb: {  	[sflag:s4] =	ssyncadd.s32 $0xFFFFFB10  }
0x6bc: {  	_ =	swait.ge [sflag:s4], $0x4F0  }
0x6bd: {  	[sflag:s4] =	ssyncset.done $0x0  }
0x6be: {  	[sflag:s4] =	ssyncadd.s32 $0xFFFFFB10  }
0x6bf: {  	_ =	swait.ge [sflag:s4], $0x4F0  }
0x6c0: {  	[sflag:s4] =	ssyncset.done $0x0  }
0x6c1: {  	[sflag:s4] =	ssyncadd.s32 $0xFFFFFB10  }
0x6c2: {  	_ =	swait.ge [sflag:s4], $0x4F0  }
0x6c3: {  	[sflag:s4] =	ssyncset.done $0x0  }
0x6c4: {  	[sflag:s4] =	ssyncadd.s32 $0xFFFFFB10  }
0x6c5: {  	_ =	swait.ge [sflag:s4], $0x4F0  }
0x6c6: {  	[sflag:s4] =	ssyncset.done $0x0  }
0x6c7: {  	s5 =	sadd.s32 $0x1, s5;
	[sflag:s4] =	ssyncadd.s32 $0xFFFFFB10  }
0x6c8: {  	p0 =	sne.s32 s5, s24;
	_ =	swait.ge [sflag:s4], $0x4F0  }
.Ltmp2:
0x6c9: {  	[sflag:s4] =	ssyncset.done $0x0;
	(pc) =	sbr.rel @p0 .LBB2_1-.Ltmp2, $4  }
0x6ca: {  	[sflag:s4] =	ssyncadd.s32 $0xFFFFFB10  }
0x6cb: {  	_ =	swait.ge [sflag:s4], $0x4F0  }
0x6cc: {  	[sflag:s4] =	ssyncset.done $0x0  }
0x6cd: {  	[sflag:s4] =	ssyncadd.s32 $0xFFFFFB10  }
0x6ce: {  	_ =	sfence.sel $0x180000  }
0x6cf: {  	[bflag:$0x0] =	sbarrier.arrive $0xFFFF  }
0x6d0: {  	_ =	strace $0x90000047  }
0x6d1: {  	s0 =	stileid.u32;
	[bflag:$0x2] =	sbarrier.arrive $0xFFFF  }
0x6d2: {  	p0 =	sne.s32 s0, $0x0;
	s0 =	rddreg [dreg:$0x2]  }
0x6d3: {  	s0 =	sadd.s32 @!p0 $0x100000, s0  }
0x6d4: {  	[sflag:s0] =	ssyncadd.tile.s32 @!p0 $0x1;
	_ =	shalt  }
.Lfunc_end2:
_tile_overlayer_lowered:
.L_overlay_start_2:
0x6d5: {  	(tag) =	ssettag $0x2  }
0x6d6: {  	s0 =	rddreg [dreg:$0x0];
	s2 =	stileid.u32  }
0x6d7: {  	s1 =	rddreg [dreg:$0x1];
	p0 =	sne.s32 s2, $0x0  }
0x6d8: {  	s3 =	rddreg [dreg:$0x2];
	[bflag:$0x3] =	sbarrier.arrive $0xFFFF;
	s2 =	simm.s32 @!p0 $0x1C05  }
0x6d9: {  	[timem:s3], [sflag:s2] =	dma.local @!p0 [hbm:s0], s1  }
0x6da: {  	s0 =	simm.s32 @!p0 $0x5  }
0x6db: {  	_ =	swait.ge @!p0 [sflag:s0], s1  }
0x6dc: {  	s1 =	ssub.s32 @!p0 $0x0, s1;
	[sflag:s0] =	ssyncset.done @!p0 $0x0  }
0x6dd: {  	[sflag:s0] =	ssyncadd.s32 @!p0 s1  }
0x6de: {  	[bflag:$0x3] =	sbarrier.arrive $0xFFFF  }
0x6df: {  	_ =	shalt  }

</sc_bundles>
